<compile_context>
chip_gen: v7x
topology: tpu7x:2x2x1
jax: 0.10.2.dev20260603
libtpu: 0.0.44.dev20260713+nightly
codegen_flags: <defaults>
</compile_context>

<pallas_src>
import jax
import jax.numpy as jnp
from jax import lax
from jax.experimental import pallas as pl
from jax.experimental.pallas import tpu as pltpu
from jax.experimental.pallas import tpu_sc as plsc

_N = 20000
_PADN = 20480
_R = 160
_C = 128
_K = 1000
_DET = 100
_OUTR = 104

_NS = 16
_CHUNK = _PADN // _NS
_SLOTS = 1024
_SPW = _SLOTS // 8


def _select_body(score_ref, dest_ref):
    raw = score_ref[...]
    s = jnp.where(raw > 0.05, raw, 0.0)

    sbits = lax.bitcast_convert_type(s, jnp.int32)

    def bs_body(_, lh):
        lo, hi = lh
        mid = lo + ((hi - lo + 1) // 2)
        cnt = jnp.sum((sbits >= mid).astype(jnp.int32))
        ge = cnt >= _K
        return jnp.where(ge, mid, lo), jnp.where(ge, hi, mid - 1)

    t_bits, _ = lax.fori_loop(0, 31, bs_body, (jnp.int32(0), jnp.int32(0x7F7FFFFF)))

    cnt_gt = jnp.sum((sbits > t_bits).astype(jnp.int32))
    m = (_K - cnt_gt).astype(jnp.float32)
    eq = sbits == t_bits
    eqf = eq.astype(jnp.float32)

    mrow = (
        lax.broadcasted_iota(jnp.int32, (_C, _C), 0)
        < lax.broadcasted_iota(jnp.int32, (_C, _C), 1)
    ).astype(jnp.float32)
    mrows = (
        lax.broadcasted_iota(jnp.int32, (_R, _R), 1)
        < lax.broadcasted_iota(jnp.int32, (_R, _R), 0)
    ).astype(jnp.float32)

    def excl_prefix(v):
        prow = jnp.dot(v, mrow, preferred_element_type=jnp.float32)
        rs = jnp.sum(v, axis=1, keepdims=True)
        roff = jnp.dot(mrows, rs, preferred_element_type=jnp.float32)
        return prow + roff

    mask = (sbits > t_bits) | (eq & (excl_prefix(eqf) < m))
    dest = excl_prefix(mask.astype(jnp.float32)).astype(jnp.int32)
    dest_ref[...] = jnp.where(mask, dest, -1)


def _compact_kernel(dest_hbm, table_hbm, out_hbm, dch_v, loc_v, seg_v, cidx_v,
                    plane_v, outc_v, shared, cidx_sh, sem, sem2):
    c_ax = lax.axis_index("c")
    w = lax.axis_index("s")
    on0 = c_ax == 0
    lane = lax.iota(jnp.int32, 16)
    zeros16 = jnp.zeros((16,), jnp.int32)

    @pl.when(on0 & (w < 5))
    def _prefetch():
        pltpu.async_copy(table_hbm.at[pl.ds(w * _PADN, _PADN)], plane_v, sem2)

    @pl.when(on0)
    def _phase1():
        base = w * _CHUNK
        pltpu.sync_copy(dest_hbm.at[pl.ds(base, _CHUNK)], dch_v)
        for k in range(_SLOTS // 16):
            loc_v[pl.ds(k * 16, 16)] = zeros16
        for j in range(_CHUNK // 16):
            d = dch_v[pl.ds(j * 16, 16)]
            msk = d >= 0
            dd = jnp.where(msk, d, 0)
            v = lane + (base + j * 16)
            plsc.store_scatter(loc_v, [dd], v, mask=msk)
        pltpu.sync_copy(loc_v, shared.at[pl.ds(w * _SLOTS, _SLOTS)])

    plsc.subcore_barrier()

    @pl.when(on0 & (w < 8))
    def _phase2():
        copies = []
        for s in range(_NS):
            copies.append(
                pltpu.async_copy(
                    shared.at[pl.ds(s * _SLOTS + w * _SPW, _SPW)],
                    seg_v.at[pl.ds(s * _SPW, _SPW)],
                    sem,
                )
            )
        for cp in copies:
            cp.wait()
        for g in range(_SPW // 16):
            acc = zeros16
            for s in range(_NS):
                acc = acc + seg_v[pl.ds(s * _SPW + g * 16, 16)]
            cidx_v[pl.ds(g * 16, 16)] = acc
        pltpu.sync_copy(cidx_v.at[pl.ds(0, _SPW)], cidx_sh.at[pl.ds(w * _SPW, _SPW)])

    plsc.subcore_barrier()

    @pl.when(on0 & (w < 5))
    def _phase3():
        pltpu.sync_copy(cidx_sh, cidx_v)
        pltpu.make_async_copy(table_hbm.at[pl.ds(0, _PADN)], plane_v, sem2).wait()
        for k in range(_SLOTS // 16):
            ridx = cidx_v[pl.ds(k * 16, 16)]
            g = plsc.load_gather(plane_v, [ridx])
            outc_v[0, k // 8, pl.ds((k % 8) * 16, 16)] = g
        pltpu.sync_copy(outc_v, out_hbm.at[pl.ds(w, 1)])


def _nms_body(ctab_ref, ctab_smem_ref, out_ref):
    x1 = ctab_ref[0]
    y1 = ctab_ref[1]
    x2 = ctab_ref[2]
    y2 = ctab_ref[3]
    raw = ctab_ref[4]
    areas = (x2 - x1) * (y2 - y1)

    row_i = lax.broadcasted_iota(jnp.int32, (8, _C), 0)
    col_i = lax.broadcasted_iota(jnp.int32, (8, _C), 1)
    linc = row_i * _C + col_i

    w0 = jnp.where((raw > 0.05) & (linc < _K), raw, 0.0)

    lane = lax.broadcasted_iota(jnp.int32, (1, _C), 1)
    lincf = linc.astype(jnp.float32)

    def body(i, w):
        bestv = jnp.max(w, axis=(0, 1), keepdims=True)
        idxf = jnp.min(jnp.where(w == bestv, lincf, 4096.0))
        idx = idxf.astype(jnp.int32)
        is_best = lincf == idxf
        ir = idx // _C
        il = idx % _C
        bx1 = ctab_smem_ref[0, ir, il]
        by1 = ctab_smem_ref[1, ir, il]
        bx2 = ctab_smem_ref[2, ir, il]
        by2 = ctab_smem_ref[3, ir, il]
        barea = (bx2 - bx1) * (by2 - by1)
        iw = jnp.maximum(jnp.minimum(bx2, x2) - jnp.maximum(bx1, x1), 0.0)
        ih = jnp.maximum(jnp.minimum(by2, y2) - jnp.maximum(by1, y1), 0.0)
        inter = iw * ih
        union = jnp.maximum(barea + areas - inter, 1e-8)
        iou = inter / union
        w = jnp.where((iou > 0.5) | is_best, 0.0, w)
        validv = jnp.where(bestv > 0.0, 1.0, 0.0)
        row = jnp.where(lane == 0, bx1 * validv, 0.0)
        row = jnp.where(lane == 1, by1 * validv, row)
        row = jnp.where(lane == 2, bx2 * validv, row)
        row = jnp.where(lane == 3, by2 * validv, row)
        row = jnp.where(lane == 4, bestv * validv, row)
        out_ref[pl.ds(i, 1), :] = row
        return w

    lax.fori_loop(0, _DET, body, w0)


def _build_select(interpret=False):
    return pl.pallas_call(
        _select_body,
        out_shape=jax.ShapeDtypeStruct((_R, _C), jnp.int32),
        interpret=interpret,
    )


def _build_compact():
    return pl.kernel(
        _compact_kernel,
        out_type=jax.ShapeDtypeStruct((5, 8, _C), jnp.float32),
        scratch_types=[
            pltpu.VMEM((_CHUNK,), jnp.int32),
            pltpu.VMEM((_SLOTS,), jnp.int32),
            pltpu.VMEM((_NS * _SPW,), jnp.int32),
            pltpu.VMEM((_SLOTS,), jnp.int32),
            pltpu.VMEM((_PADN,), jnp.float32),
            pltpu.VMEM((1, 8, _C), jnp.float32),
            pltpu.VMEM_SHARED((_NS * _SLOTS,), jnp.int32),
            pltpu.VMEM_SHARED((_SLOTS,), jnp.int32),
            pltpu.SemaphoreType.DMA,
            pltpu.SemaphoreType.DMA,
        ],
        mesh=plsc.VectorSubcoreMesh(core_axis_name="c", subcore_axis_name="s"),
        compiler_params=pltpu.CompilerParams(needs_layout_passes=False),
    )


def _build_nms(interpret=False):
    return pl.pallas_call(
        _nms_body,
        in_specs=[
            pl.BlockSpec(memory_space=pltpu.VMEM),
            pl.BlockSpec(memory_space=pltpu.SMEM),
        ],
        out_shape=jax.ShapeDtypeStruct((_OUTR, _C), jnp.float32),
        interpret=interpret,
    )


@jax.jit
def kernel(boxes, scores):
    s = jnp.pad(scores, (0, _PADN - _N)).reshape(_R, _C)
    table = jnp.pad(
        jnp.concatenate([boxes, scores[:, None]], axis=1), ((0, _PADN - _N), (0, 0))
    ).T.reshape(5 * _PADN)
    dest = _build_select()(s).reshape(_PADN)
    ctab = _build_compact()(dest, table)
    out = _build_nms()(ctab, ctab)
    return out[:_DET, :5]

# --- scband reference (transcript-rebuilt; emitter-appended) ---
"""Pipeline reference for scband-model-75204877353794 (READ-ONLY COPY).

The authoritative reference and input builder live on the scoring server;
editing this copy changes nothing except your own understanding.
"""

import jax, jax.numpy as jnp
import numpy as np

N = 20000
TOP_N = 1000
DETECTIONS = 100
NMS_THRESH = 0.5
SCORE_THRESH = 0.05


def setup_inputs(seed: int = 0) -> dict:
    key = jax.random.key(seed)
    k1, k2, k3 = jax.random.split(key, 3)
    # Valid corner-format boxes inside a ~1024x1024 image: [x1, y1, x2, y2]
    xy = jax.random.uniform(k1, (N, 2), dtype=jnp.float32) * 960.0
    wh = jax.random.uniform(k2, (N, 2), dtype=jnp.float32) * 120.0 + 4.0
    boxes = jnp.concatenate([xy, xy + wh], axis=1)
    scores = jax.random.uniform(k3, (N,), dtype=jnp.float32)
    return {"boxes": boxes, "scores": scores}


def _nms(boxes, scores):
    # Score threshold (RetinaNet config threshold=0.05)
    scores = jnp.where(scores > SCORE_THRESH, scores, 0.0)
    # top_n pre-selection, as done by decode() before nms()
    top_scores, top_idx = jax.lax.top_k(scores, TOP_N)
    top_boxes = jnp.take(boxes, top_idx, axis=0)
    x1 = top_boxes[:, 0]
    y1 = top_boxes[:, 1]
    x2 = top_boxes[:, 2]
    y2 = top_boxes[:, 3]
    areas = (x2 - x1) * (y2 - y1)

    def step(scores_w, _):
        i = jnp.argmax(scores_w)
        best_score = scores_w[i]
        bb = top_boxes[i]
        # IoU of best box vs all candidates
        xx1 = jnp.maximum(bb[0], x1)
        yy1 = jnp.maximum(bb[1], y1)
        xx2 = jnp.minimum(bb[2], x2)
        yy2 = jnp.minimum(bb[3], y2)
        inter = jnp.maximum(xx2 - xx1, 0.0) * jnp.maximum(yy2 - yy1, 0.0)
        union = areas[i] + areas - inter
        iou = inter / jnp.maximum(union, 1e-8)
        # Suppress overlapping boxes (IoU > 0.5), including self
        scores_w = jnp.where(iou > NMS_THRESH, 0.0, scores_w)
        scores_w = scores_w.at[i].set(0.0)
        valid = (best_score > 0.0).astype(boxes.dtype)
        return scores_w, (bb * valid, best_score * valid)

    _, (out_boxes, out_scores) = jax.lax.scan(step, top_scores, None, length=DETECTIONS)
    # [detections, 5] = [x1, y1, x2, y2, score]; zero rows pad unused slots
    return jnp.concatenate([out_boxes, out_scores[:, None]], axis=1)


def reference(boxes, scores):
    return _nms(boxes, scores)

if __name__ == "__main__":
    import jax
    _d = setup_inputs()
    print(jax.jit(kernel)(*tuple(_d.values())))

</pallas_src>

<mosaic_0001>
#map = affine_map<(d0, d1) -> (0)>
#map1 = affine_map<(d0, d1) -> (0, 0, 0)>
module attributes {stable_mosaic.version = 14 : i64} {
  func.func @_compact_kernel(%arg0: i32, %arg1: i32, %arg2: memref<20480xi32, #tpu.memory_space<hbm>>, %arg3: memref<102400xf32, #tpu.memory_space<hbm>>, %arg4: memref<5x8x128xf32, #tpu.memory_space<hbm>>, %arg5: memref<1280xi32, #tpu.memory_space<vmem>>, %arg6: memref<1024xi32, #tpu.memory_space<vmem>>, %arg7: memref<2048xi32, #tpu.memory_space<vmem>>, %arg8: memref<1024xi32, #tpu.memory_space<vmem>>, %arg9: memref<20480xf32, #tpu.memory_space<vmem>>, %arg10: memref<1x8x128xf32, #tpu.memory_space<vmem>>, %arg11: memref<16384xi32, #tpu.memory_space<vmem_shared>>, %arg12: memref<1024xi32, #tpu.memory_space<vmem_shared>>, %arg13: memref<!tpu.dma_semaphore, #tpu.memory_space<semaphore_mem>>, %arg14: memref<!tpu.dma_semaphore, #tpu.memory_space<semaphore_mem>>) attributes {dimension_semantics = [#tpu.dimension_semantics<core_parallel>, #tpu.dimension_semantics<subcore_parallel>], iteration_bounds = array<i64: 2, 16>, scalar_prefetch = 0 : i64, scratch_operands = 10 : i64, tpu.core_type = #tpu.core_type<sc_vector_subcore>, window_params = [{transform_indices = #map}, {transform_indices = #map}, {transform_indices = #map1}]} {
    %eq3A = arith.constant 0 : i32
    %eq3A_0 = arith.cmpi eq, %arg0, %eq3A : i32
    %iota3A = tpu.iota {dimensions = array<i32: 0>} : vector<16xi32>
    %broadcast_in_dim3A = arith.constant 0 : i32
    %broadcast_in_dim3A_1 = vector.broadcast %broadcast_in_dim3A : i32 to vector<16xi32>
    %lt3A = arith.constant 5 : i32
    %lt3A_2 = arith.cmpi slt, %arg1, %lt3A : i32
    %and3A = arith.andi %eq3A_0, %lt3A_2 : i1
    %convert_element_type3A = arith.extui %and3A : i1 to i32
    %cond3A = arith.constant 0 : i32
    %cond3A_3 = arith.cmpi ne, %convert_element_type3A, %cond3A : i32
    scf.if %cond3A_3 {
      %mul3A = arith.constant 20480 : i32
      %mul3A_20 = arith.muli %arg1, %mul3A : i32
      %dma_start3A = tpu.memref_slice %arg3[%mul3A_20] : memref<102400xf32, #tpu.memory_space<hbm>> -> memref<20480xf32, #tpu.memory_space<hbm>>
      %dma_start3A_21 = tpu.memref_slice %arg3[%mul3A_20] : memref<102400xf32, #tpu.memory_space<hbm>> -> memref<20480xf32, #tpu.memory_space<hbm>>
      tpu.enqueue_dma source(%dma_start3A_21 : memref<20480xf32, #tpu.memory_space<hbm>>) target(%arg9 : memref<20480xf32, #tpu.memory_space<vmem>>) target_semaphore(%arg14 : memref<!tpu.dma_semaphore, #tpu.memory_space<semaphore_mem>>)
    } else {
    }
    %convert_element_type3A_4 = arith.extui %eq3A_0 : i1 to i32
    %cond3A_5 = arith.constant 0 : i32
    %cond3A_6 = arith.cmpi ne, %convert_element_type3A_4, %cond3A_5 : i32
    scf.if %cond3A_6 {
      %mul3A = arith.constant 1280 : i32
      %mul3A_20 = arith.muli %arg1, %mul3A : i32
      "tpu.region"() ({
        %run_scoped3A = tpu.sem_alloc : memref<!tpu.dma_semaphore, #tpu.memory_space<semaphore_mem>>
        %dma_start3A = tpu.memref_slice %arg2[%mul3A_20] : memref<20480xi32, #tpu.memory_space<hbm>> -> memref<1280xi32, #tpu.memory_space<hbm>>
        %dma_start3A_1105 = tpu.memref_slice %arg2[%mul3A_20] : memref<20480xi32, #tpu.memory_space<hbm>> -> memref<1280xi32, #tpu.memory_space<hbm>>
        tpu.enqueue_dma source(%dma_start3A_1105 : memref<1280xi32, #tpu.memory_space<hbm>>) target(%arg5 : memref<1280xi32, #tpu.memory_space<vmem>>) target_semaphore(%run_scoped3A : memref<!tpu.dma_semaphore, #tpu.memory_space<semaphore_mem>>)
        %dma_wait3A = tpu.memref_slice %arg2[%mul3A_20] : memref<20480xi32, #tpu.memory_space<hbm>> -> memref<1280xi32, #tpu.memory_space<hbm>>
        %dma_wait3A_1106 = tpu.memref_slice %arg2[%mul3A_20] : memref<20480xi32, #tpu.memory_space<hbm>> -> memref<1280xi32, #tpu.memory_space<hbm>>
        tpu.wait_dma2 semaphore(%run_scoped3A : memref<!tpu.dma_semaphore, #tpu.memory_space<semaphore_mem>>) src(%dma_wait3A_1106 : memref<1280xi32, #tpu.memory_space<hbm>>) dst(%arg5 : memref<1280xi32, #tpu.memory_space<vmem>>)
        tpu.yield
      }) : () -> ()
      %swap3A = arith.constant 0 : index
      %swap3A_21 = tpu.vector_load %arg6[%swap3A] {strides = array<i32>} : memref<1024xi32, #tpu.memory_space<vmem>>, vector<16xi32>,
      tpu.vector_store %arg6[%swap3A], %broadcast_in_dim3A_1 {strides = array<i32>} : memref<1024xi32, #tpu.memory_space<vmem>>, vector<16xi32>,
      %swap3A_22 = arith.constant 16 : index
      %swap3A_23 = tpu.vector_load %arg6[%swap3A_22] {strides = array<i32>} : memref<1024xi32, #tpu.memory_space<vmem>>, vector<16xi32>,
      tpu.vector_store %arg6[%swap3A_22], %broadcast_in_dim3A_1 {strides = array<i32>} : memref<1024xi32, #tpu.memory_space<vmem>>, vector<16xi32>,
      %swap3A_24 = arith.constant 32 : index
      %swap3A_25 = tpu.vector_load %arg6[%swap3A_24] {strides = array<i32>} : memref<1024xi32, #tpu.memory_space<vmem>>, vector<16xi32>,
      tpu.vector_store %arg6[%swap3A_24], %broadcast_in_dim3A_1 {strides = array<i32>} : memref<1024xi32, #tpu.memory_space<vmem>>, vector<16xi32>,
      %swap3A_26 = arith.constant 48 : index
      %swap3A_27 = tpu.vector_load %arg6[%swap3A_26] {strides = array<i32>} : memref<1024xi32, #tpu.memory_space<vmem>>, vector<16xi32>,
      tpu.vector_store %arg6[%swap3A_26], %broadcast_in_dim3A_1 {strides = array<i32>} : memref<1024xi32, #tpu.memory_space<vmem>>, vector<16xi32>,
      %swap3A_28 = arith.constant 64 : index
      %swap3A_29 = tpu.vector_load %arg6[%swap3A_28] {strides = array<i32>} : memref<1024xi32, #tpu.memory_space<vmem>>, vector<16xi32>,
      tpu.vector_store %arg6[%swap3A_28], %broadcast_in_dim3A_1 {strides = array<i32>} : memref<1024xi32, #tpu.memory_space<vmem>>, vector<16xi32>,
      %swap3A_30 = arith.constant 80 : index
      %swap3A_31 = tpu.vector_load %arg6[%swap3A_30] {strides = array<i32>} : memref<1024xi32, #tpu.memory_space<vmem>>, vector<16xi32>,
      tpu.vector_store %arg6[%swap3A_30], %broadcast_in_dim3A_1 {strides = array<i32>} : memref<1024xi32, #tpu.memory_space<vmem>>, vector<16xi32>,
      %swap3A_32 = arith.constant 96 : index
      %swap3A_33 = tpu.vector_load %arg6[%swap3A_32] {strides = array<i32>} : memref<1024xi32, #tpu.memory_space<vmem>>, vector<16xi32>,
      tpu.vector_store %arg6[%swap3A_32], %broadcast_in_dim3A_1 {strides = array<i32>} : memref<1024xi32, #tpu.memory_space<vmem>>, vector<16xi32>,
      %swap3A_34 = arith.constant 112 : index
      %swap3A_35 = tpu.vector_load %arg6[%swap3A_34] {strides = array<i32>} : memref<1024xi32, #tpu.memory_space<vmem>>, vector<16xi32>,
      tpu.vector_store %arg6[%swap3A_34], %broadcast_in_dim3A_1 {strides = array<i32>} : memref<1024xi32, #tpu.memory_space<vmem>>, vector<16xi32>,
      %swap3A_36 = arith.constant 128 : index
      %swap3A_37 = tpu.vector_load %arg6[%swap3A_36] {strides = array<i32>} : memref<1024xi32, #tpu.memory_space<vmem>>, vector<16xi32>,
      tpu.vector_store %arg6[%swap3A_36], %broadcast_in_dim3A_1 {strides = array<i32>} : memref<1024xi32, #tpu.memory_space<vmem>>, vector<16xi32>,
      %swap3A_38 = arith.constant 144 : index
      %swap3A_39 = tpu.vector_load %arg6[%swap3A_38] {strides = array<i32>} : memref<1024xi32, #tpu.memory_space<vmem>>, vector<16xi32>,
      tpu.vector_store %arg6[%swap3A_38], %broadcast_in_dim3A_1 {strides = array<i32>} : memref<1024xi32, #tpu.memory_space<vmem>>, vector<16xi32>,
      %swap3A_40 = arith.constant 160 : index
      %swap3A_41 = tpu.vector_load %arg6[%swap3A_40] {strides = array<i32>} : memref<1024xi32, #tpu.memory_space<vmem>>, vector<16xi32>,
      tpu.vector_store %arg6[%swap3A_40], %broadcast_in_dim3A_1 {strides = array<i32>} : memref<1024xi32, #tpu.memory_space<vmem>>, vector<16xi32>,
      %swap3A_42 = arith.constant 176 : index
      %swap3A_43 = tpu.vector_load %arg6[%swap3A_42] {strides = array<i32>} : memref<1024xi32, #tpu.memory_space<vmem>>, vector<16xi32>,
      tpu.vector_store %arg6[%swap3A_42], %broadcast_in_dim3A_1 {strides = array<i32>} : memref<1024xi32, #tpu.memory_space<vmem>>, vector<16xi32>,
      %swap3A_44 = arith.constant 192 : index
      %swap3A_45 = tpu.vector_load %arg6[%swap3A_44] {strides = array<i32>} : memref<1024xi32, #tpu.memory_space<vmem>>, vector<16xi32>,
      tpu.vector_store %arg6[%swap3A_44], %broadcast_in_dim3A_1 {strides = array<i32>} : memref<1024xi32, #tpu.memory_space<vmem>>, vector<16xi32>,
      %swap3A_46 = arith.constant 208 : index
      %swap3A_47 = tpu.vector_load %arg6[%swap3A_46] {strides = array<i32>} : memref<1024xi32, #tpu.memory_space<vmem>>, vector<16xi32>,
      tpu.vector_store %arg6[%swap3A_46], %broadcast_in_dim3A_1 {strides = array<i32>} : memref<1024xi32, #tpu.memory_space<vmem>>, vector<16xi32>,
      %swap3A_48 = arith.constant 224 : index
      %swap3A_49 = tpu.vector_load %arg6[%swap3A_48] {strides = array<i32>} : memref<1024xi32, #tpu.memory_space<vmem>>, vector<16xi32>,
      tpu.vector_store %arg6[%swap3A_48], %broadcast_in_dim3A_1 {strides = array<i32>} : memref<1024xi32, #tpu.memory_space<vmem>>, vector<16xi32>,
      %swap3A_50 = arith.constant 240 : index
      %swap3A_51 = tpu.vector_load %arg6[%swap3A_50] {strides = array<i32>} : memref<1024xi32, #tpu.memory_space<vmem>>, vector<16xi32>,
      tpu.vector_store %arg6[%swap3A_50], %broadcast_in_dim3A_1 {strides = array<i32>} : memref<1024xi32, #tpu.memory_space<vmem>>, vector<16xi32>,
      %swap3A_52 = arith.constant 256 : index
      %swap3A_53 = tpu.vector_load %arg6[%swap3A_52] {strides = array<i32>} : memref<1024xi32, #tpu.memory_space<vmem>>, vector<16xi32>,
      tpu.vector_store %arg6[%swap3A_52], %broadcast_in_dim3A_1 {strides = array<i32>} : memref<1024xi32, #tpu.memory_space<vmem>>, vector<16xi32>,
      %swap3A_54 = arith.constant 272 : index
      %swap3A_55 = tpu.vector_load %arg6[%swap3A_54] {strides = array<i32>} : memref<1024xi32, #tpu.memory_space<vmem>>, vector<16xi32>,
      tpu.vector_store %arg6[%swap3A_54], %broadcast_in_dim3A_1 {strides = array<i32>} : memref<1024xi32, #tpu.memory_space<vmem>>, vector<16xi32>,
      %swap3A_56 = arith.constant 288 : index
      %swap3A_57 = tpu.vector_load %arg6[%swap3A_56] {strides = array<i32>} : memref<1024xi32, #tpu.memory_space<vmem>>, vector<16xi32>,
      tpu.vector_store %arg6[%swap3A_56], %broadcast_in_dim3A_1 {strides = array<i32>} : memref<1024xi32, #tpu.memory_space<vmem>>, vector<16xi32>,
      %swap3A_58 = arith.constant 304 : index
      %swap3A_59 = tpu.vector_load %arg6[%swap3A_58] {strides = array<i32>} : memref<1024xi32, #tpu.memory_space<vmem>>, vector<16xi32>,
      tpu.vector_store %arg6[%swap3A_58], %broadcast_in_dim3A_1 {strides = array<i32>} : memref<1024xi32, #tpu.memory_space<vmem>>, vector<16xi32>,
      %swap3A_60 = arith.constant 320 : index
      %swap3A_61 = tpu.vector_load %arg6[%swap3A_60] {strides = array<i32>} : memref<1024xi32, #tpu.memory_space<vmem>>, vector<16xi32>,
      tpu.vector_store %arg6[%swap3A_60], %broadcast_in_dim3A_1 {strides = array<i32>} : memref<1024xi32, #tpu.memory_space<vmem>>, vector<16xi32>,
      %swap3A_62 = arith.constant 336 : index
      %swap3A_63 = tpu.vector_load %arg6[%swap3A_62] {strides = array<i32>} : memref<1024xi32, #tpu.memory_space<vmem>>, vector<16xi32>,
      tpu.vector_store %arg6[%swap3A_62], %broadcast_in_dim3A_1 {strides = array<i32>} : memref<1024xi32, #tpu.memory_space<vmem>>, vector<16xi32>,
      %swap3A_64 = arith.constant 352 : index
      %swap3A_65 = tpu.vector_load %arg6[%swap3A_64] {strides = array<i32>} : memref<1024xi32, #tpu.memory_space<vmem>>, vector<16xi32>,
      tpu.vector_store %arg6[%swap3A_64], %broadcast_in_dim3A_1 {strides = array<i32>} : memref<1024xi32, #tpu.memory_space<vmem>>, vector<16xi32>,
      %swap3A_66 = arith.constant 368 : index
      %swap3A_67 = tpu.vector_load %arg6[%swap3A_66] {strides = array<i32>} : memref<1024xi32, #tpu.memory_space<vmem>>, vector<16xi32>,
      tpu.vector_store %arg6[%swap3A_66], %broadcast_in_dim3A_1 {strides = array<i32>} : memref<1024xi32, #tpu.memory_space<vmem>>, vector<16xi32>,
      %swap3A_68 = arith.constant 384 : index
      %swap3A_69 = tpu.vector_load %arg6[%swap3A_68] {strides = array<i32>} : memref<1024xi32, #tpu.memory_space<vmem>>, vector<16xi32>,
      tpu.vector_store %arg6[%swap3A_68], %broadcast_in_dim3A_1 {strides = array<i32>} : memref<1024xi32, #tpu.memory_space<vmem>>, vector<16xi32>,
      %swap3A_70 = arith.constant 400 : index
      %swap3A_71 = tpu.vector_load %arg6[%swap3A_70] {strides = array<i32>} : memref<1024xi32, #tpu.memory_space<vmem>>, vector<16xi32>,
      tpu.vector_store %arg6[%swap3A_70], %broadcast_in_dim3A_1 {strides = array<i32>} : memref<1024xi32, #tpu.memory_space<vmem>>, vector<16xi32>,
      %swap3A_72 = arith.constant 416 : index
      %swap3A_73 = tpu.vector_load %arg6[%swap3A_72] {strides = array<i32>} : memref<1024xi32, #tpu.memory_space<vmem>>, vector<16xi32>,
      tpu.vector_store %arg6[%swap3A_72], %broadcast_in_dim3A_1 {strides = array<i32>} : memref<1024xi32, #tpu.memory_space<vmem>>, vector<16xi32>,
      %swap3A_74 = arith.constant 432 : index
      %swap3A_75 = tpu.vector_load %arg6[%swap3A_74] {strides = array<i32>} : memref<1024xi32, #tpu.memory_space<vmem>>, vector<16xi32>,
      tpu.vector_store %arg6[%swap3A_74], %broadcast_in_dim3A_1 {strides = array<i32>} : memref<1024xi32, #tpu.memory_space<vmem>>, vector<16xi32>,
      %swap3A_76 = arith.constant 448 : index
      %swap3A_77 = tpu.vector_load %arg6[%swap3A_76] {strides = array<i32>} : memref<1024xi32, #tpu.memory_space<vmem>>, vector<16xi32>,
      tpu.vector_store %arg6[%swap3A_76], %broadcast_in_dim3A_1 {strides = array<i32>} : memref<1024xi32, #tpu.memory_space<vmem>>, vector<16xi32>,
      %swap3A_78 = arith.constant 464 : index
      %swap3A_79 = tpu.vector_load %arg6[%swap3A_78] {strides = array<i32>} : memref<1024xi32, #tpu.memory_space<vmem>>, vector<16xi32>,
      tpu.vector_store %arg6[%swap3A_78], %broadcast_in_dim3A_1 {strides = array<i32>} : memref<1024xi32, #tpu.memory_space<vmem>>, vector<16xi32>,
      %swap3A_80 = arith.constant 480 : index
      %swap3A_81 = tpu.vector_load %arg6[%swap3A_80] {strides = array<i32>} : memref<1024xi32, #tpu.memory_space<vmem>>, vector<16xi32>,
      tpu.vector_store %arg6[%swap3A_80], %broadcast_in_dim3A_1 {strides = array<i32>} : memref<1024xi32, #tpu.memory_space<vmem>>, vector<16xi32>,
      %swap3A_82 = arith.constant 496 : index
      %swap3A_83 = tpu.vector_load %arg6[%swap3A_82] {strides = array<i32>} : memref<1024xi32, #tpu.memory_space<vmem>>, vector<16xi32>,
      tpu.vector_store %arg6[%swap3A_82], %broadcast_in_dim3A_1 {strides = array<i32>} : memref<1024xi32, #tpu.memory_space<vmem>>, vector<16xi32>,
      %swap3A_84 = arith.constant 512 : index
      %swap3A_85 = tpu.vector_load %arg6[%swap3A_84] {strides = array<i32>} : memref<1024xi32, #tpu.memory_space<vmem>>, vector<16xi32>,
      tpu.vector_store %arg6[%swap3A_84], %broadcast_in_dim3A_1 {strides = array<i32>} : memref<1024xi32, #tpu.memory_space<vmem>>, vector<16xi32>,
      %swap3A_86 = arith.constant 528 : index
      %swap3A_87 = tpu.vector_load %arg6[%swap3A_86] {strides = array<i32>} : memref<1024xi32, #tpu.memory_space<vmem>>, vector<16xi32>,
      tpu.vector_store %arg6[%swap3A_86], %broadcast_in_dim3A_1 {strides = array<i32>} : memref<1024xi32, #tpu.memory_space<vmem>>, vector<16xi32>,
      %swap3A_88 = arith.constant 544 : index
      %swap3A_89 = tpu.vector_load %arg6[%swap3A_88] {strides = array<i32>} : memref<1024xi32, #tpu.memory_space<vmem>>, vector<16xi32>,
      tpu.vector_store %arg6[%swap3A_88], %broadcast_in_dim3A_1 {strides = array<i32>} : memref<1024xi32, #tpu.memory_space<vmem>>, vector<16xi32>,
      %swap3A_90 = arith.constant 560 : index
      %swap3A_91 = tpu.vector_load %arg6[%swap3A_90] {strides = array<i32>} : memref<1024xi32, #tpu.memory_space<vmem>>, vector<16xi32>,
      tpu.vector_store %arg6[%swap3A_90], %broadcast_in_dim3A_1 {strides = array<i32>} : memref<1024xi32, #tpu.memory_space<vmem>>, vector<16xi32>,
      %swap3A_92 = arith.constant 576 : index
      %swap3A_93 = tpu.vector_load %arg6[%swap3A_92] {strides = array<i32>} : memref<1024xi32, #tpu.memory_space<vmem>>, vector<16xi32>,
      tpu.vector_store %arg6[%swap3A_92], %broadcast_in_dim3A_1 {strides = array<i32>} : memref<1024xi32, #tpu.memory_space<vmem>>, vector<16xi32>,
      %swap3A_94 = arith.constant 592 : index
      %swap3A_95 = tpu.vector_load %arg6[%swap3A_94] {strides = array<i32>} : memref<1024xi32, #tpu.memory_space<vmem>>, vector<16xi32>,
      tpu.vector_store %arg6[%swap3A_94], %broadcast_in_dim3A_1 {strides = array<i32>} : memref<1024xi32, #tpu.memory_space<vmem>>, vector<16xi32>,
      %swap3A_96 = arith.constant 608 : index
      %swap3A_97 = tpu.vector_load %arg6[%swap3A_96] {strides = array<i32>} : memref<1024xi32, #tpu.memory_space<vmem>>, vector<16xi32>,
      tpu.vector_store %arg6[%swap3A_96], %broadcast_in_dim3A_1 {strides = array<i32>} : memref<1024xi32, #tpu.memory_space<vmem>>, vector<16xi32>,
      %swap3A_98 = arith.constant 624 : index
      %swap3A_99 = tpu.vector_load %arg6[%swap3A_98] {strides = array<i32>} : memref<1024xi32, #tpu.memory_space<vmem>>, vector<16xi32>,
      tpu.vector_store %arg6[%swap3A_98], %broadcast_in_dim3A_1 {strides = array<i32>} : memref<1024xi32, #tpu.memory_space<vmem>>, vector<16xi32>,
      %swap3A_100 = arith.constant 640 : index
      %swap3A_101 = tpu.vector_load %arg6[%swap3A_100] {strides = array<i32>} : memref<1024xi32, #tpu.memory_space<vmem>>, vector<16xi32>,
      tpu.vector_store %arg6[%swap3A_100], %broadcast_in_dim3A_1 {strides = array<i32>} : memref<1024xi32, #tpu.memory_space<vmem>>, vector<16xi32>,
      %swap3A_102 = arith.constant 656 : index
      %swap3A_103 = tpu.vector_load %arg6[%swap3A_102] {strides = array<i32>} : memref<1024xi32, #tpu.memory_space<vmem>>, vector<16xi32>,
      tpu.vector_store %arg6[%swap3A_102], %broadcast_in_dim3A_1 {strides = array<i32>} : memref<1024xi32, #tpu.memory_space<vmem>>, vector<16xi32>,
      %swap3A_104 = arith.constant 672 : index
      %swap3A_105 = tpu.vector_load %arg6[%swap3A_104] {strides = array<i32>} : memref<1024xi32, #tpu.memory_space<vmem>>, vector<16xi32>,
      tpu.vector_store %arg6[%swap3A_104], %broadcast_in_dim3A_1 {strides = array<i32>} : memref<1024xi32, #tpu.memory_space<vmem>>, vector<16xi32>,
      %swap3A_106 = arith.constant 688 : index
      %swap3A_107 = tpu.vector_load %arg6[%swap3A_106] {strides = array<i32>} : memref<1024xi32, #tpu.memory_space<vmem>>, vector<16xi32>,
      tpu.vector_store %arg6[%swap3A_106], %broadcast_in_dim3A_1 {strides = array<i32>} : memref<1024xi32, #tpu.memory_space<vmem>>, vector<16xi32>,
      %swap3A_108 = arith.constant 704 : index
      %swap3A_109 = tpu.vector_load %arg6[%swap3A_108] {strides = array<i32>} : memref<1024xi32, #tpu.memory_space<vmem>>, vector<16xi32>,
      tpu.vector_store %arg6[%swap3A_108], %broadcast_in_dim3A_1 {strides = array<i32>} : memref<1024xi32, #tpu.memory_space<vmem>>, vector<16xi32>,
      %swap3A_110 = arith.constant 720 : index
      %swap3A_111 = tpu.vector_load %arg6[%swap3A_110] {strides = array<i32>} : memref<1024xi32, #tpu.memory_space<vmem>>, vector<16xi32>,
      tpu.vector_store %arg6[%swap3A_110], %broadcast_in_dim3A_1 {strides = array<i32>} : memref<1024xi32, #tpu.memory_space<vmem>>, vector<16xi32>,
      %swap3A_112 = arith.constant 736 : index
      %swap3A_113 = tpu.vector_load %arg6[%swap3A_112] {strides = array<i32>} : memref<1024xi32, #tpu.memory_space<vmem>>, vector<16xi32>,
      tpu.vector_store %arg6[%swap3A_112], %broadcast_in_dim3A_1 {strides = array<i32>} : memref<1024xi32, #tpu.memory_space<vmem>>, vector<16xi32>,
      %swap3A_114 = arith.constant 752 : index
      %swap3A_115 = tpu.vector_load %arg6[%swap3A_114] {strides = array<i32>} : memref<1024xi32, #tpu.memory_space<vmem>>, vector<16xi32>,
      tpu.vector_store %arg6[%swap3A_114], %broadcast_in_dim3A_1 {strides = array<i32>} : memref<1024xi32, #tpu.memory_space<vmem>>, vector<16xi32>,
      %swap3A_116 = arith.constant 768 : index
      %swap3A_117 = tpu.vector_load %arg6[%swap3A_116] {strides = array<i32>} : memref<1024xi32, #tpu.memory_space<vmem>>, vector<16xi32>,
      tpu.vector_store %arg6[%swap3A_116], %broadcast_in_dim3A_1 {strides = array<i32>} : memref<1024xi32, #tpu.memory_space<vmem>>, vector<16xi32>,
      %swap3A_118 = arith.constant 784 : index
      %swap3A_119 = tpu.vector_load %arg6[%swap3A_118] {strides = array<i32>} : memref<1024xi32, #tpu.memory_space<vmem>>, vector<16xi32>,
      tpu.vector_store %arg6[%swap3A_118], %broadcast_in_dim3A_1 {strides = array<i32>} : memref<1024xi32, #tpu.memory_space<vmem>>, vector<16xi32>,
      %swap3A_120 = arith.constant 800 : index
      %swap3A_121 = tpu.vector_load %arg6[%swap3A_120] {strides = array<i32>} : memref<1024xi32, #tpu.memory_space<vmem>>, vector<16xi32>,
      tpu.vector_store %arg6[%swap3A_120], %broadcast_in_dim3A_1 {strides = array<i32>} : memref<1024xi32, #tpu.memory_space<vmem>>, vector<16xi32>,
      %swap3A_122 = arith.constant 816 : index
      %swap3A_123 = tpu.vector_load %arg6[%swap3A_122] {strides = array<i32>} : memref<1024xi32, #tpu.memory_space<vmem>>, vector<16xi32>,
      tpu.vector_store %arg6[%swap3A_122], %broadcast_in_dim3A_1 {strides = array<i32>} : memref<1024xi32, #tpu.memory_space<vmem>>, vector<16xi32>,
      %swap3A_124 = arith.constant 832 : index
      %swap3A_125 = tpu.vector_load %arg6[%swap3A_124] {strides = array<i32>} : memref<1024xi32, #tpu.memory_space<vmem>>, vector<16xi32>,
      tpu.vector_store %arg6[%swap3A_124], %broadcast_in_dim3A_1 {strides = array<i32>} : memref<1024xi32, #tpu.memory_space<vmem>>, vector<16xi32>,
      %swap3A_126 = arith.constant 848 : index
      %swap3A_127 = tpu.vector_load %arg6[%swap3A_126] {strides = array<i32>} : memref<1024xi32, #tpu.memory_space<vmem>>, vector<16xi32>,
      tpu.vector_store %arg6[%swap3A_126], %broadcast_in_dim3A_1 {strides = array<i32>} : memref<1024xi32, #tpu.memory_space<vmem>>, vector<16xi32>,
      %swap3A_128 = arith.constant 864 : index
      %swap3A_129 = tpu.vector_load %arg6[%swap3A_128] {strides = array<i32>} : memref<1024xi32, #tpu.memory_space<vmem>>, vector<16xi32>,
      tpu.vector_store %arg6[%swap3A_128], %broadcast_in_dim3A_1 {strides = array<i32>} : memref<1024xi32, #tpu.memory_space<vmem>>, vector<16xi32>,
      %swap3A_130 = arith.constant 880 : index
      %swap3A_131 = tpu.vector_load %arg6[%swap3A_130] {strides = array<i32>} : memref<1024xi32, #tpu.memory_space<vmem>>, vector<16xi32>,
      tpu.vector_store %arg6[%swap3A_130], %broadcast_in_dim3A_1 {strides = array<i32>} : memref<1024xi32, #tpu.memory_space<vmem>>, vector<16xi32>,
      %swap3A_132 = arith.constant 896 : index
      %swap3A_133 = tpu.vector_load %arg6[%swap3A_132] {strides = array<i32>} : memref<1024xi32, #tpu.memory_space<vmem>>, vector<16xi32>,
      tpu.vector_store %arg6[%swap3A_132], %broadcast_in_dim3A_1 {strides = array<i32>} : memref<1024xi32, #tpu.memory_space<vmem>>, vector<16xi32>,
      %swap3A_134 = arith.constant 912 : index
      %swap3A_135 = tpu.vector_load %arg6[%swap3A_134] {strides = array<i32>} : memref<1024xi32, #tpu.memory_space<vmem>>, vector<16xi32>,
      tpu.vector_store %arg6[%swap3A_134], %broadcast_in_dim3A_1 {strides = array<i32>} : memref<1024xi32, #tpu.memory_space<vmem>>, vector<16xi32>,
      %swap3A_136 = arith.constant 928 : index
      %swap3A_137 = tpu.vector_load %arg6[%swap3A_136] {strides = array<i32>} : memref<1024xi32, #tpu.memory_space<vmem>>, vector<16xi32>,
      tpu.vector_store %arg6[%swap3A_136], %broadcast_in_dim3A_1 {strides = array<i32>} : memref<1024xi32, #tpu.memory_space<vmem>>, vector<16xi32>,
      %swap3A_138 = arith.constant 944 : index
      %swap3A_139 = tpu.vector_load %arg6[%swap3A_138] {strides = array<i32>} : memref<1024xi32, #tpu.memory_space<vmem>>, vector<16xi32>,
      tpu.vector_store %arg6[%swap3A_138], %broadcast_in_dim3A_1 {strides = array<i32>} : memref<1024xi32, #tpu.memory_space<vmem>>, vector<16xi32>,
      %swap3A_140 = arith.constant 960 : index
      %swap3A_141 = tpu.vector_load %arg6[%swap3A_140] {strides = array<i32>} : memref<1024xi32, #tpu.memory_space<vmem>>, vector<16xi32>,
      tpu.vector_store %arg6[%swap3A_140], %broadcast_in_dim3A_1 {strides = array<i32>} : memref<1024xi32, #tpu.memory_space<vmem>>, vector<16xi32>,
      %swap3A_142 = arith.constant 976 : index
      %swap3A_143 = tpu.vector_load %arg6[%swap3A_142] {strides = array<i32>} : memref<1024xi32, #tpu.memory_space<vmem>>, vector<16xi32>,
      tpu.vector_store %arg6[%swap3A_142], %broadcast_in_dim3A_1 {strides = array<i32>} : memref<1024xi32, #tpu.memory_space<vmem>>, vector<16xi32>,
      %swap3A_144 = arith.constant 992 : index
      %swap3A_145 = tpu.vector_load %arg6[%swap3A_144] {strides = array<i32>} : memref<1024xi32, #tpu.memory_space<vmem>>, vector<16xi32>,
      tpu.vector_store %arg6[%swap3A_144], %broadcast_in_dim3A_1 {strides = array<i32>} : memref<1024xi32, #tpu.memory_space<vmem>>, vector<16xi32>,
      %swap3A_146 = arith.constant 1008 : index
      %swap3A_147 = tpu.vector_load %arg6[%swap3A_146] {strides = array<i32>} : memref<1024xi32, #tpu.memory_space<vmem>>, vector<16xi32>,
      tpu.vector_store %arg6[%swap3A_146], %broadcast_in_dim3A_1 {strides = array<i32>} : memref<1024xi32, #tpu.memory_space<vmem>>, vector<16xi32>,
      %get3A = arith.constant 0 : index
      %get3A_148 = tpu.vector_load %arg5[%get3A] {strides = array<i32>} : memref<1280xi32, #tpu.memory_space<vmem>>, vector<16xi32>,
      %ge3A = arith.constant 0 : i32
      %ge3A_149 = vector.broadcast %ge3A : i32 to vector<16xi32>
      %ge3A_150 = arith.cmpi sge, %get3A_148, %ge3A_149 : vector<16xi32>
      %jit3A = arith.constant 0 : i32
      %broadcast_in_dim3A_151 = vector.broadcast %jit3A : i32 to vector<16xi32>
      %select_n3A = arith.select %ge3A_150, %get3A_148, %broadcast_in_dim3A_151 : vector<16xi1>, vector<16xi32>
      %add3A = arith.constant 0 : i32
      %add3A_152 = arith.addi %mul3A_20, %add3A : i32
      %add3A_153 = vector.broadcast %add3A_152 : i32 to vector<16xi32>
      %add3A_154 = arith.addi %iota3A, %add3A_153 : vector<16xi32>
      tpu.vector_store_idx %arg6[%select_n3A], %add3A_154 masked %ge3A_150 : memref<1024xi32, #tpu.memory_space<vmem>>[vector<16xi32>], vector<16xi32>, vector<16xi1>
      %get3A_155 = arith.constant 16 : index
      %get3A_156 = tpu.vector_load %arg5[%get3A_155] {strides = array<i32>} : memref<1280xi32, #tpu.memory_space<vmem>>, vector<16xi32>,
      %ge3A_157 = arith.constant 0 : i32
      %ge3A_158 = vector.broadcast %ge3A_157 : i32 to vector<16xi32>
      %ge3A_159 = arith.cmpi sge, %get3A_156, %ge3A_158 : vector<16xi32>
      %jit3A_160 = arith.constant 0 : i32
      %broadcast_in_dim3A_161 = vector.broadcast %jit3A_160 : i32 to vector<16xi32>
      %select_n3A_162 = arith.select %ge3A_159, %get3A_156, %broadcast_in_dim3A_161 : vector<16xi1>, vector<16xi32>
      %add3A_163 = arith.constant 16 : i32
      %add3A_164 = arith.addi %mul3A_20, %add3A_163 : i32
      %add3A_165 = vector.broadcast %add3A_164 : i32 to vector<16xi32>
      %add3A_166 = arith.addi %iota3A, %add3A_165 : vector<16xi32>
      tpu.vector_store_idx %arg6[%select_n3A_162], %add3A_166 masked %ge3A_159 : memref<1024xi32, #tpu.memory_space<vmem>>[vector<16xi32>], vector<16xi32>, vector<16xi1>
      %get3A_167 = arith.constant 32 : index
      %get3A_168 = tpu.vector_load %arg5[%get3A_167] {strides = array<i32>} : memref<1280xi32, #tpu.memory_space<vmem>>, vector<16xi32>,
      %ge3A_169 = arith.constant 0 : i32
      %ge3A_170 = vector.broadcast %ge3A_169 : i32 to vector<16xi32>
      %ge3A_171 = arith.cmpi sge, %get3A_168, %ge3A_170 : vector<16xi32>
      %jit3A_172 = arith.constant 0 : i32
      %broadcast_in_dim3A_173 = vector.broadcast %jit3A_172 : i32 to vector<16xi32>
      %select_n3A_174 = arith.select %ge3A_171, %get3A_168, %broadcast_in_dim3A_173 : vector<16xi1>, vector<16xi32>
      %add3A_175 = arith.constant 32 : i32
      %add3A_176 = arith.addi %mul3A_20, %add3A_175 : i32
      %add3A_177 = vector.broadcast %add3A_176 : i32 to vector<16xi32>
      %add3A_178 = arith.addi %iota3A, %add3A_177 : vector<16xi32>
      tpu.vector_store_idx %arg6[%select_n3A_174], %add3A_178 masked %ge3A_171 : memref<1024xi32, #tpu.memory_space<vmem>>[vector<16xi32>], vector<16xi32>, vector<16xi1>
      %get3A_179 = arith.constant 48 : index
      %get3A_180 = tpu.vector_load %arg5[%get3A_179] {strides = array<i32>} : memref<1280xi32, #tpu.memory_space<vmem>>, vector<16xi32>,
      %ge3A_181 = arith.constant 0 : i32
      %ge3A_182 = vector.broadcast %ge3A_181 : i32 to vector<16xi32>
      %ge3A_183 = arith.cmpi sge, %get3A_180, %ge3A_182 : vector<16xi32>
      %jit3A_184 = arith.constant 0 : i32
      %broadcast_in_dim3A_185 = vector.broadcast %jit3A_184 : i32 to vector<16xi32>
      %select_n3A_186 = arith.select %ge3A_183, %get3A_180, %broadcast_in_dim3A_185 : vector<16xi1>, vector<16xi32>
      %add3A_187 = arith.constant 48 : i32
      %add3A_188 = arith.addi %mul3A_20, %add3A_187 : i32
      %add3A_189 = vector.broadcast %add3A_188 : i32 to vector<16xi32>
      %add3A_190 = arith.addi %iota3A, %add3A_189 : vector<16xi32>
      tpu.vector_store_idx %arg6[%select_n3A_186], %add3A_190 masked %ge3A_183 : memref<1024xi32, #tpu.memory_space<vmem>>[vector<16xi32>], vector<16xi32>, vector<16xi1>
      %get3A_191 = arith.constant 64 : index
      %get3A_192 = tpu.vector_load %arg5[%get3A_191] {strides = array<i32>} : memref<1280xi32, #tpu.memory_space<vmem>>, vector<16xi32>,
      %ge3A_193 = arith.constant 0 : i32
      %ge3A_194 = vector.broadcast %ge3A_193 : i32 to vector<16xi32>
      %ge3A_195 = arith.cmpi sge, %get3A_192, %ge3A_194 : vector<16xi32>
      %jit3A_196 = arith.constant 0 : i32
      %broadcast_in_dim3A_197 = vector.broadcast %jit3A_196 : i32 to vector<16xi32>
      %select_n3A_198 = arith.select %ge3A_195, %get3A_192, %broadcast_in_dim3A_197 : vector<16xi1>, vector<16xi32>
      %add3A_199 = arith.constant 64 : i32
      %add3A_200 = arith.addi %mul3A_20, %add3A_199 : i32
      %add3A_201 = vector.broadcast %add3A_200 : i32 to vector<16xi32>
      %add3A_202 = arith.addi %iota3A, %add3A_201 : vector<16xi32>
      tpu.vector_store_idx %arg6[%select_n3A_198], %add3A_202 masked %ge3A_195 : memref<1024xi32, #tpu.memory_space<vmem>>[vector<16xi32>], vector<16xi32>, vector<16xi1>
      %get3A_203 = arith.constant 80 : index
      %get3A_204 = tpu.vector_load %arg5[%get3A_203] {strides = array<i32>} : memref<1280xi32, #tpu.memory_space<vmem>>, vector<16xi32>,
      %ge3A_205 = arith.constant 0 : i32
      %ge3A_206 = vector.broadcast %ge3A_205 : i32 to vector<16xi32>
      %ge3A_207 = arith.cmpi sge, %get3A_204, %ge3A_206 : vector<16xi32>
      %jit3A_208 = arith.constant 0 : i32
      %broadcast_in_dim3A_209 = vector.broadcast %jit3A_208 : i32 to vector<16xi32>
      %select_n3A_210 = arith.select %ge3A_207, %get3A_204, %broadcast_in_dim3A_209 : vector<16xi1>, vector<16xi32>
      %add3A_211 = arith.constant 80 : i32
      %add3A_212 = arith.addi %mul3A_20, %add3A_211 : i32
      %add3A_213 = vector.broadcast %add3A_212 : i32 to vector<16xi32>
      %add3A_214 = arith.addi %iota3A, %add3A_213 : vector<16xi32>
      tpu.vector_store_idx %arg6[%select_n3A_210], %add3A_214 masked %ge3A_207 : memref<1024xi32, #tpu.memory_space<vmem>>[vector<16xi32>], vector<16xi32>, vector<16xi1>
      %get3A_215 = arith.constant 96 : index
      %get3A_216 = tpu.vector_load %arg5[%get3A_215] {strides = array<i32>} : memref<1280xi32, #tpu.memory_space<vmem>>, vector<16xi32>,
      %ge3A_217 = arith.constant 0 : i32
      %ge3A_218 = vector.broadcast %ge3A_217 : i32 to vector<16xi32>
      %ge3A_219 = arith.cmpi sge, %get3A_216, %ge3A_218 : vector<16xi32>
      %jit3A_220 = arith.constant 0 : i32
      %broadcast_in_dim3A_221 = vector.broadcast %jit3A_220 : i32 to vector<16xi32>
      %select_n3A_222 = arith.select %ge3A_219, %get3A_216, %broadcast_in_dim3A_221 : vector<16xi1>, vector<16xi32>
      %add3A_223 = arith.constant 96 : i32
      %add3A_224 = arith.addi %mul3A_20, %add3A_223 : i32
      %add3A_225 = vector.broadcast %add3A_224 : i32 to vector<16xi32>
      %add3A_226 = arith.addi %iota3A, %add3A_225 : vector<16xi32>
      tpu.vector_store_idx %arg6[%select_n3A_222], %add3A_226 masked %ge3A_219 : memref<1024xi32, #tpu.memory_space<vmem>>[vector<16xi32>], vector<16xi32>, vector<16xi1>
      %get3A_227 = arith.constant 112 : index
      %get3A_228 = tpu.vector_load %arg5[%get3A_227] {strides = array<i32>} : memref<1280xi32, #tpu.memory_space<vmem>>, vector<16xi32>,
      %ge3A_229 = arith.constant 0 : i32
      %ge3A_230 = vector.broadcast %ge3A_229 : i32 to vector<16xi32>
      %ge3A_231 = arith.cmpi sge, %get3A_228, %ge3A_230 : vector<16xi32>
      %jit3A_232 = arith.constant 0 : i32
      %broadcast_in_dim3A_233 = vector.broadcast %jit3A_232 : i32 to vector<16xi32>
      %select_n3A_234 = arith.select %ge3A_231, %get3A_228, %broadcast_in_dim3A_233 : vector<16xi1>, vector<16xi32>
      %add3A_235 = arith.constant 112 : i32
      %add3A_236 = arith.addi %mul3A_20, %add3A_235 : i32
      %add3A_237 = vector.broadcast %add3A_236 : i32 to vector<16xi32>
      %add3A_238 = arith.addi %iota3A, %add3A_237 : vector<16xi32>
      tpu.vector_store_idx %arg6[%select_n3A_234], %add3A_238 masked %ge3A_231 : memref<1024xi32, #tpu.memory_space<vmem>>[vector<16xi32>], vector<16xi32>, vector<16xi1>
      %get3A_239 = arith.constant 128 : index
      %get3A_240 = tpu.vector_load %arg5[%get3A_239] {strides = array<i32>} : memref<1280xi32, #tpu.memory_space<vmem>>, vector<16xi32>,
      %ge3A_241 = arith.constant 0 : i32
      %ge3A_242 = vector.broadcast %ge3A_241 : i32 to vector<16xi32>
      %ge3A_243 = arith.cmpi sge, %get3A_240, %ge3A_242 : vector<16xi32>
      %jit3A_244 = arith.constant 0 : i32
      %broadcast_in_dim3A_245 = vector.broadcast %jit3A_244 : i32 to vector<16xi32>
      %select_n3A_246 = arith.select %ge3A_243, %get3A_240, %broadcast_in_dim3A_245 : vector<16xi1>, vector<16xi32>
      %add3A_247 = arith.constant 128 : i32
      %add3A_248 = arith.addi %mul3A_20, %add3A_247 : i32
      %add3A_249 = vector.broadcast %add3A_248 : i32 to vector<16xi32>
      %add3A_250 = arith.addi %iota3A, %add3A_249 : vector<16xi32>
      tpu.vector_store_idx %arg6[%select_n3A_246], %add3A_250 masked %ge3A_243 : memref<1024xi32, #tpu.memory_space<vmem>>[vector<16xi32>], vector<16xi32>, vector<16xi1>
      %get3A_251 = arith.constant 144 : index
      %get3A_252 = tpu.vector_load %arg5[%get3A_251] {strides = array<i32>} : memref<1280xi32, #tpu.memory_space<vmem>>, vector<16xi32>,
      %ge3A_253 = arith.constant 0 : i32
      %ge3A_254 = vector.broadcast %ge3A_253 : i32 to vector<16xi32>
      %ge3A_255 = arith.cmpi sge, %get3A_252, %ge3A_254 : vector<16xi32>
      %jit3A_256 = arith.constant 0 : i32
      %broadcast_in_dim3A_257 = vector.broadcast %jit3A_256 : i32 to vector<16xi32>
      %select_n3A_258 = arith.select %ge3A_255, %get3A_252, %broadcast_in_dim3A_257 : vector<16xi1>, vector<16xi32>
      %add3A_259 = arith.constant 144 : i32
      %add3A_260 = arith.addi %mul3A_20, %add3A_259 : i32
      %add3A_261 = vector.broadcast %add3A_260 : i32 to vector<16xi32>
      %add3A_262 = arith.addi %iota3A, %add3A_261 : vector<16xi32>
      tpu.vector_store_idx %arg6[%select_n3A_258], %add3A_262 masked %ge3A_255 : memref<1024xi32, #tpu.memory_space<vmem>>[vector<16xi32>], vector<16xi32>, vector<16xi1>
      %get3A_263 = arith.constant 160 : index
      %get3A_264 = tpu.vector_load %arg5[%get3A_263] {strides = array<i32>} : memref<1280xi32, #tpu.memory_space<vmem>>, vector<16xi32>,
      %ge3A_265 = arith.constant 0 : i32
      %ge3A_266 = vector.broadcast %ge3A_265 : i32 to vector<16xi32>
      %ge3A_267 = arith.cmpi sge, %get3A_264, %ge3A_266 : vector<16xi32>
      %jit3A_268 = arith.constant 0 : i32
      %broadcast_in_dim3A_269 = vector.broadcast %jit3A_268 : i32 to vector<16xi32>
      %select_n3A_270 = arith.select %ge3A_267, %get3A_264, %broadcast_in_dim3A_269 : vector<16xi1>, vector<16xi32>
      %add3A_271 = arith.constant 160 : i32
      %add3A_272 = arith.addi %mul3A_20, %add3A_271 : i32
      %add3A_273 = vector.broadcast %add3A_272 : i32 to vector<16xi32>
      %add3A_274 = arith.addi %iota3A, %add3A_273 : vector<16xi32>
      tpu.vector_store_idx %arg6[%select_n3A_270], %add3A_274 masked %ge3A_267 : memref<1024xi32, #tpu.memory_space<vmem>>[vector<16xi32>], vector<16xi32>, vector<16xi1>
      %get3A_275 = arith.constant 176 : index
      %get3A_276 = tpu.vector_load %arg5[%get3A_275] {strides = array<i32>} : memref<1280xi32, #tpu.memory_space<vmem>>, vector<16xi32>,
      %ge3A_277 = arith.constant 0 : i32
      %ge3A_278 = vector.broadcast %ge3A_277 : i32 to vector<16xi32>
      %ge3A_279 = arith.cmpi sge, %get3A_276, %ge3A_278 : vector<16xi32>
      %jit3A_280 = arith.constant 0 : i32
      %broadcast_in_dim3A_281 = vector.broadcast %jit3A_280 : i32 to vector<16xi32>
      %select_n3A_282 = arith.select %ge3A_279, %get3A_276, %broadcast_in_dim3A_281 : vector<16xi1>, vector<16xi32>
      %add3A_283 = arith.constant 176 : i32
      %add3A_284 = arith.addi %mul3A_20, %add3A_283 : i32
      %add3A_285 = vector.broadcast %add3A_284 : i32 to vector<16xi32>
      %add3A_286 = arith.addi %iota3A, %add3A_285 : vector<16xi32>
      tpu.vector_store_idx %arg6[%select_n3A_282], %add3A_286 masked %ge3A_279 : memref<1024xi32, #tpu.memory_space<vmem>>[vector<16xi32>], vector<16xi32>, vector<16xi1>
      %get3A_287 = arith.constant 192 : index
      %get3A_288 = tpu.vector_load %arg5[%get3A_287] {strides = array<i32>} : memref<1280xi32, #tpu.memory_space<vmem>>, vector<16xi32>,
      %ge3A_289 = arith.constant 0 : i32
      %ge3A_290 = vector.broadcast %ge3A_289 : i32 to vector<16xi32>
      %ge3A_291 = arith.cmpi sge, %get3A_288, %ge3A_290 : vector<16xi32>
      %jit3A_292 = arith.constant 0 : i32
      %broadcast_in_dim3A_293 = vector.broadcast %jit3A_292 : i32 to vector<16xi32>
      %select_n3A_294 = arith.select %ge3A_291, %get3A_288, %broadcast_in_dim3A_293 : vector<16xi1>, vector<16xi32>
      %add3A_295 = arith.constant 192 : i32
      %add3A_296 = arith.addi %mul3A_20, %add3A_295 : i32
      %add3A_297 = vector.broadcast %add3A_296 : i32 to vector<16xi32>
      %add3A_298 = arith.addi %iota3A, %add3A_297 : vector<16xi32>
      tpu.vector_store_idx %arg6[%select_n3A_294], %add3A_298 masked %ge3A_291 : memref<1024xi32, #tpu.memory_space<vmem>>[vector<16xi32>], vector<16xi32>, vector<16xi1>
      %get3A_299 = arith.constant 208 : index
      %get3A_300 = tpu.vector_load %arg5[%get3A_299] {strides = array<i32>} : memref<1280xi32, #tpu.memory_space<vmem>>, vector<16xi32>,
      %ge3A_301 = arith.constant 0 : i32
      %ge3A_302 = vector.broadcast %ge3A_301 : i32 to vector<16xi32>
      %ge3A_303 = arith.cmpi sge, %get3A_300, %ge3A_302 : vector<16xi32>
      %jit3A_304 = arith.constant 0 : i32
      %broadcast_in_dim3A_305 = vector.broadcast %jit3A_304 : i32 to vector<16xi32>
      %select_n3A_306 = arith.select %ge3A_303, %get3A_300, %broadcast_in_dim3A_305 : vector<16xi1>, vector<16xi32>
      %add3A_307 = arith.constant 208 : i32
      %add3A_308 = arith.addi %mul3A_20, %add3A_307 : i32
      %add3A_309 = vector.broadcast %add3A_308 : i32 to vector<16xi32>
      %add3A_310 = arith.addi %iota3A, %add3A_309 : vector<16xi32>
      tpu.vector_store_idx %arg6[%select_n3A_306], %add3A_310 masked %ge3A_303 : memref<1024xi32, #tpu.memory_space<vmem>>[vector<16xi32>], vector<16xi32>, vector<16xi1>
      %get3A_311 = arith.constant 224 : index
      %get3A_312 = tpu.vector_load %arg5[%get3A_311] {strides = array<i32>} : memref<1280xi32, #tpu.memory_space<vmem>>, vector<16xi32>,
      %ge3A_313 = arith.constant 0 : i32
      %ge3A_314 = vector.broadcast %ge3A_313 : i32 to vector<16xi32>
      %ge3A_315 = arith.cmpi sge, %get3A_312, %ge3A_314 : vector<16xi32>
      %jit3A_316 = arith.constant 0 : i32
      %broadcast_in_dim3A_317 = vector.broadcast %jit3A_316 : i32 to vector<16xi32>
      %select_n3A_318 = arith.select %ge3A_315, %get3A_312, %broadcast_in_dim3A_317 : vector<16xi1>, vector<16xi32>
      %add3A_319 = arith.constant 224 : i32
      %add3A_320 = arith.addi %mul3A_20, %add3A_319 : i32
      %add3A_321 = vector.broadcast %add3A_320 : i32 to vector<16xi32>
      %add3A_322 = arith.addi %iota3A, %add3A_321 : vector<16xi32>
      tpu.vector_store_idx %arg6[%select_n3A_318], %add3A_322 masked %ge3A_315 : memref<1024xi32, #tpu.memory_space<vmem>>[vector<16xi32>], vector<16xi32>, vector<16xi1>
      %get3A_323 = arith.constant 240 : index
      %get3A_324 = tpu.vector_load %arg5[%get3A_323] {strides = array<i32>} : memref<1280xi32, #tpu.memory_space<vmem>>, vector<16xi32>,
      %ge3A_325 = arith.constant 0 : i32
      %ge3A_326 = vector.broadcast %ge3A_325 : i32 to vector<16xi32>
      %ge3A_327 = arith.cmpi sge, %get3A_324, %ge3A_326 : vector<16xi32>
      %jit3A_328 = arith.constant 0 : i32
      %broadcast_in_dim3A_329 = vector.broadcast %jit3A_328 : i32 to vector<16xi32>
      %select_n3A_330 = arith.select %ge3A_327, %get3A_324, %broadcast_in_dim3A_329 : vector<16xi1>, vector<16xi32>
      %add3A_331 = arith.constant 240 : i32
      %add3A_332 = arith.addi %mul3A_20, %add3A_331 : i32
      %add3A_333 = vector.broadcast %add3A_332 : i32 to vector<16xi32>
      %add3A_334 = arith.addi %iota3A, %add3A_333 : vector<16xi32>
      tpu.vector_store_idx %arg6[%select_n3A_330], %add3A_334 masked %ge3A_327 : memref<1024xi32, #tpu.memory_space<vmem>>[vector<16xi32>], vector<16xi32>, vector<16xi1>
      %get3A_335 = arith.constant 256 : index
      %get3A_336 = tpu.vector_load %arg5[%get3A_335] {strides = array<i32>} : memref<1280xi32, #tpu.memory_space<vmem>>, vector<16xi32>,
      %ge3A_337 = arith.constant 0 : i32
      %ge3A_338 = vector.broadcast %ge3A_337 : i32 to vector<16xi32>
      %ge3A_339 = arith.cmpi sge, %get3A_336, %ge3A_338 : vector<16xi32>
      %jit3A_340 = arith.constant 0 : i32
      %broadcast_in_dim3A_341 = vector.broadcast %jit3A_340 : i32 to vector<16xi32>
      %select_n3A_342 = arith.select %ge3A_339, %get3A_336, %broadcast_in_dim3A_341 : vector<16xi1>, vector<16xi32>
      %add3A_343 = arith.constant 256 : i32
      %add3A_344 = arith.addi %mul3A_20, %add3A_343 : i32
      %add3A_345 = vector.broadcast %add3A_344 : i32 to vector<16xi32>
      %add3A_346 = arith.addi %iota3A, %add3A_345 : vector<16xi32>
      tpu.vector_store_idx %arg6[%select_n3A_342], %add3A_346 masked %ge3A_339 : memref<1024xi32, #tpu.memory_space<vmem>>[vector<16xi32>], vector<16xi32>, vector<16xi1>
      %get3A_347 = arith.constant 272 : index
      %get3A_348 = tpu.vector_load %arg5[%get3A_347] {strides = array<i32>} : memref<1280xi32, #tpu.memory_space<vmem>>, vector<16xi32>,
      %ge3A_349 = arith.constant 0 : i32
      %ge3A_350 = vector.broadcast %ge3A_349 : i32 to vector<16xi32>
      %ge3A_351 = arith.cmpi sge, %get3A_348, %ge3A_350 : vector<16xi32>
      %jit3A_352 = arith.constant 0 : i32
      %broadcast_in_dim3A_353 = vector.broadcast %jit3A_352 : i32 to vector<16xi32>
      %select_n3A_354 = arith.select %ge3A_351, %get3A_348, %broadcast_in_dim3A_353 : vector<16xi1>, vector<16xi32>
      %add3A_355 = arith.constant 272 : i32
      %add3A_356 = arith.addi %mul3A_20, %add3A_355 : i32
      %add3A_357 = vector.broadcast %add3A_356 : i32 to vector<16xi32>
      %add3A_358 = arith.addi %iota3A, %add3A_357 : vector<16xi32>
      tpu.vector_store_idx %arg6[%select_n3A_354], %add3A_358 masked %ge3A_351 : memref<1024xi32, #tpu.memory_space<vmem>>[vector<16xi32>], vector<16xi32>, vector<16xi1>
      %get3A_359 = arith.constant 288 : index
      %get3A_360 = tpu.vector_load %arg5[%get3A_359] {strides = array<i32>} : memref<1280xi32, #tpu.memory_space<vmem>>, vector<16xi32>,
      %ge3A_361 = arith.constant 0 : i32
      %ge3A_362 = vector.broadcast %ge3A_361 : i32 to vector<16xi32>
      %ge3A_363 = arith.cmpi sge, %get3A_360, %ge3A_362 : vector<16xi32>
      %jit3A_364 = arith.constant 0 : i32
      %broadcast_in_dim3A_365 = vector.broadcast %jit3A_364 : i32 to vector<16xi32>
      %select_n3A_366 = arith.select %ge3A_363, %get3A_360, %broadcast_in_dim3A_365 : vector<16xi1>, vector<16xi32>
      %add3A_367 = arith.constant 288 : i32
      %add3A_368 = arith.addi %mul3A_20, %add3A_367 : i32
      %add3A_369 = vector.broadcast %add3A_368 : i32 to vector<16xi32>
      %add3A_370 = arith.addi %iota3A, %add3A_369 : vector<16xi32>
      tpu.vector_store_idx %arg6[%select_n3A_366], %add3A_370 masked %ge3A_363 : memref<1024xi32, #tpu.memory_space<vmem>>[vector<16xi32>], vector<16xi32>, vector<16xi1>
      %get3A_371 = arith.constant 304 : index
      %get3A_372 = tpu.vector_load %arg5[%get3A_371] {strides = array<i32>} : memref<1280xi32, #tpu.memory_space<vmem>>, vector<16xi32>,
      %ge3A_373 = arith.constant 0 : i32
      %ge3A_374 = vector.broadcast %ge3A_373 : i32 to vector<16xi32>
      %ge3A_375 = arith.cmpi sge, %get3A_372, %ge3A_374 : vector<16xi32>
      %jit3A_376 = arith.constant 0 : i32
      %broadcast_in_dim3A_377 = vector.broadcast %jit3A_376 : i32 to vector<16xi32>
      %select_n3A_378 = arith.select %ge3A_375, %get3A_372, %broadcast_in_dim3A_377 : vector<16xi1>, vector<16xi32>
      %add3A_379 = arith.constant 304 : i32
      %add3A_380 = arith.addi %mul3A_20, %add3A_379 : i32
      %add3A_381 = vector.broadcast %add3A_380 : i32 to vector<16xi32>
      %add3A_382 = arith.addi %iota3A, %add3A_381 : vector<16xi32>
      tpu.vector_store_idx %arg6[%select_n3A_378], %add3A_382 masked %ge3A_375 : memref<1024xi32, #tpu.memory_space<vmem>>[vector<16xi32>], vector<16xi32>, vector<16xi1>
      %get3A_383 = arith.constant 320 : index
      %get3A_384 = tpu.vector_load %arg5[%get3A_383] {strides = array<i32>} : memref<1280xi32, #tpu.memory_space<vmem>>, vector<16xi32>,
      %ge3A_385 = arith.constant 0 : i32
      %ge3A_386 = vector.broadcast %ge3A_385 : i32 to vector<16xi32>
      %ge3A_387 = arith.cmpi sge, %get3A_384, %ge3A_386 : vector<16xi32>
      %jit3A_388 = arith.constant 0 : i32
      %broadcast_in_dim3A_389 = vector.broadcast %jit3A_388 : i32 to vector<16xi32>
      %select_n3A_390 = arith.select %ge3A_387, %get3A_384, %broadcast_in_dim3A_389 : vector<16xi1>, vector<16xi32>
      %add3A_391 = arith.constant 320 : i32
      %add3A_392 = arith.addi %mul3A_20, %add3A_391 : i32
      %add3A_393 = vector.broadcast %add3A_392 : i32 to vector<16xi32>
      %add3A_394 = arith.addi %iota3A, %add3A_393 : vector<16xi32>
      tpu.vector_store_idx %arg6[%select_n3A_390], %add3A_394 masked %ge3A_387 : memref<1024xi32, #tpu.memory_space<vmem>>[vector<16xi32>], vector<16xi32>, vector<16xi1>
      %get3A_395 = arith.constant 336 : index
      %get3A_396 = tpu.vector_load %arg5[%get3A_395] {strides = array<i32>} : memref<1280xi32, #tpu.memory_space<vmem>>, vector<16xi32>,
      %ge3A_397 = arith.constant 0 : i32
      %ge3A_398 = vector.broadcast %ge3A_397 : i32 to vector<16xi32>
      %ge3A_399 = arith.cmpi sge, %get3A_396, %ge3A_398 : vector<16xi32>
      %jit3A_400 = arith.constant 0 : i32
      %broadcast_in_dim3A_401 = vector.broadcast %jit3A_400 : i32 to vector<16xi32>
      %select_n3A_402 = arith.select %ge3A_399, %get3A_396, %broadcast_in_dim3A_401 : vector<16xi1>, vector<16xi32>
      %add3A_403 = arith.constant 336 : i32
      %add3A_404 = arith.addi %mul3A_20, %add3A_403 : i32
      %add3A_405 = vector.broadcast %add3A_404 : i32 to vector<16xi32>
      %add3A_406 = arith.addi %iota3A, %add3A_405 : vector<16xi32>
      tpu.vector_store_idx %arg6[%select_n3A_402], %add3A_406 masked %ge3A_399 : memref<1024xi32, #tpu.memory_space<vmem>>[vector<16xi32>], vector<16xi32>, vector<16xi1>
      %get3A_407 = arith.constant 352 : index
      %get3A_408 = tpu.vector_load %arg5[%get3A_407] {strides = array<i32>} : memref<1280xi32, #tpu.memory_space<vmem>>, vector<16xi32>,
      %ge3A_409 = arith.constant 0 : i32
      %ge3A_410 = vector.broadcast %ge3A_409 : i32 to vector<16xi32>
      %ge3A_411 = arith.cmpi sge, %get3A_408, %ge3A_410 : vector<16xi32>
      %jit3A_412 = arith.constant 0 : i32
      %broadcast_in_dim3A_413 = vector.broadcast %jit3A_412 : i32 to vector<16xi32>
      %select_n3A_414 = arith.select %ge3A_411, %get3A_408, %broadcast_in_dim3A_413 : vector<16xi1>, vector<16xi32>
      %add3A_415 = arith.constant 352 : i32
      %add3A_416 = arith.addi %mul3A_20, %add3A_415 : i32
      %add3A_417 = vector.broadcast %add3A_416 : i32 to vector<16xi32>
      %add3A_418 = arith.addi %iota3A, %add3A_417 : vector<16xi32>
      tpu.vector_store_idx %arg6[%select_n3A_414], %add3A_418 masked %ge3A_411 : memref<1024xi32, #tpu.memory_space<vmem>>[vector<16xi32>], vector<16xi32>, vector<16xi1>
      %get3A_419 = arith.constant 368 : index
      %get3A_420 = tpu.vector_load %arg5[%get3A_419] {strides = array<i32>} : memref<1280xi32, #tpu.memory_space<vmem>>, vector<16xi32>,
      %ge3A_421 = arith.constant 0 : i32
      %ge3A_422 = vector.broadcast %ge3A_421 : i32 to vector<16xi32>
      %ge3A_423 = arith.cmpi sge, %get3A_420, %ge3A_422 : vector<16xi32>
      %jit3A_424 = arith.constant 0 : i32
      %broadcast_in_dim3A_425 = vector.broadcast %jit3A_424 : i32 to vector<16xi32>
      %select_n3A_426 = arith.select %ge3A_423, %get3A_420, %broadcast_in_dim3A_425 : vector<16xi1>, vector<16xi32>
      %add3A_427 = arith.constant 368 : i32
      %add3A_428 = arith.addi %mul3A_20, %add3A_427 : i32
      %add3A_429 = vector.broadcast %add3A_428 : i32 to vector<16xi32>
      %add3A_430 = arith.addi %iota3A, %add3A_429 : vector<16xi32>
      tpu.vector_store_idx %arg6[%select_n3A_426], %add3A_430 masked %ge3A_423 : memref<1024xi32, #tpu.memory_space<vmem>>[vector<16xi32>], vector<16xi32>, vector<16xi1>
      %get3A_431 = arith.constant 384 : index
      %get3A_432 = tpu.vector_load %arg5[%get3A_431] {strides = array<i32>} : memref<1280xi32, #tpu.memory_space<vmem>>, vector<16xi32>,
      %ge3A_433 = arith.constant 0 : i32
      %ge3A_434 = vector.broadcast %ge3A_433 : i32 to vector<16xi32>
      %ge3A_435 = arith.cmpi sge, %get3A_432, %ge3A_434 : vector<16xi32>
      %jit3A_436 = arith.constant 0 : i32
      %broadcast_in_dim3A_437 = vector.broadcast %jit3A_436 : i32 to vector<16xi32>
      %select_n3A_438 = arith.select %ge3A_435, %get3A_432, %broadcast_in_dim3A_437 : vector<16xi1>, vector<16xi32>
      %add3A_439 = arith.constant 384 : i32
      %add3A_440 = arith.addi %mul3A_20, %add3A_439 : i32
      %add3A_441 = vector.broadcast %add3A_440 : i32 to vector<16xi32>
      %add3A_442 = arith.addi %iota3A, %add3A_441 : vector<16xi32>
      tpu.vector_store_idx %arg6[%select_n3A_438], %add3A_442 masked %ge3A_435 : memref<1024xi32, #tpu.memory_space<vmem>>[vector<16xi32>], vector<16xi32>, vector<16xi1>
      %get3A_443 = arith.constant 400 : index
      %get3A_444 = tpu.vector_load %arg5[%get3A_443] {strides = array<i32>} : memref<1280xi32, #tpu.memory_space<vmem>>, vector<16xi32>,
      %ge3A_445 = arith.constant 0 : i32
      %ge3A_446 = vector.broadcast %ge3A_445 : i32 to vector<16xi32>
      %ge3A_447 = arith.cmpi sge, %get3A_444, %ge3A_446 : vector<16xi32>
      %jit3A_448 = arith.constant 0 : i32
      %broadcast_in_dim3A_449 = vector.broadcast %jit3A_448 : i32 to vector<16xi32>
      %select_n3A_450 = arith.select %ge3A_447, %get3A_444, %broadcast_in_dim3A_449 : vector<16xi1>, vector<16xi32>
      %add3A_451 = arith.constant 400 : i32
      %add3A_452 = arith.addi %mul3A_20, %add3A_451 : i32
      %add3A_453 = vector.broadcast %add3A_452 : i32 to vector<16xi32>
      %add3A_454 = arith.addi %iota3A, %add3A_453 : vector<16xi32>
      tpu.vector_store_idx %arg6[%select_n3A_450], %add3A_454 masked %ge3A_447 : memref<1024xi32, #tpu.memory_space<vmem>>[vector<16xi32>], vector<16xi32>, vector<16xi1>
      %get3A_455 = arith.constant 416 : index
      %get3A_456 = tpu.vector_load %arg5[%get3A_455] {strides = array<i32>} : memref<1280xi32, #tpu.memory_space<vmem>>, vector<16xi32>,
      %ge3A_457 = arith.constant 0 : i32
      %ge3A_458 = vector.broadcast %ge3A_457 : i32 to vector<16xi32>
      %ge3A_459 = arith.cmpi sge, %get3A_456, %ge3A_458 : vector<16xi32>
      %jit3A_460 = arith.constant 0 : i32
      %broadcast_in_dim3A_461 = vector.broadcast %jit3A_460 : i32 to vector<16xi32>
      %select_n3A_462 = arith.select %ge3A_459, %get3A_456, %broadcast_in_dim3A_461 : vector<16xi1>, vector<16xi32>
      %add3A_463 = arith.constant 416 : i32
      %add3A_464 = arith.addi %mul3A_20, %add3A_463 : i32
      %add3A_465 = vector.broadcast %add3A_464 : i32 to vector<16xi32>
      %add3A_466 = arith.addi %iota3A, %add3A_465 : vector<16xi32>
      tpu.vector_store_idx %arg6[%select_n3A_462], %add3A_466 masked %ge3A_459 : memref<1024xi32, #tpu.memory_space<vmem>>[vector<16xi32>], vector<16xi32>, vector<16xi1>
      %get3A_467 = arith.constant 432 : index
      %get3A_468 = tpu.vector_load %arg5[%get3A_467] {strides = array<i32>} : memref<1280xi32, #tpu.memory_space<vmem>>, vector<16xi32>,
      %ge3A_469 = arith.constant 0 : i32
      %ge3A_470 = vector.broadcast %ge3A_469 : i32 to vector<16xi32>
      %ge3A_471 = arith.cmpi sge, %get3A_468, %ge3A_470 : vector<16xi32>
      %jit3A_472 = arith.constant 0 : i32
      %broadcast_in_dim3A_473 = vector.broadcast %jit3A_472 : i32 to vector<16xi32>
      %select_n3A_474 = arith.select %ge3A_471, %get3A_468, %broadcast_in_dim3A_473 : vector<16xi1>, vector<16xi32>
      %add3A_475 = arith.constant 432 : i32
      %add3A_476 = arith.addi %mul3A_20, %add3A_475 : i32
      %add3A_477 = vector.broadcast %add3A_476 : i32 to vector<16xi32>
      %add3A_478 = arith.addi %iota3A, %add3A_477 : vector<16xi32>
      tpu.vector_store_idx %arg6[%select_n3A_474], %add3A_478 masked %ge3A_471 : memref<1024xi32, #tpu.memory_space<vmem>>[vector<16xi32>], vector<16xi32>, vector<16xi1>
      %get3A_479 = arith.constant 448 : index
      %get3A_480 = tpu.vector_load %arg5[%get3A_479] {strides = array<i32>} : memref<1280xi32, #tpu.memory_space<vmem>>, vector<16xi32>,
      %ge3A_481 = arith.constant 0 : i32
      %ge3A_482 = vector.broadcast %ge3A_481 : i32 to vector<16xi32>
      %ge3A_483 = arith.cmpi sge, %get3A_480, %ge3A_482 : vector<16xi32>
      %jit3A_484 = arith.constant 0 : i32
      %broadcast_in_dim3A_485 = vector.broadcast %jit3A_484 : i32 to vector<16xi32>
      %select_n3A_486 = arith.select %ge3A_483, %get3A_480, %broadcast_in_dim3A_485 : vector<16xi1>, vector<16xi32>
      %add3A_487 = arith.constant 448 : i32
      %add3A_488 = arith.addi %mul3A_20, %add3A_487 : i32
      %add3A_489 = vector.broadcast %add3A_488 : i32 to vector<16xi32>
      %add3A_490 = arith.addi %iota3A, %add3A_489 : vector<16xi32>
      tpu.vector_store_idx %arg6[%select_n3A_486], %add3A_490 masked %ge3A_483 : memref<1024xi32, #tpu.memory_space<vmem>>[vector<16xi32>], vector<16xi32>, vector<16xi1>
      %get3A_491 = arith.constant 464 : index
      %get3A_492 = tpu.vector_load %arg5[%get3A_491] {strides = array<i32>} : memref<1280xi32, #tpu.memory_space<vmem>>, vector<16xi32>,
      %ge3A_493 = arith.constant 0 : i32
      %ge3A_494 = vector.broadcast %ge3A_493 : i32 to vector<16xi32>
      %ge3A_495 = arith.cmpi sge, %get3A_492, %ge3A_494 : vector<16xi32>
      %jit3A_496 = arith.constant 0 : i32
      %broadcast_in_dim3A_497 = vector.broadcast %jit3A_496 : i32 to vector<16xi32>
      %select_n3A_498 = arith.select %ge3A_495, %get3A_492, %broadcast_in_dim3A_497 : vector<16xi1>, vector<16xi32>
      %add3A_499 = arith.constant 464 : i32
      %add3A_500 = arith.addi %mul3A_20, %add3A_499 : i32
      %add3A_501 = vector.broadcast %add3A_500 : i32 to vector<16xi32>
      %add3A_502 = arith.addi %iota3A, %add3A_501 : vector<16xi32>
      tpu.vector_store_idx %arg6[%select_n3A_498], %add3A_502 masked %ge3A_495 : memref<1024xi32, #tpu.memory_space<vmem>>[vector<16xi32>], vector<16xi32>, vector<16xi1>
      %get3A_503 = arith.constant 480 : index
      %get3A_504 = tpu.vector_load %arg5[%get3A_503] {strides = array<i32>} : memref<1280xi32, #tpu.memory_space<vmem>>, vector<16xi32>,
      %ge3A_505 = arith.constant 0 : i32
      %ge3A_506 = vector.broadcast %ge3A_505 : i32 to vector<16xi32>
      %ge3A_507 = arith.cmpi sge, %get3A_504, %ge3A_506 : vector<16xi32>
      %jit3A_508 = arith.constant 0 : i32
      %broadcast_in_dim3A_509 = vector.broadcast %jit3A_508 : i32 to vector<16xi32>
      %select_n3A_510 = arith.select %ge3A_507, %get3A_504, %broadcast_in_dim3A_509 : vector<16xi1>, vector<16xi32>
      %add3A_511 = arith.constant 480 : i32
      %add3A_512 = arith.addi %mul3A_20, %add3A_511 : i32
      %add3A_513 = vector.broadcast %add3A_512 : i32 to vector<16xi32>
      %add3A_514 = arith.addi %iota3A, %add3A_513 : vector<16xi32>
      tpu.vector_store_idx %arg6[%select_n3A_510], %add3A_514 masked %ge3A_507 : memref<1024xi32, #tpu.memory_space<vmem>>[vector<16xi32>], vector<16xi32>, vector<16xi1>
      %get3A_515 = arith.constant 496 : index
      %get3A_516 = tpu.vector_load %arg5[%get3A_515] {strides = array<i32>} : memref<1280xi32, #tpu.memory_space<vmem>>, vector<16xi32>,
      %ge3A_517 = arith.constant 0 : i32
      %ge3A_518 = vector.broadcast %ge3A_517 : i32 to vector<16xi32>
      %ge3A_519 = arith.cmpi sge, %get3A_516, %ge3A_518 : vector<16xi32>
      %jit3A_520 = arith.constant 0 : i32
      %broadcast_in_dim3A_521 = vector.broadcast %jit3A_520 : i32 to vector<16xi32>
      %select_n3A_522 = arith.select %ge3A_519, %get3A_516, %broadcast_in_dim3A_521 : vector<16xi1>, vector<16xi32>
      %add3A_523 = arith.constant 496 : i32
      %add3A_524 = arith.addi %mul3A_20, %add3A_523 : i32
      %add3A_525 = vector.broadcast %add3A_524 : i32 to vector<16xi32>
      %add3A_526 = arith.addi %iota3A, %add3A_525 : vector<16xi32>
      tpu.vector_store_idx %arg6[%select_n3A_522], %add3A_526 masked %ge3A_519 : memref<1024xi32, #tpu.memory_space<vmem>>[vector<16xi32>], vector<16xi32>, vector<16xi1>
      %get3A_527 = arith.constant 512 : index
      %get3A_528 = tpu.vector_load %arg5[%get3A_527] {strides = array<i32>} : memref<1280xi32, #tpu.memory_space<vmem>>, vector<16xi32>,
      %ge3A_529 = arith.constant 0 : i32
      %ge3A_530 = vector.broadcast %ge3A_529 : i32 to vector<16xi32>
      %ge3A_531 = arith.cmpi sge, %get3A_528, %ge3A_530 : vector<16xi32>
      %jit3A_532 = arith.constant 0 : i32
      %broadcast_in_dim3A_533 = vector.broadcast %jit3A_532 : i32 to vector<16xi32>
      %select_n3A_534 = arith.select %ge3A_531, %get3A_528, %broadcast_in_dim3A_533 : vector<16xi1>, vector<16xi32>
      %add3A_535 = arith.constant 512 : i32
      %add3A_536 = arith.addi %mul3A_20, %add3A_535 : i32
      %add3A_537 = vector.broadcast %add3A_536 : i32 to vector<16xi32>
      %add3A_538 = arith.addi %iota3A, %add3A_537 : vector<16xi32>
      tpu.vector_store_idx %arg6[%select_n3A_534], %add3A_538 masked %ge3A_531 : memref<1024xi32, #tpu.memory_space<vmem>>[vector<16xi32>], vector<16xi32>, vector<16xi1>
      %get3A_539 = arith.constant 528 : index
      %get3A_540 = tpu.vector_load %arg5[%get3A_539] {strides = array<i32>} : memref<1280xi32, #tpu.memory_space<vmem>>, vector<16xi32>,
      %ge3A_541 = arith.constant 0 : i32
      %ge3A_542 = vector.broadcast %ge3A_541 : i32 to vector<16xi32>
      %ge3A_543 = arith.cmpi sge, %get3A_540, %ge3A_542 : vector<16xi32>
      %jit3A_544 = arith.constant 0 : i32
      %broadcast_in_dim3A_545 = vector.broadcast %jit3A_544 : i32 to vector<16xi32>
      %select_n3A_546 = arith.select %ge3A_543, %get3A_540, %broadcast_in_dim3A_545 : vector<16xi1>, vector<16xi32>
      %add3A_547 = arith.constant 528 : i32
      %add3A_548 = arith.addi %mul3A_20, %add3A_547 : i32
      %add3A_549 = vector.broadcast %add3A_548 : i32 to vector<16xi32>
      %add3A_550 = arith.addi %iota3A, %add3A_549 : vector<16xi32>
      tpu.vector_store_idx %arg6[%select_n3A_546], %add3A_550 masked %ge3A_543 : memref<1024xi32, #tpu.memory_space<vmem>>[vector<16xi32>], vector<16xi32>, vector<16xi1>
      %get3A_551 = arith.constant 544 : index
      %get3A_552 = tpu.vector_load %arg5[%get3A_551] {strides = array<i32>} : memref<1280xi32, #tpu.memory_space<vmem>>, vector<16xi32>,
      %ge3A_553 = arith.constant 0 : i32
      %ge3A_554 = vector.broadcast %ge3A_553 : i32 to vector<16xi32>
      %ge3A_555 = arith.cmpi sge, %get3A_552, %ge3A_554 : vector<16xi32>
      %jit3A_556 = arith.constant 0 : i32
      %broadcast_in_dim3A_557 = vector.broadcast %jit3A_556 : i32 to vector<16xi32>
      %select_n3A_558 = arith.select %ge3A_555, %get3A_552, %broadcast_in_dim3A_557 : vector<16xi1>, vector<16xi32>
      %add3A_559 = arith.constant 544 : i32
      %add3A_560 = arith.addi %mul3A_20, %add3A_559 : i32
      %add3A_561 = vector.broadcast %add3A_560 : i32 to vector<16xi32>
      %add3A_562 = arith.addi %iota3A, %add3A_561 : vector<16xi32>
      tpu.vector_store_idx %arg6[%select_n3A_558], %add3A_562 masked %ge3A_555 : memref<1024xi32, #tpu.memory_space<vmem>>[vector<16xi32>], vector<16xi32>, vector<16xi1>
      %get3A_563 = arith.constant 560 : index
      %get3A_564 = tpu.vector_load %arg5[%get3A_563] {strides = array<i32>} : memref<1280xi32, #tpu.memory_space<vmem>>, vector<16xi32>,
      %ge3A_565 = arith.constant 0 : i32
      %ge3A_566 = vector.broadcast %ge3A_565 : i32 to vector<16xi32>
      %ge3A_567 = arith.cmpi sge, %get3A_564, %ge3A_566 : vector<16xi32>
      %jit3A_568 = arith.constant 0 : i32
      %broadcast_in_dim3A_569 = vector.broadcast %jit3A_568 : i32 to vector<16xi32>
      %select_n3A_570 = arith.select %ge3A_567, %get3A_564, %broadcast_in_dim3A_569 : vector<16xi1>, vector<16xi32>
      %add3A_571 = arith.constant 560 : i32
      %add3A_572 = arith.addi %mul3A_20, %add3A_571 : i32
      %add3A_573 = vector.broadcast %add3A_572 : i32 to vector<16xi32>
      %add3A_574 = arith.addi %iota3A, %add3A_573 : vector<16xi32>
      tpu.vector_store_idx %arg6[%select_n3A_570], %add3A_574 masked %ge3A_567 : memref<1024xi32, #tpu.memory_space<vmem>>[vector<16xi32>], vector<16xi32>, vector<16xi1>
      %get3A_575 = arith.constant 576 : index
      %get3A_576 = tpu.vector_load %arg5[%get3A_575] {strides = array<i32>} : memref<1280xi32, #tpu.memory_space<vmem>>, vector<16xi32>,
      %ge3A_577 = arith.constant 0 : i32
      %ge3A_578 = vector.broadcast %ge3A_577 : i32 to vector<16xi32>
      %ge3A_579 = arith.cmpi sge, %get3A_576, %ge3A_578 : vector<16xi32>
      %jit3A_580 = arith.constant 0 : i32
      %broadcast_in_dim3A_581 = vector.broadcast %jit3A_580 : i32 to vector<16xi32>
      %select_n3A_582 = arith.select %ge3A_579, %get3A_576, %broadcast_in_dim3A_581 : vector<16xi1>, vector<16xi32>
      %add3A_583 = arith.constant 576 : i32
      %add3A_584 = arith.addi %mul3A_20, %add3A_583 : i32
      %add3A_585 = vector.broadcast %add3A_584 : i32 to vector<16xi32>
      %add3A_586 = arith.addi %iota3A, %add3A_585 : vector<16xi32>
      tpu.vector_store_idx %arg6[%select_n3A_582], %add3A_586 masked %ge3A_579 : memref<1024xi32, #tpu.memory_space<vmem>>[vector<16xi32>], vector<16xi32>, vector<16xi1>
      %get3A_587 = arith.constant 592 : index
      %get3A_588 = tpu.vector_load %arg5[%get3A_587] {strides = array<i32>} : memref<1280xi32, #tpu.memory_space<vmem>>, vector<16xi32>,
      %ge3A_589 = arith.constant 0 : i32
      %ge3A_590 = vector.broadcast %ge3A_589 : i32 to vector<16xi32>
      %ge3A_591 = arith.cmpi sge, %get3A_588, %ge3A_590 : vector<16xi32>
      %jit3A_592 = arith.constant 0 : i32
      %broadcast_in_dim3A_593 = vector.broadcast %jit3A_592 : i32 to vector<16xi32>
      %select_n3A_594 = arith.select %ge3A_591, %get3A_588, %broadcast_in_dim3A_593 : vector<16xi1>, vector<16xi32>
      %add3A_595 = arith.constant 592 : i32
      %add3A_596 = arith.addi %mul3A_20, %add3A_595 : i32
      %add3A_597 = vector.broadcast %add3A_596 : i32 to vector<16xi32>
      %add3A_598 = arith.addi %iota3A, %add3A_597 : vector<16xi32>
      tpu.vector_store_idx %arg6[%select_n3A_594], %add3A_598 masked %ge3A_591 : memref<1024xi32, #tpu.memory_space<vmem>>[vector<16xi32>], vector<16xi32>, vector<16xi1>
      %get3A_599 = arith.constant 608 : index
      %get3A_600 = tpu.vector_load %arg5[%get3A_599] {strides = array<i32>} : memref<1280xi32, #tpu.memory_space<vmem>>, vector<16xi32>,
      %ge3A_601 = arith.constant 0 : i32
      %ge3A_602 = vector.broadcast %ge3A_601 : i32 to vector<16xi32>
      %ge3A_603 = arith.cmpi sge, %get3A_600, %ge3A_602 : vector<16xi32>
      %jit3A_604 = arith.constant 0 : i32
      %broadcast_in_dim3A_605 = vector.broadcast %jit3A_604 : i32 to vector<16xi32>
      %select_n3A_606 = arith.select %ge3A_603, %get3A_600, %broadcast_in_dim3A_605 : vector<16xi1>, vector<16xi32>
      %add3A_607 = arith.constant 608 : i32
      %add3A_608 = arith.addi %mul3A_20, %add3A_607 : i32
      %add3A_609 = vector.broadcast %add3A_608 : i32 to vector<16xi32>
      %add3A_610 = arith.addi %iota3A, %add3A_609 : vector<16xi32>
      tpu.vector_store_idx %arg6[%select_n3A_606], %add3A_610 masked %ge3A_603 : memref<1024xi32, #tpu.memory_space<vmem>>[vector<16xi32>], vector<16xi32>, vector<16xi1>
      %get3A_611 = arith.constant 624 : index
      %get3A_612 = tpu.vector_load %arg5[%get3A_611] {strides = array<i32>} : memref<1280xi32, #tpu.memory_space<vmem>>, vector<16xi32>,
      %ge3A_613 = arith.constant 0 : i32
      %ge3A_614 = vector.broadcast %ge3A_613 : i32 to vector<16xi32>
      %ge3A_615 = arith.cmpi sge, %get3A_612, %ge3A_614 : vector<16xi32>
      %jit3A_616 = arith.constant 0 : i32
      %broadcast_in_dim3A_617 = vector.broadcast %jit3A_616 : i32 to vector<16xi32>
      %select_n3A_618 = arith.select %ge3A_615, %get3A_612, %broadcast_in_dim3A_617 : vector<16xi1>, vector<16xi32>
      %add3A_619 = arith.constant 624 : i32
      %add3A_620 = arith.addi %mul3A_20, %add3A_619 : i32
      %add3A_621 = vector.broadcast %add3A_620 : i32 to vector<16xi32>
      %add3A_622 = arith.addi %iota3A, %add3A_621 : vector<16xi32>
      tpu.vector_store_idx %arg6[%select_n3A_618], %add3A_622 masked %ge3A_615 : memref<1024xi32, #tpu.memory_space<vmem>>[vector<16xi32>], vector<16xi32>, vector<16xi1>
      %get3A_623 = arith.constant 640 : index
      %get3A_624 = tpu.vector_load %arg5[%get3A_623] {strides = array<i32>} : memref<1280xi32, #tpu.memory_space<vmem>>, vector<16xi32>,
      %ge3A_625 = arith.constant 0 : i32
      %ge3A_626 = vector.broadcast %ge3A_625 : i32 to vector<16xi32>
      %ge3A_627 = arith.cmpi sge, %get3A_624, %ge3A_626 : vector<16xi32>
      %jit3A_628 = arith.constant 0 : i32
      %broadcast_in_dim3A_629 = vector.broadcast %jit3A_628 : i32 to vector<16xi32>
      %select_n3A_630 = arith.select %ge3A_627, %get3A_624, %broadcast_in_dim3A_629 : vector<16xi1>, vector<16xi32>
      %add3A_631 = arith.constant 640 : i32
      %add3A_632 = arith.addi %mul3A_20, %add3A_631 : i32
      %add3A_633 = vector.broadcast %add3A_632 : i32 to vector<16xi32>
      %add3A_634 = arith.addi %iota3A, %add3A_633 : vector<16xi32>
      tpu.vector_store_idx %arg6[%select_n3A_630], %add3A_634 masked %ge3A_627 : memref<1024xi32, #tpu.memory_space<vmem>>[vector<16xi32>], vector<16xi32>, vector<16xi1>
      %get3A_635 = arith.constant 656 : index
      %get3A_636 = tpu.vector_load %arg5[%get3A_635] {strides = array<i32>} : memref<1280xi32, #tpu.memory_space<vmem>>, vector<16xi32>,
      %ge3A_637 = arith.constant 0 : i32
      %ge3A_638 = vector.broadcast %ge3A_637 : i32 to vector<16xi32>
      %ge3A_639 = arith.cmpi sge, %get3A_636, %ge3A_638 : vector<16xi32>
      %jit3A_640 = arith.constant 0 : i32
      %broadcast_in_dim3A_641 = vector.broadcast %jit3A_640 : i32 to vector<16xi32>
      %select_n3A_642 = arith.select %ge3A_639, %get3A_636, %broadcast_in_dim3A_641 : vector<16xi1>, vector<16xi32>
      %add3A_643 = arith.constant 656 : i32
      %add3A_644 = arith.addi %mul3A_20, %add3A_643 : i32
      %add3A_645 = vector.broadcast %add3A_644 : i32 to vector<16xi32>
      %add3A_646 = arith.addi %iota3A, %add3A_645 : vector<16xi32>
      tpu.vector_store_idx %arg6[%select_n3A_642], %add3A_646 masked %ge3A_639 : memref<1024xi32, #tpu.memory_space<vmem>>[vector<16xi32>], vector<16xi32>, vector<16xi1>
      %get3A_647 = arith.constant 672 : index
      %get3A_648 = tpu.vector_load %arg5[%get3A_647] {strides = array<i32>} : memref<1280xi32, #tpu.memory_space<vmem>>, vector<16xi32>,
      %ge3A_649 = arith.constant 0 : i32
      %ge3A_650 = vector.broadcast %ge3A_649 : i32 to vector<16xi32>
      %ge3A_651 = arith.cmpi sge, %get3A_648, %ge3A_650 : vector<16xi32>
      %jit3A_652 = arith.constant 0 : i32
      %broadcast_in_dim3A_653 = vector.broadcast %jit3A_652 : i32 to vector<16xi32>
      %select_n3A_654 = arith.select %ge3A_651, %get3A_648, %broadcast_in_dim3A_653 : vector<16xi1>, vector<16xi32>
      %add3A_655 = arith.constant 672 : i32
      %add3A_656 = arith.addi %mul3A_20, %add3A_655 : i32
      %add3A_657 = vector.broadcast %add3A_656 : i32 to vector<16xi32>
      %add3A_658 = arith.addi %iota3A, %add3A_657 : vector<16xi32>
      tpu.vector_store_idx %arg6[%select_n3A_654], %add3A_658 masked %ge3A_651 : memref<1024xi32, #tpu.memory_space<vmem>>[vector<16xi32>], vector<16xi32>, vector<16xi1>
      %get3A_659 = arith.constant 688 : index
      %get3A_660 = tpu.vector_load %arg5[%get3A_659] {strides = array<i32>} : memref<1280xi32, #tpu.memory_space<vmem>>, vector<16xi32>,
      %ge3A_661 = arith.constant 0 : i32
      %ge3A_662 = vector.broadcast %ge3A_661 : i32 to vector<16xi32>
      %ge3A_663 = arith.cmpi sge, %get3A_660, %ge3A_662 : vector<16xi32>
      %jit3A_664 = arith.constant 0 : i32
      %broadcast_in_dim3A_665 = vector.broadcast %jit3A_664 : i32 to vector<16xi32>
      %select_n3A_666 = arith.select %ge3A_663, %get3A_660, %broadcast_in_dim3A_665 : vector<16xi1>, vector<16xi32>
      %add3A_667 = arith.constant 688 : i32
      %add3A_668 = arith.addi %mul3A_20, %add3A_667 : i32
      %add3A_669 = vector.broadcast %add3A_668 : i32 to vector<16xi32>
      %add3A_670 = arith.addi %iota3A, %add3A_669 : vector<16xi32>
      tpu.vector_store_idx %arg6[%select_n3A_666], %add3A_670 masked %ge3A_663 : memref<1024xi32, #tpu.memory_space<vmem>>[vector<16xi32>], vector<16xi32>, vector<16xi1>
      %get3A_671 = arith.constant 704 : index
      %get3A_672 = tpu.vector_load %arg5[%get3A_671] {strides = array<i32>} : memref<1280xi32, #tpu.memory_space<vmem>>, vector<16xi32>,
      %ge3A_673 = arith.constant 0 : i32
      %ge3A_674 = vector.broadcast %ge3A_673 : i32 to vector<16xi32>
      %ge3A_675 = arith.cmpi sge, %get3A_672, %ge3A_674 : vector<16xi32>
      %jit3A_676 = arith.constant 0 : i32
      %broadcast_in_dim3A_677 = vector.broadcast %jit3A_676 : i32 to vector<16xi32>
      %select_n3A_678 = arith.select %ge3A_675, %get3A_672, %broadcast_in_dim3A_677 : vector<16xi1>, vector<16xi32>
      %add3A_679 = arith.constant 704 : i32
      %add3A_680 = arith.addi %mul3A_20, %add3A_679 : i32
      %add3A_681 = vector.broadcast %add3A_680 : i32 to vector<16xi32>
      %add3A_682 = arith.addi %iota3A, %add3A_681 : vector<16xi32>
      tpu.vector_store_idx %arg6[%select_n3A_678], %add3A_682 masked %ge3A_675 : memref<1024xi32, #tpu.memory_space<vmem>>[vector<16xi32>], vector<16xi32>, vector<16xi1>
      %get3A_683 = arith.constant 720 : index
      %get3A_684 = tpu.vector_load %arg5[%get3A_683] {strides = array<i32>} : memref<1280xi32, #tpu.memory_space<vmem>>, vector<16xi32>,
      %ge3A_685 = arith.constant 0 : i32
      %ge3A_686 = vector.broadcast %ge3A_685 : i32 to vector<16xi32>
      %ge3A_687 = arith.cmpi sge, %get3A_684, %ge3A_686 : vector<16xi32>
      %jit3A_688 = arith.constant 0 : i32
      %broadcast_in_dim3A_689 = vector.broadcast %jit3A_688 : i32 to vector<16xi32>
      %select_n3A_690 = arith.select %ge3A_687, %get3A_684, %broadcast_in_dim3A_689 : vector<16xi1>, vector<16xi32>
      %add3A_691 = arith.constant 720 : i32
      %add3A_692 = arith.addi %mul3A_20, %add3A_691 : i32
      %add3A_693 = vector.broadcast %add3A_692 : i32 to vector<16xi32>
      %add3A_694 = arith.addi %iota3A, %add3A_693 : vector<16xi32>
      tpu.vector_store_idx %arg6[%select_n3A_690], %add3A_694 masked %ge3A_687 : memref<1024xi32, #tpu.memory_space<vmem>>[vector<16xi32>], vector<16xi32>, vector<16xi1>
      %get3A_695 = arith.constant 736 : index
      %get3A_696 = tpu.vector_load %arg5[%get3A_695] {strides = array<i32>} : memref<1280xi32, #tpu.memory_space<vmem>>, vector<16xi32>,
      %ge3A_697 = arith.constant 0 : i32
      %ge3A_698 = vector.broadcast %ge3A_697 : i32 to vector<16xi32>
      %ge3A_699 = arith.cmpi sge, %get3A_696, %ge3A_698 : vector<16xi32>
      %jit3A_700 = arith.constant 0 : i32
      %broadcast_in_dim3A_701 = vector.broadcast %jit3A_700 : i32 to vector<16xi32>
      %select_n3A_702 = arith.select %ge3A_699, %get3A_696, %broadcast_in_dim3A_701 : vector<16xi1>, vector<16xi32>
      %add3A_703 = arith.constant 736 : i32
      %add3A_704 = arith.addi %mul3A_20, %add3A_703 : i32
      %add3A_705 = vector.broadcast %add3A_704 : i32 to vector<16xi32>
      %add3A_706 = arith.addi %iota3A, %add3A_705 : vector<16xi32>
      tpu.vector_store_idx %arg6[%select_n3A_702], %add3A_706 masked %ge3A_699 : memref<1024xi32, #tpu.memory_space<vmem>>[vector<16xi32>], vector<16xi32>, vector<16xi1>
      %get3A_707 = arith.constant 752 : index
      %get3A_708 = tpu.vector_load %arg5[%get3A_707] {strides = array<i32>} : memref<1280xi32, #tpu.memory_space<vmem>>, vector<16xi32>,
      %ge3A_709 = arith.constant 0 : i32
      %ge3A_710 = vector.broadcast %ge3A_709 : i32 to vector<16xi32>
      %ge3A_711 = arith.cmpi sge, %get3A_708, %ge3A_710 : vector<16xi32>
      %jit3A_712 = arith.constant 0 : i32
      %broadcast_in_dim3A_713 = vector.broadcast %jit3A_712 : i32 to vector<16xi32>
      %select_n3A_714 = arith.select %ge3A_711, %get3A_708, %broadcast_in_dim3A_713 : vector<16xi1>, vector<16xi32>
      %add3A_715 = arith.constant 752 : i32
      %add3A_716 = arith.addi %mul3A_20, %add3A_715 : i32
      %add3A_717 = vector.broadcast %add3A_716 : i32 to vector<16xi32>
      %add3A_718 = arith.addi %iota3A, %add3A_717 : vector<16xi32>
      tpu.vector_store_idx %arg6[%select_n3A_714], %add3A_718 masked %ge3A_711 : memref<1024xi32, #tpu.memory_space<vmem>>[vector<16xi32>], vector<16xi32>, vector<16xi1>
      %get3A_719 = arith.constant 768 : index
      %get3A_720 = tpu.vector_load %arg5[%get3A_719] {strides = array<i32>} : memref<1280xi32, #tpu.memory_space<vmem>>, vector<16xi32>,
      %ge3A_721 = arith.constant 0 : i32
      %ge3A_722 = vector.broadcast %ge3A_721 : i32 to vector<16xi32>
      %ge3A_723 = arith.cmpi sge, %get3A_720, %ge3A_722 : vector<16xi32>
      %jit3A_724 = arith.constant 0 : i32
      %broadcast_in_dim3A_725 = vector.broadcast %jit3A_724 : i32 to vector<16xi32>
      %select_n3A_726 = arith.select %ge3A_723, %get3A_720, %broadcast_in_dim3A_725 : vector<16xi1>, vector<16xi32>
      %add3A_727 = arith.constant 768 : i32
      %add3A_728 = arith.addi %mul3A_20, %add3A_727 : i32
      %add3A_729 = vector.broadcast %add3A_728 : i32 to vector<16xi32>
      %add3A_730 = arith.addi %iota3A, %add3A_729 : vector<16xi32>
      tpu.vector_store_idx %arg6[%select_n3A_726], %add3A_730 masked %ge3A_723 : memref<1024xi32, #tpu.memory_space<vmem>>[vector<16xi32>], vector<16xi32>, vector<16xi1>
      %get3A_731 = arith.constant 784 : index
      %get3A_732 = tpu.vector_load %arg5[%get3A_731] {strides = array<i32>} : memref<1280xi32, #tpu.memory_space<vmem>>, vector<16xi32>,
      %ge3A_733 = arith.constant 0 : i32
      %ge3A_734 = vector.broadcast %ge3A_733 : i32 to vector<16xi32>
      %ge3A_735 = arith.cmpi sge, %get3A_732, %ge3A_734 : vector<16xi32>
      %jit3A_736 = arith.constant 0 : i32
      %broadcast_in_dim3A_737 = vector.broadcast %jit3A_736 : i32 to vector<16xi32>
      %select_n3A_738 = arith.select %ge3A_735, %get3A_732, %broadcast_in_dim3A_737 : vector<16xi1>, vector<16xi32>
      %add3A_739 = arith.constant 784 : i32
      %add3A_740 = arith.addi %mul3A_20, %add3A_739 : i32
      %add3A_741 = vector.broadcast %add3A_740 : i32 to vector<16xi32>
      %add3A_742 = arith.addi %iota3A, %add3A_741 : vector<16xi32>
      tpu.vector_store_idx %arg6[%select_n3A_738], %add3A_742 masked %ge3A_735 : memref<1024xi32, #tpu.memory_space<vmem>>[vector<16xi32>], vector<16xi32>, vector<16xi1>
      %get3A_743 = arith.constant 800 : index
      %get3A_744 = tpu.vector_load %arg5[%get3A_743] {strides = array<i32>} : memref<1280xi32, #tpu.memory_space<vmem>>, vector<16xi32>,
      %ge3A_745 = arith.constant 0 : i32
      %ge3A_746 = vector.broadcast %ge3A_745 : i32 to vector<16xi32>
      %ge3A_747 = arith.cmpi sge, %get3A_744, %ge3A_746 : vector<16xi32>
      %jit3A_748 = arith.constant 0 : i32
      %broadcast_in_dim3A_749 = vector.broadcast %jit3A_748 : i32 to vector<16xi32>
      %select_n3A_750 = arith.select %ge3A_747, %get3A_744, %broadcast_in_dim3A_749 : vector<16xi1>, vector<16xi32>
      %add3A_751 = arith.constant 800 : i32
      %add3A_752 = arith.addi %mul3A_20, %add3A_751 : i32
      %add3A_753 = vector.broadcast %add3A_752 : i32 to vector<16xi32>
      %add3A_754 = arith.addi %iota3A, %add3A_753 : vector<16xi32>
      tpu.vector_store_idx %arg6[%select_n3A_750], %add3A_754 masked %ge3A_747 : memref<1024xi32, #tpu.memory_space<vmem>>[vector<16xi32>], vector<16xi32>, vector<16xi1>
      %get3A_755 = arith.constant 816 : index
      %get3A_756 = tpu.vector_load %arg5[%get3A_755] {strides = array<i32>} : memref<1280xi32, #tpu.memory_space<vmem>>, vector<16xi32>,
      %ge3A_757 = arith.constant 0 : i32
      %ge3A_758 = vector.broadcast %ge3A_757 : i32 to vector<16xi32>
      %ge3A_759 = arith.cmpi sge, %get3A_756, %ge3A_758 : vector<16xi32>
      %jit3A_760 = arith.constant 0 : i32
      %broadcast_in_dim3A_761 = vector.broadcast %jit3A_760 : i32 to vector<16xi32>
      %select_n3A_762 = arith.select %ge3A_759, %get3A_756, %broadcast_in_dim3A_761 : vector<16xi1>, vector<16xi32>
      %add3A_763 = arith.constant 816 : i32
      %add3A_764 = arith.addi %mul3A_20, %add3A_763 : i32
      %add3A_765 = vector.broadcast %add3A_764 : i32 to vector<16xi32>
      %add3A_766 = arith.addi %iota3A, %add3A_765 : vector<16xi32>
      tpu.vector_store_idx %arg6[%select_n3A_762], %add3A_766 masked %ge3A_759 : memref<1024xi32, #tpu.memory_space<vmem>>[vector<16xi32>], vector<16xi32>, vector<16xi1>
      %get3A_767 = arith.constant 832 : index
      %get3A_768 = tpu.vector_load %arg5[%get3A_767] {strides = array<i32>} : memref<1280xi32, #tpu.memory_space<vmem>>, vector<16xi32>,
      %ge3A_769 = arith.constant 0 : i32
      %ge3A_770 = vector.broadcast %ge3A_769 : i32 to vector<16xi32>
      %ge3A_771 = arith.cmpi sge, %get3A_768, %ge3A_770 : vector<16xi32>
      %jit3A_772 = arith.constant 0 : i32
      %broadcast_in_dim3A_773 = vector.broadcast %jit3A_772 : i32 to vector<16xi32>
      %select_n3A_774 = arith.select %ge3A_771, %get3A_768, %broadcast_in_dim3A_773 : vector<16xi1>, vector<16xi32>
      %add3A_775 = arith.constant 832 : i32
      %add3A_776 = arith.addi %mul3A_20, %add3A_775 : i32
      %add3A_777 = vector.broadcast %add3A_776 : i32 to vector<16xi32>
      %add3A_778 = arith.addi %iota3A, %add3A_777 : vector<16xi32>
      tpu.vector_store_idx %arg6[%select_n3A_774], %add3A_778 masked %ge3A_771 : memref<1024xi32, #tpu.memory_space<vmem>>[vector<16xi32>], vector<16xi32>, vector<16xi1>
      %get3A_779 = arith.constant 848 : index
      %get3A_780 = tpu.vector_load %arg5[%get3A_779] {strides = array<i32>} : memref<1280xi32, #tpu.memory_space<vmem>>, vector<16xi32>,
      %ge3A_781 = arith.constant 0 : i32
      %ge3A_782 = vector.broadcast %ge3A_781 : i32 to vector<16xi32>
      %ge3A_783 = arith.cmpi sge, %get3A_780, %ge3A_782 : vector<16xi32>
      %jit3A_784 = arith.constant 0 : i32
      %broadcast_in_dim3A_785 = vector.broadcast %jit3A_784 : i32 to vector<16xi32>
      %select_n3A_786 = arith.select %ge3A_783, %get3A_780, %broadcast_in_dim3A_785 : vector<16xi1>, vector<16xi32>
      %add3A_787 = arith.constant 848 : i32
      %add3A_788 = arith.addi %mul3A_20, %add3A_787 : i32
      %add3A_789 = vector.broadcast %add3A_788 : i32 to vector<16xi32>
      %add3A_790 = arith.addi %iota3A, %add3A_789 : vector<16xi32>
      tpu.vector_store_idx %arg6[%select_n3A_786], %add3A_790 masked %ge3A_783 : memref<1024xi32, #tpu.memory_space<vmem>>[vector<16xi32>], vector<16xi32>, vector<16xi1>
      %get3A_791 = arith.constant 864 : index
      %get3A_792 = tpu.vector_load %arg5[%get3A_791] {strides = array<i32>} : memref<1280xi32, #tpu.memory_space<vmem>>, vector<16xi32>,
      %ge3A_793 = arith.constant 0 : i32
      %ge3A_794 = vector.broadcast %ge3A_793 : i32 to vector<16xi32>
      %ge3A_795 = arith.cmpi sge, %get3A_792, %ge3A_794 : vector<16xi32>
      %jit3A_796 = arith.constant 0 : i32
      %broadcast_in_dim3A_797 = vector.broadcast %jit3A_796 : i32 to vector<16xi32>
      %select_n3A_798 = arith.select %ge3A_795, %get3A_792, %broadcast_in_dim3A_797 : vector<16xi1>, vector<16xi32>
      %add3A_799 = arith.constant 864 : i32
      %add3A_800 = arith.addi %mul3A_20, %add3A_799 : i32
      %add3A_801 = vector.broadcast %add3A_800 : i32 to vector<16xi32>
      %add3A_802 = arith.addi %iota3A, %add3A_801 : vector<16xi32>
      tpu.vector_store_idx %arg6[%select_n3A_798], %add3A_802 masked %ge3A_795 : memref<1024xi32, #tpu.memory_space<vmem>>[vector<16xi32>], vector<16xi32>, vector<16xi1>
      %get3A_803 = arith.constant 880 : index
      %get3A_804 = tpu.vector_load %arg5[%get3A_803] {strides = array<i32>} : memref<1280xi32, #tpu.memory_space<vmem>>, vector<16xi32>,
      %ge3A_805 = arith.constant 0 : i32
      %ge3A_806 = vector.broadcast %ge3A_805 : i32 to vector<16xi32>
      %ge3A_807 = arith.cmpi sge, %get3A_804, %ge3A_806 : vector<16xi32>
      %jit3A_808 = arith.constant 0 : i32
      %broadcast_in_dim3A_809 = vector.broadcast %jit3A_808 : i32 to vector<16xi32>
      %select_n3A_810 = arith.select %ge3A_807, %get3A_804, %broadcast_in_dim3A_809 : vector<16xi1>, vector<16xi32>
      %add3A_811 = arith.constant 880 : i32
      %add3A_812 = arith.addi %mul3A_20, %add3A_811 : i32
      %add3A_813 = vector.broadcast %add3A_812 : i32 to vector<16xi32>
      %add3A_814 = arith.addi %iota3A, %add3A_813 : vector<16xi32>
      tpu.vector_store_idx %arg6[%select_n3A_810], %add3A_814 masked %ge3A_807 : memref<1024xi32, #tpu.memory_space<vmem>>[vector<16xi32>], vector<16xi32>, vector<16xi1>
      %get3A_815 = arith.constant 896 : index
      %get3A_816 = tpu.vector_load %arg5[%get3A_815] {strides = array<i32>} : memref<1280xi32, #tpu.memory_space<vmem>>, vector<16xi32>,
      %ge3A_817 = arith.constant 0 : i32
      %ge3A_818 = vector.broadcast %ge3A_817 : i32 to vector<16xi32>
      %ge3A_819 = arith.cmpi sge, %get3A_816, %ge3A_818 : vector<16xi32>
      %jit3A_820 = arith.constant 0 : i32
      %broadcast_in_dim3A_821 = vector.broadcast %jit3A_820 : i32 to vector<16xi32>
      %select_n3A_822 = arith.select %ge3A_819, %get3A_816, %broadcast_in_dim3A_821 : vector<16xi1>, vector<16xi32>
      %add3A_823 = arith.constant 896 : i32
      %add3A_824 = arith.addi %mul3A_20, %add3A_823 : i32
      %add3A_825 = vector.broadcast %add3A_824 : i32 to vector<16xi32>
      %add3A_826 = arith.addi %iota3A, %add3A_825 : vector<16xi32>
      tpu.vector_store_idx %arg6[%select_n3A_822], %add3A_826 masked %ge3A_819 : memref<1024xi32, #tpu.memory_space<vmem>>[vector<16xi32>], vector<16xi32>, vector<16xi1>
      %get3A_827 = arith.constant 912 : index
      %get3A_828 = tpu.vector_load %arg5[%get3A_827] {strides = array<i32>} : memref<1280xi32, #tpu.memory_space<vmem>>, vector<16xi32>,
      %ge3A_829 = arith.constant 0 : i32
      %ge3A_830 = vector.broadcast %ge3A_829 : i32 to vector<16xi32>
      %ge3A_831 = arith.cmpi sge, %get3A_828, %ge3A_830 : vector<16xi32>
      %jit3A_832 = arith.constant 0 : i32
      %broadcast_in_dim3A_833 = vector.broadcast %jit3A_832 : i32 to vector<16xi32>
      %select_n3A_834 = arith.select %ge3A_831, %get3A_828, %broadcast_in_dim3A_833 : vector<16xi1>, vector<16xi32>
      %add3A_835 = arith.constant 912 : i32
      %add3A_836 = arith.addi %mul3A_20, %add3A_835 : i32
      %add3A_837 = vector.broadcast %add3A_836 : i32 to vector<16xi32>
      %add3A_838 = arith.addi %iota3A, %add3A_837 : vector<16xi32>
      tpu.vector_store_idx %arg6[%select_n3A_834], %add3A_838 masked %ge3A_831 : memref<1024xi32, #tpu.memory_space<vmem>>[vector<16xi32>], vector<16xi32>, vector<16xi1>
      %get3A_839 = arith.constant 928 : index
      %get3A_840 = tpu.vector_load %arg5[%get3A_839] {strides = array<i32>} : memref<1280xi32, #tpu.memory_space<vmem>>, vector<16xi32>,
      %ge3A_841 = arith.constant 0 : i32
      %ge3A_842 = vector.broadcast %ge3A_841 : i32 to vector<16xi32>
      %ge3A_843 = arith.cmpi sge, %get3A_840, %ge3A_842 : vector<16xi32>
      %jit3A_844 = arith.constant 0 : i32
      %broadcast_in_dim3A_845 = vector.broadcast %jit3A_844 : i32 to vector<16xi32>
      %select_n3A_846 = arith.select %ge3A_843, %get3A_840, %broadcast_in_dim3A_845 : vector<16xi1>, vector<16xi32>
      %add3A_847 = arith.constant 928 : i32
      %add3A_848 = arith.addi %mul3A_20, %add3A_847 : i32
      %add3A_849 = vector.broadcast %add3A_848 : i32 to vector<16xi32>
      %add3A_850 = arith.addi %iota3A, %add3A_849 : vector<16xi32>
      tpu.vector_store_idx %arg6[%select_n3A_846], %add3A_850 masked %ge3A_843 : memref<1024xi32, #tpu.memory_space<vmem>>[vector<16xi32>], vector<16xi32>, vector<16xi1>
      %get3A_851 = arith.constant 944 : index
      %get3A_852 = tpu.vector_load %arg5[%get3A_851] {strides = array<i32>} : memref<1280xi32, #tpu.memory_space<vmem>>, vector<16xi32>,
      %ge3A_853 = arith.constant 0 : i32
      %ge3A_854 = vector.broadcast %ge3A_853 : i32 to vector<16xi32>
      %ge3A_855 = arith.cmpi sge, %get3A_852, %ge3A_854 : vector<16xi32>
      %jit3A_856 = arith.constant 0 : i32
      %broadcast_in_dim3A_857 = vector.broadcast %jit3A_856 : i32 to vector<16xi32>
      %select_n3A_858 = arith.select %ge3A_855, %get3A_852, %broadcast_in_dim3A_857 : vector<16xi1>, vector<16xi32>
      %add3A_859 = arith.constant 944 : i32
      %add3A_860 = arith.addi %mul3A_20, %add3A_859 : i32
      %add3A_861 = vector.broadcast %add3A_860 : i32 to vector<16xi32>
      %add3A_862 = arith.addi %iota3A, %add3A_861 : vector<16xi32>
      tpu.vector_store_idx %arg6[%select_n3A_858], %add3A_862 masked %ge3A_855 : memref<1024xi32, #tpu.memory_space<vmem>>[vector<16xi32>], vector<16xi32>, vector<16xi1>
      %get3A_863 = arith.constant 960 : index
      %get3A_864 = tpu.vector_load %arg5[%get3A_863] {strides = array<i32>} : memref<1280xi32, #tpu.memory_space<vmem>>, vector<16xi32>,
      %ge3A_865 = arith.constant 0 : i32
      %ge3A_866 = vector.broadcast %ge3A_865 : i32 to vector<16xi32>
      %ge3A_867 = arith.cmpi sge, %get3A_864, %ge3A_866 : vector<16xi32>
      %jit3A_868 = arith.constant 0 : i32
      %broadcast_in_dim3A_869 = vector.broadcast %jit3A_868 : i32 to vector<16xi32>
      %select_n3A_870 = arith.select %ge3A_867, %get3A_864, %broadcast_in_dim3A_869 : vector<16xi1>, vector<16xi32>
      %add3A_871 = arith.constant 960 : i32
      %add3A_872 = arith.addi %mul3A_20, %add3A_871 : i32
      %add3A_873 = vector.broadcast %add3A_872 : i32 to vector<16xi32>
      %add3A_874 = arith.addi %iota3A, %add3A_873 : vector<16xi32>
      tpu.vector_store_idx %arg6[%select_n3A_870], %add3A_874 masked %ge3A_867 : memref<1024xi32, #tpu.memory_space<vmem>>[vector<16xi32>], vector<16xi32>, vector<16xi1>
      %get3A_875 = arith.constant 976 : index
      %get3A_876 = tpu.vector_load %arg5[%get3A_875] {strides = array<i32>} : memref<1280xi32, #tpu.memory_space<vmem>>, vector<16xi32>,
      %ge3A_877 = arith.constant 0 : i32
      %ge3A_878 = vector.broadcast %ge3A_877 : i32 to vector<16xi32>
      %ge3A_879 = arith.cmpi sge, %get3A_876, %ge3A_878 : vector<16xi32>
      %jit3A_880 = arith.constant 0 : i32
      %broadcast_in_dim3A_881 = vector.broadcast %jit3A_880 : i32 to vector<16xi32>
      %select_n3A_882 = arith.select %ge3A_879, %get3A_876, %broadcast_in_dim3A_881 : vector<16xi1>, vector<16xi32>
      %add3A_883 = arith.constant 976 : i32
      %add3A_884 = arith.addi %mul3A_20, %add3A_883 : i32
      %add3A_885 = vector.broadcast %add3A_884 : i32 to vector<16xi32>
      %add3A_886 = arith.addi %iota3A, %add3A_885 : vector<16xi32>
      tpu.vector_store_idx %arg6[%select_n3A_882], %add3A_886 masked %ge3A_879 : memref<1024xi32, #tpu.memory_space<vmem>>[vector<16xi32>], vector<16xi32>, vector<16xi1>
      %get3A_887 = arith.constant 992 : index
      %get3A_888 = tpu.vector_load %arg5[%get3A_887] {strides = array<i32>} : memref<1280xi32, #tpu.memory_space<vmem>>, vector<16xi32>,
      %ge3A_889 = arith.constant 0 : i32
      %ge3A_890 = vector.broadcast %ge3A_889 : i32 to vector<16xi32>
      %ge3A_891 = arith.cmpi sge, %get3A_888, %ge3A_890 : vector<16xi32>
      %jit3A_892 = arith.constant 0 : i32
      %broadcast_in_dim3A_893 = vector.broadcast %jit3A_892 : i32 to vector<16xi32>
      %select_n3A_894 = arith.select %ge3A_891, %get3A_888, %broadcast_in_dim3A_893 : vector<16xi1>, vector<16xi32>
      %add3A_895 = arith.constant 992 : i32
      %add3A_896 = arith.addi %mul3A_20, %add3A_895 : i32
      %add3A_897 = vector.broadcast %add3A_896 : i32 to vector<16xi32>
      %add3A_898 = arith.addi %iota3A, %add3A_897 : vector<16xi32>
      tpu.vector_store_idx %arg6[%select_n3A_894], %add3A_898 masked %ge3A_891 : memref<1024xi32, #tpu.memory_space<vmem>>[vector<16xi32>], vector<16xi32>, vector<16xi1>
      %get3A_899 = arith.constant 1008 : index
      %get3A_900 = tpu.vector_load %arg5[%get3A_899] {strides = array<i32>} : memref<1280xi32, #tpu.memory_space<vmem>>, vector<16xi32>,
      %ge3A_901 = arith.constant 0 : i32
      %ge3A_902 = vector.broadcast %ge3A_901 : i32 to vector<16xi32>
      %ge3A_903 = arith.cmpi sge, %get3A_900, %ge3A_902 : vector<16xi32>
      %jit3A_904 = arith.constant 0 : i32
      %broadcast_in_dim3A_905 = vector.broadcast %jit3A_904 : i32 to vector<16xi32>
      %select_n3A_906 = arith.select %ge3A_903, %get3A_900, %broadcast_in_dim3A_905 : vector<16xi1>, vector<16xi32>
      %add3A_907 = arith.constant 1008 : i32
      %add3A_908 = arith.addi %mul3A_20, %add3A_907 : i32
      %add3A_909 = vector.broadcast %add3A_908 : i32 to vector<16xi32>
      %add3A_910 = arith.addi %iota3A, %add3A_909 : vector<16xi32>
      tpu.vector_store_idx %arg6[%select_n3A_906], %add3A_910 masked %ge3A_903 : memref<1024xi32, #tpu.memory_space<vmem>>[vector<16xi32>], vector<16xi32>, vector<16xi1>
      %get3A_911 = arith.constant 1024 : index
      %get3A_912 = tpu.vector_load %arg5[%get3A_911] {strides = array<i32>} : memref<1280xi32, #tpu.memory_space<vmem>>, vector<16xi32>,
      %ge3A_913 = arith.constant 0 : i32
      %ge3A_914 = vector.broadcast %ge3A_913 : i32 to vector<16xi32>
      %ge3A_915 = arith.cmpi sge, %get3A_912, %ge3A_914 : vector<16xi32>
      %jit3A_916 = arith.constant 0 : i32
      %broadcast_in_dim3A_917 = vector.broadcast %jit3A_916 : i32 to vector<16xi32>
      %select_n3A_918 = arith.select %ge3A_915, %get3A_912, %broadcast_in_dim3A_917 : vector<16xi1>, vector<16xi32>
      %add3A_919 = arith.constant 1024 : i32
      %add3A_920 = arith.addi %mul3A_20, %add3A_919 : i32
      %add3A_921 = vector.broadcast %add3A_920 : i32 to vector<16xi32>
      %add3A_922 = arith.addi %iota3A, %add3A_921 : vector<16xi32>
      tpu.vector_store_idx %arg6[%select_n3A_918], %add3A_922 masked %ge3A_915 : memref<1024xi32, #tpu.memory_space<vmem>>[vector<16xi32>], vector<16xi32>, vector<16xi1>
      %get3A_923 = arith.constant 1040 : index
      %get3A_924 = tpu.vector_load %arg5[%get3A_923] {strides = array<i32>} : memref<1280xi32, #tpu.memory_space<vmem>>, vector<16xi32>,
      %ge3A_925 = arith.constant 0 : i32
      %ge3A_926 = vector.broadcast %ge3A_925 : i32 to vector<16xi32>
      %ge3A_927 = arith.cmpi sge, %get3A_924, %ge3A_926 : vector<16xi32>
      %jit3A_928 = arith.constant 0 : i32
      %broadcast_in_dim3A_929 = vector.broadcast %jit3A_928 : i32 to vector<16xi32>
      %select_n3A_930 = arith.select %ge3A_927, %get3A_924, %broadcast_in_dim3A_929 : vector<16xi1>, vector<16xi32>
      %add3A_931 = arith.constant 1040 : i32
      %add3A_932 = arith.addi %mul3A_20, %add3A_931 : i32
      %add3A_933 = vector.broadcast %add3A_932 : i32 to vector<16xi32>
      %add3A_934 = arith.addi %iota3A, %add3A_933 : vector<16xi32>
      tpu.vector_store_idx %arg6[%select_n3A_930], %add3A_934 masked %ge3A_927 : memref<1024xi32, #tpu.memory_space<vmem>>[vector<16xi32>], vector<16xi32>, vector<16xi1>
      %get3A_935 = arith.constant 1056 : index
      %get3A_936 = tpu.vector_load %arg5[%get3A_935] {strides = array<i32>} : memref<1280xi32, #tpu.memory_space<vmem>>, vector<16xi32>,
      %ge3A_937 = arith.constant 0 : i32
      %ge3A_938 = vector.broadcast %ge3A_937 : i32 to vector<16xi32>
      %ge3A_939 = arith.cmpi sge, %get3A_936, %ge3A_938 : vector<16xi32>
      %jit3A_940 = arith.constant 0 : i32
      %broadcast_in_dim3A_941 = vector.broadcast %jit3A_940 : i32 to vector<16xi32>
      %select_n3A_942 = arith.select %ge3A_939, %get3A_936, %broadcast_in_dim3A_941 : vector<16xi1>, vector<16xi32>
      %add3A_943 = arith.constant 1056 : i32
      %add3A_944 = arith.addi %mul3A_20, %add3A_943 : i32
      %add3A_945 = vector.broadcast %add3A_944 : i32 to vector<16xi32>
      %add3A_946 = arith.addi %iota3A, %add3A_945 : vector<16xi32>
      tpu.vector_store_idx %arg6[%select_n3A_942], %add3A_946 masked %ge3A_939 : memref<1024xi32, #tpu.memory_space<vmem>>[vector<16xi32>], vector<16xi32>, vector<16xi1>
      %get3A_947 = arith.constant 1072 : index
      %get3A_948 = tpu.vector_load %arg5[%get3A_947] {strides = array<i32>} : memref<1280xi32, #tpu.memory_space<vmem>>, vector<16xi32>,
      %ge3A_949 = arith.constant 0 : i32
      %ge3A_950 = vector.broadcast %ge3A_949 : i32 to vector<16xi32>
      %ge3A_951 = arith.cmpi sge, %get3A_948, %ge3A_950 : vector<16xi32>
      %jit3A_952 = arith.constant 0 : i32
      %broadcast_in_dim3A_953 = vector.broadcast %jit3A_952 : i32 to vector<16xi32>
      %select_n3A_954 = arith.select %ge3A_951, %get3A_948, %broadcast_in_dim3A_953 : vector<16xi1>, vector<16xi32>
      %add3A_955 = arith.constant 1072 : i32
      %add3A_956 = arith.addi %mul3A_20, %add3A_955 : i32
      %add3A_957 = vector.broadcast %add3A_956 : i32 to vector<16xi32>
      %add3A_958 = arith.addi %iota3A, %add3A_957 : vector<16xi32>
      tpu.vector_store_idx %arg6[%select_n3A_954], %add3A_958 masked %ge3A_951 : memref<1024xi32, #tpu.memory_space<vmem>>[vector<16xi32>], vector<16xi32>, vector<16xi1>
      %get3A_959 = arith.constant 1088 : index
      %get3A_960 = tpu.vector_load %arg5[%get3A_959] {strides = array<i32>} : memref<1280xi32, #tpu.memory_space<vmem>>, vector<16xi32>,
      %ge3A_961 = arith.constant 0 : i32
      %ge3A_962 = vector.broadcast %ge3A_961 : i32 to vector<16xi32>
      %ge3A_963 = arith.cmpi sge, %get3A_960, %ge3A_962 : vector<16xi32>
      %jit3A_964 = arith.constant 0 : i32
      %broadcast_in_dim3A_965 = vector.broadcast %jit3A_964 : i32 to vector<16xi32>
      %select_n3A_966 = arith.select %ge3A_963, %get3A_960, %broadcast_in_dim3A_965 : vector<16xi1>, vector<16xi32>
      %add3A_967 = arith.constant 1088 : i32
      %add3A_968 = arith.addi %mul3A_20, %add3A_967 : i32
      %add3A_969 = vector.broadcast %add3A_968 : i32 to vector<16xi32>
      %add3A_970 = arith.addi %iota3A, %add3A_969 : vector<16xi32>
      tpu.vector_store_idx %arg6[%select_n3A_966], %add3A_970 masked %ge3A_963 : memref<1024xi32, #tpu.memory_space<vmem>>[vector<16xi32>], vector<16xi32>, vector<16xi1>
      %get3A_971 = arith.constant 1104 : index
      %get3A_972 = tpu.vector_load %arg5[%get3A_971] {strides = array<i32>} : memref<1280xi32, #tpu.memory_space<vmem>>, vector<16xi32>,
      %ge3A_973 = arith.constant 0 : i32
      %ge3A_974 = vector.broadcast %ge3A_973 : i32 to vector<16xi32>
      %ge3A_975 = arith.cmpi sge, %get3A_972, %ge3A_974 : vector<16xi32>
      %jit3A_976 = arith.constant 0 : i32
      %broadcast_in_dim3A_977 = vector.broadcast %jit3A_976 : i32 to vector<16xi32>
      %select_n3A_978 = arith.select %ge3A_975, %get3A_972, %broadcast_in_dim3A_977 : vector<16xi1>, vector<16xi32>
      %add3A_979 = arith.constant 1104 : i32
      %add3A_980 = arith.addi %mul3A_20, %add3A_979 : i32
      %add3A_981 = vector.broadcast %add3A_980 : i32 to vector<16xi32>
      %add3A_982 = arith.addi %iota3A, %add3A_981 : vector<16xi32>
      tpu.vector_store_idx %arg6[%select_n3A_978], %add3A_982 masked %ge3A_975 : memref<1024xi32, #tpu.memory_space<vmem>>[vector<16xi32>], vector<16xi32>, vector<16xi1>
      %get3A_983 = arith.constant 1120 : index
      %get3A_984 = tpu.vector_load %arg5[%get3A_983] {strides = array<i32>} : memref<1280xi32, #tpu.memory_space<vmem>>, vector<16xi32>,
      %ge3A_985 = arith.constant 0 : i32
      %ge3A_986 = vector.broadcast %ge3A_985 : i32 to vector<16xi32>
      %ge3A_987 = arith.cmpi sge, %get3A_984, %ge3A_986 : vector<16xi32>
      %jit3A_988 = arith.constant 0 : i32
      %broadcast_in_dim3A_989 = vector.broadcast %jit3A_988 : i32 to vector<16xi32>
      %select_n3A_990 = arith.select %ge3A_987, %get3A_984, %broadcast_in_dim3A_989 : vector<16xi1>, vector<16xi32>
      %add3A_991 = arith.constant 1120 : i32
      %add3A_992 = arith.addi %mul3A_20, %add3A_991 : i32
      %add3A_993 = vector.broadcast %add3A_992 : i32 to vector<16xi32>
      %add3A_994 = arith.addi %iota3A, %add3A_993 : vector<16xi32>
      tpu.vector_store_idx %arg6[%select_n3A_990], %add3A_994 masked %ge3A_987 : memref<1024xi32, #tpu.memory_space<vmem>>[vector<16xi32>], vector<16xi32>, vector<16xi1>
      %get3A_995 = arith.constant 1136 : index
      %get3A_996 = tpu.vector_load %arg5[%get3A_995] {strides = array<i32>} : memref<1280xi32, #tpu.memory_space<vmem>>, vector<16xi32>,
      %ge3A_997 = arith.constant 0 : i32
      %ge3A_998 = vector.broadcast %ge3A_997 : i32 to vector<16xi32>
      %ge3A_999 = arith.cmpi sge, %get3A_996, %ge3A_998 : vector<16xi32>
      %jit3A_1000 = arith.constant 0 : i32
      %broadcast_in_dim3A_1001 = vector.broadcast %jit3A_1000 : i32 to vector<16xi32>
      %select_n3A_1002 = arith.select %ge3A_999, %get3A_996, %broadcast_in_dim3A_1001 : vector<16xi1>, vector<16xi32>
      %add3A_1003 = arith.constant 1136 : i32
      %add3A_1004 = arith.addi %mul3A_20, %add3A_1003 : i32
      %add3A_1005 = vector.broadcast %add3A_1004 : i32 to vector<16xi32>
      %add3A_1006 = arith.addi %iota3A, %add3A_1005 : vector<16xi32>
      tpu.vector_store_idx %arg6[%select_n3A_1002], %add3A_1006 masked %ge3A_999 : memref<1024xi32, #tpu.memory_space<vmem>>[vector<16xi32>], vector<16xi32>, vector<16xi1>
      %get3A_1007 = arith.constant 1152 : index
      %get3A_1008 = tpu.vector_load %arg5[%get3A_1007] {strides = array<i32>} : memref<1280xi32, #tpu.memory_space<vmem>>, vector<16xi32>,
      %ge3A_1009 = arith.constant 0 : i32
      %ge3A_1010 = vector.broadcast %ge3A_1009 : i32 to vector<16xi32>
      %ge3A_1011 = arith.cmpi sge, %get3A_1008, %ge3A_1010 : vector<16xi32>
      %jit3A_1012 = arith.constant 0 : i32
      %broadcast_in_dim3A_1013 = vector.broadcast %jit3A_1012 : i32 to vector<16xi32>
      %select_n3A_1014 = arith.select %ge3A_1011, %get3A_1008, %broadcast_in_dim3A_1013 : vector<16xi1>, vector<16xi32>
      %add3A_1015 = arith.constant 1152 : i32
      %add3A_1016 = arith.addi %mul3A_20, %add3A_1015 : i32
      %add3A_1017 = vector.broadcast %add3A_1016 : i32 to vector<16xi32>
      %add3A_1018 = arith.addi %iota3A, %add3A_1017 : vector<16xi32>
      tpu.vector_store_idx %arg6[%select_n3A_1014], %add3A_1018 masked %ge3A_1011 : memref<1024xi32, #tpu.memory_space<vmem>>[vector<16xi32>], vector<16xi32>, vector<16xi1>
      %get3A_1019 = arith.constant 1168 : index
      %get3A_1020 = tpu.vector_load %arg5[%get3A_1019] {strides = array<i32>} : memref<1280xi32, #tpu.memory_space<vmem>>, vector<16xi32>,
      %ge3A_1021 = arith.constant 0 : i32
      %ge3A_1022 = vector.broadcast %ge3A_1021 : i32 to vector<16xi32>
      %ge3A_1023 = arith.cmpi sge, %get3A_1020, %ge3A_1022 : vector<16xi32>
      %jit3A_1024 = arith.constant 0 : i32
      %broadcast_in_dim3A_1025 = vector.broadcast %jit3A_1024 : i32 to vector<16xi32>
      %select_n3A_1026 = arith.select %ge3A_1023, %get3A_1020, %broadcast_in_dim3A_1025 : vector<16xi1>, vector<16xi32>
      %add3A_1027 = arith.constant 1168 : i32
      %add3A_1028 = arith.addi %mul3A_20, %add3A_1027 : i32
      %add3A_1029 = vector.broadcast %add3A_1028 : i32 to vector<16xi32>
      %add3A_1030 = arith.addi %iota3A, %add3A_1029 : vector<16xi32>
      tpu.vector_store_idx %arg6[%select_n3A_1026], %add3A_1030 masked %ge3A_1023 : memref<1024xi32, #tpu.memory_space<vmem>>[vector<16xi32>], vector<16xi32>, vector<16xi1>
      %get3A_1031 = arith.constant 1184 : index
      %get3A_1032 = tpu.vector_load %arg5[%get3A_1031] {strides = array<i32>} : memref<1280xi32, #tpu.memory_space<vmem>>, vector<16xi32>,
      %ge3A_1033 = arith.constant 0 : i32
      %ge3A_1034 = vector.broadcast %ge3A_1033 : i32 to vector<16xi32>
      %ge3A_1035 = arith.cmpi sge, %get3A_1032, %ge3A_1034 : vector<16xi32>
      %jit3A_1036 = arith.constant 0 : i32
      %broadcast_in_dim3A_1037 = vector.broadcast %jit3A_1036 : i32 to vector<16xi32>
      %select_n3A_1038 = arith.select %ge3A_1035, %get3A_1032, %broadcast_in_dim3A_1037 : vector<16xi1>, vector<16xi32>
      %add3A_1039 = arith.constant 1184 : i32
      %add3A_1040 = arith.addi %mul3A_20, %add3A_1039 : i32
      %add3A_1041 = vector.broadcast %add3A_1040 : i32 to vector<16xi32>
      %add3A_1042 = arith.addi %iota3A, %add3A_1041 : vector<16xi32>
      tpu.vector_store_idx %arg6[%select_n3A_1038], %add3A_1042 masked %ge3A_1035 : memref<1024xi32, #tpu.memory_space<vmem>>[vector<16xi32>], vector<16xi32>, vector<16xi1>
      %get3A_1043 = arith.constant 1200 : index
      %get3A_1044 = tpu.vector_load %arg5[%get3A_1043] {strides = array<i32>} : memref<1280xi32, #tpu.memory_space<vmem>>, vector<16xi32>,
      %ge3A_1045 = arith.constant 0 : i32
      %ge3A_1046 = vector.broadcast %ge3A_1045 : i32 to vector<16xi32>
      %ge3A_1047 = arith.cmpi sge, %get3A_1044, %ge3A_1046 : vector<16xi32>
      %jit3A_1048 = arith.constant 0 : i32
      %broadcast_in_dim3A_1049 = vector.broadcast %jit3A_1048 : i32 to vector<16xi32>
      %select_n3A_1050 = arith.select %ge3A_1047, %get3A_1044, %broadcast_in_dim3A_1049 : vector<16xi1>, vector<16xi32>
      %add3A_1051 = arith.constant 1200 : i32
      %add3A_1052 = arith.addi %mul3A_20, %add3A_1051 : i32
      %add3A_1053 = vector.broadcast %add3A_1052 : i32 to vector<16xi32>
      %add3A_1054 = arith.addi %iota3A, %add3A_1053 : vector<16xi32>
      tpu.vector_store_idx %arg6[%select_n3A_1050], %add3A_1054 masked %ge3A_1047 : memref<1024xi32, #tpu.memory_space<vmem>>[vector<16xi32>], vector<16xi32>, vector<16xi1>
      %get3A_1055 = arith.constant 1216 : index
      %get3A_1056 = tpu.vector_load %arg5[%get3A_1055] {strides = array<i32>} : memref<1280xi32, #tpu.memory_space<vmem>>, vector<16xi32>,
      %ge3A_1057 = arith.constant 0 : i32
      %ge3A_1058 = vector.broadcast %ge3A_1057 : i32 to vector<16xi32>
      %ge3A_1059 = arith.cmpi sge, %get3A_1056, %ge3A_1058 : vector<16xi32>
      %jit3A_1060 = arith.constant 0 : i32
      %broadcast_in_dim3A_1061 = vector.broadcast %jit3A_1060 : i32 to vector<16xi32>
      %select_n3A_1062 = arith.select %ge3A_1059, %get3A_1056, %broadcast_in_dim3A_1061 : vector<16xi1>, vector<16xi32>
      %add3A_1063 = arith.constant 1216 : i32
      %add3A_1064 = arith.addi %mul3A_20, %add3A_1063 : i32
      %add3A_1065 = vector.broadcast %add3A_1064 : i32 to vector<16xi32>
      %add3A_1066 = arith.addi %iota3A, %add3A_1065 : vector<16xi32>
      tpu.vector_store_idx %arg6[%select_n3A_1062], %add3A_1066 masked %ge3A_1059 : memref<1024xi32, #tpu.memory_space<vmem>>[vector<16xi32>], vector<16xi32>, vector<16xi1>
      %get3A_1067 = arith.constant 1232 : index
      %get3A_1068 = tpu.vector_load %arg5[%get3A_1067] {strides = array<i32>} : memref<1280xi32, #tpu.memory_space<vmem>>, vector<16xi32>,
      %ge3A_1069 = arith.constant 0 : i32
      %ge3A_1070 = vector.broadcast %ge3A_1069 : i32 to vector<16xi32>
      %ge3A_1071 = arith.cmpi sge, %get3A_1068, %ge3A_1070 : vector<16xi32>
      %jit3A_1072 = arith.constant 0 : i32
      %broadcast_in_dim3A_1073 = vector.broadcast %jit3A_1072 : i32 to vector<16xi32>
      %select_n3A_1074 = arith.select %ge3A_1071, %get3A_1068, %broadcast_in_dim3A_1073 : vector<16xi1>, vector<16xi32>
      %add3A_1075 = arith.constant 1232 : i32
      %add3A_1076 = arith.addi %mul3A_20, %add3A_1075 : i32
      %add3A_1077 = vector.broadcast %add3A_1076 : i32 to vector<16xi32>
      %add3A_1078 = arith.addi %iota3A, %add3A_1077 : vector<16xi32>
      tpu.vector_store_idx %arg6[%select_n3A_1074], %add3A_1078 masked %ge3A_1071 : memref<1024xi32, #tpu.memory_space<vmem>>[vector<16xi32>], vector<16xi32>, vector<16xi1>
      %get3A_1079 = arith.constant 1248 : index
      %get3A_1080 = tpu.vector_load %arg5[%get3A_1079] {strides = array<i32>} : memref<1280xi32, #tpu.memory_space<vmem>>, vector<16xi32>,
      %ge3A_1081 = arith.constant 0 : i32
      %ge3A_1082 = vector.broadcast %ge3A_1081 : i32 to vector<16xi32>
      %ge3A_1083 = arith.cmpi sge, %get3A_1080, %ge3A_1082 : vector<16xi32>
      %jit3A_1084 = arith.constant 0 : i32
      %broadcast_in_dim3A_1085 = vector.broadcast %jit3A_1084 : i32 to vector<16xi32>
      %select_n3A_1086 = arith.select %ge3A_1083, %get3A_1080, %broadcast_in_dim3A_1085 : vector<16xi1>, vector<16xi32>
      %add3A_1087 = arith.constant 1248 : i32
      %add3A_1088 = arith.addi %mul3A_20, %add3A_1087 : i32
      %add3A_1089 = vector.broadcast %add3A_1088 : i32 to vector<16xi32>
      %add3A_1090 = arith.addi %iota3A, %add3A_1089 : vector<16xi32>
      tpu.vector_store_idx %arg6[%select_n3A_1086], %add3A_1090 masked %ge3A_1083 : memref<1024xi32, #tpu.memory_space<vmem>>[vector<16xi32>], vector<16xi32>, vector<16xi1>
      %get3A_1091 = arith.constant 1264 : index
      %get3A_1092 = tpu.vector_load %arg5[%get3A_1091] {strides = array<i32>} : memref<1280xi32, #tpu.memory_space<vmem>>, vector<16xi32>,
      %ge3A_1093 = arith.constant 0 : i32
      %ge3A_1094 = vector.broadcast %ge3A_1093 : i32 to vector<16xi32>
      %ge3A_1095 = arith.cmpi sge, %get3A_1092, %ge3A_1094 : vector<16xi32>
      %jit3A_1096 = arith.constant 0 : i32
      %broadcast_in_dim3A_1097 = vector.broadcast %jit3A_1096 : i32 to vector<16xi32>
      %select_n3A_1098 = arith.select %ge3A_1095, %get3A_1092, %broadcast_in_dim3A_1097 : vector<16xi1>, vector<16xi32>
      %add3A_1099 = arith.constant 1264 : i32
      %add3A_1100 = arith.addi %mul3A_20, %add3A_1099 : i32
      %add3A_1101 = vector.broadcast %add3A_1100 : i32 to vector<16xi32>
      %add3A_1102 = arith.addi %iota3A, %add3A_1101 : vector<16xi32>
      tpu.vector_store_idx %arg6[%select_n3A_1098], %add3A_1102 masked %ge3A_1095 : memref<1024xi32, #tpu.memory_space<vmem>>[vector<16xi32>], vector<16xi32>, vector<16xi1>
      %mul3A_1103 = arith.constant 1024 : i32
      %mul3A_1104 = arith.muli %arg1, %mul3A_1103 : i32
      "tpu.region"() ({
        %run_scoped3A = tpu.sem_alloc : memref<!tpu.dma_semaphore, #tpu.memory_space<semaphore_mem>>
        %dma_start3A = tpu.memref_slice %arg11[%mul3A_1104] : memref<16384xi32, #tpu.memory_space<vmem_shared>> -> memref<1024xi32, #tpu.memory_space<vmem_shared>>
        %dma_start3A_1105 = tpu.memref_slice %arg11[%mul3A_1104] : memref<16384xi32, #tpu.memory_space<vmem_shared>> -> memref<1024xi32, #tpu.memory_space<vmem_shared>>
        tpu.enqueue_dma source(%arg6 : memref<1024xi32, #tpu.memory_space<vmem>>) target(%dma_start3A_1105 : memref<1024xi32, #tpu.memory_space<vmem_shared>>) target_semaphore(%run_scoped3A : memref<!tpu.dma_semaphore, #tpu.memory_space<semaphore_mem>>)
        %dma_wait3A = tpu.memref_slice %arg11[%mul3A_1104] : memref<16384xi32, #tpu.memory_space<vmem_shared>> -> memref<1024xi32, #tpu.memory_space<vmem_shared>>
        %dma_wait3A_1106 = tpu.memref_slice %arg11[%mul3A_1104] : memref<16384xi32, #tpu.memory_space<vmem_shared>> -> memref<1024xi32, #tpu.memory_space<vmem_shared>>
        tpu.wait_dma2 semaphore(%run_scoped3A : memref<!tpu.dma_semaphore, #tpu.memory_space<semaphore_mem>>) src(%arg6 : memref<1024xi32, #tpu.memory_space<vmem>>) dst(%dma_wait3A_1106 : memref<1024xi32, #tpu.memory_space<vmem_shared>>)
        tpu.yield
      }) : () -> ()
    } else {
    }
    %barrier3A = arith.constant 0 : index
    tpu.barrier barrier_id(%barrier3A)
    %lt3A_7 = arith.constant 8 : i32
    %lt3A_8 = arith.cmpi slt, %arg1, %lt3A_7 : i32
    %and3A_9 = arith.andi %eq3A_0, %lt3A_8 : i1
    %convert_element_type3A_10 = arith.extui %and3A_9 : i1 to i32
    %cond3A_11 = arith.constant 0 : i32
    %cond3A_12 = arith.cmpi ne, %convert_element_type3A_10, %cond3A_11 : i32
    scf.if %cond3A_12 {
      %mul3A = arith.constant 128 : i32
      %mul3A_20 = arith.muli %arg1, %mul3A : i32
      %add3A = arith.constant 0 : i32
      %add3A_21 = arith.addi %add3A, %mul3A_20 : i32
      %dma_start3A = arith.constant 0 : i32
      %dma_start3A_22 = tpu.memref_slice %arg7[%dma_start3A] : memref<2048xi32, #tpu.memory_space<vmem>> -> memref<128xi32, #tpu.memory_space<vmem>>
      %dma_start3A_23 = tpu.memref_slice %arg11[%add3A_21] : memref<16384xi32, #tpu.memory_space<vmem_shared>> -> memref<128xi32, #tpu.memory_space<vmem_shared>>
      %dma_start3A_24 = arith.constant 0 : i32
      %dma_start3A_25 = tpu.memref_slice %arg7[%dma_start3A_24] : memref<2048xi32, #tpu.memory_space<vmem>> -> memref<128xi32, #tpu.memory_space<vmem>>
      %dma_start3A_26 = tpu.memref_slice %arg11[%add3A_21] : memref<16384xi32, #tpu.memory_space<vmem_shared>> -> memref<128xi32, #tpu.memory_space<vmem_shared>>
      tpu.enqueue_dma source(%dma_start3A_26 : memref<128xi32, #tpu.memory_space<vmem_shared>>) target(%dma_start3A_25 : memref<128xi32, #tpu.memory_space<vmem>>) target_semaphore(%arg13 : memref<!tpu.dma_semaphore, #tpu.memory_space<semaphore_mem>>)
      %mul3A_27 = arith.constant 128 : i32
      %mul3A_28 = arith.muli %arg1, %mul3A_27 : i32
      %add3A_29 = arith.constant 1024 : i32
      %add3A_30 = arith.addi %add3A_29, %mul3A_28 : i32
      %dma_start3A_31 = arith.constant 128 : i32
      %dma_start3A_32 = tpu.memref_slice %arg7[%dma_start3A_31] : memref<2048xi32, #tpu.memory_space<vmem>> -> memref<128xi32, #tpu.memory_space<vmem>>
      %dma_start3A_33 = tpu.memref_slice %arg11[%add3A_30] : memref<16384xi32, #tpu.memory_space<vmem_shared>> -> memref<128xi32, #tpu.memory_space<vmem_shared>>
      %dma_start3A_34 = arith.constant 128 : i32
      %dma_start3A_35 = tpu.memref_slice %arg7[%dma_start3A_34] : memref<2048xi32, #tpu.memory_space<vmem>> -> memref<128xi32, #tpu.memory_space<vmem>>
      %dma_start3A_36 = tpu.memref_slice %arg11[%add3A_30] : memref<16384xi32, #tpu.memory_space<vmem_shared>> -> memref<128xi32, #tpu.memory_space<vmem_shared>>
      tpu.enqueue_dma source(%dma_start3A_36 : memref<128xi32, #tpu.memory_space<vmem_shared>>) target(%dma_start3A_35 : memref<128xi32, #tpu.memory_space<vmem>>) target_semaphore(%arg13 : memref<!tpu.dma_semaphore, #tpu.memory_space<semaphore_mem>>)
      %mul3A_37 = arith.constant 128 : i32
      %mul3A_38 = arith.muli %arg1, %mul3A_37 : i32
      %add3A_39 = arith.constant 2048 : i32
      %add3A_40 = arith.addi %add3A_39, %mul3A_38 : i32
      %dma_start3A_41 = arith.constant 256 : i32
      %dma_start3A_42 = tpu.memref_slice %arg7[%dma_start3A_41] : memref<2048xi32, #tpu.memory_space<vmem>> -> memref<128xi32, #tpu.memory_space<vmem>>
      %dma_start3A_43 = tpu.memref_slice %arg11[%add3A_40] : memref<16384xi32, #tpu.memory_space<vmem_shared>> -> memref<128xi32, #tpu.memory_space<vmem_shared>>
      %dma_start3A_44 = arith.constant 256 : i32
      %dma_start3A_45 = tpu.memref_slice %arg7[%dma_start3A_44] : memref<2048xi32, #tpu.memory_space<vmem>> -> memref<128xi32, #tpu.memory_space<vmem>>
      %dma_start3A_46 = tpu.memref_slice %arg11[%add3A_40] : memref<16384xi32, #tpu.memory_space<vmem_shared>> -> memref<128xi32, #tpu.memory_space<vmem_shared>>
      tpu.enqueue_dma source(%dma_start3A_46 : memref<128xi32, #tpu.memory_space<vmem_shared>>) target(%dma_start3A_45 : memref<128xi32, #tpu.memory_space<vmem>>) target_semaphore(%arg13 : memref<!tpu.dma_semaphore, #tpu.memory_space<semaphore_mem>>)
      %mul3A_47 = arith.constant 128 : i32
      %mul3A_48 = arith.muli %arg1, %mul3A_47 : i32
      %add3A_49 = arith.constant 3072 : i32
      %add3A_50 = arith.addi %add3A_49, %mul3A_48 : i32
      %dma_start3A_51 = arith.constant 384 : i32
      %dma_start3A_52 = tpu.memref_slice %arg7[%dma_start3A_51] : memref<2048xi32, #tpu.memory_space<vmem>> -> memref<128xi32, #tpu.memory_space<vmem>>
      %dma_start3A_53 = tpu.memref_slice %arg11[%add3A_50] : memref<16384xi32, #tpu.memory_space<vmem_shared>> -> memref<128xi32, #tpu.memory_space<vmem_shared>>
      %dma_start3A_54 = arith.constant 384 : i32
      %dma_start3A_55 = tpu.memref_slice %arg7[%dma_start3A_54] : memref<2048xi32, #tpu.memory_space<vmem>> -> memref<128xi32, #tpu.memory_space<vmem>>
      %dma_start3A_56 = tpu.memref_slice %arg11[%add3A_50] : memref<16384xi32, #tpu.memory_space<vmem_shared>> -> memref<128xi32, #tpu.memory_space<vmem_shared>>
      tpu.enqueue_dma source(%dma_start3A_56 : memref<128xi32, #tpu.memory_space<vmem_shared>>) target(%dma_start3A_55 : memref<128xi32, #tpu.memory_space<vmem>>) target_semaphore(%arg13 : memref<!tpu.dma_semaphore, #tpu.memory_space<semaphore_mem>>)
      %mul3A_57 = arith.constant 128 : i32
      %mul3A_58 = arith.muli %arg1, %mul3A_57 : i32
      %add3A_59 = arith.constant 4096 : i32
      %add3A_60 = arith.addi %add3A_59, %mul3A_58 : i32
      %dma_start3A_61 = arith.constant 512 : i32
      %dma_start3A_62 = tpu.memref_slice %arg7[%dma_start3A_61] : memref<2048xi32, #tpu.memory_space<vmem>> -> memref<128xi32, #tpu.memory_space<vmem>>
      %dma_start3A_63 = tpu.memref_slice %arg11[%add3A_60] : memref<16384xi32, #tpu.memory_space<vmem_shared>> -> memref<128xi32, #tpu.memory_space<vmem_shared>>
      %dma_start3A_64 = arith.constant 512 : i32
      %dma_start3A_65 = tpu.memref_slice %arg7[%dma_start3A_64] : memref<2048xi32, #tpu.memory_space<vmem>> -> memref<128xi32, #tpu.memory_space<vmem>>
      %dma_start3A_66 = tpu.memref_slice %arg11[%add3A_60] : memref<16384xi32, #tpu.memory_space<vmem_shared>> -> memref<128xi32, #tpu.memory_space<vmem_shared>>
      tpu.enqueue_dma source(%dma_start3A_66 : memref<128xi32, #tpu.memory_space<vmem_shared>>) target(%dma_start3A_65 : memref<128xi32, #tpu.memory_space<vmem>>) target_semaphore(%arg13 : memref<!tpu.dma_semaphore, #tpu.memory_space<semaphore_mem>>)
      %mul3A_67 = arith.constant 128 : i32
      %mul3A_68 = arith.muli %arg1, %mul3A_67 : i32
      %add3A_69 = arith.constant 5120 : i32
      %add3A_70 = arith.addi %add3A_69, %mul3A_68 : i32
      %dma_start3A_71 = arith.constant 640 : i32
      %dma_start3A_72 = tpu.memref_slice %arg7[%dma_start3A_71] : memref<2048xi32, #tpu.memory_space<vmem>> -> memref<128xi32, #tpu.memory_space<vmem>>
      %dma_start3A_73 = tpu.memref_slice %arg11[%add3A_70] : memref<16384xi32, #tpu.memory_space<vmem_shared>> -> memref<128xi32, #tpu.memory_space<vmem_shared>>
      %dma_start3A_74 = arith.constant 640 : i32
      %dma_start3A_75 = tpu.memref_slice %arg7[%dma_start3A_74] : memref<2048xi32, #tpu.memory_space<vmem>> -> memref<128xi32, #tpu.memory_space<vmem>>
      %dma_start3A_76 = tpu.memref_slice %arg11[%add3A_70] : memref<16384xi32, #tpu.memory_space<vmem_shared>> -> memref<128xi32, #tpu.memory_space<vmem_shared>>
      tpu.enqueue_dma source(%dma_start3A_76 : memref<128xi32, #tpu.memory_space<vmem_shared>>) target(%dma_start3A_75 : memref<128xi32, #tpu.memory_space<vmem>>) target_semaphore(%arg13 : memref<!tpu.dma_semaphore, #tpu.memory_space<semaphore_mem>>)
      %mul3A_77 = arith.constant 128 : i32
      %mul3A_78 = arith.muli %arg1, %mul3A_77 : i32
      %add3A_79 = arith.constant 6144 : i32
      %add3A_80 = arith.addi %add3A_79, %mul3A_78 : i32
      %dma_start3A_81 = arith.constant 768 : i32
      %dma_start3A_82 = tpu.memref_slice %arg7[%dma_start3A_81] : memref<2048xi32, #tpu.memory_space<vmem>> -> memref<128xi32, #tpu.memory_space<vmem>>
      %dma_start3A_83 = tpu.memref_slice %arg11[%add3A_80] : memref<16384xi32, #tpu.memory_space<vmem_shared>> -> memref<128xi32, #tpu.memory_space<vmem_shared>>
      %dma_start3A_84 = arith.constant 768 : i32
      %dma_start3A_85 = tpu.memref_slice %arg7[%dma_start3A_84] : memref<2048xi32, #tpu.memory_space<vmem>> -> memref<128xi32, #tpu.memory_space<vmem>>
      %dma_start3A_86 = tpu.memref_slice %arg11[%add3A_80] : memref<16384xi32, #tpu.memory_space<vmem_shared>> -> memref<128xi32, #tpu.memory_space<vmem_shared>>
      tpu.enqueue_dma source(%dma_start3A_86 : memref<128xi32, #tpu.memory_space<vmem_shared>>) target(%dma_start3A_85 : memref<128xi32, #tpu.memory_space<vmem>>) target_semaphore(%arg13 : memref<!tpu.dma_semaphore, #tpu.memory_space<semaphore_mem>>)
      %mul3A_87 = arith.constant 128 : i32
      %mul3A_88 = arith.muli %arg1, %mul3A_87 : i32
      %add3A_89 = arith.constant 7168 : i32
      %add3A_90 = arith.addi %add3A_89, %mul3A_88 : i32
      %dma_start3A_91 = arith.constant 896 : i32
      %dma_start3A_92 = tpu.memref_slice %arg7[%dma_start3A_91] : memref<2048xi32, #tpu.memory_space<vmem>> -> memref<128xi32, #tpu.memory_space<vmem>>
      %dma_start3A_93 = tpu.memref_slice %arg11[%add3A_90] : memref<16384xi32, #tpu.memory_space<vmem_shared>> -> memref<128xi32, #tpu.memory_space<vmem_shared>>
      %dma_start3A_94 = arith.constant 896 : i32
      %dma_start3A_95 = tpu.memref_slice %arg7[%dma_start3A_94] : memref<2048xi32, #tpu.memory_space<vmem>> -> memref<128xi32, #tpu.memory_space<vmem>>
      %dma_start3A_96 = tpu.memref_slice %arg11[%add3A_90] : memref<16384xi32, #tpu.memory_space<vmem_shared>> -> memref<128xi32, #tpu.memory_space<vmem_shared>>
      tpu.enqueue_dma source(%dma_start3A_96 : memref<128xi32, #tpu.memory_space<vmem_shared>>) target(%dma_start3A_95 : memref<128xi32, #tpu.memory_space<vmem>>) target_semaphore(%arg13 : memref<!tpu.dma_semaphore, #tpu.memory_space<semaphore_mem>>)
      %mul3A_97 = arith.constant 128 : i32
      %mul3A_98 = arith.muli %arg1, %mul3A_97 : i32
      %add3A_99 = arith.constant 8192 : i32
      %add3A_100 = arith.addi %add3A_99, %mul3A_98 : i32
      %dma_start3A_101 = arith.constant 1024 : i32
      %dma_start3A_102 = tpu.memref_slice %arg7[%dma_start3A_101] : memref<2048xi32, #tpu.memory_space<vmem>> -> memref<128xi32, #tpu.memory_space<vmem>>
      %dma_start3A_103 = tpu.memref_slice %arg11[%add3A_100] : memref<16384xi32, #tpu.memory_space<vmem_shared>> -> memref<128xi32, #tpu.memory_space<vmem_shared>>
      %dma_start3A_104 = arith.constant 1024 : i32
      %dma_start3A_105 = tpu.memref_slice %arg7[%dma_start3A_104] : memref<2048xi32, #tpu.memory_space<vmem>> -> memref<128xi32, #tpu.memory_space<vmem>>
      %dma_start3A_106 = tpu.memref_slice %arg11[%add3A_100] : memref<16384xi32, #tpu.memory_space<vmem_shared>> -> memref<128xi32, #tpu.memory_space<vmem_shared>>
      tpu.enqueue_dma source(%dma_start3A_106 : memref<128xi32, #tpu.memory_space<vmem_shared>>) target(%dma_start3A_105 : memref<128xi32, #tpu.memory_space<vmem>>) target_semaphore(%arg13 : memref<!tpu.dma_semaphore, #tpu.memory_space<semaphore_mem>>)
      %mul3A_107 = arith.constant 128 : i32
      %mul3A_108 = arith.muli %arg1, %mul3A_107 : i32
      %add3A_109 = arith.constant 9216 : i32
      %add3A_110 = arith.addi %add3A_109, %mul3A_108 : i32
      %dma_start3A_111 = arith.constant 1152 : i32
      %dma_start3A_112 = tpu.memref_slice %arg7[%dma_start3A_111] : memref<2048xi32, #tpu.memory_space<vmem>> -> memref<128xi32, #tpu.memory_space<vmem>>
      %dma_start3A_113 = tpu.memref_slice %arg11[%add3A_110] : memref<16384xi32, #tpu.memory_space<vmem_shared>> -> memref<128xi32, #tpu.memory_space<vmem_shared>>
      %dma_start3A_114 = arith.constant 1152 : i32
      %dma_start3A_115 = tpu.memref_slice %arg7[%dma_start3A_114] : memref<2048xi32, #tpu.memory_space<vmem>> -> memref<128xi32, #tpu.memory_space<vmem>>
      %dma_start3A_116 = tpu.memref_slice %arg11[%add3A_110] : memref<16384xi32, #tpu.memory_space<vmem_shared>> -> memref<128xi32, #tpu.memory_space<vmem_shared>>
      tpu.enqueue_dma source(%dma_start3A_116 : memref<128xi32, #tpu.memory_space<vmem_shared>>) target(%dma_start3A_115 : memref<128xi32, #tpu.memory_space<vmem>>) target_semaphore(%arg13 : memref<!tpu.dma_semaphore, #tpu.memory_space<semaphore_mem>>)
      %mul3A_117 = arith.constant 128 : i32
      %mul3A_118 = arith.muli %arg1, %mul3A_117 : i32
      %add3A_119 = arith.constant 10240 : i32
      %add3A_120 = arith.addi %add3A_119, %mul3A_118 : i32
      %dma_start3A_121 = arith.constant 1280 : i32
      %dma_start3A_122 = tpu.memref_slice %arg7[%dma_start3A_121] : memref<2048xi32, #tpu.memory_space<vmem>> -> memref<128xi32, #tpu.memory_space<vmem>>
      %dma_start3A_123 = tpu.memref_slice %arg11[%add3A_120] : memref<16384xi32, #tpu.memory_space<vmem_shared>> -> memref<128xi32, #tpu.memory_space<vmem_shared>>
      %dma_start3A_124 = arith.constant 1280 : i32
      %dma_start3A_125 = tpu.memref_slice %arg7[%dma_start3A_124] : memref<2048xi32, #tpu.memory_space<vmem>> -> memref<128xi32, #tpu.memory_space<vmem>>
      %dma_start3A_126 = tpu.memref_slice %arg11[%add3A_120] : memref<16384xi32, #tpu.memory_space<vmem_shared>> -> memref<128xi32, #tpu.memory_space<vmem_shared>>
      tpu.enqueue_dma source(%dma_start3A_126 : memref<128xi32, #tpu.memory_space<vmem_shared>>) target(%dma_start3A_125 : memref<128xi32, #tpu.memory_space<vmem>>) target_semaphore(%arg13 : memref<!tpu.dma_semaphore, #tpu.memory_space<semaphore_mem>>)
      %mul3A_127 = arith.constant 128 : i32
      %mul3A_128 = arith.muli %arg1, %mul3A_127 : i32
      %add3A_129 = arith.constant 11264 : i32
      %add3A_130 = arith.addi %add3A_129, %mul3A_128 : i32
      %dma_start3A_131 = arith.constant 1408 : i32
      %dma_start3A_132 = tpu.memref_slice %arg7[%dma_start3A_131] : memref<2048xi32, #tpu.memory_space<vmem>> -> memref<128xi32, #tpu.memory_space<vmem>>
      %dma_start3A_133 = tpu.memref_slice %arg11[%add3A_130] : memref<16384xi32, #tpu.memory_space<vmem_shared>> -> memref<128xi32, #tpu.memory_space<vmem_shared>>
      %dma_start3A_134 = arith.constant 1408 : i32
      %dma_start3A_135 = tpu.memref_slice %arg7[%dma_start3A_134] : memref<2048xi32, #tpu.memory_space<vmem>> -> memref<128xi32, #tpu.memory_space<vmem>>
      %dma_start3A_136 = tpu.memref_slice %arg11[%add3A_130] : memref<16384xi32, #tpu.memory_space<vmem_shared>> -> memref<128xi32, #tpu.memory_space<vmem_shared>>
      tpu.enqueue_dma source(%dma_start3A_136 : memref<128xi32, #tpu.memory_space<vmem_shared>>) target(%dma_start3A_135 : memref<128xi32, #tpu.memory_space<vmem>>) target_semaphore(%arg13 : memref<!tpu.dma_semaphore, #tpu.memory_space<semaphore_mem>>)
      %mul3A_137 = arith.constant 128 : i32
      %mul3A_138 = arith.muli %arg1, %mul3A_137 : i32
      %add3A_139 = arith.constant 12288 : i32
      %add3A_140 = arith.addi %add3A_139, %mul3A_138 : i32
      %dma_start3A_141 = arith.constant 1536 : i32
      %dma_start3A_142 = tpu.memref_slice %arg7[%dma_start3A_141] : memref<2048xi32, #tpu.memory_space<vmem>> -> memref<128xi32, #tpu.memory_space<vmem>>
      %dma_start3A_143 = tpu.memref_slice %arg11[%add3A_140] : memref<16384xi32, #tpu.memory_space<vmem_shared>> -> memref<128xi32, #tpu.memory_space<vmem_shared>>
      %dma_start3A_144 = arith.constant 1536 : i32
      %dma_start3A_145 = tpu.memref_slice %arg7[%dma_start3A_144] : memref<2048xi32, #tpu.memory_space<vmem>> -> memref<128xi32, #tpu.memory_space<vmem>>
      %dma_start3A_146 = tpu.memref_slice %arg11[%add3A_140] : memref<16384xi32, #tpu.memory_space<vmem_shared>> -> memref<128xi32, #tpu.memory_space<vmem_shared>>
      tpu.enqueue_dma source(%dma_start3A_146 : memref<128xi32, #tpu.memory_space<vmem_shared>>) target(%dma_start3A_145 : memref<128xi32, #tpu.memory_space<vmem>>) target_semaphore(%arg13 : memref<!tpu.dma_semaphore, #tpu.memory_space<semaphore_mem>>)
      %mul3A_147 = arith.constant 128 : i32
      %mul3A_148 = arith.muli %arg1, %mul3A_147 : i32
      %add3A_149 = arith.constant 13312 : i32
      %add3A_150 = arith.addi %add3A_149, %mul3A_148 : i32
      %dma_start3A_151 = arith.constant 1664 : i32
      %dma_start3A_152 = tpu.memref_slice %arg7[%dma_start3A_151] : memref<2048xi32, #tpu.memory_space<vmem>> -> memref<128xi32, #tpu.memory_space<vmem>>
      %dma_start3A_153 = tpu.memref_slice %arg11[%add3A_150] : memref<16384xi32, #tpu.memory_space<vmem_shared>> -> memref<128xi32, #tpu.memory_space<vmem_shared>>
      %dma_start3A_154 = arith.constant 1664 : i32
      %dma_start3A_155 = tpu.memref_slice %arg7[%dma_start3A_154] : memref<2048xi32, #tpu.memory_space<vmem>> -> memref<128xi32, #tpu.memory_space<vmem>>
      %dma_start3A_156 = tpu.memref_slice %arg11[%add3A_150] : memref<16384xi32, #tpu.memory_space<vmem_shared>> -> memref<128xi32, #tpu.memory_space<vmem_shared>>
      tpu.enqueue_dma source(%dma_start3A_156 : memref<128xi32, #tpu.memory_space<vmem_shared>>) target(%dma_start3A_155 : memref<128xi32, #tpu.memory_space<vmem>>) target_semaphore(%arg13 : memref<!tpu.dma_semaphore, #tpu.memory_space<semaphore_mem>>)
      %mul3A_157 = arith.constant 128 : i32
      %mul3A_158 = arith.muli %arg1, %mul3A_157 : i32
      %add3A_159 = arith.constant 14336 : i32
      %add3A_160 = arith.addi %add3A_159, %mul3A_158 : i32
      %dma_start3A_161 = arith.constant 1792 : i32
      %dma_start3A_162 = tpu.memref_slice %arg7[%dma_start3A_161] : memref<2048xi32, #tpu.memory_space<vmem>> -> memref<128xi32, #tpu.memory_space<vmem>>
      %dma_start3A_163 = tpu.memref_slice %arg11[%add3A_160] : memref<16384xi32, #tpu.memory_space<vmem_shared>> -> memref<128xi32, #tpu.memory_space<vmem_shared>>
      %dma_start3A_164 = arith.constant 1792 : i32
      %dma_start3A_165 = tpu.memref_slice %arg7[%dma_start3A_164] : memref<2048xi32, #tpu.memory_space<vmem>> -> memref<128xi32, #tpu.memory_space<vmem>>
      %dma_start3A_166 = tpu.memref_slice %arg11[%add3A_160] : memref<16384xi32, #tpu.memory_space<vmem_shared>> -> memref<128xi32, #tpu.memory_space<vmem_shared>>
      tpu.enqueue_dma source(%dma_start3A_166 : memref<128xi32, #tpu.memory_space<vmem_shared>>) target(%dma_start3A_165 : memref<128xi32, #tpu.memory_space<vmem>>) target_semaphore(%arg13 : memref<!tpu.dma_semaphore, #tpu.memory_space<semaphore_mem>>)
      %mul3A_167 = arith.constant 128 : i32
      %mul3A_168 = arith.muli %arg1, %mul3A_167 : i32
      %add3A_169 = arith.constant 15360 : i32
      %add3A_170 = arith.addi %add3A_169, %mul3A_168 : i32
      %dma_start3A_171 = arith.constant 1920 : i32
      %dma_start3A_172 = tpu.memref_slice %arg7[%dma_start3A_171] : memref<2048xi32, #tpu.memory_space<vmem>> -> memref<128xi32, #tpu.memory_space<vmem>>
      %dma_start3A_173 = tpu.memref_slice %arg11[%add3A_170] : memref<16384xi32, #tpu.memory_space<vmem_shared>> -> memref<128xi32, #tpu.memory_space<vmem_shared>>
      %dma_start3A_174 = arith.constant 1920 : i32
      %dma_start3A_175 = tpu.memref_slice %arg7[%dma_start3A_174] : memref<2048xi32, #tpu.memory_space<vmem>> -> memref<128xi32, #tpu.memory_space<vmem>>
      %dma_start3A_176 = tpu.memref_slice %arg11[%add3A_170] : memref<16384xi32, #tpu.memory_space<vmem_shared>> -> memref<128xi32, #tpu.memory_space<vmem_shared>>
      tpu.enqueue_dma source(%dma_start3A_176 : memref<128xi32, #tpu.memory_space<vmem_shared>>) target(%dma_start3A_175 : memref<128xi32, #tpu.memory_space<vmem>>) target_semaphore(%arg13 : memref<!tpu.dma_semaphore, #tpu.memory_space<semaphore_mem>>)
      %dma_wait3A = arith.constant 0 : i32
      %dma_wait3A_177 = tpu.memref_slice %arg7[%dma_wait3A] : memref<2048xi32, #tpu.memory_space<vmem>> -> memref<128xi32, #tpu.memory_space<vmem>>
      %dma_wait3A_178 = tpu.memref_slice %arg11[%add3A_21] : memref<16384xi32, #tpu.memory_space<vmem_shared>> -> memref<128xi32, #tpu.memory_space<vmem_shared>>
      %dma_wait3A_179 = arith.constant 0 : i32
      %dma_wait3A_180 = tpu.memref_slice %arg7[%dma_wait3A_179] : memref<2048xi32, #tpu.memory_space<vmem>> -> memref<128xi32, #tpu.memory_space<vmem>>
      %dma_wait3A_181 = tpu.memref_slice %arg11[%add3A_21] : memref<16384xi32, #tpu.memory_space<vmem_shared>> -> memref<128xi32, #tpu.memory_space<vmem_shared>>
      tpu.wait_dma2 semaphore(%arg13 : memref<!tpu.dma_semaphore, #tpu.memory_space<semaphore_mem>>) src(%dma_wait3A_181 : memref<128xi32, #tpu.memory_space<vmem_shared>>) dst(%dma_wait3A_180 : memref<128xi32, #tpu.memory_space<vmem>>)
      %dma_wait3A_182 = arith.constant 128 : i32
      %dma_wait3A_183 = tpu.memref_slice %arg7[%dma_wait3A_182] : memref<2048xi32, #tpu.memory_space<vmem>> -> memref<128xi32, #tpu.memory_space<vmem>>
      %dma_wait3A_184 = tpu.memref_slice %arg11[%add3A_30] : memref<16384xi32, #tpu.memory_space<vmem_shared>> -> memref<128xi32, #tpu.memory_space<vmem_shared>>
      %dma_wait3A_185 = arith.constant 128 : i32
      %dma_wait3A_186 = tpu.memref_slice %arg7[%dma_wait3A_185] : memref<2048xi32, #tpu.memory_space<vmem>> -> memref<128xi32, #tpu.memory_space<vmem>>
      %dma_wait3A_187 = tpu.memref_slice %arg11[%add3A_30] : memref<16384xi32, #tpu.memory_space<vmem_shared>> -> memref<128xi32, #tpu.memory_space<vmem_shared>>
      tpu.wait_dma2 semaphore(%arg13 : memref<!tpu.dma_semaphore, #tpu.memory_space<semaphore_mem>>) src(%dma_wait3A_187 : memref<128xi32, #tpu.memory_space<vmem_shared>>) dst(%dma_wait3A_186 : memref<128xi32, #tpu.memory_space<vmem>>)
      %dma_wait3A_188 = arith.constant 256 : i32
      %dma_wait3A_189 = tpu.memref_slice %arg7[%dma_wait3A_188] : memref<2048xi32, #tpu.memory_space<vmem>> -> memref<128xi32, #tpu.memory_space<vmem>>
      %dma_wait3A_190 = tpu.memref_slice %arg11[%add3A_40] : memref<16384xi32, #tpu.memory_space<vmem_shared>> -> memref<128xi32, #tpu.memory_space<vmem_shared>>
      %dma_wait3A_191 = arith.constant 256 : i32
      %dma_wait3A_192 = tpu.memref_slice %arg7[%dma_wait3A_191] : memref<2048xi32, #tpu.memory_space<vmem>> -> memref<128xi32, #tpu.memory_space<vmem>>
      %dma_wait3A_193 = tpu.memref_slice %arg11[%add3A_40] : memref<16384xi32, #tpu.memory_space<vmem_shared>> -> memref<128xi32, #tpu.memory_space<vmem_shared>>
      tpu.wait_dma2 semaphore(%arg13 : memref<!tpu.dma_semaphore, #tpu.memory_space<semaphore_mem>>) src(%dma_wait3A_193 : memref<128xi32, #tpu.memory_space<vmem_shared>>) dst(%dma_wait3A_192 : memref<128xi32, #tpu.memory_space<vmem>>)
      %dma_wait3A_194 = arith.constant 384 : i32
      %dma_wait3A_195 = tpu.memref_slice %arg7[%dma_wait3A_194] : memref<2048xi32, #tpu.memory_space<vmem>> -> memref<128xi32, #tpu.memory_space<vmem>>
      %dma_wait3A_196 = tpu.memref_slice %arg11[%add3A_50] : memref<16384xi32, #tpu.memory_space<vmem_shared>> -> memref<128xi32, #tpu.memory_space<vmem_shared>>
      %dma_wait3A_197 = arith.constant 384 : i32
      %dma_wait3A_198 = tpu.memref_slice %arg7[%dma_wait3A_197] : memref<2048xi32, #tpu.memory_space<vmem>> -> memref<128xi32, #tpu.memory_space<vmem>>
      %dma_wait3A_199 = tpu.memref_slice %arg11[%add3A_50] : memref<16384xi32, #tpu.memory_space<vmem_shared>> -> memref<128xi32, #tpu.memory_space<vmem_shared>>
      tpu.wait_dma2 semaphore(%arg13 : memref<!tpu.dma_semaphore, #tpu.memory_space<semaphore_mem>>) src(%dma_wait3A_199 : memref<128xi32, #tpu.memory_space<vmem_shared>>) dst(%dma_wait3A_198 : memref<128xi32, #tpu.memory_space<vmem>>)
      %dma_wait3A_200 = arith.constant 512 : i32
      %dma_wait3A_201 = tpu.memref_slice %arg7[%dma_wait3A_200] : memref<2048xi32, #tpu.memory_space<vmem>> -> memref<128xi32, #tpu.memory_space<vmem>>
      %dma_wait3A_202 = tpu.memref_slice %arg11[%add3A_60] : memref<16384xi32, #tpu.memory_space<vmem_shared>> -> memref<128xi32, #tpu.memory_space<vmem_shared>>
      %dma_wait3A_203 = arith.constant 512 : i32
      %dma_wait3A_204 = tpu.memref_slice %arg7[%dma_wait3A_203] : memref<2048xi32, #tpu.memory_space<vmem>> -> memref<128xi32, #tpu.memory_space<vmem>>
      %dma_wait3A_205 = tpu.memref_slice %arg11[%add3A_60] : memref<16384xi32, #tpu.memory_space<vmem_shared>> -> memref<128xi32, #tpu.memory_space<vmem_shared>>
      tpu.wait_dma2 semaphore(%arg13 : memref<!tpu.dma_semaphore, #tpu.memory_space<semaphore_mem>>) src(%dma_wait3A_205 : memref<128xi32, #tpu.memory_space<vmem_shared>>) dst(%dma_wait3A_204 : memref<128xi32, #tpu.memory_space<vmem>>)
      %dma_wait3A_206 = arith.constant 640 : i32
      %dma_wait3A_207 = tpu.memref_slice %arg7[%dma_wait3A_206] : memref<2048xi32, #tpu.memory_space<vmem>> -> memref<128xi32, #tpu.memory_space<vmem>>
      %dma_wait3A_208 = tpu.memref_slice %arg11[%add3A_70] : memref<16384xi32, #tpu.memory_space<vmem_shared>> -> memref<128xi32, #tpu.memory_space<vmem_shared>>
      %dma_wait3A_209 = arith.constant 640 : i32
      %dma_wait3A_210 = tpu.memref_slice %arg7[%dma_wait3A_209] : memref<2048xi32, #tpu.memory_space<vmem>> -> memref<128xi32, #tpu.memory_space<vmem>>
      %dma_wait3A_211 = tpu.memref_slice %arg11[%add3A_70] : memref<16384xi32, #tpu.memory_space<vmem_shared>> -> memref<128xi32, #tpu.memory_space<vmem_shared>>
      tpu.wait_dma2 semaphore(%arg13 : memref<!tpu.dma_semaphore, #tpu.memory_space<semaphore_mem>>) src(%dma_wait3A_211 : memref<128xi32, #tpu.memory_space<vmem_shared>>) dst(%dma_wait3A_210 : memref<128xi32, #tpu.memory_space<vmem>>)
      %dma_wait3A_212 = arith.constant 768 : i32
      %dma_wait3A_213 = tpu.memref_slice %arg7[%dma_wait3A_212] : memref<2048xi32, #tpu.memory_space<vmem>> -> memref<128xi32, #tpu.memory_space<vmem>>
      %dma_wait3A_214 = tpu.memref_slice %arg11[%add3A_80] : memref<16384xi32, #tpu.memory_space<vmem_shared>> -> memref<128xi32, #tpu.memory_space<vmem_shared>>
      %dma_wait3A_215 = arith.constant 768 : i32
      %dma_wait3A_216 = tpu.memref_slice %arg7[%dma_wait3A_215] : memref<2048xi32, #tpu.memory_space<vmem>> -> memref<128xi32, #tpu.memory_space<vmem>>
      %dma_wait3A_217 = tpu.memref_slice %arg11[%add3A_80] : memref<16384xi32, #tpu.memory_space<vmem_shared>> -> memref<128xi32, #tpu.memory_space<vmem_shared>>
      tpu.wait_dma2 semaphore(%arg13 : memref<!tpu.dma_semaphore, #tpu.memory_space<semaphore_mem>>) src(%dma_wait3A_217 : memref<128xi32, #tpu.memory_space<vmem_shared>>) dst(%dma_wait3A_216 : memref<128xi32, #tpu.memory_space<vmem>>)
      %dma_wait3A_218 = arith.constant 896 : i32
      %dma_wait3A_219 = tpu.memref_slice %arg7[%dma_wait3A_218] : memref<2048xi32, #tpu.memory_space<vmem>> -> memref<128xi32, #tpu.memory_space<vmem>>
      %dma_wait3A_220 = tpu.memref_slice %arg11[%add3A_90] : memref<16384xi32, #tpu.memory_space<vmem_shared>> -> memref<128xi32, #tpu.memory_space<vmem_shared>>
      %dma_wait3A_221 = arith.constant 896 : i32
      %dma_wait3A_222 = tpu.memref_slice %arg7[%dma_wait3A_221] : memref<2048xi32, #tpu.memory_space<vmem>> -> memref<128xi32, #tpu.memory_space<vmem>>
      %dma_wait3A_223 = tpu.memref_slice %arg11[%add3A_90] : memref<16384xi32, #tpu.memory_space<vmem_shared>> -> memref<128xi32, #tpu.memory_space<vmem_shared>>
      tpu.wait_dma2 semaphore(%arg13 : memref<!tpu.dma_semaphore, #tpu.memory_space<semaphore_mem>>) src(%dma_wait3A_223 : memref<128xi32, #tpu.memory_space<vmem_shared>>) dst(%dma_wait3A_222 : memref<128xi32, #tpu.memory_space<vmem>>)
      %dma_wait3A_224 = arith.constant 1024 : i32
      %dma_wait3A_225 = tpu.memref_slice %arg7[%dma_wait3A_224] : memref<2048xi32, #tpu.memory_space<vmem>> -> memref<128xi32, #tpu.memory_space<vmem>>
      %dma_wait3A_226 = tpu.memref_slice %arg11[%add3A_100] : memref<16384xi32, #tpu.memory_space<vmem_shared>> -> memref<128xi32, #tpu.memory_space<vmem_shared>>
      %dma_wait3A_227 = arith.constant 1024 : i32
      %dma_wait3A_228 = tpu.memref_slice %arg7[%dma_wait3A_227] : memref<2048xi32, #tpu.memory_space<vmem>> -> memref<128xi32, #tpu.memory_space<vmem>>
      %dma_wait3A_229 = tpu.memref_slice %arg11[%add3A_100] : memref<16384xi32, #tpu.memory_space<vmem_shared>> -> memref<128xi32, #tpu.memory_space<vmem_shared>>
      tpu.wait_dma2 semaphore(%arg13 : memref<!tpu.dma_semaphore, #tpu.memory_space<semaphore_mem>>) src(%dma_wait3A_229 : memref<128xi32, #tpu.memory_space<vmem_shared>>) dst(%dma_wait3A_228 : memref<128xi32, #tpu.memory_space<vmem>>)
      %dma_wait3A_230 = arith.constant 1152 : i32
      %dma_wait3A_231 = tpu.memref_slice %arg7[%dma_wait3A_230] : memref<2048xi32, #tpu.memory_space<vmem>> -> memref<128xi32, #tpu.memory_space<vmem>>
      %dma_wait3A_232 = tpu.memref_slice %arg11[%add3A_110] : memref<16384xi32, #tpu.memory_space<vmem_shared>> -> memref<128xi32, #tpu.memory_space<vmem_shared>>
      %dma_wait3A_233 = arith.constant 1152 : i32
      %dma_wait3A_234 = tpu.memref_slice %arg7[%dma_wait3A_233] : memref<2048xi32, #tpu.memory_space<vmem>> -> memref<128xi32, #tpu.memory_space<vmem>>
      %dma_wait3A_235 = tpu.memref_slice %arg11[%add3A_110] : memref<16384xi32, #tpu.memory_space<vmem_shared>> -> memref<128xi32, #tpu.memory_space<vmem_shared>>
      tpu.wait_dma2 semaphore(%arg13 : memref<!tpu.dma_semaphore, #tpu.memory_space<semaphore_mem>>) src(%dma_wait3A_235 : memref<128xi32, #tpu.memory_space<vmem_shared>>) dst(%dma_wait3A_234 : memref<128xi32, #tpu.memory_space<vmem>>)
      %dma_wait3A_236 = arith.constant 1280 : i32
      %dma_wait3A_237 = tpu.memref_slice %arg7[%dma_wait3A_236] : memref<2048xi32, #tpu.memory_space<vmem>> -> memref<128xi32, #tpu.memory_space<vmem>>
      %dma_wait3A_238 = tpu.memref_slice %arg11[%add3A_120] : memref<16384xi32, #tpu.memory_space<vmem_shared>> -> memref<128xi32, #tpu.memory_space<vmem_shared>>
      %dma_wait3A_239 = arith.constant 1280 : i32
      %dma_wait3A_240 = tpu.memref_slice %arg7[%dma_wait3A_239] : memref<2048xi32, #tpu.memory_space<vmem>> -> memref<128xi32, #tpu.memory_space<vmem>>
      %dma_wait3A_241 = tpu.memref_slice %arg11[%add3A_120] : memref<16384xi32, #tpu.memory_space<vmem_shared>> -> memref<128xi32, #tpu.memory_space<vmem_shared>>
      tpu.wait_dma2 semaphore(%arg13 : memref<!tpu.dma_semaphore, #tpu.memory_space<semaphore_mem>>) src(%dma_wait3A_241 : memref<128xi32, #tpu.memory_space<vmem_shared>>) dst(%dma_wait3A_240 : memref<128xi32, #tpu.memory_space<vmem>>)
      %dma_wait3A_242 = arith.constant 1408 : i32
      %dma_wait3A_243 = tpu.memref_slice %arg7[%dma_wait3A_242] : memref<2048xi32, #tpu.memory_space<vmem>> -> memref<128xi32, #tpu.memory_space<vmem>>
      %dma_wait3A_244 = tpu.memref_slice %arg11[%add3A_130] : memref<16384xi32, #tpu.memory_space<vmem_shared>> -> memref<128xi32, #tpu.memory_space<vmem_shared>>
      %dma_wait3A_245 = arith.constant 1408 : i32
      %dma_wait3A_246 = tpu.memref_slice %arg7[%dma_wait3A_245] : memref<2048xi32, #tpu.memory_space<vmem>> -> memref<128xi32, #tpu.memory_space<vmem>>
      %dma_wait3A_247 = tpu.memref_slice %arg11[%add3A_130] : memref<16384xi32, #tpu.memory_space<vmem_shared>> -> memref<128xi32, #tpu.memory_space<vmem_shared>>
      tpu.wait_dma2 semaphore(%arg13 : memref<!tpu.dma_semaphore, #tpu.memory_space<semaphore_mem>>) src(%dma_wait3A_247 : memref<128xi32, #tpu.memory_space<vmem_shared>>) dst(%dma_wait3A_246 : memref<128xi32, #tpu.memory_space<vmem>>)
      %dma_wait3A_248 = arith.constant 1536 : i32
      %dma_wait3A_249 = tpu.memref_slice %arg7[%dma_wait3A_248] : memref<2048xi32, #tpu.memory_space<vmem>> -> memref<128xi32, #tpu.memory_space<vmem>>
      %dma_wait3A_250 = tpu.memref_slice %arg11[%add3A_140] : memref<16384xi32, #tpu.memory_space<vmem_shared>> -> memref<128xi32, #tpu.memory_space<vmem_shared>>
      %dma_wait3A_251 = arith.constant 1536 : i32
      %dma_wait3A_252 = tpu.memref_slice %arg7[%dma_wait3A_251] : memref<2048xi32, #tpu.memory_space<vmem>> -> memref<128xi32, #tpu.memory_space<vmem>>
      %dma_wait3A_253 = tpu.memref_slice %arg11[%add3A_140] : memref<16384xi32, #tpu.memory_space<vmem_shared>> -> memref<128xi32, #tpu.memory_space<vmem_shared>>
      tpu.wait_dma2 semaphore(%arg13 : memref<!tpu.dma_semaphore, #tpu.memory_space<semaphore_mem>>) src(%dma_wait3A_253 : memref<128xi32, #tpu.memory_space<vmem_shared>>) dst(%dma_wait3A_252 : memref<128xi32, #tpu.memory_space<vmem>>)
      %dma_wait3A_254 = arith.constant 1664 : i32
      %dma_wait3A_255 = tpu.memref_slice %arg7[%dma_wait3A_254] : memref<2048xi32, #tpu.memory_space<vmem>> -> memref<128xi32, #tpu.memory_space<vmem>>
      %dma_wait3A_256 = tpu.memref_slice %arg11[%add3A_150] : memref<16384xi32, #tpu.memory_space<vmem_shared>> -> memref<128xi32, #tpu.memory_space<vmem_shared>>
      %dma_wait3A_257 = arith.constant 1664 : i32
      %dma_wait3A_258 = tpu.memref_slice %arg7[%dma_wait3A_257] : memref<2048xi32, #tpu.memory_space<vmem>> -> memref<128xi32, #tpu.memory_space<vmem>>
      %dma_wait3A_259 = tpu.memref_slice %arg11[%add3A_150] : memref<16384xi32, #tpu.memory_space<vmem_shared>> -> memref<128xi32, #tpu.memory_space<vmem_shared>>
      tpu.wait_dma2 semaphore(%arg13 : memref<!tpu.dma_semaphore, #tpu.memory_space<semaphore_mem>>) src(%dma_wait3A_259 : memref<128xi32, #tpu.memory_space<vmem_shared>>) dst(%dma_wait3A_258 : memref<128xi32, #tpu.memory_space<vmem>>)
      %dma_wait3A_260 = arith.constant 1792 : i32
      %dma_wait3A_261 = tpu.memref_slice %arg7[%dma_wait3A_260] : memref<2048xi32, #tpu.memory_space<vmem>> -> memref<128xi32, #tpu.memory_space<vmem>>
      %dma_wait3A_262 = tpu.memref_slice %arg11[%add3A_160] : memref<16384xi32, #tpu.memory_space<vmem_shared>> -> memref<128xi32, #tpu.memory_space<vmem_shared>>
      %dma_wait3A_263 = arith.constant 1792 : i32
      %dma_wait3A_264 = tpu.memref_slice %arg7[%dma_wait3A_263] : memref<2048xi32, #tpu.memory_space<vmem>> -> memref<128xi32, #tpu.memory_space<vmem>>
      %dma_wait3A_265 = tpu.memref_slice %arg11[%add3A_160] : memref<16384xi32, #tpu.memory_space<vmem_shared>> -> memref<128xi32, #tpu.memory_space<vmem_shared>>
      tpu.wait_dma2 semaphore(%arg13 : memref<!tpu.dma_semaphore, #tpu.memory_space<semaphore_mem>>) src(%dma_wait3A_265 : memref<128xi32, #tpu.memory_space<vmem_shared>>) dst(%dma_wait3A_264 : memref<128xi32, #tpu.memory_space<vmem>>)
      %dma_wait3A_266 = arith.constant 1920 : i32
      %dma_wait3A_267 = tpu.memref_slice %arg7[%dma_wait3A_266] : memref<2048xi32, #tpu.memory_space<vmem>> -> memref<128xi32, #tpu.memory_space<vmem>>
      %dma_wait3A_268 = tpu.memref_slice %arg11[%add3A_170] : memref<16384xi32, #tpu.memory_space<vmem_shared>> -> memref<128xi32, #tpu.memory_space<vmem_shared>>
      %dma_wait3A_269 = arith.constant 1920 : i32
      %dma_wait3A_270 = tpu.memref_slice %arg7[%dma_wait3A_269] : memref<2048xi32, #tpu.memory_space<vmem>> -> memref<128xi32, #tpu.memory_space<vmem>>
      %dma_wait3A_271 = tpu.memref_slice %arg11[%add3A_170] : memref<16384xi32, #tpu.memory_space<vmem_shared>> -> memref<128xi32, #tpu.memory_space<vmem_shared>>
      tpu.wait_dma2 semaphore(%arg13 : memref<!tpu.dma_semaphore, #tpu.memory_space<semaphore_mem>>) src(%dma_wait3A_271 : memref<128xi32, #tpu.memory_space<vmem_shared>>) dst(%dma_wait3A_270 : memref<128xi32, #tpu.memory_space<vmem>>)
      %get3A = arith.constant 0 : index
      %get3A_272 = tpu.vector_load %arg7[%get3A] {strides = array<i32>} : memref<2048xi32, #tpu.memory_space<vmem>>, vector<16xi32>,
      %add3A_273 = arith.addi %broadcast_in_dim3A_1, %get3A_272 : vector<16xi32>
      %get3A_274 = arith.constant 128 : index
      %get3A_275 = tpu.vector_load %arg7[%get3A_274] {strides = array<i32>} : memref<2048xi32, #tpu.memory_space<vmem>>, vector<16xi32>,
      %add3A_276 = arith.addi %add3A_273, %get3A_275 : vector<16xi32>
      %get3A_277 = arith.constant 256 : index
      %get3A_278 = tpu.vector_load %arg7[%get3A_277] {strides = array<i32>} : memref<2048xi32, #tpu.memory_space<vmem>>, vector<16xi32>,
      %add3A_279 = arith.addi %add3A_276, %get3A_278 : vector<16xi32>
      %get3A_280 = arith.constant 384 : index
      %get3A_281 = tpu.vector_load %arg7[%get3A_280] {strides = array<i32>} : memref<2048xi32, #tpu.memory_space<vmem>>, vector<16xi32>,
      %add3A_282 = arith.addi %add3A_279, %get3A_281 : vector<16xi32>
      %get3A_283 = arith.constant 512 : index
      %get3A_284 = tpu.vector_load %arg7[%get3A_283] {strides = array<i32>} : memref<2048xi32, #tpu.memory_space<vmem>>, vector<16xi32>,
      %add3A_285 = arith.addi %add3A_282, %get3A_284 : vector<16xi32>
      %get3A_286 = arith.constant 640 : index
      %get3A_287 = tpu.vector_load %arg7[%get3A_286] {strides = array<i32>} : memref<2048xi32, #tpu.memory_space<vmem>>, vector<16xi32>,
      %add3A_288 = arith.addi %add3A_285, %get3A_287 : vector<16xi32>
      %get3A_289 = arith.constant 768 : index
      %get3A_290 = tpu.vector_load %arg7[%get3A_289] {strides = array<i32>} : memref<2048xi32, #tpu.memory_space<vmem>>, vector<16xi32>,
      %add3A_291 = arith.addi %add3A_288, %get3A_290 : vector<16xi32>
      %get3A_292 = arith.constant 896 : index
      %get3A_293 = tpu.vector_load %arg7[%get3A_292] {strides = array<i32>} : memref<2048xi32, #tpu.memory_space<vmem>>, vector<16xi32>,
      %add3A_294 = arith.addi %add3A_291, %get3A_293 : vector<16xi32>
      %get3A_295 = arith.constant 1024 : index
      %get3A_296 = tpu.vector_load %arg7[%get3A_295] {strides = array<i32>} : memref<2048xi32, #tpu.memory_space<vmem>>, vector<16xi32>,
      %add3A_297 = arith.addi %add3A_294, %get3A_296 : vector<16xi32>
      %get3A_298 = arith.constant 1152 : index
      %get3A_299 = tpu.vector_load %arg7[%get3A_298] {strides = array<i32>} : memref<2048xi32, #tpu.memory_space<vmem>>, vector<16xi32>,
      %add3A_300 = arith.addi %add3A_297, %get3A_299 : vector<16xi32>
      %get3A_301 = arith.constant 1280 : index
      %get3A_302 = tpu.vector_load %arg7[%get3A_301] {strides = array<i32>} : memref<2048xi32, #tpu.memory_space<vmem>>, vector<16xi32>,
      %add3A_303 = arith.addi %add3A_300, %get3A_302 : vector<16xi32>
      %get3A_304 = arith.constant 1408 : index
      %get3A_305 = tpu.vector_load %arg7[%get3A_304] {strides = array<i32>} : memref<2048xi32, #tpu.memory_space<vmem>>, vector<16xi32>,
      %add3A_306 = arith.addi %add3A_303, %get3A_305 : vector<16xi32>
      %get3A_307 = arith.constant 1536 : index
      %get3A_308 = tpu.vector_load %arg7[%get3A_307] {strides = array<i32>} : memref<2048xi32, #tpu.memory_space<vmem>>, vector<16xi32>,
      %add3A_309 = arith.addi %add3A_306, %get3A_308 : vector<16xi32>
      %get3A_310 = arith.constant 1664 : index
      %get3A_311 = tpu.vector_load %arg7[%get3A_310] {strides = array<i32>} : memref<2048xi32, #tpu.memory_space<vmem>>, vector<16xi32>,
      %add3A_312 = arith.addi %add3A_309, %get3A_311 : vector<16xi32>
      %get3A_313 = arith.constant 1792 : index
      %get3A_314 = tpu.vector_load %arg7[%get3A_313] {strides = array<i32>} : memref<2048xi32, #tpu.memory_space<vmem>>, vector<16xi32>,
      %add3A_315 = arith.addi %add3A_312, %get3A_314 : vector<16xi32>
      %get3A_316 = arith.constant 1920 : index
      %get3A_317 = tpu.vector_load %arg7[%get3A_316] {strides = array<i32>} : memref<2048xi32, #tpu.memory_space<vmem>>, vector<16xi32>,
      %add3A_318 = arith.addi %add3A_315, %get3A_317 : vector<16xi32>
      %swap3A = arith.constant 0 : index
      %swap3A_319 = tpu.vector_load %arg8[%swap3A] {strides = array<i32>} : memref<1024xi32, #tpu.memory_space<vmem>>, vector<16xi32>,
      tpu.vector_store %arg8[%swap3A], %add3A_318 {strides = array<i32>} : memref<1024xi32, #tpu.memory_space<vmem>>, vector<16xi32>,
      %get3A_320 = arith.constant 16 : index
      %get3A_321 = tpu.vector_load %arg7[%get3A_320] {strides = array<i32>} : memref<2048xi32, #tpu.memory_space<vmem>>, vector<16xi32>,
      %add3A_322 = arith.addi %broadcast_in_dim3A_1, %get3A_321 : vector<16xi32>
      %get3A_323 = arith.constant 144 : index
      %get3A_324 = tpu.vector_load %arg7[%get3A_323] {strides = array<i32>} : memref<2048xi32, #tpu.memory_space<vmem>>, vector<16xi32>,
      %add3A_325 = arith.addi %add3A_322, %get3A_324 : vector<16xi32>
      %get3A_326 = arith.constant 272 : index
      %get3A_327 = tpu.vector_load %arg7[%get3A_326] {strides = array<i32>} : memref<2048xi32, #tpu.memory_space<vmem>>, vector<16xi32>,
      %add3A_328 = arith.addi %add3A_325, %get3A_327 : vector<16xi32>
      %get3A_329 = arith.constant 400 : index
      %get3A_330 = tpu.vector_load %arg7[%get3A_329] {strides = array<i32>} : memref<2048xi32, #tpu.memory_space<vmem>>, vector<16xi32>,
      %add3A_331 = arith.addi %add3A_328, %get3A_330 : vector<16xi32>
      %get3A_332 = arith.constant 528 : index
      %get3A_333 = tpu.vector_load %arg7[%get3A_332] {strides = array<i32>} : memref<2048xi32, #tpu.memory_space<vmem>>, vector<16xi32>,
      %add3A_334 = arith.addi %add3A_331, %get3A_333 : vector<16xi32>
      %get3A_335 = arith.constant 656 : index
      %get3A_336 = tpu.vector_load %arg7[%get3A_335] {strides = array<i32>} : memref<2048xi32, #tpu.memory_space<vmem>>, vector<16xi32>,
      %add3A_337 = arith.addi %add3A_334, %get3A_336 : vector<16xi32>
      %get3A_338 = arith.constant 784 : index
      %get3A_339 = tpu.vector_load %arg7[%get3A_338] {strides = array<i32>} : memref<2048xi32, #tpu.memory_space<vmem>>, vector<16xi32>,
      %add3A_340 = arith.addi %add3A_337, %get3A_339 : vector<16xi32>
      %get3A_341 = arith.constant 912 : index
      %get3A_342 = tpu.vector_load %arg7[%get3A_341] {strides = array<i32>} : memref<2048xi32, #tpu.memory_space<vmem>>, vector<16xi32>,
      %add3A_343 = arith.addi %add3A_340, %get3A_342 : vector<16xi32>
      %get3A_344 = arith.constant 1040 : index
      %get3A_345 = tpu.vector_load %arg7[%get3A_344] {strides = array<i32>} : memref<2048xi32, #tpu.memory_space<vmem>>, vector<16xi32>,
      %add3A_346 = arith.addi %add3A_343, %get3A_345 : vector<16xi32>
      %get3A_347 = arith.constant 1168 : index
      %get3A_348 = tpu.vector_load %arg7[%get3A_347] {strides = array<i32>} : memref<2048xi32, #tpu.memory_space<vmem>>, vector<16xi32>,
      %add3A_349 = arith.addi %add3A_346, %get3A_348 : vector<16xi32>
      %get3A_350 = arith.constant 1296 : index
      %get3A_351 = tpu.vector_load %arg7[%get3A_350] {strides = array<i32>} : memref<2048xi32, #tpu.memory_space<vmem>>, vector<16xi32>,
      %add3A_352 = arith.addi %add3A_349, %get3A_351 : vector<16xi32>
      %get3A_353 = arith.constant 1424 : index
      %get3A_354 = tpu.vector_load %arg7[%get3A_353] {strides = array<i32>} : memref<2048xi32, #tpu.memory_space<vmem>>, vector<16xi32>,
      %add3A_355 = arith.addi %add3A_352, %get3A_354 : vector<16xi32>
      %get3A_356 = arith.constant 1552 : index
      %get3A_357 = tpu.vector_load %arg7[%get3A_356] {strides = array<i32>} : memref<2048xi32, #tpu.memory_space<vmem>>, vector<16xi32>,
      %add3A_358 = arith.addi %add3A_355, %get3A_357 : vector<16xi32>
      %get3A_359 = arith.constant 1680 : index
      %get3A_360 = tpu.vector_load %arg7[%get3A_359] {strides = array<i32>} : memref<2048xi32, #tpu.memory_space<vmem>>, vector<16xi32>,
      %add3A_361 = arith.addi %add3A_358, %get3A_360 : vector<16xi32>
      %get3A_362 = arith.constant 1808 : index
      %get3A_363 = tpu.vector_load %arg7[%get3A_362] {strides = array<i32>} : memref<2048xi32, #tpu.memory_space<vmem>>, vector<16xi32>,
      %add3A_364 = arith.addi %add3A_361, %get3A_363 : vector<16xi32>
      %get3A_365 = arith.constant 1936 : index
      %get3A_366 = tpu.vector_load %arg7[%get3A_365] {strides = array<i32>} : memref<2048xi32, #tpu.memory_space<vmem>>, vector<16xi32>,
      %add3A_367 = arith.addi %add3A_364, %get3A_366 : vector<16xi32>
      %swap3A_368 = arith.constant 16 : index
      %swap3A_369 = tpu.vector_load %arg8[%swap3A_368] {strides = array<i32>} : memref<1024xi32, #tpu.memory_space<vmem>>, vector<16xi32>,
      tpu.vector_store %arg8[%swap3A_368], %add3A_367 {strides = array<i32>} : memref<1024xi32, #tpu.memory_space<vmem>>, vector<16xi32>,
      %get3A_370 = arith.constant 32 : index
      %get3A_371 = tpu.vector_load %arg7[%get3A_370] {strides = array<i32>} : memref<2048xi32, #tpu.memory_space<vmem>>, vector<16xi32>,
      %add3A_372 = arith.addi %broadcast_in_dim3A_1, %get3A_371 : vector<16xi32>
      %get3A_373 = arith.constant 160 : index
      %get3A_374 = tpu.vector_load %arg7[%get3A_373] {strides = array<i32>} : memref<2048xi32, #tpu.memory_space<vmem>>, vector<16xi32>,
      %add3A_375 = arith.addi %add3A_372, %get3A_374 : vector<16xi32>
      %get3A_376 = arith.constant 288 : index
      %get3A_377 = tpu.vector_load %arg7[%get3A_376] {strides = array<i32>} : memref<2048xi32, #tpu.memory_space<vmem>>, vector<16xi32>,
      %add3A_378 = arith.addi %add3A_375, %get3A_377 : vector<16xi32>
      %get3A_379 = arith.constant 416 : index
      %get3A_380 = tpu.vector_load %arg7[%get3A_379] {strides = array<i32>} : memref<2048xi32, #tpu.memory_space<vmem>>, vector<16xi32>,
      %add3A_381 = arith.addi %add3A_378, %get3A_380 : vector<16xi32>
      %get3A_382 = arith.constant 544 : index
      %get3A_383 = tpu.vector_load %arg7[%get3A_382] {strides = array<i32>} : memref<2048xi32, #tpu.memory_space<vmem>>, vector<16xi32>,
      %add3A_384 = arith.addi %add3A_381, %get3A_383 : vector<16xi32>
      %get3A_385 = arith.constant 672 : index
      %get3A_386 = tpu.vector_load %arg7[%get3A_385] {strides = array<i32>} : memref<2048xi32, #tpu.memory_space<vmem>>, vector<16xi32>,
      %add3A_387 = arith.addi %add3A_384, %get3A_386 : vector<16xi32>
      %get3A_388 = arith.constant 800 : index
      %get3A_389 = tpu.vector_load %arg7[%get3A_388] {strides = array<i32>} : memref<2048xi32, #tpu.memory_space<vmem>>, vector<16xi32>,
      %add3A_390 = arith.addi %add3A_387, %get3A_389 : vector<16xi32>
      %get3A_391 = arith.constant 928 : index
      %get3A_392 = tpu.vector_load %arg7[%get3A_391] {strides = array<i32>} : memref<2048xi32, #tpu.memory_space<vmem>>, vector<16xi32>,
      %add3A_393 = arith.addi %add3A_390, %get3A_392 : vector<16xi32>
      %get3A_394 = arith.constant 1056 : index
      %get3A_395 = tpu.vector_load %arg7[%get3A_394] {strides = array<i32>} : memref<2048xi32, #tpu.memory_space<vmem>>, vector<16xi32>,
      %add3A_396 = arith.addi %add3A_393, %get3A_395 : vector<16xi32>
      %get3A_397 = arith.constant 1184 : index
      %get3A_398 = tpu.vector_load %arg7[%get3A_397] {strides = array<i32>} : memref<2048xi32, #tpu.memory_space<vmem>>, vector<16xi32>,
      %add3A_399 = arith.addi %add3A_396, %get3A_398 : vector<16xi32>
      %get3A_400 = arith.constant 1312 : index
      %get3A_401 = tpu.vector_load %arg7[%get3A_400] {strides = array<i32>} : memref<2048xi32, #tpu.memory_space<vmem>>, vector<16xi32>,
      %add3A_402 = arith.addi %add3A_399, %get3A_401 : vector<16xi32>
      %get3A_403 = arith.constant 1440 : index
      %get3A_404 = tpu.vector_load %arg7[%get3A_403] {strides = array<i32>} : memref<2048xi32, #tpu.memory_space<vmem>>, vector<16xi32>,
      %add3A_405 = arith.addi %add3A_402, %get3A_404 : vector<16xi32>
      %get3A_406 = arith.constant 1568 : index
      %get3A_407 = tpu.vector_load %arg7[%get3A_406] {strides = array<i32>} : memref<2048xi32, #tpu.memory_space<vmem>>, vector<16xi32>,
      %add3A_408 = arith.addi %add3A_405, %get3A_407 : vector<16xi32>
      %get3A_409 = arith.constant 1696 : index
      %get3A_410 = tpu.vector_load %arg7[%get3A_409] {strides = array<i32>} : memref<2048xi32, #tpu.memory_space<vmem>>, vector<16xi32>,
      %add3A_411 = arith.addi %add3A_408, %get3A_410 : vector<16xi32>
      %get3A_412 = arith.constant 1824 : index
      %get3A_413 = tpu.vector_load %arg7[%get3A_412] {strides = array<i32>} : memref<2048xi32, #tpu.memory_space<vmem>>, vector<16xi32>,
      %add3A_414 = arith.addi %add3A_411, %get3A_413 : vector<16xi32>
      %get3A_415 = arith.constant 1952 : index
      %get3A_416 = tpu.vector_load %arg7[%get3A_415] {strides = array<i32>} : memref<2048xi32, #tpu.memory_space<vmem>>, vector<16xi32>,
      %add3A_417 = arith.addi %add3A_414, %get3A_416 : vector<16xi32>
      %swap3A_418 = arith.constant 32 : index
      %swap3A_419 = tpu.vector_load %arg8[%swap3A_418] {strides = array<i32>} : memref<1024xi32, #tpu.memory_space<vmem>>, vector<16xi32>,
      tpu.vector_store %arg8[%swap3A_418], %add3A_417 {strides = array<i32>} : memref<1024xi32, #tpu.memory_space<vmem>>, vector<16xi32>,
      %get3A_420 = arith.constant 48 : index
      %get3A_421 = tpu.vector_load %arg7[%get3A_420] {strides = array<i32>} : memref<2048xi32, #tpu.memory_space<vmem>>, vector<16xi32>,
      %add3A_422 = arith.addi %broadcast_in_dim3A_1, %get3A_421 : vector<16xi32>
      %get3A_423 = arith.constant 176 : index
      %get3A_424 = tpu.vector_load %arg7[%get3A_423] {strides = array<i32>} : memref<2048xi32, #tpu.memory_space<vmem>>, vector<16xi32>,
      %add3A_425 = arith.addi %add3A_422, %get3A_424 : vector<16xi32>
      %get3A_426 = arith.constant 304 : index
      %get3A_427 = tpu.vector_load %arg7[%get3A_426] {strides = array<i32>} : memref<2048xi32, #tpu.memory_space<vmem>>, vector<16xi32>,
      %add3A_428 = arith.addi %add3A_425, %get3A_427 : vector<16xi32>
      %get3A_429 = arith.constant 432 : index
      %get3A_430 = tpu.vector_load %arg7[%get3A_429] {strides = array<i32>} : memref<2048xi32, #tpu.memory_space<vmem>>, vector<16xi32>,
      %add3A_431 = arith.addi %add3A_428, %get3A_430 : vector<16xi32>
      %get3A_432 = arith.constant 560 : index
      %get3A_433 = tpu.vector_load %arg7[%get3A_432] {strides = array<i32>} : memref<2048xi32, #tpu.memory_space<vmem>>, vector<16xi32>,
      %add3A_434 = arith.addi %add3A_431, %get3A_433 : vector<16xi32>
      %get3A_435 = arith.constant 688 : index
      %get3A_436 = tpu.vector_load %arg7[%get3A_435] {strides = array<i32>} : memref<2048xi32, #tpu.memory_space<vmem>>, vector<16xi32>,
      %add3A_437 = arith.addi %add3A_434, %get3A_436 : vector<16xi32>
      %get3A_438 = arith.constant 816 : index
      %get3A_439 = tpu.vector_load %arg7[%get3A_438] {strides = array<i32>} : memref<2048xi32, #tpu.memory_space<vmem>>, vector<16xi32>,
      %add3A_440 = arith.addi %add3A_437, %get3A_439 : vector<16xi32>
      %get3A_441 = arith.constant 944 : index
      %get3A_442 = tpu.vector_load %arg7[%get3A_441] {strides = array<i32>} : memref<2048xi32, #tpu.memory_space<vmem>>, vector<16xi32>,
      %add3A_443 = arith.addi %add3A_440, %get3A_442 : vector<16xi32>
      %get3A_444 = arith.constant 1072 : index
      %get3A_445 = tpu.vector_load %arg7[%get3A_444] {strides = array<i32>} : memref<2048xi32, #tpu.memory_space<vmem>>, vector<16xi32>,
      %add3A_446 = arith.addi %add3A_443, %get3A_445 : vector<16xi32>
      %get3A_447 = arith.constant 1200 : index
      %get3A_448 = tpu.vector_load %arg7[%get3A_447] {strides = array<i32>} : memref<2048xi32, #tpu.memory_space<vmem>>, vector<16xi32>,
      %add3A_449 = arith.addi %add3A_446, %get3A_448 : vector<16xi32>
      %get3A_450 = arith.constant 1328 : index
      %get3A_451 = tpu.vector_load %arg7[%get3A_450] {strides = array<i32>} : memref<2048xi32, #tpu.memory_space<vmem>>, vector<16xi32>,
      %add3A_452 = arith.addi %add3A_449, %get3A_451 : vector<16xi32>
      %get3A_453 = arith.constant 1456 : index
      %get3A_454 = tpu.vector_load %arg7[%get3A_453] {strides = array<i32>} : memref<2048xi32, #tpu.memory_space<vmem>>, vector<16xi32>,
      %add3A_455 = arith.addi %add3A_452, %get3A_454 : vector<16xi32>
      %get3A_456 = arith.constant 1584 : index
      %get3A_457 = tpu.vector_load %arg7[%get3A_456] {strides = array<i32>} : memref<2048xi32, #tpu.memory_space<vmem>>, vector<16xi32>,
      %add3A_458 = arith.addi %add3A_455, %get3A_457 : vector<16xi32>
      %get3A_459 = arith.constant 1712 : index
      %get3A_460 = tpu.vector_load %arg7[%get3A_459] {strides = array<i32>} : memref<2048xi32, #tpu.memory_space<vmem>>, vector<16xi32>,
      %add3A_461 = arith.addi %add3A_458, %get3A_460 : vector<16xi32>
      %get3A_462 = arith.constant 1840 : index
      %get3A_463 = tpu.vector_load %arg7[%get3A_462] {strides = array<i32>} : memref<2048xi32, #tpu.memory_space<vmem>>, vector<16xi32>,
      %add3A_464 = arith.addi %add3A_461, %get3A_463 : vector<16xi32>
      %get3A_465 = arith.constant 1968 : index
      %get3A_466 = tpu.vector_load %arg7[%get3A_465] {strides = array<i32>} : memref<2048xi32, #tpu.memory_space<vmem>>, vector<16xi32>,
      %add3A_467 = arith.addi %add3A_464, %get3A_466 : vector<16xi32>
      %swap3A_468 = arith.constant 48 : index
      %swap3A_469 = tpu.vector_load %arg8[%swap3A_468] {strides = array<i32>} : memref<1024xi32, #tpu.memory_space<vmem>>, vector<16xi32>,
      tpu.vector_store %arg8[%swap3A_468], %add3A_467 {strides = array<i32>} : memref<1024xi32, #tpu.memory_space<vmem>>, vector<16xi32>,
      %get3A_470 = arith.constant 64 : index
      %get3A_471 = tpu.vector_load %arg7[%get3A_470] {strides = array<i32>} : memref<2048xi32, #tpu.memory_space<vmem>>, vector<16xi32>,
      %add3A_472 = arith.addi %broadcast_in_dim3A_1, %get3A_471 : vector<16xi32>
      %get3A_473 = arith.constant 192 : index
      %get3A_474 = tpu.vector_load %arg7[%get3A_473] {strides = array<i32>} : memref<2048xi32, #tpu.memory_space<vmem>>, vector<16xi32>,
      %add3A_475 = arith.addi %add3A_472, %get3A_474 : vector<16xi32>
      %get3A_476 = arith.constant 320 : index
      %get3A_477 = tpu.vector_load %arg7[%get3A_476] {strides = array<i32>} : memref<2048xi32, #tpu.memory_space<vmem>>, vector<16xi32>,
      %add3A_478 = arith.addi %add3A_475, %get3A_477 : vector<16xi32>
      %get3A_479 = arith.constant 448 : index
      %get3A_480 = tpu.vector_load %arg7[%get3A_479] {strides = array<i32>} : memref<2048xi32, #tpu.memory_space<vmem>>, vector<16xi32>,
      %add3A_481 = arith.addi %add3A_478, %get3A_480 : vector<16xi32>
      %get3A_482 = arith.constant 576 : index
      %get3A_483 = tpu.vector_load %arg7[%get3A_482] {strides = array<i32>} : memref<2048xi32, #tpu.memory_space<vmem>>, vector<16xi32>,
      %add3A_484 = arith.addi %add3A_481, %get3A_483 : vector<16xi32>
      %get3A_485 = arith.constant 704 : index
      %get3A_486 = tpu.vector_load %arg7[%get3A_485] {strides = array<i32>} : memref<2048xi32, #tpu.memory_space<vmem>>, vector<16xi32>,
      %add3A_487 = arith.addi %add3A_484, %get3A_486 : vector<16xi32>
      %get3A_488 = arith.constant 832 : index
      %get3A_489 = tpu.vector_load %arg7[%get3A_488] {strides = array<i32>} : memref<2048xi32, #tpu.memory_space<vmem>>, vector<16xi32>,
      %add3A_490 = arith.addi %add3A_487, %get3A_489 : vector<16xi32>
      %get3A_491 = arith.constant 960 : index
      %get3A_492 = tpu.vector_load %arg7[%get3A_491] {strides = array<i32>} : memref<2048xi32, #tpu.memory_space<vmem>>, vector<16xi32>,
      %add3A_493 = arith.addi %add3A_490, %get3A_492 : vector<16xi32>
      %get3A_494 = arith.constant 1088 : index
      %get3A_495 = tpu.vector_load %arg7[%get3A_494] {strides = array<i32>} : memref<2048xi32, #tpu.memory_space<vmem>>, vector<16xi32>,
      %add3A_496 = arith.addi %add3A_493, %get3A_495 : vector<16xi32>
      %get3A_497 = arith.constant 1216 : index
      %get3A_498 = tpu.vector_load %arg7[%get3A_497] {strides = array<i32>} : memref<2048xi32, #tpu.memory_space<vmem>>, vector<16xi32>,
      %add3A_499 = arith.addi %add3A_496, %get3A_498 : vector<16xi32>
      %get3A_500 = arith.constant 1344 : index
      %get3A_501 = tpu.vector_load %arg7[%get3A_500] {strides = array<i32>} : memref<2048xi32, #tpu.memory_space<vmem>>, vector<16xi32>,
      %add3A_502 = arith.addi %add3A_499, %get3A_501 : vector<16xi32>
      %get3A_503 = arith.constant 1472 : index
      %get3A_504 = tpu.vector_load %arg7[%get3A_503] {strides = array<i32>} : memref<2048xi32, #tpu.memory_space<vmem>>, vector<16xi32>,
      %add3A_505 = arith.addi %add3A_502, %get3A_504 : vector<16xi32>
      %get3A_506 = arith.constant 1600 : index
      %get3A_507 = tpu.vector_load %arg7[%get3A_506] {strides = array<i32>} : memref<2048xi32, #tpu.memory_space<vmem>>, vector<16xi32>,
      %add3A_508 = arith.addi %add3A_505, %get3A_507 : vector<16xi32>
      %get3A_509 = arith.constant 1728 : index
      %get3A_510 = tpu.vector_load %arg7[%get3A_509] {strides = array<i32>} : memref<2048xi32, #tpu.memory_space<vmem>>, vector<16xi32>,
      %add3A_511 = arith.addi %add3A_508, %get3A_510 : vector<16xi32>
      %get3A_512 = arith.constant 1856 : index
      %get3A_513 = tpu.vector_load %arg7[%get3A_512] {strides = array<i32>} : memref<2048xi32, #tpu.memory_space<vmem>>, vector<16xi32>,
      %add3A_514 = arith.addi %add3A_511, %get3A_513 : vector<16xi32>
      %get3A_515 = arith.constant 1984 : index
      %get3A_516 = tpu.vector_load %arg7[%get3A_515] {strides = array<i32>} : memref<2048xi32, #tpu.memory_space<vmem>>, vector<16xi32>,
      %add3A_517 = arith.addi %add3A_514, %get3A_516 : vector<16xi32>
      %swap3A_518 = arith.constant 64 : index
      %swap3A_519 = tpu.vector_load %arg8[%swap3A_518] {strides = array<i32>} : memref<1024xi32, #tpu.memory_space<vmem>>, vector<16xi32>,
      tpu.vector_store %arg8[%swap3A_518], %add3A_517 {strides = array<i32>} : memref<1024xi32, #tpu.memory_space<vmem>>, vector<16xi32>,
      %get3A_520 = arith.constant 80 : index
      %get3A_521 = tpu.vector_load %arg7[%get3A_520] {strides = array<i32>} : memref<2048xi32, #tpu.memory_space<vmem>>, vector<16xi32>,
      %add3A_522 = arith.addi %broadcast_in_dim3A_1, %get3A_521 : vector<16xi32>
      %get3A_523 = arith.constant 208 : index
      %get3A_524 = tpu.vector_load %arg7[%get3A_523] {strides = array<i32>} : memref<2048xi32, #tpu.memory_space<vmem>>, vector<16xi32>,
      %add3A_525 = arith.addi %add3A_522, %get3A_524 : vector<16xi32>
      %get3A_526 = arith.constant 336 : index
      %get3A_527 = tpu.vector_load %arg7[%get3A_526] {strides = array<i32>} : memref<2048xi32, #tpu.memory_space<vmem>>, vector<16xi32>,
      %add3A_528 = arith.addi %add3A_525, %get3A_527 : vector<16xi32>
      %get3A_529 = arith.constant 464 : index
      %get3A_530 = tpu.vector_load %arg7[%get3A_529] {strides = array<i32>} : memref<2048xi32, #tpu.memory_space<vmem>>, vector<16xi32>,
      %add3A_531 = arith.addi %add3A_528, %get3A_530 : vector<16xi32>
      %get3A_532 = arith.constant 592 : index
      %get3A_533 = tpu.vector_load %arg7[%get3A_532] {strides = array<i32>} : memref<2048xi32, #tpu.memory_space<vmem>>, vector<16xi32>,
      %add3A_534 = arith.addi %add3A_531, %get3A_533 : vector<16xi32>
      %get3A_535 = arith.constant 720 : index
      %get3A_536 = tpu.vector_load %arg7[%get3A_535] {strides = array<i32>} : memref<2048xi32, #tpu.memory_space<vmem>>, vector<16xi32>,
      %add3A_537 = arith.addi %add3A_534, %get3A_536 : vector<16xi32>
      %get3A_538 = arith.constant 848 : index
      %get3A_539 = tpu.vector_load %arg7[%get3A_538] {strides = array<i32>} : memref<2048xi32, #tpu.memory_space<vmem>>, vector<16xi32>,
      %add3A_540 = arith.addi %add3A_537, %get3A_539 : vector<16xi32>
      %get3A_541 = arith.constant 976 : index
      %get3A_542 = tpu.vector_load %arg7[%get3A_541] {strides = array<i32>} : memref<2048xi32, #tpu.memory_space<vmem>>, vector<16xi32>,
      %add3A_543 = arith.addi %add3A_540, %get3A_542 : vector<16xi32>
      %get3A_544 = arith.constant 1104 : index
      %get3A_545 = tpu.vector_load %arg7[%get3A_544] {strides = array<i32>} : memref<2048xi32, #tpu.memory_space<vmem>>, vector<16xi32>,
      %add3A_546 = arith.addi %add3A_543, %get3A_545 : vector<16xi32>
      %get3A_547 = arith.constant 1232 : index
      %get3A_548 = tpu.vector_load %arg7[%get3A_547] {strides = array<i32>} : memref<2048xi32, #tpu.memory_space<vmem>>, vector<16xi32>,
      %add3A_549 = arith.addi %add3A_546, %get3A_548 : vector<16xi32>
      %get3A_550 = arith.constant 1360 : index
      %get3A_551 = tpu.vector_load %arg7[%get3A_550] {strides = array<i32>} : memref<2048xi32, #tpu.memory_space<vmem>>, vector<16xi32>,
      %add3A_552 = arith.addi %add3A_549, %get3A_551 : vector<16xi32>
      %get3A_553 = arith.constant 1488 : index
      %get3A_554 = tpu.vector_load %arg7[%get3A_553] {strides = array<i32>} : memref<2048xi32, #tpu.memory_space<vmem>>, vector<16xi32>,
      %add3A_555 = arith.addi %add3A_552, %get3A_554 : vector<16xi32>
      %get3A_556 = arith.constant 1616 : index
      %get3A_557 = tpu.vector_load %arg7[%get3A_556] {strides = array<i32>} : memref<2048xi32, #tpu.memory_space<vmem>>, vector<16xi32>,
      %add3A_558 = arith.addi %add3A_555, %get3A_557 : vector<16xi32>
      %get3A_559 = arith.constant 1744 : index
      %get3A_560 = tpu.vector_load %arg7[%get3A_559] {strides = array<i32>} : memref<2048xi32, #tpu.memory_space<vmem>>, vector<16xi32>,
      %add3A_561 = arith.addi %add3A_558, %get3A_560 : vector<16xi32>
      %get3A_562 = arith.constant 1872 : index
      %get3A_563 = tpu.vector_load %arg7[%get3A_562] {strides = array<i32>} : memref<2048xi32, #tpu.memory_space<vmem>>, vector<16xi32>,
      %add3A_564 = arith.addi %add3A_561, %get3A_563 : vector<16xi32>
      %get3A_565 = arith.constant 2000 : index
      %get3A_566 = tpu.vector_load %arg7[%get3A_565] {strides = array<i32>} : memref<2048xi32, #tpu.memory_space<vmem>>, vector<16xi32>,
      %add3A_567 = arith.addi %add3A_564, %get3A_566 : vector<16xi32>
      %swap3A_568 = arith.constant 80 : index
      %swap3A_569 = tpu.vector_load %arg8[%swap3A_568] {strides = array<i32>} : memref<1024xi32, #tpu.memory_space<vmem>>, vector<16xi32>,
      tpu.vector_store %arg8[%swap3A_568], %add3A_567 {strides = array<i32>} : memref<1024xi32, #tpu.memory_space<vmem>>, vector<16xi32>,
      %get3A_570 = arith.constant 96 : index
      %get3A_571 = tpu.vector_load %arg7[%get3A_570] {strides = array<i32>} : memref<2048xi32, #tpu.memory_space<vmem>>, vector<16xi32>,
      %add3A_572 = arith.addi %broadcast_in_dim3A_1, %get3A_571 : vector<16xi32>
      %get3A_573 = arith.constant 224 : index
      %get3A_574 = tpu.vector_load %arg7[%get3A_573] {strides = array<i32>} : memref<2048xi32, #tpu.memory_space<vmem>>, vector<16xi32>,
      %add3A_575 = arith.addi %add3A_572, %get3A_574 : vector<16xi32>
      %get3A_576 = arith.constant 352 : index
      %get3A_577 = tpu.vector_load %arg7[%get3A_576] {strides = array<i32>} : memref<2048xi32, #tpu.memory_space<vmem>>, vector<16xi32>,
      %add3A_578 = arith.addi %add3A_575, %get3A_577 : vector<16xi32>
      %get3A_579 = arith.constant 480 : index
      %get3A_580 = tpu.vector_load %arg7[%get3A_579] {strides = array<i32>} : memref<2048xi32, #tpu.memory_space<vmem>>, vector<16xi32>,
      %add3A_581 = arith.addi %add3A_578, %get3A_580 : vector<16xi32>
      %get3A_582 = arith.constant 608 : index
      %get3A_583 = tpu.vector_load %arg7[%get3A_582] {strides = array<i32>} : memref<2048xi32, #tpu.memory_space<vmem>>, vector<16xi32>,
      %add3A_584 = arith.addi %add3A_581, %get3A_583 : vector<16xi32>
      %get3A_585 = arith.constant 736 : index
      %get3A_586 = tpu.vector_load %arg7[%get3A_585] {strides = array<i32>} : memref<2048xi32, #tpu.memory_space<vmem>>, vector<16xi32>,
      %add3A_587 = arith.addi %add3A_584, %get3A_586 : vector<16xi32>
      %get3A_588 = arith.constant 864 : index
      %get3A_589 = tpu.vector_load %arg7[%get3A_588] {strides = array<i32>} : memref<2048xi32, #tpu.memory_space<vmem>>, vector<16xi32>,
      %add3A_590 = arith.addi %add3A_587, %get3A_589 : vector<16xi32>
      %get3A_591 = arith.constant 992 : index
      %get3A_592 = tpu.vector_load %arg7[%get3A_591] {strides = array<i32>} : memref<2048xi32, #tpu.memory_space<vmem>>, vector<16xi32>,
      %add3A_593 = arith.addi %add3A_590, %get3A_592 : vector<16xi32>
      %get3A_594 = arith.constant 1120 : index
      %get3A_595 = tpu.vector_load %arg7[%get3A_594] {strides = array<i32>} : memref<2048xi32, #tpu.memory_space<vmem>>, vector<16xi32>,
      %add3A_596 = arith.addi %add3A_593, %get3A_595 : vector<16xi32>
      %get3A_597 = arith.constant 1248 : index
      %get3A_598 = tpu.vector_load %arg7[%get3A_597] {strides = array<i32>} : memref<2048xi32, #tpu.memory_space<vmem>>, vector<16xi32>,
      %add3A_599 = arith.addi %add3A_596, %get3A_598 : vector<16xi32>
      %get3A_600 = arith.constant 1376 : index
      %get3A_601 = tpu.vector_load %arg7[%get3A_600] {strides = array<i32>} : memref<2048xi32, #tpu.memory_space<vmem>>, vector<16xi32>,
      %add3A_602 = arith.addi %add3A_599, %get3A_601 : vector<16xi32>
      %get3A_603 = arith.constant 1504 : index
      %get3A_604 = tpu.vector_load %arg7[%get3A_603] {strides = array<i32>} : memref<2048xi32, #tpu.memory_space<vmem>>, vector<16xi32>,
      %add3A_605 = arith.addi %add3A_602, %get3A_604 : vector<16xi32>
      %get3A_606 = arith.constant 1632 : index
      %get3A_607 = tpu.vector_load %arg7[%get3A_606] {strides = array<i32>} : memref<2048xi32, #tpu.memory_space<vmem>>, vector<16xi32>,
      %add3A_608 = arith.addi %add3A_605, %get3A_607 : vector<16xi32>
      %get3A_609 = arith.constant 1760 : index
      %get3A_610 = tpu.vector_load %arg7[%get3A_609] {strides = array<i32>} : memref<2048xi32, #tpu.memory_space<vmem>>, vector<16xi32>,
      %add3A_611 = arith.addi %add3A_608, %get3A_610 : vector<16xi32>
      %get3A_612 = arith.constant 1888 : index
      %get3A_613 = tpu.vector_load %arg7[%get3A_612] {strides = array<i32>} : memref<2048xi32, #tpu.memory_space<vmem>>, vector<16xi32>,
      %add3A_614 = arith.addi %add3A_611, %get3A_613 : vector<16xi32>
      %get3A_615 = arith.constant 2016 : index
      %get3A_616 = tpu.vector_load %arg7[%get3A_615] {strides = array<i32>} : memref<2048xi32, #tpu.memory_space<vmem>>, vector<16xi32>,
      %add3A_617 = arith.addi %add3A_614, %get3A_616 : vector<16xi32>
      %swap3A_618 = arith.constant 96 : index
      %swap3A_619 = tpu.vector_load %arg8[%swap3A_618] {strides = array<i32>} : memref<1024xi32, #tpu.memory_space<vmem>>, vector<16xi32>,
      tpu.vector_store %arg8[%swap3A_618], %add3A_617 {strides = array<i32>} : memref<1024xi32, #tpu.memory_space<vmem>>, vector<16xi32>,
      %get3A_620 = arith.constant 112 : index
      %get3A_621 = tpu.vector_load %arg7[%get3A_620] {strides = array<i32>} : memref<2048xi32, #tpu.memory_space<vmem>>, vector<16xi32>,
      %add3A_622 = arith.addi %broadcast_in_dim3A_1, %get3A_621 : vector<16xi32>
      %get3A_623 = arith.constant 240 : index
      %get3A_624 = tpu.vector_load %arg7[%get3A_623] {strides = array<i32>} : memref<2048xi32, #tpu.memory_space<vmem>>, vector<16xi32>,
      %add3A_625 = arith.addi %add3A_622, %get3A_624 : vector<16xi32>
      %get3A_626 = arith.constant 368 : index
      %get3A_627 = tpu.vector_load %arg7[%get3A_626] {strides = array<i32>} : memref<2048xi32, #tpu.memory_space<vmem>>, vector<16xi32>,
      %add3A_628 = arith.addi %add3A_625, %get3A_627 : vector<16xi32>
      %get3A_629 = arith.constant 496 : index
      %get3A_630 = tpu.vector_load %arg7[%get3A_629] {strides = array<i32>} : memref<2048xi32, #tpu.memory_space<vmem>>, vector<16xi32>,
      %add3A_631 = arith.addi %add3A_628, %get3A_630 : vector<16xi32>
      %get3A_632 = arith.constant 624 : index
      %get3A_633 = tpu.vector_load %arg7[%get3A_632] {strides = array<i32>} : memref<2048xi32, #tpu.memory_space<vmem>>, vector<16xi32>,
      %add3A_634 = arith.addi %add3A_631, %get3A_633 : vector<16xi32>
      %get3A_635 = arith.constant 752 : index
      %get3A_636 = tpu.vector_load %arg7[%get3A_635] {strides = array<i32>} : memref<2048xi32, #tpu.memory_space<vmem>>, vector<16xi32>,
      %add3A_637 = arith.addi %add3A_634, %get3A_636 : vector<16xi32>
      %get3A_638 = arith.constant 880 : index
      %get3A_639 = tpu.vector_load %arg7[%get3A_638] {strides = array<i32>} : memref<2048xi32, #tpu.memory_space<vmem>>, vector<16xi32>,
      %add3A_640 = arith.addi %add3A_637, %get3A_639 : vector<16xi32>
      %get3A_641 = arith.constant 1008 : index
      %get3A_642 = tpu.vector_load %arg7[%get3A_641] {strides = array<i32>} : memref<2048xi32, #tpu.memory_space<vmem>>, vector<16xi32>,
      %add3A_643 = arith.addi %add3A_640, %get3A_642 : vector<16xi32>
      %get3A_644 = arith.constant 1136 : index
      %get3A_645 = tpu.vector_load %arg7[%get3A_644] {strides = array<i32>} : memref<2048xi32, #tpu.memory_space<vmem>>, vector<16xi32>,
      %add3A_646 = arith.addi %add3A_643, %get3A_645 : vector<16xi32>
      %get3A_647 = arith.constant 1264 : index
      %get3A_648 = tpu.vector_load %arg7[%get3A_647] {strides = array<i32>} : memref<2048xi32, #tpu.memory_space<vmem>>, vector<16xi32>,
      %add3A_649 = arith.addi %add3A_646, %get3A_648 : vector<16xi32>
      %get3A_650 = arith.constant 1392 : index
      %get3A_651 = tpu.vector_load %arg7[%get3A_650] {strides = array<i32>} : memref<2048xi32, #tpu.memory_space<vmem>>, vector<16xi32>,
      %add3A_652 = arith.addi %add3A_649, %get3A_651 : vector<16xi32>
      %get3A_653 = arith.constant 1520 : index
      %get3A_654 = tpu.vector_load %arg7[%get3A_653] {strides = array<i32>} : memref<2048xi32, #tpu.memory_space<vmem>>, vector<16xi32>,
      %add3A_655 = arith.addi %add3A_652, %get3A_654 : vector<16xi32>
      %get3A_656 = arith.constant 1648 : index
      %get3A_657 = tpu.vector_load %arg7[%get3A_656] {strides = array<i32>} : memref<2048xi32, #tpu.memory_space<vmem>>, vector<16xi32>,
      %add3A_658 = arith.addi %add3A_655, %get3A_657 : vector<16xi32>
      %get3A_659 = arith.constant 1776 : index
      %get3A_660 = tpu.vector_load %arg7[%get3A_659] {strides = array<i32>} : memref<2048xi32, #tpu.memory_space<vmem>>, vector<16xi32>,
      %add3A_661 = arith.addi %add3A_658, %get3A_660 : vector<16xi32>
      %get3A_662 = arith.constant 1904 : index
      %get3A_663 = tpu.vector_load %arg7[%get3A_662] {strides = array<i32>} : memref<2048xi32, #tpu.memory_space<vmem>>, vector<16xi32>,
      %add3A_664 = arith.addi %add3A_661, %get3A_663 : vector<16xi32>
      %get3A_665 = arith.constant 2032 : index
      %get3A_666 = tpu.vector_load %arg7[%get3A_665] {strides = array<i32>} : memref<2048xi32, #tpu.memory_space<vmem>>, vector<16xi32>,
      %add3A_667 = arith.addi %add3A_664, %get3A_666 : vector<16xi32>
      %swap3A_668 = arith.constant 112 : index
      %swap3A_669 = tpu.vector_load %arg8[%swap3A_668] {strides = array<i32>} : memref<1024xi32, #tpu.memory_space<vmem>>, vector<16xi32>,
      tpu.vector_store %arg8[%swap3A_668], %add3A_667 {strides = array<i32>} : memref<1024xi32, #tpu.memory_space<vmem>>, vector<16xi32>,
      %mul3A_670 = arith.constant 128 : i32
      %mul3A_671 = arith.muli %arg1, %mul3A_670 : i32
      "tpu.region"() ({
        %run_scoped3A = tpu.sem_alloc : memref<!tpu.dma_semaphore, #tpu.memory_space<semaphore_mem>>
        %dma_start3A_672 = arith.constant 0 : i32
        %dma_start3A_673 = tpu.memref_slice %arg8[%dma_start3A_672] : memref<1024xi32, #tpu.memory_space<vmem>> -> memref<128xi32, #tpu.memory_space<vmem>>
        %dma_start3A_674 = tpu.memref_slice %arg12[%mul3A_671] : memref<1024xi32, #tpu.memory_space<vmem_shared>> -> memref<128xi32, #tpu.memory_space<vmem_shared>>
        %dma_start3A_675 = tpu.memref_slice %arg12[%mul3A_671] : memref<1024xi32, #tpu.memory_space<vmem_shared>> -> memref<128xi32, #tpu.memory_space<vmem_shared>>
        %dma_start3A_676 = arith.constant 0 : i32
        %dma_start3A_677 = tpu.memref_slice %arg8[%dma_start3A_676] : memref<1024xi32, #tpu.memory_space<vmem>> -> memref<128xi32, #tpu.memory_space<vmem>>
        tpu.enqueue_dma source(%dma_start3A_677 : memref<128xi32, #tpu.memory_space<vmem>>) target(%dma_start3A_675 : memref<128xi32, #tpu.memory_space<vmem_shared>>) target_semaphore(%run_scoped3A : memref<!tpu.dma_semaphore, #tpu.memory_space<semaphore_mem>>)
        %dma_wait3A_678 = arith.constant 0 : i32
        %dma_wait3A_679 = tpu.memref_slice %arg8[%dma_wait3A_678] : memref<1024xi32, #tpu.memory_space<vmem>> -> memref<128xi32, #tpu.memory_space<vmem>>
        %dma_wait3A_680 = tpu.memref_slice %arg12[%mul3A_671] : memref<1024xi32, #tpu.memory_space<vmem_shared>> -> memref<128xi32, #tpu.memory_space<vmem_shared>>
        %dma_wait3A_681 = tpu.memref_slice %arg12[%mul3A_671] : memref<1024xi32, #tpu.memory_space<vmem_shared>> -> memref<128xi32, #tpu.memory_space<vmem_shared>>
        %dma_wait3A_682 = arith.constant 0 : i32
        %dma_wait3A_683 = tpu.memref_slice %arg8[%dma_wait3A_682] : memref<1024xi32, #tpu.memory_space<vmem>> -> memref<128xi32, #tpu.memory_space<vmem>>
        tpu.wait_dma2 semaphore(%run_scoped3A : memref<!tpu.dma_semaphore, #tpu.memory_space<semaphore_mem>>) src(%dma_wait3A_683 : memref<128xi32, #tpu.memory_space<vmem>>) dst(%dma_wait3A_681 : memref<128xi32, #tpu.memory_space<vmem_shared>>)
        tpu.yield
      }) : () -> ()
    } else {
    }
    %barrier3A_13 = arith.constant 0 : index
    tpu.barrier barrier_id(%barrier3A_13)
    %lt3A_14 = arith.constant 5 : i32
    %lt3A_15 = arith.cmpi slt, %arg1, %lt3A_14 : i32
    %and3A_16 = arith.andi %eq3A_0, %lt3A_15 : i1
    %convert_element_type3A_17 = arith.extui %and3A_16 : i1 to i32
    %cond3A_18 = arith.constant 0 : i32
    %cond3A_19 = arith.cmpi ne, %convert_element_type3A_17, %cond3A_18 : i32
    scf.if %cond3A_19 {
      "tpu.region"() ({
        %run_scoped3A = tpu.sem_alloc : memref<!tpu.dma_semaphore, #tpu.memory_space<semaphore_mem>>
        tpu.enqueue_dma source(%arg12 : memref<1024xi32, #tpu.memory_space<vmem_shared>>) target(%arg8 : memref<1024xi32, #tpu.memory_space<vmem>>) target_semaphore(%run_scoped3A : memref<!tpu.dma_semaphore, #tpu.memory_space<semaphore_mem>>)
        tpu.wait_dma2 semaphore(%run_scoped3A : memref<!tpu.dma_semaphore, #tpu.memory_space<semaphore_mem>>) src(%arg12 : memref<1024xi32, #tpu.memory_space<vmem_shared>>) dst(%arg8 : memref<1024xi32, #tpu.memory_space<vmem>>)
        tpu.yield
      }) : () -> ()
      %dma_wait3A = arith.constant 0 : i32
      %dma_wait3A_20 = tpu.memref_slice %arg3[%dma_wait3A] : memref<102400xf32, #tpu.memory_space<hbm>> -> memref<20480xf32, #tpu.memory_space<hbm>>
      %dma_wait3A_21 = arith.constant 0 : i32
      %dma_wait3A_22 = tpu.memref_slice %arg3[%dma_wait3A_21] : memref<102400xf32, #tpu.memory_space<hbm>> -> memref<20480xf32, #tpu.memory_space<hbm>>
      tpu.wait_dma2 semaphore(%arg14 : memref<!tpu.dma_semaphore, #tpu.memory_space<semaphore_mem>>) src(%dma_wait3A_22 : memref<20480xf32, #tpu.memory_space<hbm>>) dst(%arg9 : memref<20480xf32, #tpu.memory_space<vmem>>)
      %get3A = arith.constant 0 : index
      %get3A_23 = tpu.vector_load %arg8[%get3A] {strides = array<i32>} : memref<1024xi32, #tpu.memory_space<vmem>>, vector<16xi32>,
      %gather3A = tpu.vector_load_idx %arg9[%get3A_23] : memref<20480xf32, #tpu.memory_space<vmem>>[vector<16xi32>], vector<16xf32>,
      %swap3A = arith.constant 0 : i32
      %swap3A_24 = arith.constant 0 : i32
      %swap3A_25 = arith.index_cast %swap3A : i32 to index
      %swap3A_26 = arith.index_cast %swap3A_24 : i32 to index
      %swap3A_27 = arith.constant 0 : index
      %swap3A_28 = tpu.vector_load %arg10[%swap3A_25, %swap3A_26, %swap3A_27] {strides = array<i32>} : memref<1x8x128xf32, #tpu.memory_space<vmem>>, vector<16xf32>,
      tpu.vector_store %arg10[%swap3A_25, %swap3A_26, %swap3A_27], %gather3A {strides = array<i32>} : memref<1x8x128xf32, #tpu.memory_space<vmem>>, vector<16xf32>,
      %get3A_29 = arith.constant 16 : index
      %get3A_30 = tpu.vector_load %arg8[%get3A_29] {strides = array<i32>} : memref<1024xi32, #tpu.memory_space<vmem>>, vector<16xi32>,
      %gather3A_31 = tpu.vector_load_idx %arg9[%get3A_30] : memref<20480xf32, #tpu.memory_space<vmem>>[vector<16xi32>], vector<16xf32>,
      %swap3A_32 = arith.constant 0 : i32
      %swap3A_33 = arith.constant 0 : i32
      %swap3A_34 = arith.index_cast %swap3A_32 : i32 to index
      %swap3A_35 = arith.index_cast %swap3A_33 : i32 to index
      %swap3A_36 = arith.constant 16 : index
      %swap3A_37 = tpu.vector_load %arg10[%swap3A_34, %swap3A_35, %swap3A_36] {strides = array<i32>} : memref<1x8x128xf32, #tpu.memory_space<vmem>>, vector<16xf32>,
      tpu.vector_store %arg10[%swap3A_34, %swap3A_35, %swap3A_36], %gather3A_31 {strides = array<i32>} : memref<1x8x128xf32, #tpu.memory_space<vmem>>, vector<16xf32>,
      %get3A_38 = arith.constant 32 : index
      %get3A_39 = tpu.vector_load %arg8[%get3A_38] {strides = array<i32>} : memref<1024xi32, #tpu.memory_space<vmem>>, vector<16xi32>,
      %gather3A_40 = tpu.vector_load_idx %arg9[%get3A_39] : memref<20480xf32, #tpu.memory_space<vmem>>[vector<16xi32>], vector<16xf32>,
      %swap3A_41 = arith.constant 0 : i32
      %swap3A_42 = arith.constant 0 : i32
      %swap3A_43 = arith.index_cast %swap3A_41 : i32 to index
      %swap3A_44 = arith.index_cast %swap3A_42 : i32 to index
      %swap3A_45 = arith.constant 32 : index
      %swap3A_46 = tpu.vector_load %arg10[%swap3A_43, %swap3A_44, %swap3A_45] {strides = array<i32>} : memref<1x8x128xf32, #tpu.memory_space<vmem>>, vector<16xf32>,
      tpu.vector_store %arg10[%swap3A_43, %swap3A_44, %swap3A_45], %gather3A_40 {strides = array<i32>} : memref<1x8x128xf32, #tpu.memory_space<vmem>>, vector<16xf32>,
      %get3A_47 = arith.constant 48 : index
      %get3A_48 = tpu.vector_load %arg8[%get3A_47] {strides = array<i32>} : memref<1024xi32, #tpu.memory_space<vmem>>, vector<16xi32>,
      %gather3A_49 = tpu.vector_load_idx %arg9[%get3A_48] : memref<20480xf32, #tpu.memory_space<vmem>>[vector<16xi32>], vector<16xf32>,
      %swap3A_50 = arith.constant 0 : i32
      %swap3A_51 = arith.constant 0 : i32
      %swap3A_52 = arith.index_cast %swap3A_50 : i32 to index
      %swap3A_53 = arith.index_cast %swap3A_51 : i32 to index
      %swap3A_54 = arith.constant 48 : index
      %swap3A_55 = tpu.vector_load %arg10[%swap3A_52, %swap3A_53, %swap3A_54] {strides = array<i32>} : memref<1x8x128xf32, #tpu.memory_space<vmem>>, vector<16xf32>,
      tpu.vector_store %arg10[%swap3A_52, %swap3A_53, %swap3A_54], %gather3A_49 {strides = array<i32>} : memref<1x8x128xf32, #tpu.memory_space<vmem>>, vector<16xf32>,
      %get3A_56 = arith.constant 64 : index
      %get3A_57 = tpu.vector_load %arg8[%get3A_56] {strides = array<i32>} : memref<1024xi32, #tpu.memory_space<vmem>>, vector<16xi32>,
      %gather3A_58 = tpu.vector_load_idx %arg9[%get3A_57] : memref<20480xf32, #tpu.memory_space<vmem>>[vector<16xi32>], vector<16xf32>,
      %swap3A_59 = arith.constant 0 : i32
      %swap3A_60 = arith.constant 0 : i32
      %swap3A_61 = arith.index_cast %swap3A_59 : i32 to index
      %swap3A_62 = arith.index_cast %swap3A_60 : i32 to index
      %swap3A_63 = arith.constant 64 : index
      %swap3A_64 = tpu.vector_load %arg10[%swap3A_61, %swap3A_62, %swap3A_63] {strides = array<i32>} : memref<1x8x128xf32, #tpu.memory_space<vmem>>, vector<16xf32>,
      tpu.vector_store %arg10[%swap3A_61, %swap3A_62, %swap3A_63], %gather3A_58 {strides = array<i32>} : memref<1x8x128xf32, #tpu.memory_space<vmem>>, vector<16xf32>,
      %get3A_65 = arith.constant 80 : index
      %get3A_66 = tpu.vector_load %arg8[%get3A_65] {strides = array<i32>} : memref<1024xi32, #tpu.memory_space<vmem>>, vector<16xi32>,
      %gather3A_67 = tpu.vector_load_idx %arg9[%get3A_66] : memref<20480xf32, #tpu.memory_space<vmem>>[vector<16xi32>], vector<16xf32>,
      %swap3A_68 = arith.constant 0 : i32
      %swap3A_69 = arith.constant 0 : i32
      %swap3A_70 = arith.index_cast %swap3A_68 : i32 to index
      %swap3A_71 = arith.index_cast %swap3A_69 : i32 to index
      %swap3A_72 = arith.constant 80 : index
      %swap3A_73 = tpu.vector_load %arg10[%swap3A_70, %swap3A_71, %swap3A_72] {strides = array<i32>} : memref<1x8x128xf32, #tpu.memory_space<vmem>>, vector<16xf32>,
      tpu.vector_store %arg10[%swap3A_70, %swap3A_71, %swap3A_72], %gather3A_67 {strides = array<i32>} : memref<1x8x128xf32, #tpu.memory_space<vmem>>, vector<16xf32>,
      %get3A_74 = arith.constant 96 : index
      %get3A_75 = tpu.vector_load %arg8[%get3A_74] {strides = array<i32>} : memref<1024xi32, #tpu.memory_space<vmem>>, vector<16xi32>,
      %gather3A_76 = tpu.vector_load_idx %arg9[%get3A_75] : memref<20480xf32, #tpu.memory_space<vmem>>[vector<16xi32>], vector<16xf32>,
      %swap3A_77 = arith.constant 0 : i32
      %swap3A_78 = arith.constant 0 : i32
      %swap3A_79 = arith.index_cast %swap3A_77 : i32 to index
      %swap3A_80 = arith.index_cast %swap3A_78 : i32 to index
      %swap3A_81 = arith.constant 96 : index
      %swap3A_82 = tpu.vector_load %arg10[%swap3A_79, %swap3A_80, %swap3A_81] {strides = array<i32>} : memref<1x8x128xf32, #tpu.memory_space<vmem>>, vector<16xf32>,
      tpu.vector_store %arg10[%swap3A_79, %swap3A_80, %swap3A_81], %gather3A_76 {strides = array<i32>} : memref<1x8x128xf32, #tpu.memory_space<vmem>>, vector<16xf32>,
      %get3A_83 = arith.constant 112 : index
      %get3A_84 = tpu.vector_load %arg8[%get3A_83] {strides = array<i32>} : memref<1024xi32, #tpu.memory_space<vmem>>, vector<16xi32>,
      %gather3A_85 = tpu.vector_load_idx %arg9[%get3A_84] : memref<20480xf32, #tpu.memory_space<vmem>>[vector<16xi32>], vector<16xf32>,
      %swap3A_86 = arith.constant 0 : i32
      %swap3A_87 = arith.constant 0 : i32
      %swap3A_88 = arith.index_cast %swap3A_86 : i32 to index
      %swap3A_89 = arith.index_cast %swap3A_87 : i32 to index
      %swap3A_90 = arith.constant 112 : index
      %swap3A_91 = tpu.vector_load %arg10[%swap3A_88, %swap3A_89, %swap3A_90] {strides = array<i32>} : memref<1x8x128xf32, #tpu.memory_space<vmem>>, vector<16xf32>,
      tpu.vector_store %arg10[%swap3A_88, %swap3A_89, %swap3A_90], %gather3A_85 {strides = array<i32>} : memref<1x8x128xf32, #tpu.memory_space<vmem>>, vector<16xf32>,
      %get3A_92 = arith.constant 128 : index
      %get3A_93 = tpu.vector_load %arg8[%get3A_92] {strides = array<i32>} : memref<1024xi32, #tpu.memory_space<vmem>>, vector<16xi32>,
      %gather3A_94 = tpu.vector_load_idx %arg9[%get3A_93] : memref<20480xf32, #tpu.memory_space<vmem>>[vector<16xi32>], vector<16xf32>,
      %swap3A_95 = arith.constant 0 : i32
      %swap3A_96 = arith.constant 1 : i32
      %swap3A_97 = arith.index_cast %swap3A_95 : i32 to index
      %swap3A_98 = arith.index_cast %swap3A_96 : i32 to index
      %swap3A_99 = arith.constant 0 : index
      %swap3A_100 = tpu.vector_load %arg10[%swap3A_97, %swap3A_98, %swap3A_99] {strides = array<i32>} : memref<1x8x128xf32, #tpu.memory_space<vmem>>, vector<16xf32>,
      tpu.vector_store %arg10[%swap3A_97, %swap3A_98, %swap3A_99], %gather3A_94 {strides = array<i32>} : memref<1x8x128xf32, #tpu.memory_space<vmem>>, vector<16xf32>,
      %get3A_101 = arith.constant 144 : index
      %get3A_102 = tpu.vector_load %arg8[%get3A_101] {strides = array<i32>} : memref<1024xi32, #tpu.memory_space<vmem>>, vector<16xi32>,
      %gather3A_103 = tpu.vector_load_idx %arg9[%get3A_102] : memref<20480xf32, #tpu.memory_space<vmem>>[vector<16xi32>], vector<16xf32>,
      %swap3A_104 = arith.constant 0 : i32
      %swap3A_105 = arith.constant 1 : i32
      %swap3A_106 = arith.index_cast %swap3A_104 : i32 to index
      %swap3A_107 = arith.index_cast %swap3A_105 : i32 to index
      %swap3A_108 = arith.constant 16 : index
      %swap3A_109 = tpu.vector_load %arg10[%swap3A_106, %swap3A_107, %swap3A_108] {strides = array<i32>} : memref<1x8x128xf32, #tpu.memory_space<vmem>>, vector<16xf32>,
      tpu.vector_store %arg10[%swap3A_106, %swap3A_107, %swap3A_108], %gather3A_103 {strides = array<i32>} : memref<1x8x128xf32, #tpu.memory_space<vmem>>, vector<16xf32>,
      %get3A_110 = arith.constant 160 : index
      %get3A_111 = tpu.vector_load %arg8[%get3A_110] {strides = array<i32>} : memref<1024xi32, #tpu.memory_space<vmem>>, vector<16xi32>,
      %gather3A_112 = tpu.vector_load_idx %arg9[%get3A_111] : memref<20480xf32, #tpu.memory_space<vmem>>[vector<16xi32>], vector<16xf32>,
      %swap3A_113 = arith.constant 0 : i32
      %swap3A_114 = arith.constant 1 : i32
      %swap3A_115 = arith.index_cast %swap3A_113 : i32 to index
      %swap3A_116 = arith.index_cast %swap3A_114 : i32 to index
      %swap3A_117 = arith.constant 32 : index
      %swap3A_118 = tpu.vector_load %arg10[%swap3A_115, %swap3A_116, %swap3A_117] {strides = array<i32>} : memref<1x8x128xf32, #tpu.memory_space<vmem>>, vector<16xf32>,
      tpu.vector_store %arg10[%swap3A_115, %swap3A_116, %swap3A_117], %gather3A_112 {strides = array<i32>} : memref<1x8x128xf32, #tpu.memory_space<vmem>>, vector<16xf32>,
      %get3A_119 = arith.constant 176 : index
      %get3A_120 = tpu.vector_load %arg8[%get3A_119] {strides = array<i32>} : memref<1024xi32, #tpu.memory_space<vmem>>, vector<16xi32>,
      %gather3A_121 = tpu.vector_load_idx %arg9[%get3A_120] : memref<20480xf32, #tpu.memory_space<vmem>>[vector<16xi32>], vector<16xf32>,
      %swap3A_122 = arith.constant 0 : i32
      %swap3A_123 = arith.constant 1 : i32
      %swap3A_124 = arith.index_cast %swap3A_122 : i32 to index
      %swap3A_125 = arith.index_cast %swap3A_123 : i32 to index
      %swap3A_126 = arith.constant 48 : index
      %swap3A_127 = tpu.vector_load %arg10[%swap3A_124, %swap3A_125, %swap3A_126] {strides = array<i32>} : memref<1x8x128xf32, #tpu.memory_space<vmem>>, vector<16xf32>,
      tpu.vector_store %arg10[%swap3A_124, %swap3A_125, %swap3A_126], %gather3A_121 {strides = array<i32>} : memref<1x8x128xf32, #tpu.memory_space<vmem>>, vector<16xf32>,
      %get3A_128 = arith.constant 192 : index
      %get3A_129 = tpu.vector_load %arg8[%get3A_128] {strides = array<i32>} : memref<1024xi32, #tpu.memory_space<vmem>>, vector<16xi32>,
      %gather3A_130 = tpu.vector_load_idx %arg9[%get3A_129] : memref<20480xf32, #tpu.memory_space<vmem>>[vector<16xi32>], vector<16xf32>,
      %swap3A_131 = arith.constant 0 : i32
      %swap3A_132 = arith.constant 1 : i32
      %swap3A_133 = arith.index_cast %swap3A_131 : i32 to index
      %swap3A_134 = arith.index_cast %swap3A_132 : i32 to index
      %swap3A_135 = arith.constant 64 : index
      %swap3A_136 = tpu.vector_load %arg10[%swap3A_133, %swap3A_134, %swap3A_135] {strides = array<i32>} : memref<1x8x128xf32, #tpu.memory_space<vmem>>, vector<16xf32>,
      tpu.vector_store %arg10[%swap3A_133, %swap3A_134, %swap3A_135], %gather3A_130 {strides = array<i32>} : memref<1x8x128xf32, #tpu.memory_space<vmem>>, vector<16xf32>,
      %get3A_137 = arith.constant 208 : index
      %get3A_138 = tpu.vector_load %arg8[%get3A_137] {strides = array<i32>} : memref<1024xi32, #tpu.memory_space<vmem>>, vector<16xi32>,
      %gather3A_139 = tpu.vector_load_idx %arg9[%get3A_138] : memref<20480xf32, #tpu.memory_space<vmem>>[vector<16xi32>], vector<16xf32>,
      %swap3A_140 = arith.constant 0 : i32
      %swap3A_141 = arith.constant 1 : i32
      %swap3A_142 = arith.index_cast %swap3A_140 : i32 to index
      %swap3A_143 = arith.index_cast %swap3A_141 : i32 to index
      %swap3A_144 = arith.constant 80 : index
      %swap3A_145 = tpu.vector_load %arg10[%swap3A_142, %swap3A_143, %swap3A_144] {strides = array<i32>} : memref<1x8x128xf32, #tpu.memory_space<vmem>>, vector<16xf32>,
      tpu.vector_store %arg10[%swap3A_142, %swap3A_143, %swap3A_144], %gather3A_139 {strides = array<i32>} : memref<1x8x128xf32, #tpu.memory_space<vmem>>, vector<16xf32>,
      %get3A_146 = arith.constant 224 : index
      %get3A_147 = tpu.vector_load %arg8[%get3A_146] {strides = array<i32>} : memref<1024xi32, #tpu.memory_space<vmem>>, vector<16xi32>,
      %gather3A_148 = tpu.vector_load_idx %arg9[%get3A_147] : memref<20480xf32, #tpu.memory_space<vmem>>[vector<16xi32>], vector<16xf32>,
      %swap3A_149 = arith.constant 0 : i32
      %swap3A_150 = arith.constant 1 : i32
      %swap3A_151 = arith.index_cast %swap3A_149 : i32 to index
      %swap3A_152 = arith.index_cast %swap3A_150 : i32 to index
      %swap3A_153 = arith.constant 96 : index
      %swap3A_154 = tpu.vector_load %arg10[%swap3A_151, %swap3A_152, %swap3A_153] {strides = array<i32>} : memref<1x8x128xf32, #tpu.memory_space<vmem>>, vector<16xf32>,
      tpu.vector_store %arg10[%swap3A_151, %swap3A_152, %swap3A_153], %gather3A_148 {strides = array<i32>} : memref<1x8x128xf32, #tpu.memory_space<vmem>>, vector<16xf32>,
      %get3A_155 = arith.constant 240 : index
      %get3A_156 = tpu.vector_load %arg8[%get3A_155] {strides = array<i32>} : memref<1024xi32, #tpu.memory_space<vmem>>, vector<16xi32>,
      %gather3A_157 = tpu.vector_load_idx %arg9[%get3A_156] : memref<20480xf32, #tpu.memory_space<vmem>>[vector<16xi32>], vector<16xf32>,
      %swap3A_158 = arith.constant 0 : i32
      %swap3A_159 = arith.constant 1 : i32
      %swap3A_160 = arith.index_cast %swap3A_158 : i32 to index
      %swap3A_161 = arith.index_cast %swap3A_159 : i32 to index
      %swap3A_162 = arith.constant 112 : index
      %swap3A_163 = tpu.vector_load %arg10[%swap3A_160, %swap3A_161, %swap3A_162] {strides = array<i32>} : memref<1x8x128xf32, #tpu.memory_space<vmem>>, vector<16xf32>,
      tpu.vector_store %arg10[%swap3A_160, %swap3A_161, %swap3A_162], %gather3A_157 {strides = array<i32>} : memref<1x8x128xf32, #tpu.memory_space<vmem>>, vector<16xf32>,
      %get3A_164 = arith.constant 256 : index
      %get3A_165 = tpu.vector_load %arg8[%get3A_164] {strides = array<i32>} : memref<1024xi32, #tpu.memory_space<vmem>>, vector<16xi32>,
      %gather3A_166 = tpu.vector_load_idx %arg9[%get3A_165] : memref<20480xf32, #tpu.memory_space<vmem>>[vector<16xi32>], vector<16xf32>,
      %swap3A_167 = arith.constant 0 : i32
      %swap3A_168 = arith.constant 2 : i32
      %swap3A_169 = arith.index_cast %swap3A_167 : i32 to index
      %swap3A_170 = arith.index_cast %swap3A_168 : i32 to index
      %swap3A_171 = arith.constant 0 : index
      %swap3A_172 = tpu.vector_load %arg10[%swap3A_169, %swap3A_170, %swap3A_171] {strides = array<i32>} : memref<1x8x128xf32, #tpu.memory_space<vmem>>, vector<16xf32>,
      tpu.vector_store %arg10[%swap3A_169, %swap3A_170, %swap3A_171], %gather3A_166 {strides = array<i32>} : memref<1x8x128xf32, #tpu.memory_space<vmem>>, vector<16xf32>,
      %get3A_173 = arith.constant 272 : index
      %get3A_174 = tpu.vector_load %arg8[%get3A_173] {strides = array<i32>} : memref<1024xi32, #tpu.memory_space<vmem>>, vector<16xi32>,
      %gather3A_175 = tpu.vector_load_idx %arg9[%get3A_174] : memref<20480xf32, #tpu.memory_space<vmem>>[vector<16xi32>], vector<16xf32>,
      %swap3A_176 = arith.constant 0 : i32
      %swap3A_177 = arith.constant 2 : i32
      %swap3A_178 = arith.index_cast %swap3A_176 : i32 to index
      %swap3A_179 = arith.index_cast %swap3A_177 : i32 to index
      %swap3A_180 = arith.constant 16 : index
      %swap3A_181 = tpu.vector_load %arg10[%swap3A_178, %swap3A_179, %swap3A_180] {strides = array<i32>} : memref<1x8x128xf32, #tpu.memory_space<vmem>>, vector<16xf32>,
      tpu.vector_store %arg10[%swap3A_178, %swap3A_179, %swap3A_180], %gather3A_175 {strides = array<i32>} : memref<1x8x128xf32, #tpu.memory_space<vmem>>, vector<16xf32>,
      %get3A_182 = arith.constant 288 : index
      %get3A_183 = tpu.vector_load %arg8[%get3A_182] {strides = array<i32>} : memref<1024xi32, #tpu.memory_space<vmem>>, vector<16xi32>,
      %gather3A_184 = tpu.vector_load_idx %arg9[%get3A_183] : memref<20480xf32, #tpu.memory_space<vmem>>[vector<16xi32>], vector<16xf32>,
      %swap3A_185 = arith.constant 0 : i32
      %swap3A_186 = arith.constant 2 : i32
      %swap3A_187 = arith.index_cast %swap3A_185 : i32 to index
      %swap3A_188 = arith.index_cast %swap3A_186 : i32 to index
      %swap3A_189 = arith.constant 32 : index
      %swap3A_190 = tpu.vector_load %arg10[%swap3A_187, %swap3A_188, %swap3A_189] {strides = array<i32>} : memref<1x8x128xf32, #tpu.memory_space<vmem>>, vector<16xf32>,
      tpu.vector_store %arg10[%swap3A_187, %swap3A_188, %swap3A_189], %gather3A_184 {strides = array<i32>} : memref<1x8x128xf32, #tpu.memory_space<vmem>>, vector<16xf32>,
      %get3A_191 = arith.constant 304 : index
      %get3A_192 = tpu.vector_load %arg8[%get3A_191] {strides = array<i32>} : memref<1024xi32, #tpu.memory_space<vmem>>, vector<16xi32>,
      %gather3A_193 = tpu.vector_load_idx %arg9[%get3A_192] : memref<20480xf32, #tpu.memory_space<vmem>>[vector<16xi32>], vector<16xf32>,
      %swap3A_194 = arith.constant 0 : i32
      %swap3A_195 = arith.constant 2 : i32
      %swap3A_196 = arith.index_cast %swap3A_194 : i32 to index
      %swap3A_197 = arith.index_cast %swap3A_195 : i32 to index
      %swap3A_198 = arith.constant 48 : index
      %swap3A_199 = tpu.vector_load %arg10[%swap3A_196, %swap3A_197, %swap3A_198] {strides = array<i32>} : memref<1x8x128xf32, #tpu.memory_space<vmem>>, vector<16xf32>,
      tpu.vector_store %arg10[%swap3A_196, %swap3A_197, %swap3A_198], %gather3A_193 {strides = array<i32>} : memref<1x8x128xf32, #tpu.memory_space<vmem>>, vector<16xf32>,
      %get3A_200 = arith.constant 320 : index
      %get3A_201 = tpu.vector_load %arg8[%get3A_200] {strides = array<i32>} : memref<1024xi32, #tpu.memory_space<vmem>>, vector<16xi32>,
      %gather3A_202 = tpu.vector_load_idx %arg9[%get3A_201] : memref<20480xf32, #tpu.memory_space<vmem>>[vector<16xi32>], vector<16xf32>,
      %swap3A_203 = arith.constant 0 : i32
      %swap3A_204 = arith.constant 2 : i32
      %swap3A_205 = arith.index_cast %swap3A_203 : i32 to index
      %swap3A_206 = arith.index_cast %swap3A_204 : i32 to index
      %swap3A_207 = arith.constant 64 : index
      %swap3A_208 = tpu.vector_load %arg10[%swap3A_205, %swap3A_206, %swap3A_207] {strides = array<i32>} : memref<1x8x128xf32, #tpu.memory_space<vmem>>, vector<16xf32>,
      tpu.vector_store %arg10[%swap3A_205, %swap3A_206, %swap3A_207], %gather3A_202 {strides = array<i32>} : memref<1x8x128xf32, #tpu.memory_space<vmem>>, vector<16xf32>,
      %get3A_209 = arith.constant 336 : index
      %get3A_210 = tpu.vector_load %arg8[%get3A_209] {strides = array<i32>} : memref<1024xi32, #tpu.memory_space<vmem>>, vector<16xi32>,
      %gather3A_211 = tpu.vector_load_idx %arg9[%get3A_210] : memref<20480xf32, #tpu.memory_space<vmem>>[vector<16xi32>], vector<16xf32>,
      %swap3A_212 = arith.constant 0 : i32
      %swap3A_213 = arith.constant 2 : i32
      %swap3A_214 = arith.index_cast %swap3A_212 : i32 to index
      %swap3A_215 = arith.index_cast %swap3A_213 : i32 to index
      %swap3A_216 = arith.constant 80 : index
      %swap3A_217 = tpu.vector_load %arg10[%swap3A_214, %swap3A_215, %swap3A_216] {strides = array<i32>} : memref<1x8x128xf32, #tpu.memory_space<vmem>>, vector<16xf32>,
      tpu.vector_store %arg10[%swap3A_214, %swap3A_215, %swap3A_216], %gather3A_211 {strides = array<i32>} : memref<1x8x128xf32, #tpu.memory_space<vmem>>, vector<16xf32>,
      %get3A_218 = arith.constant 352 : index
      %get3A_219 = tpu.vector_load %arg8[%get3A_218] {strides = array<i32>} : memref<1024xi32, #tpu.memory_space<vmem>>, vector<16xi32>,
      %gather3A_220 = tpu.vector_load_idx %arg9[%get3A_219] : memref<20480xf32, #tpu.memory_space<vmem>>[vector<16xi32>], vector<16xf32>,
      %swap3A_221 = arith.constant 0 : i32
      %swap3A_222 = arith.constant 2 : i32
      %swap3A_223 = arith.index_cast %swap3A_221 : i32 to index
      %swap3A_224 = arith.index_cast %swap3A_222 : i32 to index
      %swap3A_225 = arith.constant 96 : index
      %swap3A_226 = tpu.vector_load %arg10[%swap3A_223, %swap3A_224, %swap3A_225] {strides = array<i32>} : memref<1x8x128xf32, #tpu.memory_space<vmem>>, vector<16xf32>,
      tpu.vector_store %arg10[%swap3A_223, %swap3A_224, %swap3A_225], %gather3A_220 {strides = array<i32>} : memref<1x8x128xf32, #tpu.memory_space<vmem>>, vector<16xf32>,
      %get3A_227 = arith.constant 368 : index
      %get3A_228 = tpu.vector_load %arg8[%get3A_227] {strides = array<i32>} : memref<1024xi32, #tpu.memory_space<vmem>>, vector<16xi32>,
      %gather3A_229 = tpu.vector_load_idx %arg9[%get3A_228] : memref<20480xf32, #tpu.memory_space<vmem>>[vector<16xi32>], vector<16xf32>,
      %swap3A_230 = arith.constant 0 : i32
      %swap3A_231 = arith.constant 2 : i32
      %swap3A_232 = arith.index_cast %swap3A_230 : i32 to index
      %swap3A_233 = arith.index_cast %swap3A_231 : i32 to index
      %swap3A_234 = arith.constant 112 : index
      %swap3A_235 = tpu.vector_load %arg10[%swap3A_232, %swap3A_233, %swap3A_234] {strides = array<i32>} : memref<1x8x128xf32, #tpu.memory_space<vmem>>, vector<16xf32>,
      tpu.vector_store %arg10[%swap3A_232, %swap3A_233, %swap3A_234], %gather3A_229 {strides = array<i32>} : memref<1x8x128xf32, #tpu.memory_space<vmem>>, vector<16xf32>,
      %get3A_236 = arith.constant 384 : index
      %get3A_237 = tpu.vector_load %arg8[%get3A_236] {strides = array<i32>} : memref<1024xi32, #tpu.memory_space<vmem>>, vector<16xi32>,
      %gather3A_238 = tpu.vector_load_idx %arg9[%get3A_237] : memref<20480xf32, #tpu.memory_space<vmem>>[vector<16xi32>], vector<16xf32>,
      %swap3A_239 = arith.constant 0 : i32
      %swap3A_240 = arith.constant 3 : i32
      %swap3A_241 = arith.index_cast %swap3A_239 : i32 to index
      %swap3A_242 = arith.index_cast %swap3A_240 : i32 to index
      %swap3A_243 = arith.constant 0 : index
      %swap3A_244 = tpu.vector_load %arg10[%swap3A_241, %swap3A_242, %swap3A_243] {strides = array<i32>} : memref<1x8x128xf32, #tpu.memory_space<vmem>>, vector<16xf32>,
      tpu.vector_store %arg10[%swap3A_241, %swap3A_242, %swap3A_243], %gather3A_238 {strides = array<i32>} : memref<1x8x128xf32, #tpu.memory_space<vmem>>, vector<16xf32>,
      %get3A_245 = arith.constant 400 : index
      %get3A_246 = tpu.vector_load %arg8[%get3A_245] {strides = array<i32>} : memref<1024xi32, #tpu.memory_space<vmem>>, vector<16xi32>,
      %gather3A_247 = tpu.vector_load_idx %arg9[%get3A_246] : memref<20480xf32, #tpu.memory_space<vmem>>[vector<16xi32>], vector<16xf32>,
      %swap3A_248 = arith.constant 0 : i32
      %swap3A_249 = arith.constant 3 : i32
      %swap3A_250 = arith.index_cast %swap3A_248 : i32 to index
      %swap3A_251 = arith.index_cast %swap3A_249 : i32 to index
      %swap3A_252 = arith.constant 16 : index
      %swap3A_253 = tpu.vector_load %arg10[%swap3A_250, %swap3A_251, %swap3A_252] {strides = array<i32>} : memref<1x8x128xf32, #tpu.memory_space<vmem>>, vector<16xf32>,
      tpu.vector_store %arg10[%swap3A_250, %swap3A_251, %swap3A_252], %gather3A_247 {strides = array<i32>} : memref<1x8x128xf32, #tpu.memory_space<vmem>>, vector<16xf32>,
      %get3A_254 = arith.constant 416 : index
      %get3A_255 = tpu.vector_load %arg8[%get3A_254] {strides = array<i32>} : memref<1024xi32, #tpu.memory_space<vmem>>, vector<16xi32>,
      %gather3A_256 = tpu.vector_load_idx %arg9[%get3A_255] : memref<20480xf32, #tpu.memory_space<vmem>>[vector<16xi32>], vector<16xf32>,
      %swap3A_257 = arith.constant 0 : i32
      %swap3A_258 = arith.constant 3 : i32
      %swap3A_259 = arith.index_cast %swap3A_257 : i32 to index
      %swap3A_260 = arith.index_cast %swap3A_258 : i32 to index
      %swap3A_261 = arith.constant 32 : index
      %swap3A_262 = tpu.vector_load %arg10[%swap3A_259, %swap3A_260, %swap3A_261] {strides = array<i32>} : memref<1x8x128xf32, #tpu.memory_space<vmem>>, vector<16xf32>,
      tpu.vector_store %arg10[%swap3A_259, %swap3A_260, %swap3A_261], %gather3A_256 {strides = array<i32>} : memref<1x8x128xf32, #tpu.memory_space<vmem>>, vector<16xf32>,
      %get3A_263 = arith.constant 432 : index
      %get3A_264 = tpu.vector_load %arg8[%get3A_263] {strides = array<i32>} : memref<1024xi32, #tpu.memory_space<vmem>>, vector<16xi32>,
      %gather3A_265 = tpu.vector_load_idx %arg9[%get3A_264] : memref<20480xf32, #tpu.memory_space<vmem>>[vector<16xi32>], vector<16xf32>,
      %swap3A_266 = arith.constant 0 : i32
      %swap3A_267 = arith.constant 3 : i32
      %swap3A_268 = arith.index_cast %swap3A_266 : i32 to index
      %swap3A_269 = arith.index_cast %swap3A_267 : i32 to index
      %swap3A_270 = arith.constant 48 : index
      %swap3A_271 = tpu.vector_load %arg10[%swap3A_268, %swap3A_269, %swap3A_270] {strides = array<i32>} : memref<1x8x128xf32, #tpu.memory_space<vmem>>, vector<16xf32>,
      tpu.vector_store %arg10[%swap3A_268, %swap3A_269, %swap3A_270], %gather3A_265 {strides = array<i32>} : memref<1x8x128xf32, #tpu.memory_space<vmem>>, vector<16xf32>,
      %get3A_272 = arith.constant 448 : index
      %get3A_273 = tpu.vector_load %arg8[%get3A_272] {strides = array<i32>} : memref<1024xi32, #tpu.memory_space<vmem>>, vector<16xi32>,
      %gather3A_274 = tpu.vector_load_idx %arg9[%get3A_273] : memref<20480xf32, #tpu.memory_space<vmem>>[vector<16xi32>], vector<16xf32>,
      %swap3A_275 = arith.constant 0 : i32
      %swap3A_276 = arith.constant 3 : i32
      %swap3A_277 = arith.index_cast %swap3A_275 : i32 to index
      %swap3A_278 = arith.index_cast %swap3A_276 : i32 to index
      %swap3A_279 = arith.constant 64 : index
      %swap3A_280 = tpu.vector_load %arg10[%swap3A_277, %swap3A_278, %swap3A_279] {strides = array<i32>} : memref<1x8x128xf32, #tpu.memory_space<vmem>>, vector<16xf32>,
      tpu.vector_store %arg10[%swap3A_277, %swap3A_278, %swap3A_279], %gather3A_274 {strides = array<i32>} : memref<1x8x128xf32, #tpu.memory_space<vmem>>, vector<16xf32>,
      %get3A_281 = arith.constant 464 : index
      %get3A_282 = tpu.vector_load %arg8[%get3A_281] {strides = array<i32>} : memref<1024xi32, #tpu.memory_space<vmem>>, vector<16xi32>,
      %gather3A_283 = tpu.vector_load_idx %arg9[%get3A_282] : memref<20480xf32, #tpu.memory_space<vmem>>[vector<16xi32>], vector<16xf32>,
      %swap3A_284 = arith.constant 0 : i32
      %swap3A_285 = arith.constant 3 : i32
      %swap3A_286 = arith.index_cast %swap3A_284 : i32 to index
      %swap3A_287 = arith.index_cast %swap3A_285 : i32 to index
      %swap3A_288 = arith.constant 80 : index
      %swap3A_289 = tpu.vector_load %arg10[%swap3A_286, %swap3A_287, %swap3A_288] {strides = array<i32>} : memref<1x8x128xf32, #tpu.memory_space<vmem>>, vector<16xf32>,
      tpu.vector_store %arg10[%swap3A_286, %swap3A_287, %swap3A_288], %gather3A_283 {strides = array<i32>} : memref<1x8x128xf32, #tpu.memory_space<vmem>>, vector<16xf32>,
      %get3A_290 = arith.constant 480 : index
      %get3A_291 = tpu.vector_load %arg8[%get3A_290] {strides = array<i32>} : memref<1024xi32, #tpu.memory_space<vmem>>, vector<16xi32>,
      %gather3A_292 = tpu.vector_load_idx %arg9[%get3A_291] : memref<20480xf32, #tpu.memory_space<vmem>>[vector<16xi32>], vector<16xf32>,
      %swap3A_293 = arith.constant 0 : i32
      %swap3A_294 = arith.constant 3 : i32
      %swap3A_295 = arith.index_cast %swap3A_293 : i32 to index
      %swap3A_296 = arith.index_cast %swap3A_294 : i32 to index
      %swap3A_297 = arith.constant 96 : index
      %swap3A_298 = tpu.vector_load %arg10[%swap3A_295, %swap3A_296, %swap3A_297] {strides = array<i32>} : memref<1x8x128xf32, #tpu.memory_space<vmem>>, vector<16xf32>,
      tpu.vector_store %arg10[%swap3A_295, %swap3A_296, %swap3A_297], %gather3A_292 {strides = array<i32>} : memref<1x8x128xf32, #tpu.memory_space<vmem>>, vector<16xf32>,
      %get3A_299 = arith.constant 496 : index
      %get3A_300 = tpu.vector_load %arg8[%get3A_299] {strides = array<i32>} : memref<1024xi32, #tpu.memory_space<vmem>>, vector<16xi32>,
      %gather3A_301 = tpu.vector_load_idx %arg9[%get3A_300] : memref<20480xf32, #tpu.memory_space<vmem>>[vector<16xi32>], vector<16xf32>,
      %swap3A_302 = arith.constant 0 : i32
      %swap3A_303 = arith.constant 3 : i32
      %swap3A_304 = arith.index_cast %swap3A_302 : i32 to index
      %swap3A_305 = arith.index_cast %swap3A_303 : i32 to index
      %swap3A_306 = arith.constant 112 : index
      %swap3A_307 = tpu.vector_load %arg10[%swap3A_304, %swap3A_305, %swap3A_306] {strides = array<i32>} : memref<1x8x128xf32, #tpu.memory_space<vmem>>, vector<16xf32>,
      tpu.vector_store %arg10[%swap3A_304, %swap3A_305, %swap3A_306], %gather3A_301 {strides = array<i32>} : memref<1x8x128xf32, #tpu.memory_space<vmem>>, vector<16xf32>,
      %get3A_308 = arith.constant 512 : index
      %get3A_309 = tpu.vector_load %arg8[%get3A_308] {strides = array<i32>} : memref<1024xi32, #tpu.memory_space<vmem>>, vector<16xi32>,
      %gather3A_310 = tpu.vector_load_idx %arg9[%get3A_309] : memref<20480xf32, #tpu.memory_space<vmem>>[vector<16xi32>], vector<16xf32>,
      %swap3A_311 = arith.constant 0 : i32
      %swap3A_312 = arith.constant 4 : i32
      %swap3A_313 = arith.index_cast %swap3A_311 : i32 to index
      %swap3A_314 = arith.index_cast %swap3A_312 : i32 to index
      %swap3A_315 = arith.constant 0 : index
      %swap3A_316 = tpu.vector_load %arg10[%swap3A_313, %swap3A_314, %swap3A_315] {strides = array<i32>} : memref<1x8x128xf32, #tpu.memory_space<vmem>>, vector<16xf32>,
      tpu.vector_store %arg10[%swap3A_313, %swap3A_314, %swap3A_315], %gather3A_310 {strides = array<i32>} : memref<1x8x128xf32, #tpu.memory_space<vmem>>, vector<16xf32>,
      %get3A_317 = arith.constant 528 : index
      %get3A_318 = tpu.vector_load %arg8[%get3A_317] {strides = array<i32>} : memref<1024xi32, #tpu.memory_space<vmem>>, vector<16xi32>,
      %gather3A_319 = tpu.vector_load_idx %arg9[%get3A_318] : memref<20480xf32, #tpu.memory_space<vmem>>[vector<16xi32>], vector<16xf32>,
      %swap3A_320 = arith.constant 0 : i32
      %swap3A_321 = arith.constant 4 : i32
      %swap3A_322 = arith.index_cast %swap3A_320 : i32 to index
      %swap3A_323 = arith.index_cast %swap3A_321 : i32 to index
      %swap3A_324 = arith.constant 16 : index
      %swap3A_325 = tpu.vector_load %arg10[%swap3A_322, %swap3A_323, %swap3A_324] {strides = array<i32>} : memref<1x8x128xf32, #tpu.memory_space<vmem>>, vector<16xf32>,
      tpu.vector_store %arg10[%swap3A_322, %swap3A_323, %swap3A_324], %gather3A_319 {strides = array<i32>} : memref<1x8x128xf32, #tpu.memory_space<vmem>>, vector<16xf32>,
      %get3A_326 = arith.constant 544 : index
      %get3A_327 = tpu.vector_load %arg8[%get3A_326] {strides = array<i32>} : memref<1024xi32, #tpu.memory_space<vmem>>, vector<16xi32>,
      %gather3A_328 = tpu.vector_load_idx %arg9[%get3A_327] : memref<20480xf32, #tpu.memory_space<vmem>>[vector<16xi32>], vector<16xf32>,
      %swap3A_329 = arith.constant 0 : i32
      %swap3A_330 = arith.constant 4 : i32
      %swap3A_331 = arith.index_cast %swap3A_329 : i32 to index
      %swap3A_332 = arith.index_cast %swap3A_330 : i32 to index
      %swap3A_333 = arith.constant 32 : index
      %swap3A_334 = tpu.vector_load %arg10[%swap3A_331, %swap3A_332, %swap3A_333] {strides = array<i32>} : memref<1x8x128xf32, #tpu.memory_space<vmem>>, vector<16xf32>,
      tpu.vector_store %arg10[%swap3A_331, %swap3A_332, %swap3A_333], %gather3A_328 {strides = array<i32>} : memref<1x8x128xf32, #tpu.memory_space<vmem>>, vector<16xf32>,
      %get3A_335 = arith.constant 560 : index
      %get3A_336 = tpu.vector_load %arg8[%get3A_335] {strides = array<i32>} : memref<1024xi32, #tpu.memory_space<vmem>>, vector<16xi32>,
      %gather3A_337 = tpu.vector_load_idx %arg9[%get3A_336] : memref<20480xf32, #tpu.memory_space<vmem>>[vector<16xi32>], vector<16xf32>,
      %swap3A_338 = arith.constant 0 : i32
      %swap3A_339 = arith.constant 4 : i32
      %swap3A_340 = arith.index_cast %swap3A_338 : i32 to index
      %swap3A_341 = arith.index_cast %swap3A_339 : i32 to index
      %swap3A_342 = arith.constant 48 : index
      %swap3A_343 = tpu.vector_load %arg10[%swap3A_340, %swap3A_341, %swap3A_342] {strides = array<i32>} : memref<1x8x128xf32, #tpu.memory_space<vmem>>, vector<16xf32>,
      tpu.vector_store %arg10[%swap3A_340, %swap3A_341, %swap3A_342], %gather3A_337 {strides = array<i32>} : memref<1x8x128xf32, #tpu.memory_space<vmem>>, vector<16xf32>,
      %get3A_344 = arith.constant 576 : index
      %get3A_345 = tpu.vector_load %arg8[%get3A_344] {strides = array<i32>} : memref<1024xi32, #tpu.memory_space<vmem>>, vector<16xi32>,
      %gather3A_346 = tpu.vector_load_idx %arg9[%get3A_345] : memref<20480xf32, #tpu.memory_space<vmem>>[vector<16xi32>], vector<16xf32>,
      %swap3A_347 = arith.constant 0 : i32
      %swap3A_348 = arith.constant 4 : i32
      %swap3A_349 = arith.index_cast %swap3A_347 : i32 to index
      %swap3A_350 = arith.index_cast %swap3A_348 : i32 to index
      %swap3A_351 = arith.constant 64 : index
      %swap3A_352 = tpu.vector_load %arg10[%swap3A_349, %swap3A_350, %swap3A_351] {strides = array<i32>} : memref<1x8x128xf32, #tpu.memory_space<vmem>>, vector<16xf32>,
      tpu.vector_store %arg10[%swap3A_349, %swap3A_350, %swap3A_351], %gather3A_346 {strides = array<i32>} : memref<1x8x128xf32, #tpu.memory_space<vmem>>, vector<16xf32>,
      %get3A_353 = arith.constant 592 : index
      %get3A_354 = tpu.vector_load %arg8[%get3A_353] {strides = array<i32>} : memref<1024xi32, #tpu.memory_space<vmem>>, vector<16xi32>,
      %gather3A_355 = tpu.vector_load_idx %arg9[%get3A_354] : memref<20480xf32, #tpu.memory_space<vmem>>[vector<16xi32>], vector<16xf32>,
      %swap3A_356 = arith.constant 0 : i32
      %swap3A_357 = arith.constant 4 : i32
      %swap3A_358 = arith.index_cast %swap3A_356 : i32 to index
      %swap3A_359 = arith.index_cast %swap3A_357 : i32 to index
      %swap3A_360 = arith.constant 80 : index
      %swap3A_361 = tpu.vector_load %arg10[%swap3A_358, %swap3A_359, %swap3A_360] {strides = array<i32>} : memref<1x8x128xf32, #tpu.memory_space<vmem>>, vector<16xf32>,
      tpu.vector_store %arg10[%swap3A_358, %swap3A_359, %swap3A_360], %gather3A_355 {strides = array<i32>} : memref<1x8x128xf32, #tpu.memory_space<vmem>>, vector<16xf32>,
      %get3A_362 = arith.constant 608 : index
      %get3A_363 = tpu.vector_load %arg8[%get3A_362] {strides = array<i32>} : memref<1024xi32, #tpu.memory_space<vmem>>, vector<16xi32>,
      %gather3A_364 = tpu.vector_load_idx %arg9[%get3A_363] : memref<20480xf32, #tpu.memory_space<vmem>>[vector<16xi32>], vector<16xf32>,
      %swap3A_365 = arith.constant 0 : i32
      %swap3A_366 = arith.constant 4 : i32
      %swap3A_367 = arith.index_cast %swap3A_365 : i32 to index
      %swap3A_368 = arith.index_cast %swap3A_366 : i32 to index
      %swap3A_369 = arith.constant 96 : index
      %swap3A_370 = tpu.vector_load %arg10[%swap3A_367, %swap3A_368, %swap3A_369] {strides = array<i32>} : memref<1x8x128xf32, #tpu.memory_space<vmem>>, vector<16xf32>,
      tpu.vector_store %arg10[%swap3A_367, %swap3A_368, %swap3A_369], %gather3A_364 {strides = array<i32>} : memref<1x8x128xf32, #tpu.memory_space<vmem>>, vector<16xf32>,
      %get3A_371 = arith.constant 624 : index
      %get3A_372 = tpu.vector_load %arg8[%get3A_371] {strides = array<i32>} : memref<1024xi32, #tpu.memory_space<vmem>>, vector<16xi32>,
      %gather3A_373 = tpu.vector_load_idx %arg9[%get3A_372] : memref<20480xf32, #tpu.memory_space<vmem>>[vector<16xi32>], vector<16xf32>,
      %swap3A_374 = arith.constant 0 : i32
      %swap3A_375 = arith.constant 4 : i32
      %swap3A_376 = arith.index_cast %swap3A_374 : i32 to index
      %swap3A_377 = arith.index_cast %swap3A_375 : i32 to index
      %swap3A_378 = arith.constant 112 : index
      %swap3A_379 = tpu.vector_load %arg10[%swap3A_376, %swap3A_377, %swap3A_378] {strides = array<i32>} : memref<1x8x128xf32, #tpu.memory_space<vmem>>, vector<16xf32>,
      tpu.vector_store %arg10[%swap3A_376, %swap3A_377, %swap3A_378], %gather3A_373 {strides = array<i32>} : memref<1x8x128xf32, #tpu.memory_space<vmem>>, vector<16xf32>,
      %get3A_380 = arith.constant 640 : index
      %get3A_381 = tpu.vector_load %arg8[%get3A_380] {strides = array<i32>} : memref<1024xi32, #tpu.memory_space<vmem>>, vector<16xi32>,
      %gather3A_382 = tpu.vector_load_idx %arg9[%get3A_381] : memref<20480xf32, #tpu.memory_space<vmem>>[vector<16xi32>], vector<16xf32>,
      %swap3A_383 = arith.constant 0 : i32
      %swap3A_384 = arith.constant 5 : i32
      %swap3A_385 = arith.index_cast %swap3A_383 : i32 to index
      %swap3A_386 = arith.index_cast %swap3A_384 : i32 to index
      %swap3A_387 = arith.constant 0 : index
      %swap3A_388 = tpu.vector_load %arg10[%swap3A_385, %swap3A_386, %swap3A_387] {strides = array<i32>} : memref<1x8x128xf32, #tpu.memory_space<vmem>>, vector<16xf32>,
      tpu.vector_store %arg10[%swap3A_385, %swap3A_386, %swap3A_387], %gather3A_382 {strides = array<i32>} : memref<1x8x128xf32, #tpu.memory_space<vmem>>, vector<16xf32>,
      %get3A_389 = arith.constant 656 : index
      %get3A_390 = tpu.vector_load %arg8[%get3A_389] {strides = array<i32>} : memref<1024xi32, #tpu.memory_space<vmem>>, vector<16xi32>,
      %gather3A_391 = tpu.vector_load_idx %arg9[%get3A_390] : memref<20480xf32, #tpu.memory_space<vmem>>[vector<16xi32>], vector<16xf32>,
      %swap3A_392 = arith.constant 0 : i32
      %swap3A_393 = arith.constant 5 : i32
      %swap3A_394 = arith.index_cast %swap3A_392 : i32 to index
      %swap3A_395 = arith.index_cast %swap3A_393 : i32 to index
      %swap3A_396 = arith.constant 16 : index
      %swap3A_397 = tpu.vector_load %arg10[%swap3A_394, %swap3A_395, %swap3A_396] {strides = array<i32>} : memref<1x8x128xf32, #tpu.memory_space<vmem>>, vector<16xf32>,
      tpu.vector_store %arg10[%swap3A_394, %swap3A_395, %swap3A_396], %gather3A_391 {strides = array<i32>} : memref<1x8x128xf32, #tpu.memory_space<vmem>>, vector<16xf32>,
      %get3A_398 = arith.constant 672 : index
      %get3A_399 = tpu.vector_load %arg8[%get3A_398] {strides = array<i32>} : memref<1024xi32, #tpu.memory_space<vmem>>, vector<16xi32>,
      %gather3A_400 = tpu.vector_load_idx %arg9[%get3A_399] : memref<20480xf32, #tpu.memory_space<vmem>>[vector<16xi32>], vector<16xf32>,
      %swap3A_401 = arith.constant 0 : i32
      %swap3A_402 = arith.constant 5 : i32
      %swap3A_403 = arith.index_cast %swap3A_401 : i32 to index
      %swap3A_404 = arith.index_cast %swap3A_402 : i32 to index
      %swap3A_405 = arith.constant 32 : index
      %swap3A_406 = tpu.vector_load %arg10[%swap3A_403, %swap3A_404, %swap3A_405] {strides = array<i32>} : memref<1x8x128xf32, #tpu.memory_space<vmem>>, vector<16xf32>,
      tpu.vector_store %arg10[%swap3A_403, %swap3A_404, %swap3A_405], %gather3A_400 {strides = array<i32>} : memref<1x8x128xf32, #tpu.memory_space<vmem>>, vector<16xf32>,
      %get3A_407 = arith.constant 688 : index
      %get3A_408 = tpu.vector_load %arg8[%get3A_407] {strides = array<i32>} : memref<1024xi32, #tpu.memory_space<vmem>>, vector<16xi32>,
      %gather3A_409 = tpu.vector_load_idx %arg9[%get3A_408] : memref<20480xf32, #tpu.memory_space<vmem>>[vector<16xi32>], vector<16xf32>,
      %swap3A_410 = arith.constant 0 : i32
      %swap3A_411 = arith.constant 5 : i32
      %swap3A_412 = arith.index_cast %swap3A_410 : i32 to index
      %swap3A_413 = arith.index_cast %swap3A_411 : i32 to index
      %swap3A_414 = arith.constant 48 : index
      %swap3A_415 = tpu.vector_load %arg10[%swap3A_412, %swap3A_413, %swap3A_414] {strides = array<i32>} : memref<1x8x128xf32, #tpu.memory_space<vmem>>, vector<16xf32>,
      tpu.vector_store %arg10[%swap3A_412, %swap3A_413, %swap3A_414], %gather3A_409 {strides = array<i32>} : memref<1x8x128xf32, #tpu.memory_space<vmem>>, vector<16xf32>,
      %get3A_416 = arith.constant 704 : index
      %get3A_417 = tpu.vector_load %arg8[%get3A_416] {strides = array<i32>} : memref<1024xi32, #tpu.memory_space<vmem>>, vector<16xi32>,
      %gather3A_418 = tpu.vector_load_idx %arg9[%get3A_417] : memref<20480xf32, #tpu.memory_space<vmem>>[vector<16xi32>], vector<16xf32>,
      %swap3A_419 = arith.constant 0 : i32
      %swap3A_420 = arith.constant 5 : i32
      %swap3A_421 = arith.index_cast %swap3A_419 : i32 to index
      %swap3A_422 = arith.index_cast %swap3A_420 : i32 to index
      %swap3A_423 = arith.constant 64 : index
      %swap3A_424 = tpu.vector_load %arg10[%swap3A_421, %swap3A_422, %swap3A_423] {strides = array<i32>} : memref<1x8x128xf32, #tpu.memory_space<vmem>>, vector<16xf32>,
      tpu.vector_store %arg10[%swap3A_421, %swap3A_422, %swap3A_423], %gather3A_418 {strides = array<i32>} : memref<1x8x128xf32, #tpu.memory_space<vmem>>, vector<16xf32>,
      %get3A_425 = arith.constant 720 : index
      %get3A_426 = tpu.vector_load %arg8[%get3A_425] {strides = array<i32>} : memref<1024xi32, #tpu.memory_space<vmem>>, vector<16xi32>,
      %gather3A_427 = tpu.vector_load_idx %arg9[%get3A_426] : memref<20480xf32, #tpu.memory_space<vmem>>[vector<16xi32>], vector<16xf32>,
      %swap3A_428 = arith.constant 0 : i32
      %swap3A_429 = arith.constant 5 : i32
      %swap3A_430 = arith.index_cast %swap3A_428 : i32 to index
      %swap3A_431 = arith.index_cast %swap3A_429 : i32 to index
      %swap3A_432 = arith.constant 80 : index
      %swap3A_433 = tpu.vector_load %arg10[%swap3A_430, %swap3A_431, %swap3A_432] {strides = array<i32>} : memref<1x8x128xf32, #tpu.memory_space<vmem>>, vector<16xf32>,
      tpu.vector_store %arg10[%swap3A_430, %swap3A_431, %swap3A_432], %gather3A_427 {strides = array<i32>} : memref<1x8x128xf32, #tpu.memory_space<vmem>>, vector<16xf32>,
      %get3A_434 = arith.constant 736 : index
      %get3A_435 = tpu.vector_load %arg8[%get3A_434] {strides = array<i32>} : memref<1024xi32, #tpu.memory_space<vmem>>, vector<16xi32>,
      %gather3A_436 = tpu.vector_load_idx %arg9[%get3A_435] : memref<20480xf32, #tpu.memory_space<vmem>>[vector<16xi32>], vector<16xf32>,
      %swap3A_437 = arith.constant 0 : i32
      %swap3A_438 = arith.constant 5 : i32
      %swap3A_439 = arith.index_cast %swap3A_437 : i32 to index
      %swap3A_440 = arith.index_cast %swap3A_438 : i32 to index
      %swap3A_441 = arith.constant 96 : index
      %swap3A_442 = tpu.vector_load %arg10[%swap3A_439, %swap3A_440, %swap3A_441] {strides = array<i32>} : memref<1x8x128xf32, #tpu.memory_space<vmem>>, vector<16xf32>,
      tpu.vector_store %arg10[%swap3A_439, %swap3A_440, %swap3A_441], %gather3A_436 {strides = array<i32>} : memref<1x8x128xf32, #tpu.memory_space<vmem>>, vector<16xf32>,
      %get3A_443 = arith.constant 752 : index
      %get3A_444 = tpu.vector_load %arg8[%get3A_443] {strides = array<i32>} : memref<1024xi32, #tpu.memory_space<vmem>>, vector<16xi32>,
      %gather3A_445 = tpu.vector_load_idx %arg9[%get3A_444] : memref<20480xf32, #tpu.memory_space<vmem>>[vector<16xi32>], vector<16xf32>,
      %swap3A_446 = arith.constant 0 : i32
      %swap3A_447 = arith.constant 5 : i32
      %swap3A_448 = arith.index_cast %swap3A_446 : i32 to index
      %swap3A_449 = arith.index_cast %swap3A_447 : i32 to index
      %swap3A_450 = arith.constant 112 : index
      %swap3A_451 = tpu.vector_load %arg10[%swap3A_448, %swap3A_449, %swap3A_450] {strides = array<i32>} : memref<1x8x128xf32, #tpu.memory_space<vmem>>, vector<16xf32>,
      tpu.vector_store %arg10[%swap3A_448, %swap3A_449, %swap3A_450], %gather3A_445 {strides = array<i32>} : memref<1x8x128xf32, #tpu.memory_space<vmem>>, vector<16xf32>,
      %get3A_452 = arith.constant 768 : index
      %get3A_453 = tpu.vector_load %arg8[%get3A_452] {strides = array<i32>} : memref<1024xi32, #tpu.memory_space<vmem>>, vector<16xi32>,
      %gather3A_454 = tpu.vector_load_idx %arg9[%get3A_453] : memref<20480xf32, #tpu.memory_space<vmem>>[vector<16xi32>], vector<16xf32>,
      %swap3A_455 = arith.constant 0 : i32
      %swap3A_456 = arith.constant 6 : i32
      %swap3A_457 = arith.index_cast %swap3A_455 : i32 to index
      %swap3A_458 = arith.index_cast %swap3A_456 : i32 to index
      %swap3A_459 = arith.constant 0 : index
      %swap3A_460 = tpu.vector_load %arg10[%swap3A_457, %swap3A_458, %swap3A_459] {strides = array<i32>} : memref<1x8x128xf32, #tpu.memory_space<vmem>>, vector<16xf32>,
      tpu.vector_store %arg10[%swap3A_457, %swap3A_458, %swap3A_459], %gather3A_454 {strides = array<i32>} : memref<1x8x128xf32, #tpu.memory_space<vmem>>, vector<16xf32>,
      %get3A_461 = arith.constant 784 : index
      %get3A_462 = tpu.vector_load %arg8[%get3A_461] {strides = array<i32>} : memref<1024xi32, #tpu.memory_space<vmem>>, vector<16xi32>,
      %gather3A_463 = tpu.vector_load_idx %arg9[%get3A_462] : memref<20480xf32, #tpu.memory_space<vmem>>[vector<16xi32>], vector<16xf32>,
      %swap3A_464 = arith.constant 0 : i32
      %swap3A_465 = arith.constant 6 : i32
      %swap3A_466 = arith.index_cast %swap3A_464 : i32 to index
      %swap3A_467 = arith.index_cast %swap3A_465 : i32 to index
      %swap3A_468 = arith.constant 16 : index
      %swap3A_469 = tpu.vector_load %arg10[%swap3A_466, %swap3A_467, %swap3A_468] {strides = array<i32>} : memref<1x8x128xf32, #tpu.memory_space<vmem>>, vector<16xf32>,
      tpu.vector_store %arg10[%swap3A_466, %swap3A_467, %swap3A_468], %gather3A_463 {strides = array<i32>} : memref<1x8x128xf32, #tpu.memory_space<vmem>>, vector<16xf32>,
      %get3A_470 = arith.constant 800 : index
      %get3A_471 = tpu.vector_load %arg8[%get3A_470] {strides = array<i32>} : memref<1024xi32, #tpu.memory_space<vmem>>, vector<16xi32>,
      %gather3A_472 = tpu.vector_load_idx %arg9[%get3A_471] : memref<20480xf32, #tpu.memory_space<vmem>>[vector<16xi32>], vector<16xf32>,
      %swap3A_473 = arith.constant 0 : i32
      %swap3A_474 = arith.constant 6 : i32
      %swap3A_475 = arith.index_cast %swap3A_473 : i32 to index
      %swap3A_476 = arith.index_cast %swap3A_474 : i32 to index
      %swap3A_477 = arith.constant 32 : index
      %swap3A_478 = tpu.vector_load %arg10[%swap3A_475, %swap3A_476, %swap3A_477] {strides = array<i32>} : memref<1x8x128xf32, #tpu.memory_space<vmem>>, vector<16xf32>,
      tpu.vector_store %arg10[%swap3A_475, %swap3A_476, %swap3A_477], %gather3A_472 {strides = array<i32>} : memref<1x8x128xf32, #tpu.memory_space<vmem>>, vector<16xf32>,
      %get3A_479 = arith.constant 816 : index
      %get3A_480 = tpu.vector_load %arg8[%get3A_479] {strides = array<i32>} : memref<1024xi32, #tpu.memory_space<vmem>>, vector<16xi32>,
      %gather3A_481 = tpu.vector_load_idx %arg9[%get3A_480] : memref<20480xf32, #tpu.memory_space<vmem>>[vector<16xi32>], vector<16xf32>,
      %swap3A_482 = arith.constant 0 : i32
      %swap3A_483 = arith.constant 6 : i32
      %swap3A_484 = arith.index_cast %swap3A_482 : i32 to index
      %swap3A_485 = arith.index_cast %swap3A_483 : i32 to index
      %swap3A_486 = arith.constant 48 : index
      %swap3A_487 = tpu.vector_load %arg10[%swap3A_484, %swap3A_485, %swap3A_486] {strides = array<i32>} : memref<1x8x128xf32, #tpu.memory_space<vmem>>, vector<16xf32>,
      tpu.vector_store %arg10[%swap3A_484, %swap3A_485, %swap3A_486], %gather3A_481 {strides = array<i32>} : memref<1x8x128xf32, #tpu.memory_space<vmem>>, vector<16xf32>,
      %get3A_488 = arith.constant 832 : index
      %get3A_489 = tpu.vector_load %arg8[%get3A_488] {strides = array<i32>} : memref<1024xi32, #tpu.memory_space<vmem>>, vector<16xi32>,
      %gather3A_490 = tpu.vector_load_idx %arg9[%get3A_489] : memref<20480xf32, #tpu.memory_space<vmem>>[vector<16xi32>], vector<16xf32>,
      %swap3A_491 = arith.constant 0 : i32
      %swap3A_492 = arith.constant 6 : i32
      %swap3A_493 = arith.index_cast %swap3A_491 : i32 to index
      %swap3A_494 = arith.index_cast %swap3A_492 : i32 to index
      %swap3A_495 = arith.constant 64 : index
      %swap3A_496 = tpu.vector_load %arg10[%swap3A_493, %swap3A_494, %swap3A_495] {strides = array<i32>} : memref<1x8x128xf32, #tpu.memory_space<vmem>>, vector<16xf32>,
      tpu.vector_store %arg10[%swap3A_493, %swap3A_494, %swap3A_495], %gather3A_490 {strides = array<i32>} : memref<1x8x128xf32, #tpu.memory_space<vmem>>, vector<16xf32>,
      %get3A_497 = arith.constant 848 : index
      %get3A_498 = tpu.vector_load %arg8[%get3A_497] {strides = array<i32>} : memref<1024xi32, #tpu.memory_space<vmem>>, vector<16xi32>,
      %gather3A_499 = tpu.vector_load_idx %arg9[%get3A_498] : memref<20480xf32, #tpu.memory_space<vmem>>[vector<16xi32>], vector<16xf32>,
      %swap3A_500 = arith.constant 0 : i32
      %swap3A_501 = arith.constant 6 : i32
      %swap3A_502 = arith.index_cast %swap3A_500 : i32 to index
      %swap3A_503 = arith.index_cast %swap3A_501 : i32 to index
      %swap3A_504 = arith.constant 80 : index
      %swap3A_505 = tpu.vector_load %arg10[%swap3A_502, %swap3A_503, %swap3A_504] {strides = array<i32>} : memref<1x8x128xf32, #tpu.memory_space<vmem>>, vector<16xf32>,
      tpu.vector_store %arg10[%swap3A_502, %swap3A_503, %swap3A_504], %gather3A_499 {strides = array<i32>} : memref<1x8x128xf32, #tpu.memory_space<vmem>>, vector<16xf32>,
      %get3A_506 = arith.constant 864 : index
      %get3A_507 = tpu.vector_load %arg8[%get3A_506] {strides = array<i32>} : memref<1024xi32, #tpu.memory_space<vmem>>, vector<16xi32>,
      %gather3A_508 = tpu.vector_load_idx %arg9[%get3A_507] : memref<20480xf32, #tpu.memory_space<vmem>>[vector<16xi32>], vector<16xf32>,
      %swap3A_509 = arith.constant 0 : i32
      %swap3A_510 = arith.constant 6 : i32
      %swap3A_511 = arith.index_cast %swap3A_509 : i32 to index
      %swap3A_512 = arith.index_cast %swap3A_510 : i32 to index
      %swap3A_513 = arith.constant 96 : index
      %swap3A_514 = tpu.vector_load %arg10[%swap3A_511, %swap3A_512, %swap3A_513] {strides = array<i32>} : memref<1x8x128xf32, #tpu.memory_space<vmem>>, vector<16xf32>,
      tpu.vector_store %arg10[%swap3A_511, %swap3A_512, %swap3A_513], %gather3A_508 {strides = array<i32>} : memref<1x8x128xf32, #tpu.memory_space<vmem>>, vector<16xf32>,
      %get3A_515 = arith.constant 880 : index
      %get3A_516 = tpu.vector_load %arg8[%get3A_515] {strides = array<i32>} : memref<1024xi32, #tpu.memory_space<vmem>>, vector<16xi32>,
      %gather3A_517 = tpu.vector_load_idx %arg9[%get3A_516] : memref<20480xf32, #tpu.memory_space<vmem>>[vector<16xi32>], vector<16xf32>,
      %swap3A_518 = arith.constant 0 : i32
      %swap3A_519 = arith.constant 6 : i32
      %swap3A_520 = arith.index_cast %swap3A_518 : i32 to index
      %swap3A_521 = arith.index_cast %swap3A_519 : i32 to index
      %swap3A_522 = arith.constant 112 : index
      %swap3A_523 = tpu.vector_load %arg10[%swap3A_520, %swap3A_521, %swap3A_522] {strides = array<i32>} : memref<1x8x128xf32, #tpu.memory_space<vmem>>, vector<16xf32>,
      tpu.vector_store %arg10[%swap3A_520, %swap3A_521, %swap3A_522], %gather3A_517 {strides = array<i32>} : memref<1x8x128xf32, #tpu.memory_space<vmem>>, vector<16xf32>,
      %get3A_524 = arith.constant 896 : index
      %get3A_525 = tpu.vector_load %arg8[%get3A_524] {strides = array<i32>} : memref<1024xi32, #tpu.memory_space<vmem>>, vector<16xi32>,
      %gather3A_526 = tpu.vector_load_idx %arg9[%get3A_525] : memref<20480xf32, #tpu.memory_space<vmem>>[vector<16xi32>], vector<16xf32>,
      %swap3A_527 = arith.constant 0 : i32
      %swap3A_528 = arith.constant 7 : i32
      %swap3A_529 = arith.index_cast %swap3A_527 : i32 to index
      %swap3A_530 = arith.index_cast %swap3A_528 : i32 to index
      %swap3A_531 = arith.constant 0 : index
      %swap3A_532 = tpu.vector_load %arg10[%swap3A_529, %swap3A_530, %swap3A_531] {strides = array<i32>} : memref<1x8x128xf32, #tpu.memory_space<vmem>>, vector<16xf32>,
      tpu.vector_store %arg10[%swap3A_529, %swap3A_530, %swap3A_531], %gather3A_526 {strides = array<i32>} : memref<1x8x128xf32, #tpu.memory_space<vmem>>, vector<16xf32>,
      %get3A_533 = arith.constant 912 : index
      %get3A_534 = tpu.vector_load %arg8[%get3A_533] {strides = array<i32>} : memref<1024xi32, #tpu.memory_space<vmem>>, vector<16xi32>,
      %gather3A_535 = tpu.vector_load_idx %arg9[%get3A_534] : memref<20480xf32, #tpu.memory_space<vmem>>[vector<16xi32>], vector<16xf32>,
      %swap3A_536 = arith.constant 0 : i32
      %swap3A_537 = arith.constant 7 : i32
      %swap3A_538 = arith.index_cast %swap3A_536 : i32 to index
      %swap3A_539 = arith.index_cast %swap3A_537 : i32 to index
      %swap3A_540 = arith.constant 16 : index
      %swap3A_541 = tpu.vector_load %arg10[%swap3A_538, %swap3A_539, %swap3A_540] {strides = array<i32>} : memref<1x8x128xf32, #tpu.memory_space<vmem>>, vector<16xf32>,
      tpu.vector_store %arg10[%swap3A_538, %swap3A_539, %swap3A_540], %gather3A_535 {strides = array<i32>} : memref<1x8x128xf32, #tpu.memory_space<vmem>>, vector<16xf32>,
      %get3A_542 = arith.constant 928 : index
      %get3A_543 = tpu.vector_load %arg8[%get3A_542] {strides = array<i32>} : memref<1024xi32, #tpu.memory_space<vmem>>, vector<16xi32>,
      %gather3A_544 = tpu.vector_load_idx %arg9[%get3A_543] : memref<20480xf32, #tpu.memory_space<vmem>>[vector<16xi32>], vector<16xf32>,
      %swap3A_545 = arith.constant 0 : i32
      %swap3A_546 = arith.constant 7 : i32
      %swap3A_547 = arith.index_cast %swap3A_545 : i32 to index
      %swap3A_548 = arith.index_cast %swap3A_546 : i32 to index
      %swap3A_549 = arith.constant 32 : index
      %swap3A_550 = tpu.vector_load %arg10[%swap3A_547, %swap3A_548, %swap3A_549] {strides = array<i32>} : memref<1x8x128xf32, #tpu.memory_space<vmem>>, vector<16xf32>,
      tpu.vector_store %arg10[%swap3A_547, %swap3A_548, %swap3A_549], %gather3A_544 {strides = array<i32>} : memref<1x8x128xf32, #tpu.memory_space<vmem>>, vector<16xf32>,
      %get3A_551 = arith.constant 944 : index
      %get3A_552 = tpu.vector_load %arg8[%get3A_551] {strides = array<i32>} : memref<1024xi32, #tpu.memory_space<vmem>>, vector<16xi32>,
      %gather3A_553 = tpu.vector_load_idx %arg9[%get3A_552] : memref<20480xf32, #tpu.memory_space<vmem>>[vector<16xi32>], vector<16xf32>,
      %swap3A_554 = arith.constant 0 : i32
      %swap3A_555 = arith.constant 7 : i32
      %swap3A_556 = arith.index_cast %swap3A_554 : i32 to index
      %swap3A_557 = arith.index_cast %swap3A_555 : i32 to index
      %swap3A_558 = arith.constant 48 : index
      %swap3A_559 = tpu.vector_load %arg10[%swap3A_556, %swap3A_557, %swap3A_558] {strides = array<i32>} : memref<1x8x128xf32, #tpu.memory_space<vmem>>, vector<16xf32>,
      tpu.vector_store %arg10[%swap3A_556, %swap3A_557, %swap3A_558], %gather3A_553 {strides = array<i32>} : memref<1x8x128xf32, #tpu.memory_space<vmem>>, vector<16xf32>,
      %get3A_560 = arith.constant 960 : index
      %get3A_561 = tpu.vector_load %arg8[%get3A_560] {strides = array<i32>} : memref<1024xi32, #tpu.memory_space<vmem>>, vector<16xi32>,
      %gather3A_562 = tpu.vector_load_idx %arg9[%get3A_561] : memref<20480xf32, #tpu.memory_space<vmem>>[vector<16xi32>], vector<16xf32>,
      %swap3A_563 = arith.constant 0 : i32
      %swap3A_564 = arith.constant 7 : i32
      %swap3A_565 = arith.index_cast %swap3A_563 : i32 to index
      %swap3A_566 = arith.index_cast %swap3A_564 : i32 to index
      %swap3A_567 = arith.constant 64 : index
      %swap3A_568 = tpu.vector_load %arg10[%swap3A_565, %swap3A_566, %swap3A_567] {strides = array<i32>} : memref<1x8x128xf32, #tpu.memory_space<vmem>>, vector<16xf32>,
      tpu.vector_store %arg10[%swap3A_565, %swap3A_566, %swap3A_567], %gather3A_562 {strides = array<i32>} : memref<1x8x128xf32, #tpu.memory_space<vmem>>, vector<16xf32>,
      %get3A_569 = arith.constant 976 : index
      %get3A_570 = tpu.vector_load %arg8[%get3A_569] {strides = array<i32>} : memref<1024xi32, #tpu.memory_space<vmem>>, vector<16xi32>,
      %gather3A_571 = tpu.vector_load_idx %arg9[%get3A_570] : memref<20480xf32, #tpu.memory_space<vmem>>[vector<16xi32>], vector<16xf32>,
      %swap3A_572 = arith.constant 0 : i32
      %swap3A_573 = arith.constant 7 : i32
      %swap3A_574 = arith.index_cast %swap3A_572 : i32 to index
      %swap3A_575 = arith.index_cast %swap3A_573 : i32 to index
      %swap3A_576 = arith.constant 80 : index
      %swap3A_577 = tpu.vector_load %arg10[%swap3A_574, %swap3A_575, %swap3A_576] {strides = array<i32>} : memref<1x8x128xf32, #tpu.memory_space<vmem>>, vector<16xf32>,
      tpu.vector_store %arg10[%swap3A_574, %swap3A_575, %swap3A_576], %gather3A_571 {strides = array<i32>} : memref<1x8x128xf32, #tpu.memory_space<vmem>>, vector<16xf32>,
      %get3A_578 = arith.constant 992 : index
      %get3A_579 = tpu.vector_load %arg8[%get3A_578] {strides = array<i32>} : memref<1024xi32, #tpu.memory_space<vmem>>, vector<16xi32>,
      %gather3A_580 = tpu.vector_load_idx %arg9[%get3A_579] : memref<20480xf32, #tpu.memory_space<vmem>>[vector<16xi32>], vector<16xf32>,
      %swap3A_581 = arith.constant 0 : i32
      %swap3A_582 = arith.constant 7 : i32
      %swap3A_583 = arith.index_cast %swap3A_581 : i32 to index
      %swap3A_584 = arith.index_cast %swap3A_582 : i32 to index
      %swap3A_585 = arith.constant 96 : index
      %swap3A_586 = tpu.vector_load %arg10[%swap3A_583, %swap3A_584, %swap3A_585] {strides = array<i32>} : memref<1x8x128xf32, #tpu.memory_space<vmem>>, vector<16xf32>,
      tpu.vector_store %arg10[%swap3A_583, %swap3A_584, %swap3A_585], %gather3A_580 {strides = array<i32>} : memref<1x8x128xf32, #tpu.memory_space<vmem>>, vector<16xf32>,
      %get3A_587 = arith.constant 1008 : index
      %get3A_588 = tpu.vector_load %arg8[%get3A_587] {strides = array<i32>} : memref<1024xi32, #tpu.memory_space<vmem>>, vector<16xi32>,
      %gather3A_589 = tpu.vector_load_idx %arg9[%get3A_588] : memref<20480xf32, #tpu.memory_space<vmem>>[vector<16xi32>], vector<16xf32>,
      %swap3A_590 = arith.constant 0 : i32
      %swap3A_591 = arith.constant 7 : i32
      %swap3A_592 = arith.index_cast %swap3A_590 : i32 to index
      %swap3A_593 = arith.index_cast %swap3A_591 : i32 to index
      %swap3A_594 = arith.constant 112 : index
      %swap3A_595 = tpu.vector_load %arg10[%swap3A_592, %swap3A_593, %swap3A_594] {strides = array<i32>} : memref<1x8x128xf32, #tpu.memory_space<vmem>>, vector<16xf32>,
      tpu.vector_store %arg10[%swap3A_592, %swap3A_593, %swap3A_594], %gather3A_589 {strides = array<i32>} : memref<1x8x128xf32, #tpu.memory_space<vmem>>, vector<16xf32>,
      "tpu.region"() ({
        %run_scoped3A = tpu.sem_alloc : memref<!tpu.dma_semaphore, #tpu.memory_space<semaphore_mem>>
        %dma_start3A = arith.constant 0 : i32
        %dma_start3A_596 = arith.constant 0 : i32
        %dma_start3A_597 = tpu.memref_slice %arg4[%arg1, %dma_start3A, %dma_start3A_596] : memref<5x8x128xf32, #tpu.memory_space<hbm>> -> memref<1x8x128xf32, #tpu.memory_space<hbm>>
        %dma_start3A_598 = arith.constant 0 : i32
        %dma_start3A_599 = arith.constant 0 : i32
        %dma_start3A_600 = tpu.memref_slice %arg4[%arg1, %dma_start3A_598, %dma_start3A_599] : memref<5x8x128xf32, #tpu.memory_space<hbm>> -> memref<1x8x128xf32, #tpu.memory_space<hbm>>
        tpu.enqueue_dma source(%arg10 : memref<1x8x128xf32, #tpu.memory_space<vmem>>) target(%dma_start3A_600 : memref<1x8x128xf32, #tpu.memory_space<hbm>>) target_semaphore(%run_scoped3A : memref<!tpu.dma_semaphore, #tpu.memory_space<semaphore_mem>>)
        %dma_wait3A_601 = arith.constant 0 : i32
        %dma_wait3A_602 = arith.constant 0 : i32
        %dma_wait3A_603 = tpu.memref_slice %arg4[%arg1, %dma_wait3A_601, %dma_wait3A_602] : memref<5x8x128xf32, #tpu.memory_space<hbm>> -> memref<1x8x128xf32, #tpu.memory_space<hbm>>
        %dma_wait3A_604 = arith.constant 0 : i32
        %dma_wait3A_605 = arith.constant 0 : i32
        %dma_wait3A_606 = tpu.memref_slice %arg4[%arg1, %dma_wait3A_604, %dma_wait3A_605] : memref<5x8x128xf32, #tpu.memory_space<hbm>> -> memref<1x8x128xf32, #tpu.memory_space<hbm>>
        tpu.wait_dma2 semaphore(%run_scoped3A : memref<!tpu.dma_semaphore, #tpu.memory_space<semaphore_mem>>) src(%arg10 : memref<1x8x128xf32, #tpu.memory_space<vmem>>) dst(%dma_wait3A_606 : memref<1x8x128xf32, #tpu.memory_space<hbm>>)
        tpu.yield
      }) : () -> ()
    } else {
    }
    return
  }
}

module attributes {stable_mosaic.version = 14 : i64} {
  func.func @_select_body(%arg0: memref<160x128xf32, #tpu.memory_space<vmem>>, %arg1: memref<160x128xi32, #tpu.memory_space<vmem>>) attributes {dimension_semantics = [], scalar_prefetch = 0 : i64, scratch_operands = 0 : i64, tpu.core_type = #tpu.core_type<tc>} {
    %get3A = arith.constant 0 : index
    %get3A_0 = arith.constant 0 : index
    %get3A_1 = vector.load %arg0[%get3A, %get3A_0] : memref<160x128xf32, #tpu.memory_space<vmem>>, vector<160x128xf32>
    %gt3A = arith.constant 5.000000e-02 : f32
    %gt3A_2 = vector.broadcast %gt3A : f32 to vector<160x128xf32>
    %gt3A_3 = arith.cmpf ogt, %get3A_1, %gt3A_2 : vector<160x128xf32>
    %jit3A = arith.constant 0.000000e+00 : f32
    %broadcast_in_dim3A = vector.broadcast %jit3A : f32 to vector<160x128xf32>
    %select_n3A = arith.select %gt3A_3, %get3A_1, %broadcast_in_dim3A : vector<160x128xi1>, vector<160x128xf32>
    %bitcast_convert_type3A = tpu.bitcast %select_n3A : vector<160x128xf32> -> vector<160x128xi32>
    %scan3A = arith.constant 0 : i32
    %scan3A_4 = arith.constant 2139095039 : i32
    %scan3A_5 = arith.constant 0 : i32
    %scan3A_6 = arith.constant 31 : i32
    %scan3A_7 = arith.addi %scan3A_5, %scan3A_6 : i32
    %scan3A_8 = arith.constant 1 : i32
    %scan3A_9:2 = scf.for %scan3A_57 = %scan3A_5 to %scan3A_7 step %scan3A_8 iter_args(%scan3A_58 = %scan3A, %scan3A_59 = %scan3A_4) -> (i32, i32)  : i32 {
      %sub3A_60 = arith.subi %scan3A_59, %scan3A_58 : i32
      %add3A_61 = arith.constant 1 : i32
      %add3A_62 = arith.addi %sub3A_60, %add3A_61 : i32
      %jit3A_63 = arith.constant 2 : i32
      %div3A = arith.divsi %add3A_62, %jit3A_63 : i32
      %sign3A = arith.constant 0 : i32
      %sign3A_64 = arith.cmpi sgt, %add3A_62, %sign3A : i32
      %sign3A_65 = arith.extui %sign3A_64 : i1 to i32
      %sign3A_66 = arith.constant 0 : i32
      %sign3A_67 = arith.cmpi slt, %add3A_62, %sign3A_66 : i32
      %sign3A_68 = arith.extui %sign3A_67 : i1 to i32
      %sign3A_69 = arith.subi %sign3A_65, %sign3A_68 : i32
      %sign3A_70 = arith.constant 0 : i32
      %sign3A_71 = arith.cmpi sgt, %jit3A_63, %sign3A_70 : i32
      %sign3A_72 = arith.extui %sign3A_71 : i1 to i32
      %sign3A_73 = arith.constant 0 : i32
      %sign3A_74 = arith.cmpi slt, %jit3A_63, %sign3A_73 : i32
      %sign3A_75 = arith.extui %sign3A_74 : i1 to i32
      %sign3A_76 = arith.subi %sign3A_72, %sign3A_75 : i32
      %ne3A = arith.cmpi ne, %sign3A_69, %sign3A_76 : i32
      %rem3A = arith.remsi %add3A_62, %jit3A_63 : i32
      %ne3A_77 = arith.constant 0 : i32
      %ne3A_78 = arith.cmpi ne, %rem3A, %ne3A_77 : i32
      %and3A_79 = arith.andi %ne3A, %ne3A_78 : i1
      %sub3A_80 = arith.constant 1 : i32
      %sub3A_81 = arith.subi %div3A, %sub3A_80 : i32
      %select_n3A_82 = arith.select %and3A_79, %sub3A_81, %div3A : i32
      %add3A_83 = arith.addi %scan3A_58, %select_n3A_82 : i32
      %ge3A = vector.broadcast %add3A_83 : i32 to vector<160x128xi32>
      %ge3A_84 = arith.cmpi sge, %bitcast_convert_type3A, %ge3A : vector<160x128xi32>
      %convert_element_type3A_85 = arith.extui %ge3A_84 : vector<160x128xi1> to vector<160x128xi32>
      %reduce_sum3A_86 = vector.shape_cast %convert_element_type3A_85 : vector<160x128xi32> to vector<1x160x128xi32>
      %reduce_sum3A_87 = arith.constant dense<0> : vector<1xi32>
      %reduce_sum3A_88 = vector.multi_reduction <add>, %reduce_sum3A_86, %reduce_sum3A_87 [1, 2] : vector<1x160x128xi32> to vector<1xi32>
      %reduce_sum3A_89 = vector.shape_cast %reduce_sum3A_88 : vector<1xi32> to vector<1x1x1xi32>
      %reduce_sum3A_90 = vector.extract %reduce_sum3A_89[0, 0, 0] : i32 from vector<1x1x1xi32>
      %ge3A_91 = arith.constant 1000 : i32
      %ge3A_92 = arith.cmpi sge, %reduce_sum3A_90, %ge3A_91 : i32
      %select_n3A_93 = arith.select %ge3A_92, %add3A_83, %scan3A_58 : i32
      %sub3A_94 = arith.constant 1 : i32
      %sub3A_95 = arith.subi %add3A_83, %sub3A_94 : i32
      %select_n3A_96 = arith.select %ge3A_92, %scan3A_59, %sub3A_95 : i32
      scf.yield %select_n3A_93, %select_n3A_96 : i32, i32
    }
    %gt3A_10 = vector.broadcast %scan3A_9#0 : i32 to vector<160x128xi32>
    %gt3A_11 = arith.cmpi sgt, %bitcast_convert_type3A, %gt3A_10 : vector<160x128xi32>
    %convert_element_type3A = arith.extui %gt3A_11 : vector<160x128xi1> to vector<160x128xi32>
    %reduce_sum3A = vector.shape_cast %convert_element_type3A : vector<160x128xi32> to vector<1x160x128xi32>
    %reduce_sum3A_12 = arith.constant dense<0> : vector<1xi32>
    %reduce_sum3A_13 = vector.multi_reduction <add>, %reduce_sum3A, %reduce_sum3A_12 [1, 2] : vector<1x160x128xi32> to vector<1xi32>
    %reduce_sum3A_14 = vector.shape_cast %reduce_sum3A_13 : vector<1xi32> to vector<1x1x1xi32>
    %reduce_sum3A_15 = vector.extract %reduce_sum3A_14[0, 0, 0] : i32 from vector<1x1x1xi32>
    %sub3A = arith.constant 1000 : i32
    %sub3A_16 = arith.subi %sub3A, %reduce_sum3A_15 : i32
    %convert_element_type3A_17 = arith.sitofp %sub3A_16 : i32 to f32
    %eq3A = vector.broadcast %scan3A_9#0 : i32 to vector<160x128xi32>
    %eq3A_18 = arith.cmpi eq, %bitcast_convert_type3A, %eq3A : vector<160x128xi32>
    %convert_element_type3A_19 = arith.extui %eq3A_18 : vector<160x128xi1> to vector<160x128xi32>
    %convert_element_type3A_20 = arith.sitofp %convert_element_type3A_19 : vector<160x128xi32> to vector<160x128xf32>
    %iota3A = tpu.iota {dimensions = array<i32: 0>} : vector<128x128xi32>
    %iota3A_21 = tpu.iota {dimensions = array<i32: 1>} : vector<128x128xi32>
    %lt3A = arith.cmpi slt, %iota3A, %iota3A_21 : vector<128x128xi32>
    %convert_element_type3A_22 = arith.extui %lt3A : vector<128x128xi1> to vector<128x128xi32>
    %convert_element_type3A_23 = arith.sitofp %convert_element_type3A_22 : vector<128x128xi32> to vector<128x128xf32>
    %iota3A_24 = tpu.iota {dimensions = array<i32: 1>} : vector<160x160xi32>
    %iota3A_25 = tpu.iota {dimensions = array<i32: 0>} : vector<160x160xi32>
    %lt3A_26 = arith.cmpi slt, %iota3A_24, %iota3A_25 : vector<160x160xi32>
    %convert_element_type3A_27 = arith.extui %lt3A_26 : vector<160x160xi1> to vector<160x160xi32>
    %convert_element_type3A_28 = arith.sitofp %convert_element_type3A_27 : vector<160x160xi32> to vector<160x160xf32>
    %gt3A_29 = vector.broadcast %scan3A_9#0 : i32 to vector<160x128xi32>
    %gt3A_30 = arith.cmpi sgt, %bitcast_convert_type3A, %gt3A_29 : vector<160x128xi32>
    %dot_general3A = arith.constant dense<0.000000e+00> : vector<160x128xf32>
    %dot_general3A_31 = tpu.matmul %convert_element_type3A_20, %convert_element_type3A_23, %dot_general3A {dimension_numbers = #tpu.dot_dimension_numbers<[1], [0], [0], [1], [0, 0, 1, 1], [], []>, transpose_lhs_hint = false} : vector<160x128xf32>, vector<128x128xf32>, vector<160x128xf32> -> vector<160x128xf32>
    %reduce_sum3A_32 = arith.constant dense<0.000000e+00> : vector<160xf32>
    %reduce_sum3A_33 = vector.multi_reduction <add>, %convert_element_type3A_20, %reduce_sum3A_32 [1] : vector<160x128xf32> to vector<160xf32>
    %broadcast_in_dim3A_34 = vector.shape_cast %reduce_sum3A_33 : vector<160xf32> to vector<160x1xf32>
    %dot_general3A_35 = arith.constant dense<0.000000e+00> : vector<160x1xf32>
    %dot_general3A_36 = tpu.matmul %convert_element_type3A_28, %broadcast_in_dim3A_34, %dot_general3A_35 {dimension_numbers = #tpu.dot_dimension_numbers<[1], [0], [0], [1], [0, 0, 1, 1], [], []>, transpose_lhs_hint = false} : vector<160x160xf32>, vector<160x1xf32>, vector<160x1xf32> -> vector<160x1xf32>
    %add3A = vector.broadcast %dot_general3A_36 : vector<160x1xf32> to vector<160x128xf32>
    %add3A_37 = arith.addf %dot_general3A_31, %add3A : vector<160x128xf32>
    %lt3A_38 = vector.broadcast %convert_element_type3A_17 : f32 to vector<160x128xf32>
    %lt3A_39 = arith.cmpf olt, %add3A_37, %lt3A_38 : vector<160x128xf32>
    %and3A = arith.andi %eq3A_18, %lt3A_39 : vector<160x128xi1>
    %or3A = arith.ori %gt3A_30, %and3A : vector<160x128xi1>
    %convert_element_type3A_40 = arith.extui %or3A : vector<160x128xi1> to vector<160x128xi32>
    %convert_element_type3A_41 = arith.sitofp %convert_element_type3A_40 : vector<160x128xi32> to vector<160x128xf32>
    %dot_general3A_42 = arith.constant dense<0.000000e+00> : vector<160x128xf32>
    %dot_general3A_43 = tpu.matmul %convert_element_type3A_41, %convert_element_type3A_23, %dot_general3A_42 {dimension_numbers = #tpu.dot_dimension_numbers<[1], [0], [0], [1], [0, 0, 1, 1], [], []>, transpose_lhs_hint = false} : vector<160x128xf32>, vector<128x128xf32>, vector<160x128xf32> -> vector<160x128xf32>
    %reduce_sum3A_44 = arith.constant dense<0.000000e+00> : vector<160xf32>
    %reduce_sum3A_45 = vector.multi_reduction <add>, %convert_element_type3A_41, %reduce_sum3A_44 [1] : vector<160x128xf32> to vector<160xf32>
    %broadcast_in_dim3A_46 = vector.shape_cast %reduce_sum3A_45 : vector<160xf32> to vector<160x1xf32>
    %dot_general3A_47 = arith.constant dense<0.000000e+00> : vector<160x1xf32>
    %dot_general3A_48 = tpu.matmul %convert_element_type3A_28, %broadcast_in_dim3A_46, %dot_general3A_47 {dimension_numbers = #tpu.dot_dimension_numbers<[1], [0], [0], [1], [0, 0, 1, 1], [], []>, transpose_lhs_hint = false} : vector<160x160xf32>, vector<160x1xf32>, vector<160x1xf32> -> vector<160x1xf32>
    %add3A_49 = vector.broadcast %dot_general3A_48 : vector<160x1xf32> to vector<160x128xf32>
    %add3A_50 = arith.addf %dot_general3A_43, %add3A_49 : vector<160x128xf32>
    %convert_element_type3A_51 = arith.fptosi %add3A_50 : vector<160x128xf32> to vector<160x128xi32>
    %jit3A_52 = arith.constant -1 : i32
    %broadcast_in_dim3A_53 = vector.broadcast %jit3A_52 : i32 to vector<160x128xi32>
    %select_n3A_54 = arith.select %or3A, %convert_element_type3A_51, %broadcast_in_dim3A_53 : vector<160x128xi1>, vector<160x128xi32>
    %swap3A = arith.constant 0 : index
    %swap3A_55 = arith.constant 0 : index
    %swap3A_56 = vector.load %arg1[%swap3A, %swap3A_55] : memref<160x128xi32, #tpu.memory_space<vmem>>, vector<160x128xi32>
    tpu.vector_store %arg1[%swap3A, %swap3A_55], %select_n3A_54 {strides = array<i32>} : memref<160x128xi32, #tpu.memory_space<vmem>>, vector<160x128xi32>,
    return
  }
}

module attributes {stable_mosaic.version = 14 : i64} {
  func.func @_nms_body(%arg0: memref<5x8x128xf32, #tpu.memory_space<vmem>>, %arg1: memref<5x8x128xf32, #tpu.memory_space<smem>>, %arg2: memref<104x128xf32, #tpu.memory_space<vmem>>) attributes {dimension_semantics = [], scalar_prefetch = 0 : i64, scratch_operands = 0 : i64, tpu.core_type = #tpu.core_type<tc>} {
    %get3A = arith.constant 0 : index
    %get3A_0 = arith.constant 0 : index
    %get3A_1 = arith.constant 0 : index
    %get3A_2 = vector.load %arg0[%get3A, %get3A_0, %get3A_1] : memref<5x8x128xf32, #tpu.memory_space<vmem>>, vector<1x8x128xf32>
    %get3A_3 = vector.shape_cast %get3A_2 : vector<1x8x128xf32> to vector<8x128xf32>
    %get3A_4 = arith.constant 1 : index
    %get3A_5 = arith.constant 0 : index
    %get3A_6 = arith.constant 0 : index
    %get3A_7 = vector.load %arg0[%get3A_4, %get3A_5, %get3A_6] : memref<5x8x128xf32, #tpu.memory_space<vmem>>, vector<1x8x128xf32>
    %get3A_8 = vector.shape_cast %get3A_7 : vector<1x8x128xf32> to vector<8x128xf32>
    %get3A_9 = arith.constant 2 : index
    %get3A_10 = arith.constant 0 : index
    %get3A_11 = arith.constant 0 : index
    %get3A_12 = vector.load %arg0[%get3A_9, %get3A_10, %get3A_11] : memref<5x8x128xf32, #tpu.memory_space<vmem>>, vector<1x8x128xf32>
    %get3A_13 = vector.shape_cast %get3A_12 : vector<1x8x128xf32> to vector<8x128xf32>
    %get3A_14 = arith.constant 3 : index
    %get3A_15 = arith.constant 0 : index
    %get3A_16 = arith.constant 0 : index
    %get3A_17 = vector.load %arg0[%get3A_14, %get3A_15, %get3A_16] : memref<5x8x128xf32, #tpu.memory_space<vmem>>, vector<1x8x128xf32>
    %get3A_18 = vector.shape_cast %get3A_17 : vector<1x8x128xf32> to vector<8x128xf32>
    %get3A_19 = arith.constant 4 : index
    %get3A_20 = arith.constant 0 : index
    %get3A_21 = arith.constant 0 : index
    %get3A_22 = vector.load %arg0[%get3A_19, %get3A_20, %get3A_21] : memref<5x8x128xf32, #tpu.memory_space<vmem>>, vector<1x8x128xf32>
    %get3A_23 = vector.shape_cast %get3A_22 : vector<1x8x128xf32> to vector<8x128xf32>
    %sub3A = arith.subf %get3A_13, %get3A_3 : vector<8x128xf32>
    %sub3A_24 = arith.subf %get3A_18, %get3A_8 : vector<8x128xf32>
    %mul3A = arith.mulf %sub3A, %sub3A_24 : vector<8x128xf32>
    %iota3A = tpu.iota {dimensions = array<i32: 0>} : vector<8x128xi32>
    %iota3A_25 = tpu.iota {dimensions = array<i32: 1>} : vector<8x128xi32>
    %mul3A_26 = arith.constant 128 : i32
    %mul3A_27 = vector.broadcast %mul3A_26 : i32 to vector<8x128xi32>
    %mul3A_28 = arith.muli %iota3A, %mul3A_27 : vector<8x128xi32>
    %add3A = arith.addi %mul3A_28, %iota3A_25 : vector<8x128xi32>
    %gt3A = arith.constant 5.000000e-02 : f32
    %gt3A_29 = vector.broadcast %gt3A : f32 to vector<8x128xf32>
    %gt3A_30 = arith.cmpf ogt, %get3A_23, %gt3A_29 : vector<8x128xf32>
    %lt3A = arith.constant 1000 : i32
    %lt3A_31 = vector.broadcast %lt3A : i32 to vector<8x128xi32>
    %lt3A_32 = arith.cmpi slt, %add3A, %lt3A_31 : vector<8x128xi32>
    %and3A = arith.andi %gt3A_30, %lt3A_32 : vector<8x128xi1>
    %jit3A = arith.constant 0.000000e+00 : f32
    %broadcast_in_dim3A = vector.broadcast %jit3A : f32 to vector<8x128xf32>
    %select_n3A = arith.select %and3A, %get3A_23, %broadcast_in_dim3A : vector<8x128xi1>, vector<8x128xf32>
    %iota3A_33 = tpu.iota {dimensions = array<i32: 1>} : vector<1x128xi32>
    %convert_element_type3A = arith.sitofp %add3A : vector<8x128xi32> to vector<8x128xf32>
    %scan3A = arith.constant 0 : i32
    %scan3A_34 = arith.constant 100 : i32
    %scan3A_35 = arith.addi %scan3A, %scan3A_34 : i32
    %scan3A_36 = arith.constant 1 : i32
    %scan3A_37 = scf.for %scan3A_39 = %scan3A to %scan3A_35 step %scan3A_36 iter_args(%scan3A_40 = %select_n3A) -> (vector<8x128xf32>)  : i32 {
      %reduce_max3A = vector.shape_cast %scan3A_40 : vector<8x128xf32> to vector<1x8x128xf32>
      %reduce_max3A_41 = arith.constant dense<0xFF800000> : vector<1xf32>
      %reduce_max3A_42 = vector.multi_reduction <maximumf>, %reduce_max3A, %reduce_max3A_41 [1, 2] : vector<1x8x128xf32> to vector<1xf32>
      %reduce_max3A_43 = vector.shape_cast %reduce_max3A_42 : vector<1xf32> to vector<1x1x1xf32>
      %reduce_max3A_44 = vector.extract %reduce_max3A_43[0, 0, 0] : f32 from vector<1x1x1xf32>
      %broadcast_in_dim3A_45 = vector.broadcast %reduce_max3A_44 : f32 to vector<1x1xf32>
      %eq3A = vector.broadcast %broadcast_in_dim3A_45 : vector<1x1xf32> to vector<8x128xf32>
      %eq3A_46 = arith.cmpf oeq, %scan3A_40, %eq3A : vector<8x128xf32>
      %jit3A_47 = arith.constant 4.096000e+03 : f32
      %broadcast_in_dim3A_48 = vector.broadcast %jit3A_47 : f32 to vector<8x128xf32>
      %select_n3A_49 = arith.select %eq3A_46, %convert_element_type3A, %broadcast_in_dim3A_48 : vector<8x128xi1>, vector<8x128xf32>
      %reduce_min3A = vector.shape_cast %select_n3A_49 : vector<8x128xf32> to vector<1x8x128xf32>
      %reduce_min3A_50 = arith.constant dense<0x7F800000> : vector<1xf32>
      %reduce_min3A_51 = vector.multi_reduction <minimumf>, %reduce_min3A, %reduce_min3A_50 [1, 2] : vector<1x8x128xf32> to vector<1xf32>
      %reduce_min3A_52 = vector.shape_cast %reduce_min3A_51 : vector<1xf32> to vector<1x1x1xf32>
      %reduce_min3A_53 = vector.extract %reduce_min3A_52[0, 0, 0] : f32 from vector<1x1x1xf32>
      %convert_element_type3A_54 = arith.fptosi %reduce_min3A_53 : f32 to i32
      %eq3A_55 = vector.broadcast %reduce_min3A_53 : f32 to vector<8x128xf32>
      %eq3A_56 = arith.cmpf oeq, %convert_element_type3A, %eq3A_55 : vector<8x128xf32>
      %jit3A_57 = arith.constant 128 : i32
      %div3A = arith.divsi %convert_element_type3A_54, %jit3A_57 : i32
      %sign3A = arith.constant 0 : i32
      %sign3A_58 = arith.cmpi sgt, %convert_element_type3A_54, %sign3A : i32
      %sign3A_59 = arith.extui %sign3A_58 : i1 to i32
      %sign3A_60 = arith.constant 0 : i32
      %sign3A_61 = arith.cmpi slt, %convert_element_type3A_54, %sign3A_60 : i32
      %sign3A_62 = arith.extui %sign3A_61 : i1 to i32
      %sign3A_63 = arith.subi %sign3A_59, %sign3A_62 : i32
      %sign3A_64 = arith.constant 0 : i32
      %sign3A_65 = arith.cmpi sgt, %jit3A_57, %sign3A_64 : i32
      %sign3A_66 = arith.extui %sign3A_65 : i1 to i32
      %sign3A_67 = arith.constant 0 : i32
      %sign3A_68 = arith.cmpi slt, %jit3A_57, %sign3A_67 : i32
      %sign3A_69 = arith.extui %sign3A_68 : i1 to i32
      %sign3A_70 = arith.subi %sign3A_66, %sign3A_69 : i32
      %ne3A = arith.cmpi ne, %sign3A_63, %sign3A_70 : i32
      %rem3A = arith.remsi %convert_element_type3A_54, %jit3A_57 : i32
      %ne3A_71 = arith.constant 0 : i32
      %ne3A_72 = arith.cmpi ne, %rem3A, %ne3A_71 : i32
      %and3A_73 = arith.andi %ne3A, %ne3A_72 : i1
      %sub3A_74 = arith.constant 1 : i32
      %sub3A_75 = arith.subi %div3A, %sub3A_74 : i32
      %select_n3A_76 = arith.select %and3A_73, %sub3A_75, %div3A : i32
      %jit3A_77 = arith.constant 128 : i32
      %eq3A_78 = arith.constant 0 : i32
      %eq3A_79 = arith.cmpi eq, %jit3A_77, %eq3A_78 : i32
      %jit3A_80 = arith.constant 1 : i32
      %select_n3A_81 = arith.select %eq3A_79, %jit3A_80, %jit3A_77 : i32
      %rem3A_82 = arith.remsi %convert_element_type3A_54, %select_n3A_81 : i32
      %ne3A_83 = arith.constant 0 : i32
      %ne3A_84 = arith.cmpi ne, %rem3A_82, %ne3A_83 : i32
      %lt3A_85 = arith.constant 0 : i32
      %lt3A_86 = arith.cmpi slt, %rem3A_82, %lt3A_85 : i32
      %lt3A_87 = arith.constant 0 : i32
      %lt3A_88 = arith.cmpi slt, %select_n3A_81, %lt3A_87 : i32
      %ne3A_89 = arith.xori %lt3A_86, %lt3A_88 : i1
      %and3A_90 = arith.andi %ne3A_89, %ne3A_84 : i1
      %add3A_91 = arith.addi %rem3A_82, %select_n3A_81 : i32
      %select_n3A_92 = arith.select %and3A_90, %add3A_91, %rem3A_82 : i32
      %get3A_93 = arith.constant 0 : index
      %get3A_94 = arith.index_cast %select_n3A_76 : i32 to index
      %get3A_95 = arith.index_cast %select_n3A_92 : i32 to index
      %get3A_96 = memref.load %arg1[%get3A_93, %get3A_94, %get3A_95] : memref<5x8x128xf32, #tpu.memory_space<smem>>
      %get3A_97 = arith.constant 1 : index
      %get3A_98 = arith.index_cast %select_n3A_76 : i32 to index
      %get3A_99 = arith.index_cast %select_n3A_92 : i32 to index
      %get3A_100 = memref.load %arg1[%get3A_97, %get3A_98, %get3A_99] : memref<5x8x128xf32, #tpu.memory_space<smem>>
      %get3A_101 = arith.constant 2 : index
      %get3A_102 = arith.index_cast %select_n3A_76 : i32 to index
      %get3A_103 = arith.index_cast %select_n3A_92 : i32 to index
      %get3A_104 = memref.load %arg1[%get3A_101, %get3A_102, %get3A_103] : memref<5x8x128xf32, #tpu.memory_space<smem>>
      %get3A_105 = arith.constant 3 : index
      %get3A_106 = arith.index_cast %select_n3A_76 : i32 to index
      %get3A_107 = arith.index_cast %select_n3A_92 : i32 to index
      %get3A_108 = memref.load %arg1[%get3A_105, %get3A_106, %get3A_107] : memref<5x8x128xf32, #tpu.memory_space<smem>>
      %sub3A_109 = arith.subf %get3A_104, %get3A_96 : f32
      %sub3A_110 = arith.subf %get3A_108, %get3A_100 : f32
      %mul3A_111 = arith.mulf %sub3A_109, %sub3A_110 : f32
      %min3A = vector.broadcast %get3A_104 : f32 to vector<8x128xf32>
      %min3A_112 = arith.minimumf %min3A, %get3A_13 : vector<8x128xf32>
      %max3A = vector.broadcast %get3A_96 : f32 to vector<8x128xf32>
      %max3A_113 = arith.maximumf %max3A, %get3A_3 : vector<8x128xf32>
      %sub3A_114 = arith.subf %min3A_112, %max3A_113 : vector<8x128xf32>
      %max3A_115 = arith.constant 0.000000e+00 : f32
      %max3A_116 = vector.broadcast %max3A_115 : f32 to vector<8x128xf32>
      %max3A_117 = arith.maximumf %sub3A_114, %max3A_116 : vector<8x128xf32>
      %min3A_118 = vector.broadcast %get3A_108 : f32 to vector<8x128xf32>
      %min3A_119 = arith.minimumf %min3A_118, %get3A_18 : vector<8x128xf32>
      %max3A_120 = vector.broadcast %get3A_100 : f32 to vector<8x128xf32>
      %max3A_121 = arith.maximumf %max3A_120, %get3A_8 : vector<8x128xf32>
      %sub3A_122 = arith.subf %min3A_119, %max3A_121 : vector<8x128xf32>
      %max3A_123 = arith.constant 0.000000e+00 : f32
      %max3A_124 = vector.broadcast %max3A_123 : f32 to vector<8x128xf32>
      %max3A_125 = arith.maximumf %sub3A_122, %max3A_124 : vector<8x128xf32>
      %mul3A_126 = arith.mulf %max3A_117, %max3A_125 : vector<8x128xf32>
      %add3A_127 = vector.broadcast %mul3A_111 : f32 to vector<8x128xf32>
      %add3A_128 = arith.addf %add3A_127, %mul3A : vector<8x128xf32>
      %sub3A_129 = arith.subf %add3A_128, %mul3A_126 : vector<8x128xf32>
      %max3A_130 = arith.constant 9.99999993E-9 : f32
      %max3A_131 = vector.broadcast %max3A_130 : f32 to vector<8x128xf32>
      %max3A_132 = arith.maximumf %sub3A_129, %max3A_131 : vector<8x128xf32>
      %div3A_133 = arith.divf %mul3A_126, %max3A_132 : vector<8x128xf32>
      %gt3A_134 = arith.constant 5.000000e-01 : f32
      %gt3A_135 = vector.broadcast %gt3A_134 : f32 to vector<8x128xf32>
      %gt3A_136 = arith.cmpf ogt, %div3A_133, %gt3A_135 : vector<8x128xf32>
      %or3A = arith.ori %gt3A_136, %eq3A_56 : vector<8x128xi1>
      %jit3A_137 = arith.constant 0.000000e+00 : f32
      %broadcast_in_dim3A_138 = vector.broadcast %jit3A_137 : f32 to vector<8x128xf32>
      %select_n3A_139 = arith.select %or3A, %broadcast_in_dim3A_138, %scan3A_40 : vector<8x128xi1>, vector<8x128xf32>
      %gt3A_140 = arith.constant 0.000000e+00 : f32
      %gt3A_141 = vector.broadcast %gt3A_140 : f32 to vector<1x1xf32>
      %gt3A_142 = arith.cmpf ogt, %broadcast_in_dim3A_45, %gt3A_141 : vector<1x1xf32>
      %jit3A_143 = arith.constant 1.000000e+00 : f32
      %jit3A_144 = arith.constant 0.000000e+00 : f32
      %broadcast_in_dim3A_145 = vector.broadcast %jit3A_143 : f32 to vector<1x1xf32>
      %broadcast_in_dim3A_146 = vector.broadcast %jit3A_144 : f32 to vector<1x1xf32>
      %select_n3A_147 = arith.select %gt3A_142, %broadcast_in_dim3A_145, %broadcast_in_dim3A_146 : vector<1x1xi1>, vector<1x1xf32>
      %eq3A_148 = arith.constant 0 : i32
      %eq3A_149 = vector.broadcast %eq3A_148 : i32 to vector<1x128xi32>
      %eq3A_150 = arith.cmpi eq, %iota3A_33, %eq3A_149 : vector<1x128xi32>
      %mul3A_151 = vector.broadcast %get3A_96 : f32 to vector<1x1xf32>
      %mul3A_152 = arith.mulf %mul3A_151, %select_n3A_147 : vector<1x1xf32>
      %jit3A_153 = arith.constant 0.000000e+00 : f32
      %broadcast_in_dim3A_154 = vector.shape_cast %mul3A_152 : vector<1x1xf32> to vector<1x1xf32>
      %broadcast_in_dim3A_155 = vector.broadcast %broadcast_in_dim3A_154 : vector<1x1xf32> to vector<1x128xf32>
      %broadcast_in_dim3A_156 = vector.broadcast %jit3A_153 : f32 to vector<1x128xf32>
      %select_n3A_157 = arith.select %eq3A_150, %broadcast_in_dim3A_155, %broadcast_in_dim3A_156 : vector<1x128xi1>, vector<1x128xf32>
      %eq3A_158 = arith.constant 1 : i32
      %eq3A_159 = vector.broadcast %eq3A_158 : i32 to vector<1x128xi32>
      %eq3A_160 = arith.cmpi eq, %iota3A_33, %eq3A_159 : vector<1x128xi32>
      %mul3A_161 = vector.broadcast %get3A_100 : f32 to vector<1x1xf32>
      %mul3A_162 = arith.mulf %mul3A_161, %select_n3A_147 : vector<1x1xf32>
      %broadcast_in_dim3A_163 = vector.shape_cast %mul3A_162 : vector<1x1xf32> to vector<1x1xf32>
      %broadcast_in_dim3A_164 = vector.broadcast %broadcast_in_dim3A_163 : vector<1x1xf32> to vector<1x128xf32>
      %select_n3A_165 = arith.select %eq3A_160, %broadcast_in_dim3A_164, %select_n3A_157 : vector<1x128xi1>, vector<1x128xf32>
      %eq3A_166 = arith.constant 2 : i32
      %eq3A_167 = vector.broadcast %eq3A_166 : i32 to vector<1x128xi32>
      %eq3A_168 = arith.cmpi eq, %iota3A_33, %eq3A_167 : vector<1x128xi32>
      %mul3A_169 = vector.broadcast %get3A_104 : f32 to vector<1x1xf32>
      %mul3A_170 = arith.mulf %mul3A_169, %select_n3A_147 : vector<1x1xf32>
      %broadcast_in_dim3A_171 = vector.shape_cast %mul3A_170 : vector<1x1xf32> to vector<1x1xf32>
      %broadcast_in_dim3A_172 = vector.broadcast %broadcast_in_dim3A_171 : vector<1x1xf32> to vector<1x128xf32>
      %select_n3A_173 = arith.select %eq3A_168, %broadcast_in_dim3A_172, %select_n3A_165 : vector<1x128xi1>, vector<1x128xf32>
      %eq3A_174 = arith.constant 3 : i32
      %eq3A_175 = vector.broadcast %eq3A_174 : i32 to vector<1x128xi32>
      %eq3A_176 = arith.cmpi eq, %iota3A_33, %eq3A_175 : vector<1x128xi32>
      %mul3A_177 = vector.broadcast %get3A_108 : f32 to vector<1x1xf32>
      %mul3A_178 = arith.mulf %mul3A_177, %select_n3A_147 : vector<1x1xf32>
      %broadcast_in_dim3A_179 = vector.shape_cast %mul3A_178 : vector<1x1xf32> to vector<1x1xf32>
      %broadcast_in_dim3A_180 = vector.broadcast %broadcast_in_dim3A_179 : vector<1x1xf32> to vector<1x128xf32>
      %select_n3A_181 = arith.select %eq3A_176, %broadcast_in_dim3A_180, %select_n3A_173 : vector<1x128xi1>, vector<1x128xf32>
      %eq3A_182 = arith.constant 4 : i32
      %eq3A_183 = vector.broadcast %eq3A_182 : i32 to vector<1x128xi32>
      %eq3A_184 = arith.cmpi eq, %iota3A_33, %eq3A_183 : vector<1x128xi32>
      %mul3A_185 = arith.mulf %broadcast_in_dim3A_45, %select_n3A_147 : vector<1x1xf32>
      %broadcast_in_dim3A_186 = vector.shape_cast %mul3A_185 : vector<1x1xf32> to vector<1x1xf32>
      %broadcast_in_dim3A_187 = vector.broadcast %broadcast_in_dim3A_186 : vector<1x1xf32> to vector<1x128xf32>
      %select_n3A_188 = arith.select %eq3A_184, %broadcast_in_dim3A_187, %select_n3A_181 : vector<1x128xi1>, vector<1x128xf32>
      %swap3A = arith.index_cast %scan3A_39 : i32 to index
      %swap3A_189 = arith.constant 0 : index
      %swap3A_190 = vector.load %arg2[%swap3A, %swap3A_189] : memref<104x128xf32, #tpu.memory_space<vmem>>, vector<1x128xf32>
      tpu.vector_store %arg2[%swap3A, %swap3A_189], %select_n3A_188 {strides = array<i32>} : memref<104x128xf32, #tpu.memory_space<vmem>>, vector<1x128xf32>,
      scf.yield %select_n3A_139 : vector<8x128xf32>
    }
    %scan3A_38 = arith.constant 100 : i32
    return
  }
}

</mosaic_0001>

<sc_bundles>
// kernel: kernel.5.cloned.1.call-start
scs
__scs_entry_jumppad:
0x0: {  	(pc) =	sbr.rel $0x88, $3  }
0x1: {  	(tag) =	ssettag $0x0;
	lr =	simm.s32 $0x1  }
0x2: {  	[smem:$0x3F9F] =	sst lr;
	_ =	strace $0xD0000000  }
0x3: {  	_ = 	snop  }
0x4: {  	_ = 	snop  }
0x5: {  	_ = 	snop  }
0x6: {  	_ = 	snop  }
0x7: {  	_ = 	snop  }
__scs_overlays_trampoline_lowered:
0x8: {  	[smem:$0x3FAE] =	sst s0  }
0x9: {  	[smem:$0x3FAF] =	sst s1  }
0xa: {  	[smem:$0x3FB0] =	sst s2  }
0xb: {  	[smem:$0x3FB1] =	sst s3  }
0xc: {  	[smem:$0x3FB2] =	sst s4  }
0xd: {  	[smem:$0x3FB3] =	sst s5  }
0xe: {  	[smem:$0x3FB4] =	sst s6  }
0xf: {  	[smem:$0x3FB5] =	sst s7  }
0x10: {  	[smem:$0x3FB6] =	sst s8  }
0x11: {  	[smem:$0x3FB7] =	sst s9;
	s0 =	simm.s32 @!p0 $0x0  }
0x12: {  	s1 =	sld [smem:$0x3F9D];
	s0 =	simm.s32 @p0 $0x1  }
0x13: {  	[smem:$0x3FB8] =	sst s0;
	s0 =	simm.s32 @!p1 $0x0  }
0x14: {  	s2 =	sld [smem:$0x3F9C];
	s0 =	simm.s32 @p1 $0x1  }
0x15: {  	[smem:$0x3FB9] =	sst s0;
	s0 =	simm.s32 @!p2 $0x0  }
0x16: {  	s3 =	sld [smem:$0x3FDB];
	s0 =	simm.s32 @p2 $0x1  }
0x17: {  	s4 =	simm.s32 $0x1BF5;
	[smem:$0x3FBB] =	sst s0  }
0x18: {  	s0 =	sld [smem:$0x3F9E];
	_ =	swait.ge [sflag:s4], $0x0  }
0x19: {  	s7 =	sld [smem:$0x3F9F]  }
0x1a: {  	s8 =	sadd.s32 $0xFFFFE003, lr  }
0x1b: {  	s9 =	sadd.s32 $0xFFFFFEF7, lr;
	s5 =	simm.s32 $0xFFFFFFFF;
	p2 =	slt.u32 s8, $0xFFFFF086  }
0x1c: {  	p1 =	slt.u32 s9, $0xF7A;
	s5 =	simm.s32 @!p2 $0x0  }
0x1d: {  	s5 =	simm.s32 @p1 $0x1;
	p0 =	seq.s32 s7, s2  }
0x1e: {  	s7 =	smul.u32 @!p0 $0xF7A, s2;
	p2 =	seq.s32 @!p0 s5, $0x0  }
0x1f: {  	s9 =	smul.u32 $0xF7A, s1;
	s8 =	simm.s32 @!p0 $0x1BF5;
	p2 =	por !p2, p0  }
0x20: {  	[sflag:s8] =	ssyncset.s32 @!p0 $0xFFFFF086;
	s6 =	sadd.s32 @!p0 s3, s7;
	s7 =	simm.s32 @!p0 $0x108  }
0x21: {  	s3 =	sadd.s32 s3, s9;
	s6 =	sadd.s32 @!p0 $0x88, s6;
	s7 =	simm.s32 @p2 $0x1082  }
0x22: {  	[simem:s7], [sflag:s8] =	dma.local @!p0 [hbm:s6], $0xF7A  }
0x23: {  	s9 =	sor.u32 $0xD0000000, s2;
	s6 =	simm.s32 $0x108;
	_ =	swait.ge @!p0 [sflag:s8], $0x0  }
0x24: {  	s3 =	sadd.s32 $0x88, s3;
	s6 =	simm.s32 @!p1 $0x1082;
	[sflag:s4] =	ssyncset.s32 $0xFFFFF086  }
0x25: {  	[simem:s6], [sflag:s4] =	dma.local [hbm:s3], $0xF7A  }
0x26: {  	[smem:$0x3F9F] =	sst s1;
	(tag) =	ssettag s2;
	_ =	strace s9  }
0x27: {  	s1 =	sld [smem:$0x3FAF]  }
0x28: {  	s2 =	sld [smem:$0x3FB0]  }
0x29: {  	s4 =	sld [smem:$0x3FB2]  }
0x2a: {  	p0 =	seq.s32 s5, $0x0;
	s5 =	sld [smem:$0x3FB3]  }
0x2b: {  	s6 =	sld [smem:$0x3FB4]  }
0x2c: {  	s7 =	sld [smem:$0x3FB5]  }
0x2d: {  	s3 =	simm.s32 $0x108;
	s8 =	sld [smem:$0x3FB6]  }
0x2e: {  	s3 =	simm.s32 @!p0 $0x1082;
	s9 =	sld [smem:$0x3FB7]  }
0x2f: {  	lr =	sadd.s32 s0, s3;
	s0 =	sld [smem:$0x3FAE]  }
0x30: {  	s3 =	sld [smem:$0x3FB1]  }
0x31: {  	[smem:$0x3FBA] =	sst s10  }
0x32: {  	s10 =	sld [smem:$0x3FB8];
	_ =	sdelay $0x3  }
0x33: {  	p0 =	seq.s32 s10, $0x1;
	s10 =	sld [smem:$0x3FBA];
	_ =	sdelay $0x3  }
0x34: {  	[smem:$0x3FBA] =	sst s10  }
0x35: {  	s10 =	sld [smem:$0x3FB9];
	_ =	sdelay $0x3  }
0x36: {  	p1 =	seq.s32 s10, $0x1;
	s10 =	sld [smem:$0x3FBA];
	_ =	sdelay $0x3  }
0x37: {  	[smem:$0x3FBA] =	sst s10  }
0x38: {  	s10 =	sld [smem:$0x3FBB]  }
0x39: {  	_ = 	snop;
	(pc) =	sbr.ind lr, $3  }
0x3a: {  	_ = 	snop  }
0x3b: {  	_ = 	snop  }
0x3c: {  	p2 =	seq.s32 s10, $0x1;
	s10 =	sld [smem:$0x3FBA]  }
0x3d: {  	_ =	shalt  }
0x3e: {  	_ =	shalt  }
0x3f: {  	_ =	shalt  }
0x40: {  	_ =	shalt  }
0x41: {  	_ =	shalt  }
0x42: {  	_ =	shalt  }
0x43: {  	_ =	shalt  }
0x44: {  	_ =	shalt  }
0x45: {  	_ =	shalt  }
0x46: {  	_ =	shalt  }
0x47: {  	_ =	shalt  }
0x48: {  	_ =	shalt  }
0x49: {  	_ =	shalt  }
0x4a: {  	_ =	shalt  }
0x4b: {  	_ =	shalt  }
0x4c: {  	_ =	shalt  }
0x4d: {  	_ =	shalt  }
0x4e: {  	_ =	shalt  }
0x4f: {  	_ =	shalt  }
0x50: {  	_ =	shalt  }
0x51: {  	_ =	shalt  }
0x52: {  	_ =	shalt  }
0x53: {  	_ =	shalt  }
0x54: {  	_ =	shalt  }
0x55: {  	_ =	shalt  }
0x56: {  	_ =	shalt  }
0x57: {  	_ =	shalt  }
0x58: {  	_ =	shalt  }
0x59: {  	_ =	shalt  }
0x5a: {  	_ =	shalt  }
0x5b: {  	_ =	shalt  }
0x5c: {  	_ =	shalt  }
0x5d: {  	_ =	shalt  }
0x5e: {  	_ =	shalt  }
0x5f: {  	_ =	shalt  }
0x60: {  	_ =	shalt  }
0x61: {  	_ =	shalt  }
0x62: {  	_ =	shalt  }
0x63: {  	_ =	shalt  }
0x64: {  	_ =	shalt  }
0x65: {  	_ =	shalt  }
0x66: {  	_ =	shalt  }
0x67: {  	_ =	shalt  }
0x68: {  	_ =	shalt  }
0x69: {  	_ =	shalt  }
0x6a: {  	_ =	shalt  }
0x6b: {  	_ =	shalt  }
0x6c: {  	_ =	shalt  }
0x6d: {  	_ =	shalt  }
0x6e: {  	_ =	shalt  }
0x6f: {  	_ =	shalt  }
0x70: {  	_ =	shalt  }
0x71: {  	_ =	shalt  }
0x72: {  	_ =	shalt  }
0x73: {  	_ =	shalt  }
0x74: {  	_ =	shalt  }
0x75: {  	_ =	shalt  }
0x76: {  	_ =	shalt  }
0x77: {  	_ =	shalt  }
0x78: {  	_ =	shalt  }
0x79: {  	_ =	shalt  }
0x7a: {  	_ =	shalt  }
0x7b: {  	_ =	shalt  }
0x7c: {  	_ =	shalt  }
0x7d: {  	_ =	shalt  }
0x7e: {  	_ =	shalt  }
0x7f: {  	_ =	shalt  }
0x80: {  	_ =	shalt  }
0x81: {  	_ =	shalt  }
0x82: {  	_ =	shalt  }
0x83: {  	_ =	shalt  }
0x84: {  	_ =	shalt  }
0x85: {  	_ =	shalt  }
0x86: {  	_ =	shalt  }
0x87: {  	_ =	shalt  }
.Lfunc_end0:
.L_simem_size_0:
called_computation_lowered:
.L_overlay_start_0:
0x88: {  	s2 =	sld [smem:$0x3FD9]  }
0x89: {  	s3 =	sld [smem:$0x3FFE];
	_ =	sdelay $0x1  }
0x8a: {  	s1 =	srdreg.scid  }
0x8b: {  	s0 =	sand.u32 $0x1, s1  }
0x8c: {  	s16 =	sshll.u32 s0, $0xA;
	s2 =	sadd.s32 s3, s2  }
0x8d: {  	s2 =	sadd.s32 s2, s16  }
0x8e: {  	[smem:$0x3FC6] =	sst s2  }
0x8f: {  	_ = 	snop  }
0x90: {  	(tm) =	ssettm $0x1  }
0x91: {  	s17 =	sld [smem:$0x3FFB];
	_ =	sdelay $0x3  }
0x92: {  	_ =	strace s17  }
0x93: {  	s2 =	sld [smem:$0x3FFC];
	_ =	sdelay $0x3  }
0x94: {  	_ =	strace s2  }
0x95: {  	s2 =	sld [smem:$0x3FFD];
	_ =	sdelay $0x3  }
0x96: {  	_ =	strace s2  }
0x97: {  	_ =	strace $0x8FFFFFFF  }
0x98: {  	s18 =	sld [smem:$0x3FDB];
	_ =	sdelay $0x1  }
0x99: {  	s19 =	simm.s32 $_scs_section_size  }
0x9a: {  	s4 =	simm.s32 $_size__tile_overlayer_lowered;
	s5 =	simm.s32 $_tile_overlayer_lowered  }
0x9b: {  	s22 =	simm.s32 $0x1BFF;
	s21 =	sshll.u32 s5, $0x1;
	s2 =	sadd.s32 s19, s18  }
0x9c: {  	s6 =	simm.s32 $0x0;
	s20 =	sshll.u32 s4, $0x1;
	s4 =	sadd.s32 s21, s2  }
0x9d: {  	[timem:s6], [sflag:s22] =	dma.local [hbm:s4], s20  }
0x9e: {  	_ =	swait.ge [sflag:s22], s20  }
0x9f: {  	s3 =	ssub.s32 $0x0, s20;
	[sflag:s22] =	ssyncset.done $0x0  }
0xa0: {  	[sflag:s22] =	ssyncadd.s32 s3;
	_ =	sdelay $0x1  }
0xa1: {  	s23 =	simm.s32 $0x1B8B  }
0xa2: {  	_ =	swait.ge [sflag:s23], $0x1  }
0xa3: {  	[sflag:s23] =	ssyncset.done $0x0  }
0xa4: {  	s25 =	simm.s32 $0x1B8E;
	s24 =	sld [smem:$0x3FFE];
	[sflag:s23] =	ssyncadd.s32 $0xFFFFFFFF  }
0xa5: {  	s26 =	simm.s32 $execute0_lowered;
	[smem:$0x3FD2] =	sst s25  }
0xa6: {  	s4 =	sshll.u32 s26, $0x1;
	_ =	strace $0x80000046;
	[dreg:$0x1] =	wrdreg $0xFFFFFFFF  }
0xa7: {  	s28 =	simm.s32 $_size_execute0_lowered;
	s2 =	sadd.s32 s2, s4;
	[dreg:$0x0] =	wrdreg $0x0  }
0xa8: {  	s4 =	sshll.u32 s28, $0x1;
	[dreg:$0x2] =	wrdreg s2  }
0xa9: {  	[dreg:$0x3] =	wrdreg s4  }
0xaa: {  	[dreg:$0x4] =	wrdreg $0xC0  }
0xab: {  	_ =	task [dreg:s6], $0x5FFFF  }
0xac: {  	[dreg:$0x1] =	wrdreg $0xFFFFFFFF  }
0xad: {  	[dreg:$0x0] =	wrdreg $0x60  }
0xae: {  	[dreg:$0x2] =	wrdreg s24  }
0xaf: {  	[dreg:$0x3] =	wrdreg $0x69000  }
0xb0: {  	[dreg:$0x4] =	wrdreg $0x6D000  }
0xb1: {  	[dreg:$0x5] =	wrdreg $0x9  }
0xb2: {  	_ =	task.clear_ibuf [dreg:s6], $0x6FFFF;
	_ =	strace $0x90000046  }
0xb3: {  	s29 =	simm.s32 $0x9;
	_ =	strace $0x80000048  }
0xb4: {  	_ =	swait.ge [sflag:s29], $0x1  }
0xb5: {  	[sflag:s29] =	ssyncadd.s32 $0xFFFFFFFF  }
0xb6: {  	_ =	strace $0x90000048  }
0xb7: {  	_ =	sfence  }
0xb8: {  	s30 =	sld [smem:$0x0];
	_ =	sdelay $0x2  }
0xb9: {  	s31 =	sshll.u32 s1, $0xD;
	s1 =	sshrl.u32 s1, $0x2  }
0xba: {  	s3 =	sand.u32 $0x4000, s31;
	s1 =	sadd.s32 s1, s30  }
0xbb: {  	s0 =	sor.u32 s3, s0;
	s1 =	sshll.u32 s1, $0x11  }
0xbc: {  	s0 =	sor.u32 s1, s0  }
0xbd: {  	s0 =	sadd.s32 $0x8F2B, s0  }
0xbe: {  	[sflag:s0] =	ssyncadd.remote.s32 $0x1  }
0xbf: {  	_ =	sfence.sel $0xFFFF  }
0xc0: {  	[dreg:$0x0] =	wrdreg $0xFFFFFFFF;
	(pc) =	sbr.abs _section_cstart, $3  }
0xc1: {  	[dreg:$0x1] =	wrdreg $0xFFFFFFFF  }
0xc2: {  	_ =	task.clear_ibuf [dreg:s6], $0x2FFFF;
	_ =	strace $0x9FFFFFFF  }
0xc3: {  	(tm) =	ssettm $0x7FFFFFFF  }
tec
execute0_lowered:
.L_overlay_start_1:
0x0: {  	(tag) =	ssettag $0x1  }
0x1: {  	s0 =	rddreg [dreg:$0x0]  }
0x2: {  	s11 =	stileid.u32;
	s2 =	simm.s32 $0x0;
	s5 =	srdreg.scid  }
0x3: {  	s1 =	smul.u32 $0x500, s11;
	[smem:$0x7FF] =	sst s2  }
0x4: {  	s4 =	smul.u32 $0xA00, s11;
	s5 =	sand.u32 $0x1, s5;
	s2 =	sshll.u32 s11, $0x7  }
0x5: {  	_ =	strace $0x80000047;
	s7 =	ssub.s32 $0x2, s5;
	s9 =	sshrl.u32 s1, $0x3  }
0x6: {  	s4 =	sadd.s32 s4, s0;
	s8 =	sshrl.u32 s7, $0x1;
	s29 =	sadd.s32 $0x1C0, s1  }
0x7: {  	s6 =	sadd.s32 s9, s0;
	s0 =	sadd.s32 s2, s0;
	[smem:$0x7F2] =	sst s29  }
0x8: {  	s10 =	ssub.s32 s7, s8;
	[dreg:$0x9] =	wrdreg s0  }
0x9: {  	s12 =	sadd.s32 $0xA00, s4;
	[dreg:$0x8] =	wrdreg s10  }
0xa: {  	v15 =	vlaneseq.u32;
	s22 =	sor.u32 $0x50, s1;
	s29 =	sadd.s32 $0x1E0, s1;
	[dreg:$0x6] =	wrdreg s12  }
0xb: {  	s19 =	sor.u32 $0xC0, s1;
	v7 =	vor.u32 s22, v15;
	s22 =	sadd.s32 $0x300, s1;
	[smem:$0x7F3] =	sst s29  }
0xc: {  	s24 =	sadd.s32 $0x170, s1;
	v14 =	vor.u32 s19, v15;
	s19 =	sadd.s32 $0x360, s1;
	[dreg:$0xd] =	wrdreg s22  }
0xd: {  	s25 =	sadd.s32 $0x150, s1;
	v28 =	vor.u32 s24, v15;
	s24 =	sadd.s32 $0x430, s1;
	[dreg:$0x10] =	wrdreg s19  }
0xe: {  	v26 =	vor.u32 s25, v15;
	s25 =	sadd.s32 $0x450, s1;
	[dreg:$0x17] =	wrdreg s24  }
0xf: {  	p0 =	seq.s32 s5, $0x0;
	s5 =	sadd.s32 $0x110, s1;
	[dreg:$0x18] =	wrdreg s25  }
0x10: {  	v19 =	vor.u32 s5, v15;
	s13 =	sadd.s32 $0x3C00, s6;
	s5 =	sld [smem:$0x7F2]  }
0x11: {  	s8 =	sor.u32 $0xA0, s1;
	s29 =	sadd.s32 $0x1F0, s1;
	[dreg:$0x7] =	wrdreg s13  }
0x12: {  	v3 =	vor.u32 s8, v15;
	s8 =	sadd.s32 $0x3A0, s1;
	[smem:$0x7F4] =	sst s29  }
0x13: {  	s19 =	sadd.s32 $0x400, s1;
	[dreg:$0x12] =	wrdreg s8  }
0x14: {  	s7 =	sadd.s32 $0x130, s1;
	s6 =	sadd.s32 $0x120, s1;
	[dreg:$0x15] =	wrdreg s19  }
0x15: {  	v24 =	vor.u32 s7, v15;
	s7 =	sadd.s32 $0x480, s1;
	v23 =	vor.u32 s6, v15;
	s6 =	sld [smem:$0x7F3]  }
0x16: {  	s17 =	sadd.s32 $0x140, s1;
	s24 =	sadd.s32 $0x4C0, s1;
	[dreg:$0x1a] =	wrdreg s7  }
0x17: {  	v25 =	vor.u32 s17, v15;
	s17 =	sadd.s32 $0x3F0, s1;
	[dreg:$0x1d] =	wrdreg s24  }
0x18: {  	v55 =	vor.u32 s17, v15;
	s29 =	sadd.s32 $0x200, s1;
	s17 =	rddreg [dreg:$0x17]  }
0x19: {  	p1 =	slt.u32 s11, $0x5;
	s8 =	sadd.s32 $0x490, s1;
	[smem:$0x7F5] =	sst s29  }
0x1a: {  	p2 =	slt.u32 s11, $0x8;
	s11 =	sadd.s32 $0x180, s1;
	[dreg:$0x1b] =	wrdreg s8  }
0x1b: {  	s15 =	sadd.s32 $0x160, s1;
	v9 =	vor.u32 s1, v15;
	v29 =	vor.u32 s11, v15;
	s7 =	sadd.s32 $0x4E0, s1;
	s11 =	sld [smem:$0x7F4]  }
0x1c: {  	v27 =	vor.u32 s15, v15;
	s15 =	sadd.s32 $0x410, s1;
	[tilespmem:$0x1FF10] =	vst v9;
	[dreg:$0x1e] =	wrdreg s7  }
0x1d: {  	s18 =	sor.u32 $0xF0, s1;
	v57 =	vor.u32 s15, v15;
	[tilespmem:$0x1FD80] =	vst v7;
	s15 =	rddreg [dreg:$0x7]  }
0x1e: {  	v20 =	vor.u32 s18, v15;
	s10 =	sor.u32 $0x10, s1;
	[tilespmem:$0x1FDB0] =	vst v14;
	s29 =	sadd.s32 $0x210, s1;
	v59 =	vor.u32 s17, v15;
	s17 =	rddreg [dreg:$0x1a]  }
0x1f: {  	[tilespmem:$0x1FDD0] =	vst v20;
	s13 =	sor.u32 $0x20, s1;
	v0 =	vor.u32 s10, v15;
	[smem:$0x7F6] =	sst s29  }
0x20: {  	s14 =	sor.u32 $0x30, s1;
	[tilespmem:$0x1FC30] =	vst v0;
	v0 =	vor.u32 s13, v15;
	s29 =	sadd.s32 $0x220, s1;
	s19 =	sld [smem:$0x7F5]  }
0x21: {  	[tilespmem:$0x1FC40] =	vst v0;
	v0 =	vor.u32 s14, v15;
	s14 =	sadd.s32 $0x2D0, s1;
	[smem:$0x7F7] =	sst s29  }
0x22: {  	[tilespmem:$0x1FDF0] =	vst v19;
	s29 =	sadd.s32 $0x230, s1;
	[dreg:$0xb] =	wrdreg s14  }
0x23: {  	[tilespmem:$0x1FE20] =	vst v25;
	s14 =	sadd.s32 $0x2E0, s1;
	[smem:$0x7F8] =	sst s29  }
0x24: {  	s21 =	sor.u32 $0x40, s1;
	[tilespmem:$0x1FE30] =	vst v26;
	[dreg:$0xc] =	wrdreg s14  }
0x25: {  	[tilespmem:$0x1FC50] =	vst v0;
	v0 =	vor.u32 s21, v15;
	s21 =	sadd.s32 $0x2F0, s1;
	s25 =	sld [smem:$0x7F7]  }
0x26: {  	s26 =	sor.u32 $0x60, s1;
	[tilespmem:$0x1FE40] =	vst v27;
	s29 =	sadd.s32 $0x240, s1;
	v11 =	vor.u32 s21, v15;
	s21 =	rddreg [dreg:$0x10]  }
0x27: {  	[tilespmem:$0x1FC60] =	vst v0;
	v0 =	vor.u32 s26, v15;
	s26 =	sadd.s32 $0x310, s1;
	[smem:$0x7F9] =	sst s29  }
0x28: {  	s16 =	sadd.s32 $0x190, s1;
	[tilespmem:$0x1FE50] =	vst v28;
	s14 =	sadd.s32 $0x340, s1;
	[dreg:$0xe] =	wrdreg s26  }
0x29: {  	v30 =	vor.u32 s16, v15;
	[tilespmem:$0x1FE60] =	vst v29;
	[dreg:$0xf] =	wrdreg s14  }
0x2a: {  	s4 =	sadd.s32 $0x100, s1;
	[tilespmem:$0x1FE70] =	vst v30;
	v48 =	vor.u32 s5, v15;
	s5 =	sld [smem:$0x7F8]  }
0x2b: {  	v21 =	vor.u32 s4, v15;
	[tilespmem:$0x1FDA0] =	vst v3;
	s29 =	sadd.s32 $0x250, s1;
	v37 =	vor.u32 s19, v15;
	s19 =	rddreg [dreg:$0x1]  }
0x2c: {  	s12 =	sor.u32 $0x80, s1;
	[tilespmem:$0x1FDE0] =	vst v21;
	s14 =	sadd.s32 $0x3D0, s1;
	[smem:$0x7FA] =	sst s29  }
0x2d: {  	s0 =	sor.u32 $0xD0, s1;
	v13 =	vor.u32 s12, v15;
	[tilespmem:$0x1FE10] =	vst v24;
	[dreg:$0x14] =	wrdreg s14  }
0x2e: {  	s12 =	sadd.s32 $0x330, s1;
	v18 =	vor.u32 s0, v15;
	[tilespmem:$0x1FD90] =	vst v13;
	v49 =	vor.u32 s6, v15;
	s6 =	sld [smem:$0x7F9]  }
0x2f: {  	s28 =	sor.u32 $0x70, s1;
	v45 =	vor.u32 s12, v15;
	[tilespmem:$0x1FDC0] =	vst v18;
	s26 =	sadd.s32 $0x350, s1;
	s12 =	rddreg [dreg:$0xf]  }
0x30: {  	s20 =	sor.u32 $0x90, s1;
	[tilespmem:$0x1FC70] =	vst v0;
	v0 =	vor.u32 s28, v15;
	s29 =	sadd.s32 $0x260, s1;
	v46 =	vor.u32 s26, v15;
	s26 =	rddreg [dreg:$0x12]  }
0x31: {  	s22 =	sadd.s32 $0x320, s1;
	[tilespmem:$0x1FC80] =	vst v0;
	v0 =	vor.u32 s20, v15;
	s20 =	sadd.s32 $0x370, s1;
	[smem:$0x7FB] =	sst s29  }
0x32: {  	v31 =	vor.u32 s22, v15;
	[tilespmem:$0x1FE00] =	vst v23;
	[dreg:$0x11] =	wrdreg s20  }
0x33: {  	[tilespmem:$0x1FFA0] =	vst v31;
	s8 =	sld [smem:$0x7FA]  }
0x34: {  	s9 =	sor.u32 $0xB0, s1;
	[tilespmem:$0x1FE80] =	vst v48;
	s29 =	sadd.s32 $0x270, s1;
	v39 =	vor.u32 s25, v15;
	s25 =	rddreg [dreg:$0x2]  }
0x35: {  	[tilespmem:$0x1FC90] =	vst v0;
	v0 =	vor.u32 s9, v15;
	s9 =	sadd.s32 $0x3C0, s1;
	[dreg:$0x1f] =	wrdreg s29  }
0x36: {  	v36 =	vor.u32 s11, v15;
	[tilespmem:$0x1FE90] =	vst v49;
	s20 =	sadd.s32 $0x420, s1;
	[dreg:$0x13] =	wrdreg s9  }
0x37: {  	[tilespmem:$0x1FEA0] =	vst v36;
	[dreg:$0x16] =	wrdreg s20  }
0x38: {  	s28 =	sadd.s32 $0x380, s1;
	[tilespmem:$0x1FF70] =	vst v11;
	s20 =	sld [smem:$0x7F6]  }
0x39: {  	v35 =	vor.u32 s28, v15;
	[tilespmem:$0x1FEB0] =	vst v37;
	s11 =	sld [smem:$0x7FB]  }
0x3a: {  	s3 =	sor.u32 $0xE0, s1;
	[tilespmem:$0x1FFD0] =	vst v35;
	v40 =	vor.u32 s5, v15;
	s5 =	rddreg [dreg:$0x9]  }
0x3b: {  	s4 =	stileid.u32;
	s29 =	sadd.s32 $0x280, s1;
	[tilespmem:$0x1FCA0] =	vst v0;
	s22 =	rddreg [dreg:$0x11]  }
0x3c: {  	s14 =	sadd.s32 $0x3E0, s1;
	v12 =	vor.u32 s12, v15;
	v0 =	vor.u32 s3, v15;
	s3 =	sadd.s32 $0x460, s1;
	[tilespmem:$0x1FED0] =	vst v39;
	[smem:$0x7FC] =	sst s29  }
0x3d: {  	s30 =	sadd.s32 $0x1A0, s1;
	s4 =	sshll.u32 s4, $0xA;
	v54 =	vor.u32 s14, v15;
	[tilespmem:$0x1FFB0] =	vst v12;
	[dreg:$0x19] =	wrdreg s3  }
0x3e: {  	s7 =	sadd.s32 s2, s19;
	[tilespmem:$0x1FFE0] =	vst v54;
	s29 =	sadd.s32 $0x290, s1;
	s14 =	rddreg [dreg:$0x16]  }
0x3f: {  	[tilespmem:$0x1FCB0] =	vst v0;
	v41 =	vor.u32 s6, v15;
	s6 =	sadd.s32 s4, s19;
	s4 =	sadd.s32 $0x1000, s7;
	[smem:$0x7FD] =	sst s29  }
0x40: {  	v0 =	vor.u32 s30, v15;
	[tilespmem:$0x1FEE0] =	vst v40;
	[dreg:$0x4] =	wrdreg s4  }
0x41: {  	s23 =	sadd.s32 $0x1B0, s1;
	v33 =	vor.u32 s22, v15;
	s29 =	sadd.s32 $0x2A0, s1;
	[tilespmem:$0x1FCC0] =	vst v0;
	v58 =	vor.u32 s14, v15;
	s14 =	rddreg [dreg:$0x19]  }
0x42: {  	v0 =	vor.u32 s23, v15;
	s23 =	sadd.s32 $0x4B0, s1;
	[tilespmem:$0x1FFC0] =	vst v33;
	[dreg:$0xa] =	wrdreg s29  }
0x43: {  	s31 =	sadd.s32 $0x1D0, s1;
	v4 =	vor.u32 s8, v15;
	[tilespmem:$0x1FCD0] =	vst v0;
	[dreg:$0x1c] =	wrdreg s23  }
0x44: {  	v0 =	vor.u32 s31, v15;
	v38 =	vor.u32 s20, v15;
	s20 =	rddreg [dreg:$0x1f];
	[tilespmem:$0x1FEF0] =	vst v4  }
0x45: {  	p1 =	por !p0, !p1;
	s23 =	sld [smem:$0x7FC];
	[tilespmem:$0x1FCE0] =	vst v0  }
0x46: {  	p2 =	por !p0, !p2;
	s18 =	sadd.s32 $0x390, s1;
	v6 =	vor.u32 s11, v15;
	s24 =	sld [smem:$0x7FD];
	[tilespmem:$0x1FEC0] =	vst v38  }
0x47: {  	p1 =	por !p1, !p1;
	s16 =	sadd.s32 $0x440, s1;
	s11 =	rddreg [dreg:$0x8];
	v0 =	vor.u32 s18, v15;
	[tilespmem:$0x1FF00] =	vst v6  }
0x48: {  	p2 =	por !p2, !p2;
	s29 =	sadd.s32 $0x2B0, s1;
	v34 =	vor.u32 s20, v15;
	s8 =	rddreg [dreg:$0xa];
	[tilespmem:$0x1FCF0] =	vst v0  }
0x49: {  	s10 =	sadd.s32 $0x2C0, s1;
	s9 =	sadd.s32 $0x470, s1;
	v10 =	vor.u32 s29, v15;
	s20 =	rddreg [dreg:$0xb];
	[tilespmem:$0x1FF20] =	vst v34  }
0x4a: {  	s13 =	sadd.s32 $0x3B0, s1;
	v43 =	vor.u32 s10, v15;
	s10 =	smax.u32 s11, $0x1;
	s11 =	rddreg [dreg:$0xe];
	v0 =	vor.u32 s9, v15;
	[tilespmem:$0x1FF50] =	vst v10  }
0x4b: {  	s0 =	sadd.s32 $0x4D0, s1;
	v50 =	vor.u32 s13, v15;
	s13 =	simm.s32 $0x6500;
	s18 =	rddreg [dreg:$0x13];
	v32 =	vor.u32 s8, v15;
	[tilespmem:$0x1FD00] =	vst v0  }
0x4c: {  	v47 =	vor.u32 s21, v15;
	s28 =	simm.s32 $0x3;
	s12 =	sadd.s32 $0x2800, s7;
	v8 =	vor.u32 s20, v15;
	s8 =	rddreg [dreg:$0xd];
	[tilespmem:$0x1FF40] =	vst v32  }
0x4d: {  	s21 =	sadd.s32 $0x3400, s7;
	v52 =	vor.u32 s26, v15;
	s26 =	simm.s32 $0x1500;
	v22 =	vor.u32 s11, v15;
	v51 =	vor.u32 s18, v15;
	s18 =	rddreg [dreg:$0x14];
	[tilespmem:$0x1FF60] =	vst v8  }
0x4e: {  	s3 =	sadd.s32 $0x4A0, s1;
	s19 =	sadd.s32 s2, s25;
	v53 =	vor.u32 s18, v15;
	s18 =	rddreg [dreg:$0x15];
	v0 =	vor.u32 s17, v15;
	[tilespmem:$0x1FF90] =	vst v22  }
0x4f: {  	s25 =	sadd.s32 $0x400, s7;
	s30 =	sadd.s32 $0x800, s7;
	v5 =	vor.u32 s24, v15;
	v56 =	vor.u32 s18, v15;
	s18 =	rddreg [dreg:$0x18];
	[tilespmem:$0x1FD10] =	vst v0  }
0x50: {  	s2 =	sadd.s32 $0x2400, s7;
	s22 =	sadd.s32 $0x3000, s7;
	v63 =	vor.u32 s8, v15;
	[tilespmem:$0x1FF30] =	vst v5;
	v61 =	vor.u32 s18, v15;
	s18 =	rddreg [dreg:$0x1b]  }
0x51: {  	s4 =	sadd.s32 $0x2000, s7;
	s1 =	sadd.s32 $0x4F0, s1;
	v62 =	vor.u32 s14, v15;
	s14 =	rddreg [dreg:$0x1c];
	[tilespmem:$0x1FF80] =	vst v63;
	v0 =	vor.u32 s18, v15  }
0x52: {  	s31 =	sadd.s32 $0xC00, s7;
	s29 =	simm.s32 $0x500;
	s9 =	rddreg [dreg:$0x6];
	[tilespmem:$0x1FD20] =	vst v0;
	v0 =	vor.u32 s3, v15  }
0x53: {  	v60 =	vor.u32 s16, v15;
	s16 =	smov.u32 s31;
	s31 =	simm.s32 $0x1;
	s17 =	rddreg [dreg:$0x1d];
	[tilespmem:$0x1FD30] =	vst v0;
	v0 =	vor.u32 s14, v15  }
.Ltmp0:
0x54: {  	s20 =	sadd.s32 $0x1C00, s7;
	v42 =	vor.u32 s23, v15;
	s23 =	rddreg [dreg:$0xc];
	[tilespmem:$0x1FD40] =	vst v0;
	v0 =	vor.u32 s17, v15;
	(pc) =	sbr.rel .LBB2_1-.Ltmp0, $4  }
0x55: {  	s24 =	sadd.s32 $0x4600, s5;
	s5 =	sadd.s32 $0x1400, s7;
	s18 =	rddreg [dreg:$0x1e];
	[tilespmem:$0x1FD50] =	vst v0;
	v0 =	vor.u32 s0, v15  }
0x56: {  	s11 =	sadd.s32 $0x3800, s7;
	s8 =	sadd.s32 $0x1800, s7;
	[dreg:$0x5] =	wrdreg s5;
	[tilespmem:$0x1FD60] =	vst v0;
	v0 =	vor.u32 s18, v15  }
0x57: {  	v44 =	vor.u32 s23, v15;
	s23 =	sadd.s32 $0x2C00, s7;
	s5 =	sadd.s32 $0x3C00, s7;
	s3 =	simm.s32 $0x0;
	v15 =	vor.u32 s1, v15;
	[tilespmem:$0x1FD70] =	vst v0  }
0x58: {  	v16 =	vimm.s32 $0x0;
	s14 =	simm.s32 $0x1080;
	s0 =	simm.s32 $0x1100;
	s1 =	simm.s32 $0x2;
	[tilespmem:$0x1FFF0] =	vst v15  }
.LBB2_8:
0x59: {  	[bflag:$0x0] =	sbarrier.arrive $0xFFFF  }
0x5a: {  	[bflag:$0x0] =	sbarrier.arrive $0xFFFF  }
.LBB2_9:
0x5b: {  	s10 =	sadd.s32 $0xFFFFFFFF, s10  }
0x5c: {  	p3 =	sne.s32 s10, $0x0  }
.Ltmp1:
0x5d: {  	_ = 	snop;
	(pc) =	sbr.rel @!p3 .LBB2_10-.Ltmp1, $1  }
0x5e: {  	_ =	sdelay $0x3  }
.LBB2_1:
.Ltmp2:
0x5f: {  	(pc) =	sbr.rel @!p1 .LBB2_7-.Ltmp2, $1  }
0x60: {  	_ =	sdelay $0x3  }
.Ltmp3:
0x61: {  	(pc) =	sbr.rel .LBB2_3-.Ltmp3, $2  }
0x62: {  	_ =	sdelay $0x2  }
0x63: {  	[tilespmem:s26], [sflag:$0x2] =	stream.linear.gather [hbm4b:s9+s3], $0x5000, $0x38;
	[tilespmem:$0x6D40] =	vst v63  }
.LBB2_7:
.Ltmp4:
0x64: {  	(pc) =	sbr.rel @!p0 .LBB2_8-.Ltmp4, $1  }
0x65: {  	_ =	sdelay $0x3  }
.LBB2_3:
0x66: {  	[tilespmem:s3], [sflag:$0x3] =	stream.linear.gather [hbm4b:s15+s3], $0x500, $0x38;
	[tilespmem:$0x6D40] =	vst v63  }
0x67: {  	_ =	swait.ge [sflag:s28], $0x500  }
0x68: {  	[sflag:s28] =	ssyncset.done $0x0  }
0x69: {  	[sflag:s28] =	ssyncadd.s32 $0xFFFFFB00  }
0x6a: {  	[tilespmem:$0x500] =	vst v16  }
0x6b: {  	[tilespmem:$0x510] =	vst v16  }
0x6c: {  	[tilespmem:$0x520] =	vst v16  }
0x6d: {  	[tilespmem:$0x530] =	vst v16  }
0x6e: {  	[tilespmem:$0x540] =	vst v16  }
0x6f: {  	[tilespmem:$0x550] =	vst v16  }
0x70: {  	[tilespmem:$0x560] =	vst v16  }
0x71: {  	[tilespmem:$0x570] =	vst v16  }
0x72: {  	[tilespmem:$0x580] =	vst v16  }
0x73: {  	[tilespmem:$0x590] =	vst v16  }
0x74: {  	[tilespmem:$0x5A0] =	vst v16  }
0x75: {  	[tilespmem:$0x5B0] =	vst v16  }
0x76: {  	[tilespmem:$0x5C0] =	vst v16  }
0x77: {  	[tilespmem:$0x5D0] =	vst v16  }
0x78: {  	[tilespmem:$0x5E0] =	vst v16  }
0x79: {  	[tilespmem:$0x5F0] =	vst v16  }
0x7a: {  	[tilespmem:$0x600] =	vst v16  }
0x7b: {  	[tilespmem:$0x610] =	vst v16  }
0x7c: {  	[tilespmem:$0x620] =	vst v16  }
0x7d: {  	[tilespmem:$0x630] =	vst v16  }
0x7e: {  	[tilespmem:$0x640] =	vst v16  }
0x7f: {  	[tilespmem:$0x650] =	vst v16  }
0x80: {  	[tilespmem:$0x660] =	vst v16  }
0x81: {  	[tilespmem:$0x670] =	vst v16  }
0x82: {  	[tilespmem:$0x680] =	vst v16  }
0x83: {  	[tilespmem:$0x690] =	vst v16  }
0x84: {  	[tilespmem:$0x6A0] =	vst v16  }
0x85: {  	[tilespmem:$0x6B0] =	vst v16  }
0x86: {  	[tilespmem:$0x6C0] =	vst v16  }
0x87: {  	[tilespmem:$0x6D0] =	vst v16  }
0x88: {  	[tilespmem:$0x6E0] =	vst v16  }
0x89: {  	[tilespmem:$0x6F0] =	vst v16  }
0x8a: {  	[tilespmem:$0x700] =	vst v16  }
0x8b: {  	[tilespmem:$0x710] =	vst v16  }
0x8c: {  	[tilespmem:$0x720] =	vst v16  }
0x8d: {  	[tilespmem:$0x730] =	vst v16  }
0x8e: {  	[tilespmem:$0x740] =	vst v16  }
0x8f: {  	[tilespmem:$0x750] =	vst v16  }
0x90: {  	[tilespmem:$0x760] =	vst v16  }
0x91: {  	[tilespmem:$0x770] =	vst v16  }
0x92: {  	[tilespmem:$0x780] =	vst v16  }
0x93: {  	[tilespmem:$0x790] =	vst v16  }
0x94: {  	[tilespmem:$0x7A0] =	vst v16  }
0x95: {  	[tilespmem:$0x7B0] =	vst v16  }
0x96: {  	[tilespmem:$0x7C0] =	vst v16  }
0x97: {  	[tilespmem:$0x7D0] =	vst v16  }
0x98: {  	[tilespmem:$0x7E0] =	vst v16  }
0x99: {  	[tilespmem:$0x7F0] =	vst v16  }
0x9a: {  	[tilespmem:$0x800] =	vst v16  }
0x9b: {  	[tilespmem:$0x810] =	vst v16  }
0x9c: {  	[tilespmem:$0x820] =	vst v16  }
0x9d: {  	[tilespmem:$0x830] =	vst v16  }
0x9e: {  	[tilespmem:$0x840] =	vst v16  }
0x9f: {  	[tilespmem:$0x850] =	vst v16;
	v17 =	vld [tilespmem:$0x0]  }
0xa0: {  	[tilespmem:$0x860] =	vst v16  }
0xa1: {  	[tilespmem:$0x870] =	vst v16  }
0xa2: {  	[tilespmem:$0x880] =	vst v16  }
0xa3: {  	[tilespmem:$0x890] =	vst v16  }
0xa4: {  	[tilespmem:$0x8A0] =	vst v16;
	vm0 =	vgt.s32 v17, $0xFFFFFFFF;
	vm1 =	vgt.s32 v17, $0x0  }
0xa5: {  	[tilespmem:$0x8B0] =	vst v16;
	v17 =	vnsel vm1, $0x0, v17  }
0xa6: {  	[tilespmem:$0x8C0] =	vst v16  }
0xa7: {  	[tilespmem:$0x8D0] =	vst v16  }
0xa8: {  	[tilespmem:$0x8E0] =	vst v16  }
0xa9: {  	[tilespmem:$0x8F0] =	vst v16  }
0xaa: {  	[tilespmem:v17+s29+$0x0] =	vst.idx.msk vm0, v9  }
0xab: {  	v17 =	vld [tilespmem:$0x10];
	_ =	sdelay $0x4  }
0xac: {  	vm14 =	vgt.s32 v17, $0xFFFFFFFF;
	vm15 =	vgt.s32 v17, $0x0  }
0xad: {  	v0 =	vld [tilespmem:$0x1FC30];
	v17 =	vnsel vm15, $0x0, v17;
	_ =	sdelay $0x4  }
0xae: {  	[tilespmem:v17+s29+$0x0] =	vst.idx.msk vm14, v0  }
0xaf: {  	v17 =	vld [tilespmem:$0x20];
	_ =	sdelay $0x4  }
0xb0: {  	vm4 =	vgt.s32 v17, $0xFFFFFFFF;
	vm5 =	vgt.s32 v17, $0x0  }
0xb1: {  	v0 =	vld [tilespmem:$0x1FC40];
	v17 =	vnsel vm5, $0x0, v17;
	_ =	sdelay $0x4  }
0xb2: {  	[tilespmem:v17+s29+$0x0] =	vst.idx.msk vm4, v0  }
0xb3: {  	v17 =	vld [tilespmem:$0x30];
	_ =	sdelay $0x4  }
0xb4: {  	vm6 =	vgt.s32 v17, $0xFFFFFFFF;
	vm7 =	vgt.s32 v17, $0x0  }
0xb5: {  	v0 =	vld [tilespmem:$0x1FC50];
	v17 =	vnsel vm7, $0x0, v17;
	_ =	sdelay $0x4  }
0xb6: {  	[tilespmem:v17+s29+$0x0] =	vst.idx.msk vm6, v0  }
0xb7: {  	v17 =	vld [tilespmem:$0x40];
	_ =	sdelay $0x4  }
0xb8: {  	vm8 =	vgt.s32 v17, $0xFFFFFFFF;
	vm9 =	vgt.s32 v17, $0x0  }
0xb9: {  	v0 =	vld [tilespmem:$0x1FC60];
	v17 =	vnsel vm9, $0x0, v17;
	_ =	sdelay $0x4  }
0xba: {  	[tilespmem:v17+s29+$0x0] =	vst.idx.msk vm8, v0  }
0xbb: {  	v17 =	vld [tilespmem:$0x50];
	_ =	sdelay $0x4  }
0xbc: {  	vm10 =	vgt.s32 v17, $0xFFFFFFFF;
	vm11 =	vgt.s32 v17, $0x0  }
0xbd: {  	v17 =	vnsel vm11, $0x0, v17;
	_ =	sdelay $0x4  }
0xbe: {  	[tilespmem:v17+s29+$0x0] =	vst.idx.msk vm10, v7  }
0xbf: {  	v17 =	vld [tilespmem:$0x60];
	_ =	sdelay $0x4  }
0xc0: {  	vm12 =	vgt.s32 v17, $0xFFFFFFFF;
	vm13 =	vgt.s32 v17, $0x0  }
0xc1: {  	v0 =	vld [tilespmem:$0x1FC70];
	v17 =	vnsel vm13, $0x0, v17;
	_ =	sdelay $0x4  }
0xc2: {  	[tilespmem:v17+s29+$0x0] =	vst.idx.msk vm12, v0  }
0xc3: {  	v17 =	vld [tilespmem:$0x70];
	_ =	sdelay $0x4  }
0xc4: {  	vm14 =	vgt.s32 v17, $0xFFFFFFFF;
	vm15 =	vgt.s32 v17, $0x0  }
0xc5: {  	v0 =	vld [tilespmem:$0x1FC80];
	v17 =	vnsel vm15, $0x0, v17;
	_ =	sdelay $0x4  }
0xc6: {  	[tilespmem:v17+s29+$0x0] =	vst.idx.msk vm14, v0  }
0xc7: {  	v17 =	vld [tilespmem:$0x80];
	_ =	sdelay $0x4  }
0xc8: {  	vm4 =	vgt.s32 v17, $0xFFFFFFFF;
	vm5 =	vgt.s32 v17, $0x0  }
0xc9: {  	v17 =	vnsel vm5, $0x0, v17;
	_ =	sdelay $0x4  }
0xca: {  	[tilespmem:v17+s29+$0x0] =	vst.idx.msk vm4, v13  }
0xcb: {  	v17 =	vld [tilespmem:$0x90];
	_ =	sdelay $0x4  }
0xcc: {  	vm6 =	vgt.s32 v17, $0xFFFFFFFF;
	vm7 =	vgt.s32 v17, $0x0  }
0xcd: {  	v0 =	vld [tilespmem:$0x1FC90];
	v17 =	vnsel vm7, $0x0, v17;
	_ =	sdelay $0x4  }
0xce: {  	[tilespmem:v17+s29+$0x0] =	vst.idx.msk vm6, v0  }
0xcf: {  	v17 =	vld [tilespmem:$0xA0];
	_ =	sdelay $0x4  }
0xd0: {  	vm8 =	vgt.s32 v17, $0xFFFFFFFF;
	vm9 =	vgt.s32 v17, $0x0  }
0xd1: {  	v17 =	vnsel vm9, $0x0, v17;
	_ =	sdelay $0x4  }
0xd2: {  	[tilespmem:v17+s29+$0x0] =	vst.idx.msk vm8, v3  }
0xd3: {  	v17 =	vld [tilespmem:$0xB0];
	_ =	sdelay $0x4  }
0xd4: {  	vm10 =	vgt.s32 v17, $0xFFFFFFFF;
	vm11 =	vgt.s32 v17, $0x0  }
0xd5: {  	v0 =	vld [tilespmem:$0x1FCA0];
	v17 =	vnsel vm11, $0x0, v17;
	_ =	sdelay $0x4  }
0xd6: {  	[tilespmem:v17+s29+$0x0] =	vst.idx.msk vm10, v0  }
0xd7: {  	v17 =	vld [tilespmem:$0xC0];
	_ =	sdelay $0x4  }
0xd8: {  	vm12 =	vgt.s32 v17, $0xFFFFFFFF;
	vm13 =	vgt.s32 v17, $0x0  }
0xd9: {  	v17 =	vnsel vm13, $0x0, v17;
	_ =	sdelay $0x4  }
0xda: {  	[tilespmem:v17+s29+$0x0] =	vst.idx.msk vm12, v14  }
0xdb: {  	v17 =	vld [tilespmem:$0xD0];
	_ =	sdelay $0x4  }
0xdc: {  	vm14 =	vgt.s32 v17, $0xFFFFFFFF;
	vm15 =	vgt.s32 v17, $0x0  }
0xdd: {  	v17 =	vnsel vm15, $0x0, v17;
	_ =	sdelay $0x4  }
0xde: {  	[tilespmem:v17+s29+$0x0] =	vst.idx.msk vm14, v18  }
0xdf: {  	v17 =	vld [tilespmem:$0xE0];
	_ =	sdelay $0x4  }
0xe0: {  	vm4 =	vgt.s32 v17, $0xFFFFFFFF;
	vm5 =	vgt.s32 v17, $0x0  }
0xe1: {  	v0 =	vld [tilespmem:$0x1FCB0];
	v17 =	vnsel vm5, $0x0, v17;
	_ =	sdelay $0x4  }
0xe2: {  	[tilespmem:v17+s29+$0x0] =	vst.idx.msk vm4, v0  }
0xe3: {  	v17 =	vld [tilespmem:$0xF0];
	_ =	sdelay $0x4  }
0xe4: {  	vm6 =	vgt.s32 v17, $0xFFFFFFFF;
	vm7 =	vgt.s32 v17, $0x0  }
0xe5: {  	v17 =	vnsel vm7, $0x0, v17;
	_ =	sdelay $0x4  }
0xe6: {  	[tilespmem:v17+s29+$0x0] =	vst.idx.msk vm6, v20  }
0xe7: {  	v17 =	vld [tilespmem:$0x100];
	_ =	sdelay $0x4  }
0xe8: {  	vm8 =	vgt.s32 v17, $0xFFFFFFFF;
	vm9 =	vgt.s32 v17, $0x0  }
0xe9: {  	v17 =	vnsel vm9, $0x0, v17;
	_ =	sdelay $0x4  }
0xea: {  	[tilespmem:v17+s29+$0x0] =	vst.idx.msk vm8, v21  }
0xeb: {  	v17 =	vld [tilespmem:$0x110];
	_ =	sdelay $0x4  }
0xec: {  	vm10 =	vgt.s32 v17, $0xFFFFFFFF;
	vm11 =	vgt.s32 v17, $0x0  }
0xed: {  	v17 =	vnsel vm11, $0x0, v17;
	_ =	sdelay $0x4  }
0xee: {  	[tilespmem:v17+s29+$0x0] =	vst.idx.msk vm10, v19  }
0xef: {  	v17 =	vld [tilespmem:$0x120];
	_ =	sdelay $0x4  }
0xf0: {  	vm12 =	vgt.s32 v17, $0xFFFFFFFF;
	vm13 =	vgt.s32 v17, $0x0  }
0xf1: {  	v17 =	vnsel vm13, $0x0, v17;
	_ =	sdelay $0x4  }
0xf2: {  	[tilespmem:v17+s29+$0x0] =	vst.idx.msk vm12, v23  }
0xf3: {  	v17 =	vld [tilespmem:$0x130];
	_ =	sdelay $0x4  }
0xf4: {  	vm14 =	vgt.s32 v17, $0xFFFFFFFF;
	vm15 =	vgt.s32 v17, $0x0  }
0xf5: {  	v17 =	vnsel vm15, $0x0, v17;
	_ =	sdelay $0x4  }
0xf6: {  	[tilespmem:v17+s29+$0x0] =	vst.idx.msk vm14, v24  }
0xf7: {  	v17 =	vld [tilespmem:$0x140];
	_ =	sdelay $0x4  }
0xf8: {  	vm4 =	vgt.s32 v17, $0xFFFFFFFF;
	vm5 =	vgt.s32 v17, $0x0  }
0xf9: {  	v17 =	vnsel vm5, $0x0, v17;
	_ =	sdelay $0x4  }
0xfa: {  	[tilespmem:v17+s29+$0x0] =	vst.idx.msk vm4, v25  }
0xfb: {  	v17 =	vld [tilespmem:$0x150];
	_ =	sdelay $0x4  }
0xfc: {  	vm6 =	vgt.s32 v17, $0xFFFFFFFF;
	vm7 =	vgt.s32 v17, $0x0  }
0xfd: {  	v17 =	vnsel vm7, $0x0, v17;
	_ =	sdelay $0x4  }
0xfe: {  	[tilespmem:v17+s29+$0x0] =	vst.idx.msk vm6, v26  }
0xff: {  	v17 =	vld [tilespmem:$0x160];
	_ =	sdelay $0x4  }
0x100: {  	vm8 =	vgt.s32 v17, $0xFFFFFFFF;
	vm9 =	vgt.s32 v17, $0x0  }
0x101: {  	v17 =	vnsel vm9, $0x0, v17;
	_ =	sdelay $0x4  }
0x102: {  	[tilespmem:v17+s29+$0x0] =	vst.idx.msk vm8, v27  }
0x103: {  	v17 =	vld [tilespmem:$0x170];
	_ =	sdelay $0x4  }
0x104: {  	vm10 =	vgt.s32 v17, $0xFFFFFFFF;
	vm11 =	vgt.s32 v17, $0x0  }
0x105: {  	v17 =	vnsel vm11, $0x0, v17;
	_ =	sdelay $0x4  }
0x106: {  	[tilespmem:v17+s29+$0x0] =	vst.idx.msk vm10, v28  }
0x107: {  	v17 =	vld [tilespmem:$0x180];
	_ =	sdelay $0x4  }
0x108: {  	vm12 =	vgt.s32 v17, $0xFFFFFFFF;
	vm13 =	vgt.s32 v17, $0x0  }
0x109: {  	v17 =	vnsel vm13, $0x0, v17;
	_ =	sdelay $0x4  }
0x10a: {  	[tilespmem:v17+s29+$0x0] =	vst.idx.msk vm12, v29  }
0x10b: {  	v17 =	vld [tilespmem:$0x190];
	_ =	sdelay $0x4  }
0x10c: {  	vm14 =	vgt.s32 v17, $0xFFFFFFFF;
	vm15 =	vgt.s32 v17, $0x0  }
0x10d: {  	v17 =	vnsel vm15, $0x0, v17;
	_ =	sdelay $0x4  }
0x10e: {  	[tilespmem:v17+s29+$0x0] =	vst.idx.msk vm14, v30  }
0x10f: {  	v17 =	vld [tilespmem:$0x1A0];
	_ =	sdelay $0x4  }
0x110: {  	vm4 =	vgt.s32 v17, $0xFFFFFFFF;
	vm5 =	vgt.s32 v17, $0x0  }
0x111: {  	v0 =	vld [tilespmem:$0x1FCC0];
	v17 =	vnsel vm5, $0x0, v17;
	_ =	sdelay $0x4  }
0x112: {  	[tilespmem:v17+s29+$0x0] =	vst.idx.msk vm4, v0  }
0x113: {  	v17 =	vld [tilespmem:$0x1B0];
	_ =	sdelay $0x4  }
0x114: {  	vm6 =	vgt.s32 v17, $0xFFFFFFFF;
	vm7 =	vgt.s32 v17, $0x0  }
0x115: {  	v0 =	vld [tilespmem:$0x1FCD0];
	v17 =	vnsel vm7, $0x0, v17;
	_ =	sdelay $0x4  }
0x116: {  	[tilespmem:v17+s29+$0x0] =	vst.idx.msk vm6, v0  }
0x117: {  	v17 =	vld [tilespmem:$0x1C0];
	_ =	sdelay $0x4  }
0x118: {  	vm8 =	vgt.s32 v17, $0xFFFFFFFF;
	vm9 =	vgt.s32 v17, $0x0  }
0x119: {  	v17 =	vnsel vm9, $0x0, v17;
	_ =	sdelay $0x4  }
0x11a: {  	[tilespmem:v17+s29+$0x0] =	vst.idx.msk vm8, v48  }
0x11b: {  	v17 =	vld [tilespmem:$0x1D0];
	_ =	sdelay $0x4  }
0x11c: {  	vm10 =	vgt.s32 v17, $0xFFFFFFFF;
	vm11 =	vgt.s32 v17, $0x0  }
0x11d: {  	v0 =	vld [tilespmem:$0x1FCE0];
	v17 =	vnsel vm11, $0x0, v17;
	_ =	sdelay $0x4  }
0x11e: {  	[tilespmem:v17+s29+$0x0] =	vst.idx.msk vm10, v0  }
0x11f: {  	v17 =	vld [tilespmem:$0x1E0];
	_ =	sdelay $0x4  }
0x120: {  	vm12 =	vgt.s32 v17, $0xFFFFFFFF;
	vm13 =	vgt.s32 v17, $0x0  }
0x121: {  	v17 =	vnsel vm13, $0x0, v17;
	_ =	sdelay $0x4  }
0x122: {  	[tilespmem:v17+s29+$0x0] =	vst.idx.msk vm12, v49  }
0x123: {  	v17 =	vld [tilespmem:$0x1F0];
	_ =	sdelay $0x4  }
0x124: {  	vm14 =	vgt.s32 v17, $0xFFFFFFFF;
	vm15 =	vgt.s32 v17, $0x0  }
0x125: {  	v17 =	vnsel vm15, $0x0, v17;
	_ =	sdelay $0x4  }
0x126: {  	[tilespmem:v17+s29+$0x0] =	vst.idx.msk vm14, v36  }
0x127: {  	v17 =	vld [tilespmem:$0x200];
	_ =	sdelay $0x4  }
0x128: {  	vm4 =	vgt.s32 v17, $0xFFFFFFFF;
	vm5 =	vgt.s32 v17, $0x0  }
0x129: {  	v17 =	vnsel vm5, $0x0, v17;
	_ =	sdelay $0x4  }
0x12a: {  	[tilespmem:v17+s29+$0x0] =	vst.idx.msk vm4, v37  }
0x12b: {  	v17 =	vld [tilespmem:$0x210];
	_ =	sdelay $0x4  }
0x12c: {  	vm6 =	vgt.s32 v17, $0xFFFFFFFF;
	vm7 =	vgt.s32 v17, $0x0  }
0x12d: {  	v17 =	vnsel vm7, $0x0, v17;
	_ =	sdelay $0x4  }
0x12e: {  	[tilespmem:v17+s29+$0x0] =	vst.idx.msk vm6, v38  }
0x12f: {  	v17 =	vld [tilespmem:$0x220];
	_ =	sdelay $0x4  }
0x130: {  	vm8 =	vgt.s32 v17, $0xFFFFFFFF;
	vm9 =	vgt.s32 v17, $0x0  }
0x131: {  	v17 =	vnsel vm9, $0x0, v17;
	_ =	sdelay $0x4  }
0x132: {  	[tilespmem:v17+s29+$0x0] =	vst.idx.msk vm8, v39  }
0x133: {  	v17 =	vld [tilespmem:$0x230];
	_ =	sdelay $0x4  }
0x134: {  	vm10 =	vgt.s32 v17, $0xFFFFFFFF;
	vm11 =	vgt.s32 v17, $0x0  }
0x135: {  	v17 =	vnsel vm11, $0x0, v17;
	_ =	sdelay $0x4  }
0x136: {  	[tilespmem:v17+s29+$0x0] =	vst.idx.msk vm10, v40  }
0x137: {  	v17 =	vld [tilespmem:$0x240];
	_ =	sdelay $0x4  }
0x138: {  	vm12 =	vgt.s32 v17, $0xFFFFFFFF;
	vm13 =	vgt.s32 v17, $0x0  }
0x139: {  	v17 =	vnsel vm13, $0x0, v17;
	_ =	sdelay $0x4  }
0x13a: {  	[tilespmem:v17+s29+$0x0] =	vst.idx.msk vm12, v41  }
0x13b: {  	v17 =	vld [tilespmem:$0x250];
	_ =	sdelay $0x4  }
0x13c: {  	vm14 =	vgt.s32 v17, $0xFFFFFFFF;
	vm15 =	vgt.s32 v17, $0x0  }
0x13d: {  	v17 =	vnsel vm15, $0x0, v17;
	_ =	sdelay $0x4  }
0x13e: {  	[tilespmem:v17+s29+$0x0] =	vst.idx.msk vm14, v4  }
0x13f: {  	v17 =	vld [tilespmem:$0x260];
	_ =	sdelay $0x4  }
0x140: {  	vm4 =	vgt.s32 v17, $0xFFFFFFFF;
	vm5 =	vgt.s32 v17, $0x0  }
0x141: {  	v17 =	vnsel vm5, $0x0, v17;
	_ =	sdelay $0x4  }
0x142: {  	[tilespmem:v17+s29+$0x0] =	vst.idx.msk vm4, v6  }
0x143: {  	v17 =	vld [tilespmem:$0x270];
	_ =	sdelay $0x4  }
0x144: {  	vm6 =	vgt.s32 v17, $0xFFFFFFFF;
	vm7 =	vgt.s32 v17, $0x0  }
0x145: {  	v17 =	vnsel vm7, $0x0, v17;
	_ =	sdelay $0x4  }
0x146: {  	[tilespmem:v17+s29+$0x0] =	vst.idx.msk vm6, v34  }
0x147: {  	v17 =	vld [tilespmem:$0x280];
	_ =	sdelay $0x4  }
0x148: {  	vm8 =	vgt.s32 v17, $0xFFFFFFFF;
	vm9 =	vgt.s32 v17, $0x0  }
0x149: {  	v17 =	vnsel vm9, $0x0, v17;
	_ =	sdelay $0x4  }
0x14a: {  	[tilespmem:v17+s29+$0x0] =	vst.idx.msk vm8, v42  }
0x14b: {  	v17 =	vld [tilespmem:$0x290];
	_ =	sdelay $0x4  }
0x14c: {  	vm10 =	vgt.s32 v17, $0xFFFFFFFF;
	vm11 =	vgt.s32 v17, $0x0  }
0x14d: {  	v17 =	vnsel vm11, $0x0, v17;
	_ =	sdelay $0x4  }
0x14e: {  	[tilespmem:v17+s29+$0x0] =	vst.idx.msk vm10, v5  }
0x14f: {  	v17 =	vld [tilespmem:$0x2A0];
	_ =	sdelay $0x4  }
0x150: {  	vm12 =	vgt.s32 v17, $0xFFFFFFFF;
	vm13 =	vgt.s32 v17, $0x0  }
0x151: {  	v17 =	vnsel vm13, $0x0, v17;
	_ =	sdelay $0x4  }
0x152: {  	[tilespmem:v17+s29+$0x0] =	vst.idx.msk vm12, v32  }
0x153: {  	v17 =	vld [tilespmem:$0x2B0];
	_ =	sdelay $0x4  }
0x154: {  	vm14 =	vgt.s32 v17, $0xFFFFFFFF;
	vm15 =	vgt.s32 v17, $0x0  }
0x155: {  	v17 =	vnsel vm15, $0x0, v17;
	_ =	sdelay $0x4  }
0x156: {  	[tilespmem:v17+s29+$0x0] =	vst.idx.msk vm14, v10  }
0x157: {  	v17 =	vld [tilespmem:$0x2C0];
	_ =	sdelay $0x4  }
0x158: {  	vm4 =	vgt.s32 v17, $0xFFFFFFFF;
	vm5 =	vgt.s32 v17, $0x0  }
0x159: {  	v17 =	vnsel vm5, $0x0, v17;
	_ =	sdelay $0x4  }
0x15a: {  	[tilespmem:v17+s29+$0x0] =	vst.idx.msk vm4, v43  }
0x15b: {  	v17 =	vld [tilespmem:$0x2D0];
	_ =	sdelay $0x4  }
0x15c: {  	vm6 =	vgt.s32 v17, $0xFFFFFFFF;
	vm7 =	vgt.s32 v17, $0x0  }
0x15d: {  	v17 =	vnsel vm7, $0x0, v17;
	_ =	sdelay $0x4  }
0x15e: {  	[tilespmem:v17+s29+$0x0] =	vst.idx.msk vm6, v8  }
0x15f: {  	v17 =	vld [tilespmem:$0x2E0];
	_ =	sdelay $0x4  }
0x160: {  	vm8 =	vgt.s32 v17, $0xFFFFFFFF;
	vm9 =	vgt.s32 v17, $0x0  }
0x161: {  	v17 =	vnsel vm9, $0x0, v17;
	_ =	sdelay $0x4  }
0x162: {  	[tilespmem:v17+s29+$0x0] =	vst.idx.msk vm8, v44  }
0x163: {  	v17 =	vld [tilespmem:$0x2F0];
	_ =	sdelay $0x4  }
0x164: {  	vm10 =	vgt.s32 v17, $0xFFFFFFFF;
	vm11 =	vgt.s32 v17, $0x0  }
0x165: {  	v17 =	vnsel vm11, $0x0, v17;
	_ =	sdelay $0x4  }
0x166: {  	[tilespmem:v17+s29+$0x0] =	vst.idx.msk vm10, v11  }
0x167: {  	v17 =	vld [tilespmem:$0x300];
	_ =	sdelay $0x4  }
0x168: {  	vm12 =	vgt.s32 v17, $0xFFFFFFFF;
	vm13 =	vgt.s32 v17, $0x0  }
0x169: {  	v17 =	vnsel vm13, $0x0, v17;
	_ =	sdelay $0x4  }
0x16a: {  	[tilespmem:v17+s29+$0x0] =	vst.idx.msk vm12, v63  }
0x16b: {  	v17 =	vld [tilespmem:$0x310];
	_ =	sdelay $0x4  }
0x16c: {  	vm14 =	vgt.s32 v17, $0xFFFFFFFF;
	vm15 =	vgt.s32 v17, $0x0  }
0x16d: {  	v17 =	vnsel vm15, $0x0, v17;
	_ =	sdelay $0x4  }
0x16e: {  	[tilespmem:v17+s29+$0x0] =	vst.idx.msk vm14, v22  }
0x16f: {  	v17 =	vld [tilespmem:$0x320];
	_ =	sdelay $0x4  }
0x170: {  	vm4 =	vgt.s32 v17, $0xFFFFFFFF;
	vm5 =	vgt.s32 v17, $0x0  }
0x171: {  	v17 =	vnsel vm5, $0x0, v17;
	_ =	sdelay $0x4  }
0x172: {  	[tilespmem:v17+s29+$0x0] =	vst.idx.msk vm4, v31  }
0x173: {  	v17 =	vld [tilespmem:$0x330];
	_ =	sdelay $0x4  }
0x174: {  	vm6 =	vgt.s32 v17, $0xFFFFFFFF;
	vm7 =	vgt.s32 v17, $0x0  }
0x175: {  	v17 =	vnsel vm7, $0x0, v17;
	_ =	sdelay $0x4  }
0x176: {  	[tilespmem:v17+s29+$0x0] =	vst.idx.msk vm6, v45  }
0x177: {  	v17 =	vld [tilespmem:$0x340];
	_ =	sdelay $0x4  }
0x178: {  	vm8 =	vgt.s32 v17, $0xFFFFFFFF;
	vm9 =	vgt.s32 v17, $0x0  }
0x179: {  	v17 =	vnsel vm9, $0x0, v17;
	_ =	sdelay $0x4  }
0x17a: {  	[tilespmem:v17+s29+$0x0] =	vst.idx.msk vm8, v12  }
0x17b: {  	v17 =	vld [tilespmem:$0x350];
	_ =	sdelay $0x4  }
0x17c: {  	vm10 =	vgt.s32 v17, $0xFFFFFFFF;
	vm11 =	vgt.s32 v17, $0x0  }
0x17d: {  	v17 =	vnsel vm11, $0x0, v17;
	_ =	sdelay $0x4  }
0x17e: {  	[tilespmem:v17+s29+$0x0] =	vst.idx.msk vm10, v46  }
0x17f: {  	v17 =	vld [tilespmem:$0x360];
	_ =	sdelay $0x4  }
0x180: {  	vm12 =	vgt.s32 v17, $0xFFFFFFFF;
	vm13 =	vgt.s32 v17, $0x0  }
0x181: {  	v17 =	vnsel vm13, $0x0, v17;
	_ =	sdelay $0x4  }
0x182: {  	[tilespmem:v17+s29+$0x0] =	vst.idx.msk vm12, v47  }
0x183: {  	v17 =	vld [tilespmem:$0x370];
	_ =	sdelay $0x4  }
0x184: {  	vm14 =	vgt.s32 v17, $0xFFFFFFFF;
	vm15 =	vgt.s32 v17, $0x0  }
0x185: {  	v17 =	vnsel vm15, $0x0, v17;
	_ =	sdelay $0x4  }
0x186: {  	[tilespmem:v17+s29+$0x0] =	vst.idx.msk vm14, v33  }
0x187: {  	v17 =	vld [tilespmem:$0x380];
	_ =	sdelay $0x4  }
0x188: {  	vm4 =	vgt.s32 v17, $0xFFFFFFFF;
	vm5 =	vgt.s32 v17, $0x0  }
0x189: {  	v17 =	vnsel vm5, $0x0, v17;
	_ =	sdelay $0x4  }
0x18a: {  	[tilespmem:v17+s29+$0x0] =	vst.idx.msk vm4, v35  }
0x18b: {  	v17 =	vld [tilespmem:$0x390];
	_ =	sdelay $0x4  }
0x18c: {  	vm6 =	vgt.s32 v17, $0xFFFFFFFF;
	vm7 =	vgt.s32 v17, $0x0  }
0x18d: {  	v0 =	vld [tilespmem:$0x1FCF0];
	v17 =	vnsel vm7, $0x0, v17;
	_ =	sdelay $0x4  }
0x18e: {  	[tilespmem:v17+s29+$0x0] =	vst.idx.msk vm6, v0  }
0x18f: {  	v17 =	vld [tilespmem:$0x3A0];
	_ =	sdelay $0x4  }
0x190: {  	vm8 =	vgt.s32 v17, $0xFFFFFFFF;
	vm9 =	vgt.s32 v17, $0x0  }
0x191: {  	v17 =	vnsel vm9, $0x0, v17;
	_ =	sdelay $0x4  }
0x192: {  	[tilespmem:v17+s29+$0x0] =	vst.idx.msk vm8, v52  }
0x193: {  	v17 =	vld [tilespmem:$0x3B0];
	_ =	sdelay $0x4  }
0x194: {  	vm10 =	vgt.s32 v17, $0xFFFFFFFF;
	vm11 =	vgt.s32 v17, $0x0  }
0x195: {  	v17 =	vnsel vm11, $0x0, v17;
	_ =	sdelay $0x4  }
0x196: {  	[tilespmem:v17+s29+$0x0] =	vst.idx.msk vm10, v50  }
0x197: {  	v17 =	vld [tilespmem:$0x3C0];
	_ =	sdelay $0x4  }
0x198: {  	vm12 =	vgt.s32 v17, $0xFFFFFFFF;
	vm13 =	vgt.s32 v17, $0x0  }
0x199: {  	v17 =	vnsel vm13, $0x0, v17;
	_ =	sdelay $0x4  }
0x19a: {  	[tilespmem:v17+s29+$0x0] =	vst.idx.msk vm12, v51  }
0x19b: {  	v17 =	vld [tilespmem:$0x3D0];
	_ =	sdelay $0x4  }
0x19c: {  	vm14 =	vgt.s32 v17, $0xFFFFFFFF;
	vm15 =	vgt.s32 v17, $0x0  }
0x19d: {  	v17 =	vnsel vm15, $0x0, v17;
	_ =	sdelay $0x4  }
0x19e: {  	[tilespmem:v17+s29+$0x0] =	vst.idx.msk vm14, v53  }
0x19f: {  	v17 =	vld [tilespmem:$0x3E0];
	_ =	sdelay $0x4  }
0x1a0: {  	vm4 =	vgt.s32 v17, $0xFFFFFFFF;
	vm5 =	vgt.s32 v17, $0x0  }
0x1a1: {  	v17 =	vnsel vm5, $0x0, v17;
	_ =	sdelay $0x4  }
0x1a2: {  	[tilespmem:v17+s29+$0x0] =	vst.idx.msk vm4, v54  }
0x1a3: {  	v17 =	vld [tilespmem:$0x3F0];
	_ =	sdelay $0x4  }
0x1a4: {  	vm6 =	vgt.s32 v17, $0xFFFFFFFF;
	vm7 =	vgt.s32 v17, $0x0  }
0x1a5: {  	v17 =	vnsel vm7, $0x0, v17;
	_ =	sdelay $0x4  }
0x1a6: {  	[tilespmem:v17+s29+$0x0] =	vst.idx.msk vm6, v55  }
0x1a7: {  	v17 =	vld [tilespmem:$0x400];
	_ =	sdelay $0x4  }
0x1a8: {  	vm8 =	vgt.s32 v17, $0xFFFFFFFF;
	vm9 =	vgt.s32 v17, $0x0  }
0x1a9: {  	v17 =	vnsel vm9, $0x0, v17;
	_ =	sdelay $0x4  }
0x1aa: {  	[tilespmem:v17+s29+$0x0] =	vst.idx.msk vm8, v56  }
0x1ab: {  	v17 =	vld [tilespmem:$0x410];
	_ =	sdelay $0x4  }
0x1ac: {  	vm10 =	vgt.s32 v17, $0xFFFFFFFF;
	vm11 =	vgt.s32 v17, $0x0  }
0x1ad: {  	v17 =	vnsel vm11, $0x0, v17;
	_ =	sdelay $0x4  }
0x1ae: {  	[tilespmem:v17+s29+$0x0] =	vst.idx.msk vm10, v57  }
0x1af: {  	v17 =	vld [tilespmem:$0x420];
	_ =	sdelay $0x4  }
0x1b0: {  	vm12 =	vgt.s32 v17, $0xFFFFFFFF;
	vm13 =	vgt.s32 v17, $0x0  }
0x1b1: {  	v17 =	vnsel vm13, $0x0, v17;
	_ =	sdelay $0x4  }
0x1b2: {  	[tilespmem:v17+s29+$0x0] =	vst.idx.msk vm12, v58  }
0x1b3: {  	v17 =	vld [tilespmem:$0x430];
	_ =	sdelay $0x4  }
0x1b4: {  	vm14 =	vgt.s32 v17, $0xFFFFFFFF;
	vm15 =	vgt.s32 v17, $0x0  }
0x1b5: {  	v17 =	vnsel vm15, $0x0, v17;
	_ =	sdelay $0x4  }
0x1b6: {  	[tilespmem:v17+s29+$0x0] =	vst.idx.msk vm14, v59  }
0x1b7: {  	v17 =	vld [tilespmem:$0x440];
	_ =	sdelay $0x4  }
0x1b8: {  	vm4 =	vgt.s32 v17, $0xFFFFFFFF;
	vm5 =	vgt.s32 v17, $0x0  }
0x1b9: {  	v17 =	vnsel vm5, $0x0, v17;
	_ =	sdelay $0x4  }
0x1ba: {  	[tilespmem:v17+s29+$0x0] =	vst.idx.msk vm4, v60  }
0x1bb: {  	v17 =	vld [tilespmem:$0x450];
	_ =	sdelay $0x4  }
0x1bc: {  	vm6 =	vgt.s32 v17, $0xFFFFFFFF;
	vm7 =	vgt.s32 v17, $0x0  }
0x1bd: {  	v17 =	vnsel vm7, $0x0, v17;
	_ =	sdelay $0x4  }
0x1be: {  	[tilespmem:v17+s29+$0x0] =	vst.idx.msk vm6, v61  }
0x1bf: {  	v17 =	vld [tilespmem:$0x460];
	_ =	sdelay $0x4  }
0x1c0: {  	vm8 =	vgt.s32 v17, $0xFFFFFFFF;
	vm9 =	vgt.s32 v17, $0x0  }
0x1c1: {  	v17 =	vnsel vm9, $0x0, v17;
	_ =	sdelay $0x4  }
0x1c2: {  	[tilespmem:v17+s29+$0x0] =	vst.idx.msk vm8, v62  }
0x1c3: {  	v17 =	vld [tilespmem:$0x470];
	_ =	sdelay $0x4  }
0x1c4: {  	vm10 =	vgt.s32 v17, $0xFFFFFFFF;
	vm11 =	vgt.s32 v17, $0x0  }
0x1c5: {  	v0 =	vld [tilespmem:$0x1FD00];
	v17 =	vnsel vm11, $0x0, v17;
	_ =	sdelay $0x4  }
0x1c6: {  	[tilespmem:v17+s29+$0x0] =	vst.idx.msk vm10, v0  }
0x1c7: {  	v17 =	vld [tilespmem:$0x480];
	_ =	sdelay $0x4  }
0x1c8: {  	vm12 =	vgt.s32 v17, $0xFFFFFFFF;
	vm13 =	vgt.s32 v17, $0x0  }
0x1c9: {  	v0 =	vld [tilespmem:$0x1FD10];
	v17 =	vnsel vm13, $0x0, v17;
	_ =	sdelay $0x4  }
0x1ca: {  	[tilespmem:v17+s29+$0x0] =	vst.idx.msk vm12, v0  }
0x1cb: {  	v17 =	vld [tilespmem:$0x490];
	_ =	sdelay $0x4  }
0x1cc: {  	vm14 =	vgt.s32 v17, $0xFFFFFFFF;
	vm15 =	vgt.s32 v17, $0x0  }
0x1cd: {  	v0 =	vld [tilespmem:$0x1FD20];
	v17 =	vnsel vm15, $0x0, v17;
	_ =	sdelay $0x4  }
0x1ce: {  	[tilespmem:v17+s29+$0x0] =	vst.idx.msk vm14, v0  }
0x1cf: {  	v17 =	vld [tilespmem:$0x4A0];
	_ =	sdelay $0x4  }
0x1d0: {  	vm4 =	vgt.s32 v17, $0xFFFFFFFF;
	vm5 =	vgt.s32 v17, $0x0  }
0x1d1: {  	v0 =	vld [tilespmem:$0x1FD30];
	v17 =	vnsel vm5, $0x0, v17;
	_ =	sdelay $0x4  }
0x1d2: {  	[tilespmem:v17+s29+$0x0] =	vst.idx.msk vm4, v0  }
0x1d3: {  	v17 =	vld [tilespmem:$0x4B0];
	_ =	sdelay $0x4  }
0x1d4: {  	vm6 =	vgt.s32 v17, $0xFFFFFFFF;
	vm7 =	vgt.s32 v17, $0x0  }
0x1d5: {  	v0 =	vld [tilespmem:$0x1FD40];
	v17 =	vnsel vm7, $0x0, v17;
	_ =	sdelay $0x4  }
0x1d6: {  	[tilespmem:v17+s29+$0x0] =	vst.idx.msk vm6, v0  }
0x1d7: {  	v17 =	vld [tilespmem:$0x4C0];
	_ =	sdelay $0x4  }
0x1d8: {  	vm8 =	vgt.s32 v17, $0xFFFFFFFF;
	vm9 =	vgt.s32 v17, $0x0  }
0x1d9: {  	v0 =	vld [tilespmem:$0x1FD50];
	v17 =	vnsel vm9, $0x0, v17;
	_ =	sdelay $0x4  }
0x1da: {  	[tilespmem:v17+s29+$0x0] =	vst.idx.msk vm8, v0  }
0x1db: {  	v17 =	vld [tilespmem:$0x4D0];
	_ =	sdelay $0x4  }
0x1dc: {  	vm10 =	vgt.s32 v17, $0xFFFFFFFF;
	vm11 =	vgt.s32 v17, $0x0  }
0x1dd: {  	v0 =	vld [tilespmem:$0x1FD60];
	v17 =	vnsel vm11, $0x0, v17;
	_ =	sdelay $0x4  }
0x1de: {  	[tilespmem:v17+s29+$0x0] =	vst.idx.msk vm10, v0  }
0x1df: {  	v17 =	vld [tilespmem:$0x4E0];
	_ =	sdelay $0x4  }
0x1e0: {  	vm12 =	vgt.s32 v17, $0xFFFFFFFF;
	vm13 =	vgt.s32 v17, $0x0  }
0x1e1: {  	v0 =	vld [tilespmem:$0x1FD70];
	v17 =	vnsel vm13, $0x0, v17;
	_ =	sdelay $0x4  }
0x1e2: {  	[tilespmem:v17+s29+$0x0] =	vst.idx.msk vm12, v0  }
0x1e3: {  	v17 =	vld [tilespmem:$0x4F0];
	_ =	sdelay $0x4  }
0x1e4: {  	vm14 =	vgt.s32 v17, $0xFFFFFFFF;
	vm15 =	vgt.s32 v17, $0x0  }
0x1e5: {  	v17 =	vnsel vm15, $0x0, v17;
	_ =	sdelay $0x4  }
0x1e6: {  	[tilespmem:v17+s29+$0x0] =	vst.idx.msk vm14, v15  }
0x1e7: {  	[spmem:s6] =	stream.linear.scatter [tilespmem:s29], [sflag:$0x3], $0x400, $0x38;
	[tilespmem:$0x6D40] =	vst v63  }
.Ltmp5:
0x1e8: {  	_ =	swait.ge [sflag:s28], $0x400;
	(pc) =	sbr.rel @!p2 .LBB2_5-.Ltmp5, $3  }
0x1e9: {  	[sflag:s28] =	ssyncset.done $0x0  }
0x1ea: {  	[sflag:s28] =	ssyncadd.s32 $0xFFFFFC00  }
0x1eb: {  	[bflag:$0x0] =	sbarrier.arrive $0xFFFF;
	_ =	sdelay $0x1  }
0x1ec: {  	s17 =	simm.s32 $0x900  }
0x1ed: {  	[tilespmem:s17], [sflag:$0x1] =	stream.linear.gather [spmem:s7], $0x80, $0x38;
	[tilespmem:$0x6D40] =	vst v63  }
0x1ee: {  	s18 =	simm.s32 $0x980  }
0x1ef: {  	[tilespmem:s18], [sflag:$0x1] =	stream.linear.gather [spmem:s25], $0x80, $0x38;
	[tilespmem:$0x6D40] =	vst v63  }
0x1f0: {  	s18 =	simm.s32 $0xA00  }
0x1f1: {  	[tilespmem:s18], [sflag:$0x1] =	stream.linear.gather [spmem:s30], $0x80, $0x38;
	[tilespmem:$0x6D40] =	vst v63  }
0x1f2: {  	s18 =	simm.s32 $0xA80  }
0x1f3: {  	[tilespmem:s18], [sflag:$0x1] =	stream.linear.gather [spmem:s16], $0x80, $0x38;
	[tilespmem:$0x6D40] =	vst v63  }
0x1f4: {  	s17 =	rddreg [dreg:$0x4];
	s18 =	simm.s32 $0xB00  }
0x1f5: {  	[tilespmem:s18], [sflag:$0x1] =	stream.linear.gather [spmem:s17], $0x80, $0x38;
	[tilespmem:$0x6D40] =	vst v63  }
0x1f6: {  	s17 =	rddreg [dreg:$0x5];
	s18 =	simm.s32 $0xB80  }
0x1f7: {  	[tilespmem:s18], [sflag:$0x1] =	stream.linear.gather [spmem:s17], $0x80, $0x38;
	[tilespmem:$0x6D40] =	vst v63  }
0x1f8: {  	s18 =	simm.s32 $0xC00  }
0x1f9: {  	[tilespmem:s18], [sflag:$0x1] =	stream.linear.gather [spmem:s8], $0x80, $0x38;
	[tilespmem:$0x6D40] =	vst v63  }
0x1fa: {  	s18 =	simm.s32 $0xC80  }
0x1fb: {  	[tilespmem:s18], [sflag:$0x1] =	stream.linear.gather [spmem:s20], $0x80, $0x38;
	[tilespmem:$0x6D40] =	vst v63  }
0x1fc: {  	s18 =	simm.s32 $0xD00  }
0x1fd: {  	[tilespmem:s18], [sflag:$0x1] =	stream.linear.gather [spmem:s4], $0x80, $0x38;
	[tilespmem:$0x6D40] =	vst v63  }
0x1fe: {  	s18 =	simm.s32 $0xD80  }
0x1ff: {  	[tilespmem:s18], [sflag:$0x1] =	stream.linear.gather [spmem:s2], $0x80, $0x38;
	[tilespmem:$0x6D40] =	vst v63  }
0x200: {  	s18 =	simm.s32 $0xE00  }
0x201: {  	[tilespmem:s18], [sflag:$0x1] =	stream.linear.gather [spmem:s12], $0x80, $0x38;
	[tilespmem:$0x6D40] =	vst v63  }
0x202: {  	s18 =	simm.s32 $0xE80  }
0x203: {  	[tilespmem:s18], [sflag:$0x1] =	stream.linear.gather [spmem:s23], $0x80, $0x38;
	[tilespmem:$0x6D40] =	vst v63  }
0x204: {  	s18 =	simm.s32 $0xF00  }
0x205: {  	[tilespmem:s18], [sflag:$0x1] =	stream.linear.gather [spmem:s22], $0x80, $0x38;
	[tilespmem:$0x6D40] =	vst v63  }
0x206: {  	s18 =	simm.s32 $0xF80  }
0x207: {  	[tilespmem:s18], [sflag:$0x1] =	stream.linear.gather [spmem:s21], $0x80, $0x38;
	[tilespmem:$0x6D40] =	vst v63  }
0x208: {  	s18 =	simm.s32 $0x1000  }
0x209: {  	[tilespmem:s18], [sflag:$0x1] =	stream.linear.gather [spmem:s11], $0x80, $0x38;
	[tilespmem:$0x6D40] =	vst v63  }
0x20a: {  	_ = 	snop  }
0x20b: {  	[tilespmem:s14], [sflag:$0x1] =	stream.linear.gather [spmem:s5], $0x80, $0x38;
	[tilespmem:$0x6D40] =	vst v63  }
0x20c: {  	_ =	swait.ge [sflag:s31], $0x80  }
0x20d: {  	[sflag:s31] =	ssyncset.done $0x0  }
0x20e: {  	[sflag:s31] =	ssyncadd.s32 $0xFFFFFF80  }
0x20f: {  	_ =	swait.ge [sflag:s31], $0x80  }
0x210: {  	[sflag:s31] =	ssyncset.done $0x0  }
0x211: {  	[sflag:s31] =	ssyncadd.s32 $0xFFFFFF80  }
0x212: {  	_ =	swait.ge [sflag:s31], $0x80  }
0x213: {  	[sflag:s31] =	ssyncset.done $0x0  }
0x214: {  	[sflag:s31] =	ssyncadd.s32 $0xFFFFFF80  }
0x215: {  	_ =	swait.ge [sflag:s31], $0x80  }
0x216: {  	[sflag:s31] =	ssyncset.done $0x0  }
0x217: {  	[sflag:s31] =	ssyncadd.s32 $0xFFFFFF80  }
0x218: {  	_ =	swait.ge [sflag:s31], $0x80  }
0x219: {  	[sflag:s31] =	ssyncset.done $0x0  }
0x21a: {  	[sflag:s31] =	ssyncadd.s32 $0xFFFFFF80  }
0x21b: {  	_ =	swait.ge [sflag:s31], $0x80  }
0x21c: {  	[sflag:s31] =	ssyncset.done $0x0  }
0x21d: {  	[sflag:s31] =	ssyncadd.s32 $0xFFFFFF80  }
0x21e: {  	_ =	swait.ge [sflag:s31], $0x80  }
0x21f: {  	[sflag:s31] =	ssyncset.done $0x0  }
0x220: {  	[sflag:s31] =	ssyncadd.s32 $0xFFFFFF80  }
0x221: {  	_ =	swait.ge [sflag:s31], $0x80  }
0x222: {  	[sflag:s31] =	ssyncset.done $0x0  }
0x223: {  	[sflag:s31] =	ssyncadd.s32 $0xFFFFFF80  }
0x224: {  	_ =	swait.ge [sflag:s31], $0x80  }
0x225: {  	[sflag:s31] =	ssyncset.done $0x0  }
0x226: {  	[sflag:s31] =	ssyncadd.s32 $0xFFFFFF80  }
0x227: {  	_ =	swait.ge [sflag:s31], $0x80  }
0x228: {  	[sflag:s31] =	ssyncset.done $0x0  }
0x229: {  	[sflag:s31] =	ssyncadd.s32 $0xFFFFFF80  }
0x22a: {  	_ =	swait.ge [sflag:s31], $0x80  }
0x22b: {  	[sflag:s31] =	ssyncset.done $0x0  }
0x22c: {  	[sflag:s31] =	ssyncadd.s32 $0xFFFFFF80  }
0x22d: {  	_ =	swait.ge [sflag:s31], $0x80  }
0x22e: {  	[sflag:s31] =	ssyncset.done $0x0  }
0x22f: {  	[sflag:s31] =	ssyncadd.s32 $0xFFFFFF80  }
0x230: {  	_ =	swait.ge [sflag:s31], $0x80  }
0x231: {  	[sflag:s31] =	ssyncset.done $0x0  }
0x232: {  	[sflag:s31] =	ssyncadd.s32 $0xFFFFFF80  }
0x233: {  	_ =	swait.ge [sflag:s31], $0x80  }
0x234: {  	[sflag:s31] =	ssyncset.done $0x0  }
0x235: {  	[sflag:s31] =	ssyncadd.s32 $0xFFFFFF80  }
0x236: {  	_ =	swait.ge [sflag:s31], $0x80  }
0x237: {  	[sflag:s31] =	ssyncset.done $0x0  }
0x238: {  	[sflag:s31] =	ssyncadd.s32 $0xFFFFFF80  }
0x239: {  	_ =	swait.ge [sflag:s31], $0x80  }
0x23a: {  	[sflag:s31] =	ssyncset.done $0x0  }
0x23b: {  	[sflag:s31] =	ssyncadd.s32 $0xFFFFFF80  }
0x23c: {  	v0 =	vld [tilespmem:$0xE80];
	_ =	sdelay $0x4  }
0x23d: {  	[tilespmem:$0x1F970] =	vst v0;
	v0 =	vld [tilespmem:$0xF00];
	_ =	sdelay $0x4  }
0x23e: {  	[tilespmem:$0x1F980] =	vst v0;
	v0 =	vld [tilespmem:$0xF80];
	_ =	sdelay $0x4  }
0x23f: {  	[tilespmem:$0x1F990] =	vst v0;
	v0 =	vld [tilespmem:$0x1000];
	_ =	sdelay $0x4  }
0x240: {  	[tilespmem:$0x1F9A0] =	vst v0;
	v0 =	vld [tilespmem:$0x1080];
	_ =	sdelay $0x4  }
0x241: {  	[tilespmem:$0x1F9B0] =	vst v0;
	v0 =	vld [tilespmem:$0x1010];
	_ =	sdelay $0x4  }
0x242: {  	[tilespmem:$0x1F9C0] =	vst v0;
	v0 =	vld [tilespmem:$0x1090];
	_ =	sdelay $0x4  }
0x243: {  	[tilespmem:$0x1F9E0] =	vst v0;
	v0 =	vld [tilespmem:$0x920]  }
0x244: {  	v18 =	vld [tilespmem:$0x900]  }
0x245: {  	v20 =	vld [tilespmem:$0x980]  }
0x246: {  	v21 =	vld [tilespmem:$0xA00]  }
0x247: {  	v23 =	vld [tilespmem:$0xA80]  }
0x248: {  	[tilespmem:$0x1F9D0] =	vst v0;
	v0 =	vld [tilespmem:$0xA20]  }
0x249: {  	v24 =	vld [tilespmem:$0xB00]  }
0x24a: {  	v25 =	vld [tilespmem:$0xB80]  }
0x24b: {  	v26 =	vld [tilespmem:$0xC00]  }
0x24c: {  	v27 =	vld [tilespmem:$0xC80]  }
0x24d: {  	[tilespmem:$0x1F9F0] =	vst v0;
	v0 =	vld [tilespmem:$0xAA0]  }
0x24e: {  	v28 =	vld [tilespmem:$0xD00]  }
0x24f: {  	v29 =	vld [tilespmem:$0xD80]  }
0x250: {  	v33 =	vld [tilespmem:$0xE00]  }
0x251: {  	v36 =	vld [tilespmem:$0x910]  }
0x252: {  	[tilespmem:$0x1FA00] =	vst v0;
	v0 =	vld [tilespmem:$0xB20]  }
0x253: {  	v37 =	vld [tilespmem:$0x990]  }
0x254: {  	v38 =	vld [tilespmem:$0xA10]  }
0x255: {  	v39 =	vld [tilespmem:$0xA90]  }
0x256: {  	v40 =	vld [tilespmem:$0xB10]  }
0x257: {  	[tilespmem:$0x1FA10] =	vst v0;
	v0 =	vld [tilespmem:$0xBA0]  }
0x258: {  	v4 =	vld [tilespmem:$0xB90]  }
0x259: {  	v5 =	vld [tilespmem:$0xC10]  }
0x25a: {  	v8 =	vld [tilespmem:$0xC90]  }
0x25b: {  	v11 =	vld [tilespmem:$0xD10]  }
0x25c: {  	[tilespmem:$0x1FA20] =	vst v0;
	v0 =	vld [tilespmem:$0xC20]  }
0x25d: {  	v12 =	vld [tilespmem:$0xD90]  }
0x25e: {  	v17 =	vld [tilespmem:$0xE10]  }
0x25f: {  	v30 =	vld [tilespmem:$0xE90]  }
0x260: {  	v48 =	vld [tilespmem:$0xF10]  }
0x261: {  	[tilespmem:$0x1FA30] =	vst v0;
	v0 =	vld [tilespmem:$0xCA0]  }
0x262: {  	v49 =	vld [tilespmem:$0xF90]  }
0x263: {  	v54 =	vmov v52;
	v52 =	vmov v50;
	v50 =	vld [tilespmem:$0x9A0]  }
0x264: {  	v32 =	vld [tilespmem:$0x930]  }
0x265: {  	v7 =	vld [tilespmem:$0x9B0]  }
0x266: {  	[tilespmem:$0x1FA40] =	vst v0;
	v0 =	vld [tilespmem:$0xD20]  }
0x267: {  	v10 =	vld [tilespmem:$0xA30]  }
0x268: {  	v13 =	vld [tilespmem:$0xAB0]  }
0x269: {  	v22 =	vld [tilespmem:$0xB30]  }
0x26a: {  	v34 =	vld [tilespmem:$0xBB0]  }
0x26b: {  	[tilespmem:$0x1FA60] =	vst v0;
	v0 =	vld [tilespmem:$0xDA0]  }
0x26c: {  	v1 =	vld [tilespmem:$0x940]  }
0x26d: {  	v2 =	vld [tilespmem:$0xA40]  }
0x26e: {  	v3 =	vld [tilespmem:$0xAC0]  }
0x26f: {  	v6 =	vld [tilespmem:$0xB40]  }
0x270: {  	[tilespmem:$0x1FA80] =	vst v0;
	v0 =	vld [tilespmem:$0xE20]  }
0x271: {  	v9 =	vld [tilespmem:$0xBC0]  }
0x272: {  	v31 =	vld [tilespmem:$0xC40]  }
0x273: {  	v63 =	vld [tilespmem:$0xCC0]  }
0x274: {  	v35 =	vld [tilespmem:$0xEC0]  }
0x275: {  	[tilespmem:$0x1FAA0] =	vst v0;
	v0 =	vld [tilespmem:$0xEA0]  }
0x276: {  	v14 =	vld [tilespmem:$0xD40]  }
0x277: {  	v15 =	vld [tilespmem:$0xDC0]  }
0x278: {  	v19 =	vld [tilespmem:$0xE40];
	v18 =	vadd.s32 v18, v20  }
0x279: {  	[tilespmem:$0x1FB20] =	vst v35;
	v35 =	vld [tilespmem:$0xF40];
	v18 =	vadd.s32 v21, v18;
	v21 =	vadd.s32 v36, v37  }
0x27a: {  	v18 =	vadd.s32 v23, v18;
	v21 =	vadd.s32 v38, v21;
	[tilespmem:$0x1FAC0] =	vst v0;
	v0 =	vld [tilespmem:$0xF20]  }
0x27b: {  	v20 =	vld [tilespmem:$0xCD0];
	v18 =	vadd.s32 v24, v18;
	v21 =	vadd.s32 v39, v21  }
0x27c: {  	v36 =	vld [tilespmem:$0xD50];
	v18 =	vadd.s32 v25, v18;
	v21 =	vadd.s32 v40, v21  }
0x27d: {  	v18 =	vadd.s32 v26, v18;
	v21 =	vadd.s32 v4, v21;
	v4 =	vld [tilespmem:$0x1F970]  }
0x27e: {  	v37 =	vld [tilespmem:$0xDD0];
	v18 =	vadd.s32 v27, v18  }
0x27f: {  	v18 =	vadd.s32 v28, v18;
	[tilespmem:$0x1FAE0] =	vst v0;
	v0 =	vld [tilespmem:$0xFA0]  }
0x280: {  	v38 =	vld [tilespmem:$0xE50];
	v27 =	vadd.s32 v29, v18  }
0x281: {  	[tilespmem:$0x1FB50] =	vst v35;
	v35 =	vld [tilespmem:$0xFC0];
	v27 =	vadd.s32 v33, v27  }
0x282: {  	v27 =	vadd.s32 v4, v27;
	v4 =	vld [tilespmem:$0x1F980]  }
0x283: {  	v23 =	vld [tilespmem:$0xF50]  }
0x284: {  	[tilespmem:$0x1FB00] =	vst v0;
	v0 =	vld [tilespmem:$0x1020]  }
0x285: {  	v24 =	vld [tilespmem:$0xED0]  }
0x286: {  	[tilespmem:$0x1FB80] =	vst v35;
	v35 =	vld [tilespmem:$0x1040]  }
0x287: {  	v27 =	vadd.s32 v4, v27;
	v4 =	vld [tilespmem:$0x1F990]  }
0x288: {  	v40 =	vld [tilespmem:$0xBE0]  }
0x289: {  	[tilespmem:$0x1FB30] =	vst v0;
	v0 =	vld [tilespmem:$0x10A0]  }
0x28a: {  	v25 =	vadd.s32 v5, v21;
	v21 =	vld [tilespmem:$0xFD0]  }
0x28b: {  	[tilespmem:$0x1FBA0] =	vst v35;
	v35 =	vld [tilespmem:$0x10C0]  }
0x28c: {  	v27 =	vadd.s32 v4, v27;
	v4 =	vld [tilespmem:$0x1F9A0]  }
0x28d: {  	v5 =	vadd.s32 v32, v7;
	v7 =	vld [tilespmem:$0xC60]  }
0x28e: {  	[tilespmem:$0x1FB60] =	vst v0;
	v0 =	vld [tilespmem:$0xC30]  }
0x28f: {  	v32 =	vld [tilespmem:$0x1FF40]  }
0x290: {  	[tilespmem:$0x1FBD0] =	vst v35;
	v35 =	vld [tilespmem:$0x950]  }
0x291: {  	v27 =	vadd.s32 v4, v27;
	v4 =	vld [tilespmem:$0x1F9B0]  }
0x292: {  	v26 =	vadd.s32 v8, v25;
	v25 =	vld [tilespmem:$0x1050]  }
0x293: {  	[tilespmem:$0x1FA50] =	vst v0;
	v0 =	vld [tilespmem:$0xCB0]  }
0x294: {  	v28 =	vld [tilespmem:$0x960]  }
0x295: {  	v26 =	vadd.s32 v11, v26;
	[tilespmem:$0x1FBB0] =	vst v35;
	v35 =	vld [tilespmem:$0x9D0]  }
0x296: {  	v26 =	vadd.s32 v12, v26;
	v27 =	vadd.s32 v4, v27;
	v4 =	vld [tilespmem:$0x1F9C0]  }
0x297: {  	v18 =	vld [tilespmem:$0x10D0];
	v26 =	vadd.s32 v17, v26  }
0x298: {  	v26 =	vadd.s32 v30, v26;
	[tilespmem:$0x1FA70] =	vst v0;
	v0 =	vld [tilespmem:$0xD30]  }
0x299: {  	v29 =	vld [tilespmem:$0x9E0];
	v26 =	vadd.s32 v48, v26  }
0x29a: {  	v26 =	vadd.s32 v49, v26;
	[tilespmem:$0x1FBC0] =	vst v35;
	v35 =	vld [tilespmem:$0xA50]  }
0x29b: {  	v5 =	vadd.s32 v10, v5;
	v26 =	vadd.s32 v4, v26;
	v4 =	vld [tilespmem:$0x1F9D0]  }
0x29c: {  	v5 =	vadd.s32 v13, v5;
	v33 =	vld [tilespmem:$0xAE0]  }
0x29d: {  	v5 =	vadd.s32 v22, v5;
	[tilespmem:$0x1FA90] =	vst v0;
	v0 =	vld [tilespmem:$0xDB0]  }
0x29e: {  	v5 =	vadd.s32 v34, v5;
	v34 =	vld [tilespmem:$0x1FF20]  }
0x29f: {  	[tilespmem:$0x1FBE0] =	vst v35;
	v35 =	vld [tilespmem:$0xAD0]  }
0x2a0: {  	v39 =	vadd.s32 v4, v50;
	v4 =	vld [tilespmem:$0x1F9E0]  }
0x2a1: {  	v30 =	vld [tilespmem:$0xA60]  }
0x2a2: {  	[tilespmem:$0x1FAB0] =	vst v0;
	v0 =	vld [tilespmem:$0xE30]  }
0x2a3: {  	v48 =	vld [tilespmem:$0x1FE80]  }
0x2a4: {  	[tilespmem:$0x1FBF0] =	vst v35;
	v35 =	vld [tilespmem:$0xB50]  }
0x2a5: {  	v26 =	vadd.s32 v4, v26;
	v4 =	vld [tilespmem:$0x1F9F0]  }
0x2a6: {  	v28 =	vadd.s32 v28, v29;
	v29 =	vld [tilespmem:$0xBF0]  }
0x2a7: {  	[tilespmem:$0x1FAD0] =	vst v0;
	v0 =	vld [tilespmem:$0xEB0]  }
0x2a8: {  	v49 =	vld [tilespmem:$0x1FE90]  }
0x2a9: {  	[tilespmem:$0x1FC00] =	vst v35;
	v35 =	vld [tilespmem:$0xBD0]  }
0x2aa: {  	v39 =	vadd.s32 v4, v39;
	v4 =	vld [tilespmem:$0x1FA00]  }
0x2ab: {  	v28 =	vadd.s32 v30, v28;
	v30 =	vld [tilespmem:$0x1FE70]  }
0x2ac: {  	[tilespmem:$0x1FAF0] =	vst v0;
	v0 =	vld [tilespmem:$0xF30]  }
0x2ad: {  	v28 =	vadd.s32 v33, v28;
	v33 =	vld [tilespmem:$0x1FFC0]  }
0x2ae: {  	[tilespmem:$0x1FC10] =	vst v35;
	v35 =	vld [tilespmem:$0xC50]  }
0x2af: {  	v39 =	vadd.s32 v4, v39;
	v4 =	vld [tilespmem:$0x1FA10]  }
0x2b0: {  	v22 =	vld [tilespmem:$0x1FBC0]  }
0x2b1: {  	[tilespmem:$0x1FB10] =	vst v0;
	v0 =	vld [tilespmem:$0xFB0]  }
0x2b2: {  	[tilespmem:$0x1100] =	vst v27;
	v27 =	vld [tilespmem:$0x1FE40]  }
0x2b3: {  	[tilespmem:$0x1FC20] =	vst v35;
	v35 =	vld [tilespmem:$0xB60]  }
0x2b4: {  	v8 =	vadd.s32 v4, v39;
	v4 =	vld [tilespmem:$0x1FA20]  }
0x2b5: {  	v50 =	vmov v52;
	v52 =	vmov v54;
	v54 =	vld [tilespmem:$0x1FFE0]  }
0x2b6: {  	[tilespmem:$0x1FB40] =	vst v0;
	v0 =	vld [tilespmem:$0x1030]  }
0x2b7: {  	[tilespmem:$0x1110] =	vst v26;
	v26 =	vld [tilespmem:$0x1FE30]  }
0x2b8: {  	v28 =	vadd.s32 v35, v28;
	v35 =	vld [tilespmem:$0x1FFD0]  }
0x2b9: {  	v8 =	vadd.s32 v4, v8;
	v4 =	vld [tilespmem:$0x1FA30]  }
0x2ba: {  	v39 =	vld [tilespmem:$0x1FED0]  }
0x2bb: {  	[tilespmem:$0x1FB70] =	vst v0;
	v0 =	vld [tilespmem:$0x10B0]  }
0x2bc: {  	v28 =	vadd.s32 v40, v28;
	v40 =	vld [tilespmem:$0x1FEE0]  }
0x2bd: {  	v7 =	vadd.s32 v7, v28;
	v28 =	vld [tilespmem:$0x1FE50]  }
0x2be: {  	v8 =	vadd.s32 v4, v8;
	v4 =	vld [tilespmem:$0xE60]  }
0x2bf: {  	v10 =	vld [tilespmem:$0x1FA80]  }
0x2c0: {  	[tilespmem:$0x1FB90] =	vst v0;
	v0 =	vld [tilespmem:$0x9C0]  }
0x2c1: {  	v11 =	vld [tilespmem:$0x1FAA0]  }
0x2c2: {  	v12 =	vld [tilespmem:$0x1FAC0]  }
0x2c3: {  	v13 =	vld [tilespmem:$0x1FAE0]  }
0x2c4: {  	v17 =	vld [tilespmem:$0x1FB60]  }
0x2c5: {  	v0 =	vadd.s32 v1, v0;
	v1 =	vld [tilespmem:$0xCE0]  }
0x2c6: {  	v0 =	vadd.s32 v2, v0;
	v2 =	vld [tilespmem:$0xD60]  }
0x2c7: {  	v0 =	vadd.s32 v3, v0;
	v3 =	vld [tilespmem:$0xDE0]  }
0x2c8: {  	v0 =	vadd.s32 v6, v0;
	v6 =	vld [tilespmem:$0x1FA40]  }
0x2c9: {  	v0 =	vadd.s32 v9, v0;
	v9 =	vld [tilespmem:$0x1FA60]  }
0x2ca: {  	v0 =	vadd.s32 v31, v0;
	v31 =	vld [tilespmem:$0x1FBD0]  }
0x2cb: {  	v0 =	vadd.s32 v63, v0;
	v63 =	vld [tilespmem:$0x1FF80]  }
0x2cc: {  	v0 =	vadd.s32 v14, v0;
	v14 =	vld [tilespmem:$0x1FB00]  }
0x2cd: {  	v8 =	vadd.s32 v6, v8;
	v6 =	vld [tilespmem:$0x1FA50]  }
0x2ce: {  	v0 =	vadd.s32 v15, v0;
	v15 =	vld [tilespmem:$0x1FB30]  }
0x2cf: {  	v8 =	vadd.s32 v9, v8;
	v9 =	vld [tilespmem:$0x1FA70]  }
0x2d0: {  	v8 =	vadd.s32 v10, v8;
	v10 =	vld [tilespmem:$0x1FA90]  }
0x2d1: {  	v8 =	vadd.s32 v11, v8;
	v11 =	vld [tilespmem:$0x1FAB0]  }
0x2d2: {  	v8 =	vadd.s32 v12, v8;
	v12 =	vld [tilespmem:$0x1FAD0]  }
0x2d3: {  	v5 =	vadd.s32 v6, v5;
	v8 =	vadd.s32 v13, v8;
	v13 =	vld [tilespmem:$0x1FAF0]  }
0x2d4: {  	v5 =	vadd.s32 v9, v5;
	v8 =	vadd.s32 v14, v8;
	v14 =	vld [tilespmem:$0x1FB10]  }
0x2d5: {  	v5 =	vadd.s32 v10, v5;
	v8 =	vadd.s32 v15, v8;
	v15 =	vld [tilespmem:$0x1FB40]  }
0x2d6: {  	v1 =	vadd.s32 v1, v7;
	v5 =	vadd.s32 v11, v5;
	v8 =	vadd.s32 v17, v8;
	v17 =	vld [tilespmem:$0x1FB70]  }
0x2d7: {  	v1 =	vadd.s32 v2, v1;
	v0 =	vadd.s32 v19, v0;
	v19 =	vld [tilespmem:$0x1FB90];
	v5 =	vadd.s32 v12, v5  }
0x2d8: {  	v1 =	vadd.s32 v3, v1;
	v3 =	vld [tilespmem:$0xFF0];
	v5 =	vadd.s32 v13, v5  }
0x2d9: {  	v5 =	vadd.s32 v14, v5;
	v14 =	vld [tilespmem:$0x1FB20]  }
0x2da: {  	v5 =	vadd.s32 v15, v5;
	v15 =	vld [tilespmem:$0x1FB50]  }
0x2db: {  	v5 =	vadd.s32 v17, v5;
	v17 =	vld [tilespmem:$0x1FB80]  }
0x2dc: {  	v5 =	vadd.s32 v19, v5;
	v19 =	vld [tilespmem:$0x1FBA0]  }
0x2dd: {  	v1 =	vadd.s32 v4, v1;
	v4 =	vld [tilespmem:$0x1070]  }
0x2de: {  	v6 =	vld [tilespmem:$0xEE0];
	v0 =	vadd.s32 v14, v0  }
0x2df: {  	v9 =	vld [tilespmem:$0xF60];
	v0 =	vadd.s32 v15, v0  }
0x2e0: {  	v10 =	vld [tilespmem:$0xFE0];
	v0 =	vadd.s32 v17, v0  }
0x2e1: {  	v0 =	vadd.s32 v19, v0;
	v19 =	vld [tilespmem:$0x1FBB0]  }
0x2e2: {  	v0 =	vadd.s32 v31, v0;
	v31 =	vld [tilespmem:$0x1FBE0]  }
0x2e3: {  	v11 =	vld [tilespmem:$0x1060]  }
0x2e4: {  	v12 =	vld [tilespmem:$0x10E0]  }
0x2e5: {  	v13 =	vld [tilespmem:$0x970]  }
0x2e6: {  	v1 =	vadd.s32 v6, v1;
	v6 =	vld [tilespmem:$0x10F0];
	v19 =	vadd.s32 v19, v22  }
0x2e7: {  	v19 =	vadd.s32 v31, v19;
	v31 =	vld [tilespmem:$0x1FBF0]  }
0x2e8: {  	v1 =	vadd.s32 v9, v1;
	v9 =	vld [tilespmem:$0x1FF10]  }
0x2e9: {  	v1 =	vadd.s32 v10, v1;
	v10 =	vld [tilespmem:$0x1FF50]  }
0x2ea: {  	v1 =	vadd.s32 v11, v1;
	v11 =	vld [tilespmem:$0x1FF70]  }
0x2eb: {  	v14 =	vld [tilespmem:$0x9F0]  }
0x2ec: {  	v19 =	vadd.s32 v31, v19;
	v31 =	vld [tilespmem:$0x1FC00]  }
0x2ed: {  	v15 =	vld [tilespmem:$0xA70]  }
0x2ee: {  	v17 =	vld [tilespmem:$0xAF0]  }
0x2ef: {  	v22 =	vld [tilespmem:$0xB70]  }
0x2f0: {  	v13 =	vadd.s32 v13, v14;
	v14 =	vld [tilespmem:$0xC70]  }
0x2f1: {  	v19 =	vadd.s32 v31, v19;
	v31 =	vld [tilespmem:$0x1FC10]  }
0x2f2: {  	v13 =	vadd.s32 v15, v13;
	v15 =	vld [tilespmem:$0xCF0]  }
0x2f3: {  	v13 =	vadd.s32 v17, v13;
	v17 =	vld [tilespmem:$0xD70]  }
0x2f4: {  	v13 =	vadd.s32 v22, v13;
	v22 =	vld [tilespmem:$0xDF0]  }
0x2f5: {  	v13 =	vadd.s32 v29, v13;
	v29 =	vld [tilespmem:$0x1FE60]  }
0x2f6: {  	v19 =	vadd.s32 v31, v19;
	v31 =	vld [tilespmem:$0x1FC20]  }
0x2f7: {  	v7 =	vadd.s32 v14, v13;
	v13 =	vld [tilespmem:$0xEF0]  }
0x2f8: {  	v2 =	vadd.s32 v15, v7;
	v7 =	vld [tilespmem:$0xF70]  }
0x2f9: {  	v15 =	vld [tilespmem:$0x1FFF0];
	v2 =	vadd.s32 v17, v2  }
0x2fa: {  	v2 =	vadd.s32 v22, v2;
	v22 =	vld [tilespmem:$0x1FF90]  }
0x2fb: {  	v19 =	vadd.s32 v31, v19;
	v31 =	vld [tilespmem:$0x1FFA0]  }
0x2fc: {  	v19 =	vadd.s32 v20, v19;
	v20 =	vld [tilespmem:$0xE70]  }
0x2fd: {  	v19 =	vadd.s32 v36, v19;
	v36 =	vld [tilespmem:$0x1FEA0]  }
0x2fe: {  	v14 =	vadd.s32 v37, v19;
	v37 =	vld [tilespmem:$0x1FEB0]  }
0x2ff: {  	v19 =	vld [tilespmem:$0x1FDF0]  }
0x300: {  	v14 =	vadd.s32 v38, v14;
	v38 =	vld [tilespmem:$0x1FEC0]  }
0x301: {  	v14 =	vadd.s32 v24, v14;
	v24 =	vld [tilespmem:$0x1FE10]  }
0x302: {  	v14 =	vadd.s32 v23, v14;
	v23 =	vld [tilespmem:$0x1FE00]  }
0x303: {  	v2 =	vadd.s32 v20, v2;
	v20 =	vld [tilespmem:$0x1FDD0]  }
0x304: {  	[tilespmem:$0x1120] =	vst v8;
	v8 =	vadd.s32 v21, v14;
	v21 =	vld [tilespmem:$0x1FDE0]  }
0x305: {  	v14 =	vld [tilespmem:$0x1FDB0]  }
0x306: {  	v2 =	vadd.s32 v13, v2;
	v13 =	vld [tilespmem:$0x1FD90]  }
0x307: {  	[tilespmem:$0x1130] =	vst v5;
	v5 =	vadd.s32 v25, v8;
	v8 =	vld [tilespmem:$0x1FF60]  }
0x308: {  	v25 =	vld [tilespmem:$0x1FE20]  }
0x309: {  	v2 =	vadd.s32 v7, v2;
	v7 =	vld [tilespmem:$0x1FD80]  }
0x30a: {  	[tilespmem:$0x1140] =	vst v0;
	v0 =	vadd.s32 v18, v5;
	v5 =	vld [tilespmem:$0x1FF30];
	v2 =	vadd.s32 v3, v2  }
0x30b: {  	v18 =	vld [tilespmem:$0x1FDC0];
	[tilespmem:$0x1150] =	vst v0;
	v0 =	vadd.s32 v12, v1;
	v1 =	vadd.s32 v4, v2  }
0x30c: {  	v3 =	vld [tilespmem:$0x1FDA0];
	[tilespmem:$0x1160] =	vst v0;
	v0 =	vadd.s32 v6, v1  }
0x30d: {  	v12 =	vld [tilespmem:$0x1FFB0];
	[tilespmem:$0x1170] =	vst v0  }
0x30e: {  	v4 =	vld [tilespmem:$0x1FEF0];
	[spmem:s19] =	stream.linear.scatter [tilespmem:s0], [sflag:$0x3], $0x80, $0x38  }
0x30f: {  	v6 =	vld [tilespmem:$0x1FF00];
	_ =	swait.ge [sflag:s28], $0x80  }
0x310: {  	[sflag:s28] =	ssyncset.done $0x0  }
0x311: {  	[sflag:s28] =	ssyncadd.s32 $0xFFFFFF80  }
.LBB2_5:
.Ltmp6:
0x312: {  	(pc) =	sbr.rel @!p1 .LBB2_9-.Ltmp6, $2  }
0x313: {  	_ =	sdelay $0x1  }
0x314: {  	[bflag:$0x0] =	sbarrier.arrive $0xFFFF;
	_ =	sdelay $0x1  }
0x315: {  	s17 =	rddreg [dreg:$0x2]  }
0x316: {  	[tilespmem:s0], [sflag:$0x3] =	stream.linear.gather [spmem:s17], $0x400, $0x38;
	[tilespmem:$0x6D40] =	vst v63  }
0x317: {  	_ =	swait.ge [sflag:s28], $0x400  }
0x318: {  	[sflag:s28] =	ssyncset.done $0x0  }
0x319: {  	[sflag:s28] =	ssyncadd.s32 $0xFFFFFC00  }
0x31a: {  	_ =	swait.ge [sflag:s1], $0x5000  }
0x31b: {  	[sflag:s1] =	ssyncset.done $0x0  }
0x31c: {  	[sflag:s1] =	ssyncadd.s32 $0xFFFFB000  }
0x31d: {  	v0 =	vld [tilespmem:$0x1100];
	_ =	sdelay $0x5  }
0x31e: {  	v1 =	vld [tilespmem:$0x1110];
	_ =	sdelay $0x1  }
0x31f: {  	v0 =	vld.idx.msk [tilespmem:v0+s26+$0x0], $0xffff;
	_ =	sdelay $0x3  }
0x320: {  	v2 =	vld [tilespmem:$0x1120]  }
0x321: {  	[tilespmem:$0x6500] =	vst v0  }
0x322: {  	v0 =	vld.idx.msk [tilespmem:v1+s26+$0x0], $0xffff;
	_ =	sdelay $0x3  }
0x323: {  	v1 =	vld [tilespmem:$0x1130]  }
0x324: {  	[tilespmem:$0x6510] =	vst v0  }
0x325: {  	v0 =	vld.idx.msk [tilespmem:v2+s26+$0x0], $0xffff;
	_ =	sdelay $0x3  }
0x326: {  	v2 =	vld [tilespmem:$0x1140]  }
0x327: {  	[tilespmem:$0x6520] =	vst v0  }
0x328: {  	v0 =	vld.idx.msk [tilespmem:v1+s26+$0x0], $0xffff;
	_ =	sdelay $0x3  }
0x329: {  	v1 =	vld [tilespmem:$0x1150]  }
0x32a: {  	[tilespmem:$0x6530] =	vst v0  }
0x32b: {  	v0 =	vld.idx.msk [tilespmem:v2+s26+$0x0], $0xffff;
	_ =	sdelay $0x3  }
0x32c: {  	v2 =	vld [tilespmem:$0x1160]  }
0x32d: {  	[tilespmem:$0x6540] =	vst v0  }
0x32e: {  	v0 =	vld.idx.msk [tilespmem:v1+s26+$0x0], $0xffff;
	_ =	sdelay $0x3  }
0x32f: {  	v1 =	vld [tilespmem:$0x1170]  }
0x330: {  	[tilespmem:$0x6550] =	vst v0  }
0x331: {  	v0 =	vld.idx.msk [tilespmem:v2+s26+$0x0], $0xffff;
	_ =	sdelay $0x3  }
0x332: {  	v2 =	vld [tilespmem:$0x1180]  }
0x333: {  	[tilespmem:$0x6560] =	vst v0  }
0x334: {  	v0 =	vld.idx.msk [tilespmem:v1+s26+$0x0], $0xffff;
	_ =	sdelay $0x3  }
0x335: {  	v1 =	vld [tilespmem:$0x1190]  }
0x336: {  	[tilespmem:$0x6570] =	vst v0  }
0x337: {  	v0 =	vld.idx.msk [tilespmem:v2+s26+$0x0], $0xffff;
	_ =	sdelay $0x3  }
0x338: {  	v2 =	vld [tilespmem:$0x11A0]  }
0x339: {  	[tilespmem:$0x6580] =	vst v0  }
0x33a: {  	v0 =	vld.idx.msk [tilespmem:v1+s26+$0x0], $0xffff;
	_ =	sdelay $0x3  }
0x33b: {  	v1 =	vld [tilespmem:$0x11B0]  }
0x33c: {  	[tilespmem:$0x6590] =	vst v0  }
0x33d: {  	v0 =	vld.idx.msk [tilespmem:v2+s26+$0x0], $0xffff;
	_ =	sdelay $0x3  }
0x33e: {  	v2 =	vld [tilespmem:$0x11C0]  }
0x33f: {  	[tilespmem:$0x65A0] =	vst v0  }
0x340: {  	v0 =	vld.idx.msk [tilespmem:v1+s26+$0x0], $0xffff;
	_ =	sdelay $0x3  }
0x341: {  	v1 =	vld [tilespmem:$0x11D0]  }
0x342: {  	[tilespmem:$0x65B0] =	vst v0  }
0x343: {  	v0 =	vld.idx.msk [tilespmem:v2+s26+$0x0], $0xffff;
	_ =	sdelay $0x3  }
0x344: {  	v2 =	vld [tilespmem:$0x11E0]  }
0x345: {  	[tilespmem:$0x65C0] =	vst v0  }
0x346: {  	v0 =	vld.idx.msk [tilespmem:v1+s26+$0x0], $0xffff;
	_ =	sdelay $0x3  }
0x347: {  	v1 =	vld [tilespmem:$0x11F0]  }
0x348: {  	[tilespmem:$0x65D0] =	vst v0  }
0x349: {  	v0 =	vld.idx.msk [tilespmem:v2+s26+$0x0], $0xffff;
	_ =	sdelay $0x3  }
0x34a: {  	v2 =	vld [tilespmem:$0x1200]  }
0x34b: {  	[tilespmem:$0x65E0] =	vst v0  }
0x34c: {  	v0 =	vld.idx.msk [tilespmem:v1+s26+$0x0], $0xffff;
	_ =	sdelay $0x3  }
0x34d: {  	v1 =	vld [tilespmem:$0x1210]  }
0x34e: {  	[tilespmem:$0x65F0] =	vst v0  }
0x34f: {  	v0 =	vld.idx.msk [tilespmem:v2+s26+$0x0], $0xffff;
	_ =	sdelay $0x3  }
0x350: {  	v2 =	vld [tilespmem:$0x1220]  }
0x351: {  	[tilespmem:$0x6600] =	vst v0  }
0x352: {  	v0 =	vld.idx.msk [tilespmem:v1+s26+$0x0], $0xffff;
	_ =	sdelay $0x3  }
0x353: {  	v1 =	vld [tilespmem:$0x1230]  }
0x354: {  	[tilespmem:$0x6610] =	vst v0  }
0x355: {  	v0 =	vld.idx.msk [tilespmem:v2+s26+$0x0], $0xffff;
	_ =	sdelay $0x3  }
0x356: {  	v2 =	vld [tilespmem:$0x1240]  }
0x357: {  	[tilespmem:$0x6620] =	vst v0  }
0x358: {  	v0 =	vld.idx.msk [tilespmem:v1+s26+$0x0], $0xffff;
	_ =	sdelay $0x3  }
0x359: {  	v1 =	vld [tilespmem:$0x1250]  }
0x35a: {  	[tilespmem:$0x6630] =	vst v0  }
0x35b: {  	v0 =	vld.idx.msk [tilespmem:v2+s26+$0x0], $0xffff;
	_ =	sdelay $0x3  }
0x35c: {  	v2 =	vld [tilespmem:$0x1260]  }
0x35d: {  	[tilespmem:$0x6640] =	vst v0  }
0x35e: {  	v0 =	vld.idx.msk [tilespmem:v1+s26+$0x0], $0xffff;
	_ =	sdelay $0x3  }
0x35f: {  	v1 =	vld [tilespmem:$0x1270]  }
0x360: {  	[tilespmem:$0x6650] =	vst v0  }
0x361: {  	v0 =	vld.idx.msk [tilespmem:v2+s26+$0x0], $0xffff;
	_ =	sdelay $0x3  }
0x362: {  	v2 =	vld [tilespmem:$0x1280]  }
0x363: {  	[tilespmem:$0x6660] =	vst v0  }
0x364: {  	v0 =	vld.idx.msk [tilespmem:v1+s26+$0x0], $0xffff;
	_ =	sdelay $0x3  }
0x365: {  	v1 =	vld [tilespmem:$0x1290]  }
0x366: {  	[tilespmem:$0x6670] =	vst v0  }
0x367: {  	v0 =	vld.idx.msk [tilespmem:v2+s26+$0x0], $0xffff;
	_ =	sdelay $0x3  }
0x368: {  	v2 =	vld [tilespmem:$0x12A0]  }
0x369: {  	[tilespmem:$0x6680] =	vst v0  }
0x36a: {  	v0 =	vld.idx.msk [tilespmem:v1+s26+$0x0], $0xffff;
	_ =	sdelay $0x3  }
0x36b: {  	v1 =	vld [tilespmem:$0x12B0]  }
0x36c: {  	[tilespmem:$0x6690] =	vst v0  }
0x36d: {  	v0 =	vld.idx.msk [tilespmem:v2+s26+$0x0], $0xffff;
	_ =	sdelay $0x3  }
0x36e: {  	v2 =	vld [tilespmem:$0x12C0]  }
0x36f: {  	[tilespmem:$0x66A0] =	vst v0  }
0x370: {  	v0 =	vld.idx.msk [tilespmem:v1+s26+$0x0], $0xffff;
	_ =	sdelay $0x3  }
0x371: {  	v1 =	vld [tilespmem:$0x12D0]  }
0x372: {  	[tilespmem:$0x66B0] =	vst v0  }
0x373: {  	v0 =	vld.idx.msk [tilespmem:v2+s26+$0x0], $0xffff;
	_ =	sdelay $0x3  }
0x374: {  	v2 =	vld [tilespmem:$0x12E0]  }
0x375: {  	[tilespmem:$0x66C0] =	vst v0  }
0x376: {  	v0 =	vld.idx.msk [tilespmem:v1+s26+$0x0], $0xffff;
	_ =	sdelay $0x3  }
0x377: {  	v1 =	vld [tilespmem:$0x12F0]  }
0x378: {  	[tilespmem:$0x66D0] =	vst v0  }
0x379: {  	v0 =	vld.idx.msk [tilespmem:v2+s26+$0x0], $0xffff;
	_ =	sdelay $0x3  }
0x37a: {  	v2 =	vld [tilespmem:$0x1300]  }
0x37b: {  	[tilespmem:$0x66E0] =	vst v0  }
0x37c: {  	v0 =	vld.idx.msk [tilespmem:v1+s26+$0x0], $0xffff;
	_ =	sdelay $0x3  }
0x37d: {  	v1 =	vld [tilespmem:$0x1310]  }
0x37e: {  	[tilespmem:$0x66F0] =	vst v0  }
0x37f: {  	v0 =	vld.idx.msk [tilespmem:v2+s26+$0x0], $0xffff;
	_ =	sdelay $0x3  }
0x380: {  	v2 =	vld [tilespmem:$0x1320]  }
0x381: {  	[tilespmem:$0x6700] =	vst v0  }
0x382: {  	v0 =	vld.idx.msk [tilespmem:v1+s26+$0x0], $0xffff;
	_ =	sdelay $0x3  }
0x383: {  	v1 =	vld [tilespmem:$0x1330]  }
0x384: {  	[tilespmem:$0x6710] =	vst v0  }
0x385: {  	v0 =	vld.idx.msk [tilespmem:v2+s26+$0x0], $0xffff;
	_ =	sdelay $0x3  }
0x386: {  	v2 =	vld [tilespmem:$0x1340]  }
0x387: {  	[tilespmem:$0x6720] =	vst v0  }
0x388: {  	v0 =	vld.idx.msk [tilespmem:v1+s26+$0x0], $0xffff;
	_ =	sdelay $0x3  }
0x389: {  	v1 =	vld [tilespmem:$0x1350]  }
0x38a: {  	[tilespmem:$0x6730] =	vst v0  }
0x38b: {  	v0 =	vld.idx.msk [tilespmem:v2+s26+$0x0], $0xffff;
	_ =	sdelay $0x3  }
0x38c: {  	v2 =	vld [tilespmem:$0x1360]  }
0x38d: {  	[tilespmem:$0x6740] =	vst v0  }
0x38e: {  	v0 =	vld.idx.msk [tilespmem:v1+s26+$0x0], $0xffff;
	_ =	sdelay $0x3  }
0x38f: {  	v1 =	vld [tilespmem:$0x1370]  }
0x390: {  	[tilespmem:$0x6750] =	vst v0  }
0x391: {  	v0 =	vld.idx.msk [tilespmem:v2+s26+$0x0], $0xffff;
	_ =	sdelay $0x3  }
0x392: {  	v2 =	vld [tilespmem:$0x1380]  }
0x393: {  	[tilespmem:$0x6760] =	vst v0  }
0x394: {  	v0 =	vld.idx.msk [tilespmem:v1+s26+$0x0], $0xffff;
	_ =	sdelay $0x3  }
0x395: {  	v1 =	vld [tilespmem:$0x1390]  }
0x396: {  	[tilespmem:$0x6770] =	vst v0  }
0x397: {  	v0 =	vld.idx.msk [tilespmem:v2+s26+$0x0], $0xffff;
	_ =	sdelay $0x3  }
0x398: {  	v2 =	vld [tilespmem:$0x13A0]  }
0x399: {  	[tilespmem:$0x6780] =	vst v0  }
0x39a: {  	v0 =	vld.idx.msk [tilespmem:v1+s26+$0x0], $0xffff;
	_ =	sdelay $0x3  }
0x39b: {  	v1 =	vld [tilespmem:$0x13B0]  }
0x39c: {  	[tilespmem:$0x6790] =	vst v0  }
0x39d: {  	v0 =	vld.idx.msk [tilespmem:v2+s26+$0x0], $0xffff;
	_ =	sdelay $0x3  }
0x39e: {  	v2 =	vld [tilespmem:$0x13C0]  }
0x39f: {  	[tilespmem:$0x67A0] =	vst v0  }
0x3a0: {  	v0 =	vld.idx.msk [tilespmem:v1+s26+$0x0], $0xffff;
	_ =	sdelay $0x3  }
0x3a1: {  	v1 =	vld [tilespmem:$0x13D0]  }
0x3a2: {  	[tilespmem:$0x67B0] =	vst v0  }
0x3a3: {  	v0 =	vld.idx.msk [tilespmem:v2+s26+$0x0], $0xffff;
	_ =	sdelay $0x3  }
0x3a4: {  	v2 =	vld [tilespmem:$0x13E0]  }
0x3a5: {  	[tilespmem:$0x67C0] =	vst v0  }
0x3a6: {  	v0 =	vld.idx.msk [tilespmem:v1+s26+$0x0], $0xffff;
	_ =	sdelay $0x3  }
0x3a7: {  	v1 =	vld [tilespmem:$0x13F0]  }
0x3a8: {  	[tilespmem:$0x67D0] =	vst v0  }
0x3a9: {  	v0 =	vld.idx.msk [tilespmem:v2+s26+$0x0], $0xffff;
	_ =	sdelay $0x3  }
0x3aa: {  	v2 =	vld [tilespmem:$0x1400]  }
0x3ab: {  	[tilespmem:$0x67E0] =	vst v0  }
0x3ac: {  	v0 =	vld.idx.msk [tilespmem:v1+s26+$0x0], $0xffff;
	_ =	sdelay $0x3  }
0x3ad: {  	v1 =	vld [tilespmem:$0x1410]  }
0x3ae: {  	[tilespmem:$0x67F0] =	vst v0  }
0x3af: {  	v0 =	vld.idx.msk [tilespmem:v2+s26+$0x0], $0xffff;
	_ =	sdelay $0x3  }
0x3b0: {  	v2 =	vld [tilespmem:$0x1420]  }
0x3b1: {  	[tilespmem:$0x6800] =	vst v0  }
0x3b2: {  	v0 =	vld.idx.msk [tilespmem:v1+s26+$0x0], $0xffff;
	_ =	sdelay $0x3  }
0x3b3: {  	v1 =	vld [tilespmem:$0x1430]  }
0x3b4: {  	[tilespmem:$0x6810] =	vst v0  }
0x3b5: {  	v0 =	vld.idx.msk [tilespmem:v2+s26+$0x0], $0xffff;
	_ =	sdelay $0x3  }
0x3b6: {  	v2 =	vld [tilespmem:$0x1440]  }
0x3b7: {  	[tilespmem:$0x6820] =	vst v0  }
0x3b8: {  	v0 =	vld.idx.msk [tilespmem:v1+s26+$0x0], $0xffff;
	_ =	sdelay $0x3  }
0x3b9: {  	v1 =	vld [tilespmem:$0x1450]  }
0x3ba: {  	[tilespmem:$0x6830] =	vst v0  }
0x3bb: {  	v0 =	vld.idx.msk [tilespmem:v2+s26+$0x0], $0xffff;
	_ =	sdelay $0x3  }
0x3bc: {  	v2 =	vld [tilespmem:$0x1460]  }
0x3bd: {  	[tilespmem:$0x6840] =	vst v0  }
0x3be: {  	v0 =	vld.idx.msk [tilespmem:v1+s26+$0x0], $0xffff;
	_ =	sdelay $0x3  }
0x3bf: {  	v1 =	vld [tilespmem:$0x1470]  }
0x3c0: {  	[tilespmem:$0x6850] =	vst v0  }
0x3c1: {  	v0 =	vld.idx.msk [tilespmem:v2+s26+$0x0], $0xffff;
	_ =	sdelay $0x3  }
0x3c2: {  	v2 =	vld [tilespmem:$0x1480]  }
0x3c3: {  	[tilespmem:$0x6860] =	vst v0  }
0x3c4: {  	v0 =	vld.idx.msk [tilespmem:v1+s26+$0x0], $0xffff;
	_ =	sdelay $0x3  }
0x3c5: {  	v1 =	vld [tilespmem:$0x1490]  }
0x3c6: {  	[tilespmem:$0x6870] =	vst v0  }
0x3c7: {  	v0 =	vld.idx.msk [tilespmem:v2+s26+$0x0], $0xffff;
	_ =	sdelay $0x3  }
0x3c8: {  	v2 =	vld [tilespmem:$0x14A0]  }
0x3c9: {  	[tilespmem:$0x6880] =	vst v0  }
0x3ca: {  	v0 =	vld.idx.msk [tilespmem:v1+s26+$0x0], $0xffff;
	_ =	sdelay $0x3  }
0x3cb: {  	v1 =	vld [tilespmem:$0x14B0]  }
0x3cc: {  	[tilespmem:$0x6890] =	vst v0  }
0x3cd: {  	v0 =	vld.idx.msk [tilespmem:v2+s26+$0x0], $0xffff;
	_ =	sdelay $0x3  }
0x3ce: {  	v2 =	vld [tilespmem:$0x14C0]  }
0x3cf: {  	[tilespmem:$0x68A0] =	vst v0  }
0x3d0: {  	v0 =	vld.idx.msk [tilespmem:v1+s26+$0x0], $0xffff;
	_ =	sdelay $0x3  }
0x3d1: {  	v1 =	vld [tilespmem:$0x14D0]  }
0x3d2: {  	[tilespmem:$0x68B0] =	vst v0  }
0x3d3: {  	v0 =	vld.idx.msk [tilespmem:v2+s26+$0x0], $0xffff;
	_ =	sdelay $0x3  }
0x3d4: {  	v2 =	vld [tilespmem:$0x14E0]  }
0x3d5: {  	[tilespmem:$0x68C0] =	vst v0  }
0x3d6: {  	v0 =	vld.idx.msk [tilespmem:v1+s26+$0x0], $0xffff;
	_ =	sdelay $0x3  }
0x3d7: {  	v1 =	vld [tilespmem:$0x14F0]  }
0x3d8: {  	[tilespmem:$0x68D0] =	vst v0  }
0x3d9: {  	v0 =	vld.idx.msk [tilespmem:v2+s26+$0x0], $0xffff;
	_ =	sdelay $0x4  }
0x3da: {  	[tilespmem:$0x68E0] =	vst v0  }
0x3db: {  	v0 =	vld.idx.msk [tilespmem:v1+s26+$0x0], $0xffff;
	_ =	sdelay $0x4  }
.Ltmp7:
0x3dc: {  	[tilespmem:$0x68F0] =	vst v0;
	(pc) =	sbr.rel .LBB2_9-.Ltmp7, $4  }
0x3dd: {  	[hbm4b:s24+s3] =	stream.linear.scatter [tilespmem:s13], [sflag:$0x3], $0x400, $0x38;
	[tilespmem:$0x6D40] =	vst v63  }
0x3de: {  	_ =	swait.ge [sflag:s28], $0x400  }
0x3df: {  	[sflag:s28] =	ssyncset.done $0x0  }
0x3e0: {  	[sflag:s28] =	ssyncadd.s32 $0xFFFFFC00  }
.LBB2_10:
0x3e1: {  	_ =	sfence.sel $0x180000  }
0x3e2: {  	[bflag:$0x0] =	sbarrier.arrive $0xFFFF  }
0x3e3: {  	_ =	strace $0x90000047  }
0x3e4: {  	s0 =	stileid.u32;
	[bflag:$0x2] =	sbarrier.arrive $0xFFFF  }
0x3e5: {  	p0 =	sne.s32 s0, $0x0;
	s0 =	rddreg [dreg:$0x3]  }
0x3e6: {  	s0 =	sadd.s32 @!p0 $0x100000, s0  }
0x3e7: {  	[sflag:s0] =	ssyncadd.tile.s32 @!p0 $0x1;
	_ =	shalt  }
.Lfunc_end2:
_tile_overlayer_lowered:
.L_overlay_start_2:
0x3e8: {  	(tag) =	ssettag $0x2  }
0x3e9: {  	s0 =	rddreg [dreg:$0x0];
	s2 =	stileid.u32  }
0x3ea: {  	s1 =	rddreg [dreg:$0x1];
	p0 =	sne.s32 s2, $0x0  }
0x3eb: {  	s3 =	rddreg [dreg:$0x2];
	[bflag:$0x3] =	sbarrier.arrive $0xFFFF;
	s2 =	simm.s32 @!p0 $0x1C03  }
0x3ec: {  	[timem:s3], [sflag:s2] =	dma.local @!p0 [hbm:s0], s1  }
0x3ed: {  	s0 =	simm.s32 @!p0 $0x3  }
0x3ee: {  	_ =	swait.ge @!p0 [sflag:s0], s1  }
0x3ef: {  	s1 =	ssub.s32 @!p0 $0x0, s1;
	[sflag:s0] =	ssyncset.done @!p0 $0x0  }
0x3f0: {  	[sflag:s0] =	ssyncadd.s32 @!p0 s1  }
0x3f1: {  	[bflag:$0x3] =	sbarrier.arrive $0xFFFF  }
0x3f2: {  	_ =	shalt  }

</sc_bundles>
